<compile_context>
chip_gen: v7x
topology: tpu7x:2x2x1
jax: 0.10.2.dev20260603
libtpu: 0.0.44.dev20260713+nightly
codegen_flags: <defaults>
</compile_context>

<pallas_src>
import functools

import jax
import jax.numpy as jnp
from jax import lax
from jax.experimental import pallas as pl
from jax.experimental.pallas import tpu as pltpu
from jax.experimental.pallas import tpu_sc as plsc

EMB = 64
NROW = 16384
NCOL = 200
BLK = 128
CHUNK = 256
CPJ = NROW // CHUNK
NCHUNKS = NCOL * CPJ
NB = 2

_info = plsc.get_sparse_core_info()
_NC, _NS = _info.num_cores, _info.num_subcores
_NW = _NC * _NS
CH_PER_W = NCHUNKS // _NW


def _make_gather():
  mesh = plsc.VectorSubcoreMesh(core_axis_name="c", subcore_axis_name="s")

  scratch = []
  for _ in range(NB):
    scratch.append(pltpu.VMEM((CHUNK,), jnp.int32))
    scratch.append(pltpu.VMEM((CHUNK, EMB + 8), jnp.float32))
    scratch.append(pltpu.VMEM((1, 8, 1, 8, CHUNK), jnp.float32))
    scratch.append(pltpu.SemaphoreType.DMA)
    scratch.append(pltpu.SemaphoreType.DMA)

  @functools.partial(
      pl.kernel,
      mesh=mesh,
      compiler_params=pltpu.CompilerParams(
          use_tc_tiling_on_sc=False, needs_layout_passes=False
      ),
      out_type=jax.ShapeDtypeStruct((NCOL, 8, BLK, 8, BLK), jnp.float32),
      scratch_types=scratch,
  )
  def gather_kernel(zt_hbm, w_hbm, out_hbm, *bufs):
    idx_v = bufs[0::5]
    rows_v = bufs[1::5]
    trans_v = bufs[2::5]
    sem_g = bufs[3::5]
    sem_s = bufs[4::5]

    wid = lax.axis_index("s") * _NC + lax.axis_index("c")
    base = wid * CH_PER_W

    iota = jax.lax.iota(jnp.int32, 16)

    def load_idx(p, u):
      j = u // CPJ
      m = u % CPJ
      pltpu.sync_copy(zt_hbm.at[j, pl.ds(m * CHUNK, CHUNK)], idx_v[p])

    def process_chunk(p, u):
      rows = rows_v[p]
      dst = trans_v[p]
      j = u // CPJ
      m = u % CPJ

      @plsc.parallel_loop(0, EMB, unroll=4)
      def _(e):
        col = jnp.full((16,), 0, dtype=jnp.int32) + e
        t = jnp.right_shift(e, 3)
        r = jnp.bitwise_and(e, 7)
        for g in range(CHUNK // 16):
          v = plsc.load_gather(rows, [iota + 16 * g, col])
          dst[0, t, 0, r, pl.ds(16 * g, 16)] = v

      for bs in range(CHUNK // BLK):
        b = m * (CHUNK // BLK) + bs
        for t in range(8):
          pltpu.async_copy(
              trans_v[p].at[
                  pl.ds(0, 1), pl.ds(t, 1), pl.ds(0, 1), pl.ds(0, 8),
                  pl.ds(bs * BLK, BLK),
              ],
              out_hbm.at[pl.ds(j, 1), pl.ds(t, 1), pl.ds(b, 1)],
              sem_s[p],
          )

    def drain_stores(p, u):
      j = u // CPJ
      m = u % CPJ
      for bs in range(CHUNK // BLK):
        b = m * (CHUNK // BLK) + bs
        for t in range(8):
          pltpu.make_async_copy(
              trans_v[p].at[
                  pl.ds(0, 1), pl.ds(t, 1), pl.ds(0, 1), pl.ds(0, 8),
                  pl.ds(bs * BLK, BLK),
              ],
              out_hbm.at[pl.ds(j, 1), pl.ds(t, 1), pl.ds(b, 1)],
              sem_s[p],
          ).wait()

    for p in range(NB):
      load_idx(p, base + p)
      pltpu.async_copy(w_hbm.at[idx_v[p]], rows_v[p], sem_g[p])

    def ring_body(g, carry):
      for p in range(NB):
        n = g * NB + p
        u = base + n
        pltpu.make_async_copy(w_hbm.at[idx_v[p]], rows_v[p], sem_g[p]).wait()

        @pl.when(n + NB < CH_PER_W)
        def _():
          load_idx(p, u + NB)

        @pl.when(n >= NB)
        def _():
          drain_stores(p, u - NB)

        process_chunk(p, u)

        @pl.when(n + NB < CH_PER_W)
        def _():
          pltpu.async_copy(w_hbm.at[idx_v[p]], rows_v[p], sem_g[p])

      return carry

    lax.fori_loop(0, CH_PER_W // NB, ring_body, 0)

    for p in range(NB):
      drain_stores(p, base + CH_PER_W - NB + p)

  return gather_kernel


_gather = _make_gather()


def kernel(Z, W):
  zt = jnp.swapaxes(Z, 0, 1).astype(jnp.int32)
  wp = jnp.pad(W, ((0, 0), (0, 8)))
  out5 = _gather(zt, wp)
  return out5.transpose(2, 4, 0, 1, 3).reshape(NROW, NCOL, EMB)

# --- scband reference (transcript-rebuilt; emitter-appended) ---
"""Pipeline reference for scband-atom-embedding-23613730194125 (READ-ONLY COPY).

The authoritative reference and input builder live on the scoring server;
editing this copy changes nothing except your own understanding.
"""

import jax, jax.numpy as jnp
import numpy as np

EMB_SIZE = 64
NUM_ELEMENTS = 100000
VOCAB = NUM_ELEMENTS + 1

def setup_inputs(seed: int = 0) -> dict:
    key = jax.random.key(seed)
    k1, k2 = jax.random.split(key)
    Z = jax.random.randint(k1, (16384, 200), 0, VOCAB, dtype=jnp.int64 if jax.config.jax_enable_x64 else jnp.int32)
    # Embedding table initialized uniform(-sqrt(3), sqrt(3)) as in the torch module
    W = jax.random.uniform(k2, (VOCAB, EMB_SIZE), dtype=jnp.float32, minval=-np.sqrt(3), maxval=np.sqrt(3))
    return {"Z": Z, "W": W}

def reference(Z, W):
    # Embedding lookup: gather rows of the table by atom type index
    h = jnp.take(W, Z, axis=0)
    return h

if __name__ == "__main__":
    import jax
    _d = setup_inputs()
    print(jax.jit(kernel)(*tuple(_d.values())))

</pallas_src>

<mosaic_0001>
#map = affine_map<(d0, d1) -> (0, 0)>
#map1 = affine_map<(d0, d1) -> (0, 0, 0, 0, 0)>
module attributes {stable_mosaic.version = 14 : i64} {
  func.func @gather_kernel(%arg0: i32, %arg1: i32, %arg2: memref<200x16384xi32, #tpu.memory_space<hbm>>, %arg3: memref<100001x72xf32, #tpu.memory_space<hbm>>, %arg4: memref<200x8x128x8x128xf32, #tpu.memory_space<hbm>>, %arg5: memref<256xi32, #tpu.memory_space<vmem>>, %arg6: memref<256x72xf32, #tpu.memory_space<vmem>>, %arg7: memref<1x8x1x8x256xf32, #tpu.memory_space<vmem>>, %arg8: memref<!tpu.dma_semaphore, #tpu.memory_space<semaphore_mem>>, %arg9: memref<!tpu.dma_semaphore, #tpu.memory_space<semaphore_mem>>, %arg10: memref<256xi32, #tpu.memory_space<vmem>>, %arg11: memref<256x72xf32, #tpu.memory_space<vmem>>, %arg12: memref<1x8x1x8x256xf32, #tpu.memory_space<vmem>>, %arg13: memref<!tpu.dma_semaphore, #tpu.memory_space<semaphore_mem>>, %arg14: memref<!tpu.dma_semaphore, #tpu.memory_space<semaphore_mem>>) attributes {dimension_semantics = [#tpu.dimension_semantics<core_parallel>, #tpu.dimension_semantics<subcore_parallel>], iteration_bounds = array<i64: 2, 16>, scalar_prefetch = 0 : i64, scratch_operands = 10 : i64, tpu.core_type = #tpu.core_type<sc_vector_subcore>, window_params = [{transform_indices = #map}, {transform_indices = #map}, {transform_indices = #map1}]} {
    %mul3A = arith.constant 2 : i32
    %mul3A_0 = arith.muli %arg1, %mul3A : i32
    %add3A = arith.addi %mul3A_0, %arg0 : i32
    %mul3A_1 = arith.constant 400 : i32
    %mul3A_2 = arith.muli %add3A, %mul3A_1 : i32
    %iota3A = tpu.iota {dimensions = array<i32: 0>} : vector<16xi32>
    %add3A_3 = arith.constant 0 : i32
    %add3A_4 = arith.addi %mul3A_2, %add3A_3 : i32
    %jit3A = arith.constant 64 : i32
    %div3A = arith.divsi %add3A_4, %jit3A : i32
    %sign3A = arith.constant 0 : i32
    %sign3A_5 = arith.cmpi sgt, %add3A_4, %sign3A : i32
    %sign3A_6 = arith.extui %sign3A_5 : i1 to i32
    %sign3A_7 = arith.constant 0 : i32
    %sign3A_8 = arith.cmpi slt, %add3A_4, %sign3A_7 : i32
    %sign3A_9 = arith.extui %sign3A_8 : i1 to i32
    %sign3A_10 = arith.subi %sign3A_6, %sign3A_9 : i32
    %sign3A_11 = arith.constant 0 : i32
    %sign3A_12 = arith.cmpi sgt, %jit3A, %sign3A_11 : i32
    %sign3A_13 = arith.extui %sign3A_12 : i1 to i32
    %sign3A_14 = arith.constant 0 : i32
    %sign3A_15 = arith.cmpi slt, %jit3A, %sign3A_14 : i32
    %sign3A_16 = arith.extui %sign3A_15 : i1 to i32
    %sign3A_17 = arith.subi %sign3A_13, %sign3A_16 : i32
    %ne3A = arith.cmpi ne, %sign3A_10, %sign3A_17 : i32
    %rem3A = arith.remsi %add3A_4, %jit3A : i32
    %ne3A_18 = arith.constant 0 : i32
    %ne3A_19 = arith.cmpi ne, %rem3A, %ne3A_18 : i32
    %and3A = arith.andi %ne3A, %ne3A_19 : i1
    %sub3A = arith.constant 1 : i32
    %sub3A_20 = arith.subi %div3A, %sub3A : i32
    %select_n3A = arith.select %and3A, %sub3A_20, %div3A : i32
    %jit3A_21 = arith.constant 64 : i32
    %eq3A = arith.constant 0 : i32
    %eq3A_22 = arith.cmpi eq, %jit3A_21, %eq3A : i32
    %jit3A_23 = arith.constant 1 : i32
    %select_n3A_24 = arith.select %eq3A_22, %jit3A_23, %jit3A_21 : i32
    %rem3A_25 = arith.remsi %add3A_4, %select_n3A_24 : i32
    %ne3A_26 = arith.constant 0 : i32
    %ne3A_27 = arith.cmpi ne, %rem3A_25, %ne3A_26 : i32
    %lt3A = arith.constant 0 : i32
    %lt3A_28 = arith.cmpi slt, %rem3A_25, %lt3A : i32
    %lt3A_29 = arith.constant 0 : i32
    %lt3A_30 = arith.cmpi slt, %select_n3A_24, %lt3A_29 : i32
    %ne3A_31 = arith.xori %lt3A_28, %lt3A_30 : i1
    %and3A_32 = arith.andi %ne3A_31, %ne3A_27 : i1
    %add3A_33 = arith.addi %rem3A_25, %select_n3A_24 : i32
    %select_n3A_34 = arith.select %and3A_32, %add3A_33, %rem3A_25 : i32
    %mul3A_35 = arith.constant 256 : i32
    %mul3A_36 = arith.muli %select_n3A_34, %mul3A_35 : i32
    "tpu.region"() ({
      %run_scoped3A = tpu.sem_alloc : memref<!tpu.dma_semaphore, #tpu.memory_space<semaphore_mem>>
      %dma_start3A_838 = tpu.memref_slice %arg2[%select_n3A, %mul3A_36] : memref<200x16384xi32, #tpu.memory_space<hbm>> -> memref<1x256xi32, #tpu.memory_space<hbm>>
      %dma_start3A_839 = tpu.memref_squeeze %dma_start3A_838 : memref<1x256xi32, #tpu.memory_space<hbm>> -> memref<256xi32, #tpu.memory_space<hbm>>
      %dma_start3A_840 = tpu.memref_slice %arg2[%select_n3A, %mul3A_36] : memref<200x16384xi32, #tpu.memory_space<hbm>> -> memref<1x256xi32, #tpu.memory_space<hbm>>
      %dma_start3A_841 = tpu.memref_squeeze %dma_start3A_840 : memref<1x256xi32, #tpu.memory_space<hbm>> -> memref<256xi32, #tpu.memory_space<hbm>>
      tpu.enqueue_dma source(%dma_start3A_841 : memref<256xi32, #tpu.memory_space<hbm>>) target(%arg5 : memref<256xi32, #tpu.memory_space<vmem>>) target_semaphore(%run_scoped3A : memref<!tpu.dma_semaphore, #tpu.memory_space<semaphore_mem>>)
      %dma_wait3A_842 = tpu.memref_slice %arg2[%select_n3A, %mul3A_36] : memref<200x16384xi32, #tpu.memory_space<hbm>> -> memref<1x256xi32, #tpu.memory_space<hbm>>
      %dma_wait3A_843 = tpu.memref_squeeze %dma_wait3A_842 : memref<1x256xi32, #tpu.memory_space<hbm>> -> memref<256xi32, #tpu.memory_space<hbm>>
      %dma_wait3A_844 = tpu.memref_slice %arg2[%select_n3A, %mul3A_36] : memref<200x16384xi32, #tpu.memory_space<hbm>> -> memref<1x256xi32, #tpu.memory_space<hbm>>
      %dma_wait3A_845 = tpu.memref_squeeze %dma_wait3A_844 : memref<1x256xi32, #tpu.memory_space<hbm>> -> memref<256xi32, #tpu.memory_space<hbm>>
      tpu.wait_dma2 semaphore(%run_scoped3A : memref<!tpu.dma_semaphore, #tpu.memory_space<semaphore_mem>>) src(%dma_wait3A_845 : memref<256xi32, #tpu.memory_space<hbm>>) dst(%arg5 : memref<256xi32, #tpu.memory_space<vmem>>)
      tpu.yield
    }) : () -> ()
    %dma_start3A = arith.constant 0 : i32
    %dma_start3A_37 = arith.constant 0 : i32
    %dma_start3A_38 = tpu.memref_slice %arg3[%dma_start3A, %dma_start3A_37] : memref<100001x72xf32, #tpu.memory_space<hbm>> -> memref<100001x72xf32, #tpu.memory_space<hbm>>
    tpu.enqueue_indirect_dma source(%dma_start3A_38 : memref<100001x72xf32, #tpu.memory_space<hbm>>) target(%arg6 : memref<256x72xf32, #tpu.memory_space<vmem>>) offsets(%arg5 : memref<256xi32, #tpu.memory_space<vmem>>) semaphore(%arg8 : memref<!tpu.dma_semaphore, #tpu.memory_space<semaphore_mem>>)
    %add3A_39 = arith.constant 1 : i32
    %add3A_40 = arith.addi %mul3A_2, %add3A_39 : i32
    %jit3A_41 = arith.constant 64 : i32
    %div3A_42 = arith.divsi %add3A_40, %jit3A_41 : i32
    %sign3A_43 = arith.constant 0 : i32
    %sign3A_44 = arith.cmpi sgt, %add3A_40, %sign3A_43 : i32
    %sign3A_45 = arith.extui %sign3A_44 : i1 to i32
    %sign3A_46 = arith.constant 0 : i32
    %sign3A_47 = arith.cmpi slt, %add3A_40, %sign3A_46 : i32
    %sign3A_48 = arith.extui %sign3A_47 : i1 to i32
    %sign3A_49 = arith.subi %sign3A_45, %sign3A_48 : i32
    %sign3A_50 = arith.constant 0 : i32
    %sign3A_51 = arith.cmpi sgt, %jit3A_41, %sign3A_50 : i32
    %sign3A_52 = arith.extui %sign3A_51 : i1 to i32
    %sign3A_53 = arith.constant 0 : i32
    %sign3A_54 = arith.cmpi slt, %jit3A_41, %sign3A_53 : i32
    %sign3A_55 = arith.extui %sign3A_54 : i1 to i32
    %sign3A_56 = arith.subi %sign3A_52, %sign3A_55 : i32
    %ne3A_57 = arith.cmpi ne, %sign3A_49, %sign3A_56 : i32
    %rem3A_58 = arith.remsi %add3A_40, %jit3A_41 : i32
    %ne3A_59 = arith.constant 0 : i32
    %ne3A_60 = arith.cmpi ne, %rem3A_58, %ne3A_59 : i32
    %and3A_61 = arith.andi %ne3A_57, %ne3A_60 : i1
    %sub3A_62 = arith.constant 1 : i32
    %sub3A_63 = arith.subi %div3A_42, %sub3A_62 : i32
    %select_n3A_64 = arith.select %and3A_61, %sub3A_63, %div3A_42 : i32
    %jit3A_65 = arith.constant 64 : i32
    %eq3A_66 = arith.constant 0 : i32
    %eq3A_67 = arith.cmpi eq, %jit3A_65, %eq3A_66 : i32
    %jit3A_68 = arith.constant 1 : i32
    %select_n3A_69 = arith.select %eq3A_67, %jit3A_68, %jit3A_65 : i32
    %rem3A_70 = arith.remsi %add3A_40, %select_n3A_69 : i32
    %ne3A_71 = arith.constant 0 : i32
    %ne3A_72 = arith.cmpi ne, %rem3A_70, %ne3A_71 : i32
    %lt3A_73 = arith.constant 0 : i32
    %lt3A_74 = arith.cmpi slt, %rem3A_70, %lt3A_73 : i32
    %lt3A_75 = arith.constant 0 : i32
    %lt3A_76 = arith.cmpi slt, %select_n3A_69, %lt3A_75 : i32
    %ne3A_77 = arith.xori %lt3A_74, %lt3A_76 : i1
    %and3A_78 = arith.andi %ne3A_77, %ne3A_72 : i1
    %add3A_79 = arith.addi %rem3A_70, %select_n3A_69 : i32
    %select_n3A_80 = arith.select %and3A_78, %add3A_79, %rem3A_70 : i32
    %mul3A_81 = arith.constant 256 : i32
    %mul3A_82 = arith.muli %select_n3A_80, %mul3A_81 : i32
    "tpu.region"() ({
      %run_scoped3A = tpu.sem_alloc : memref<!tpu.dma_semaphore, #tpu.memory_space<semaphore_mem>>
      %dma_start3A_838 = tpu.memref_slice %arg2[%select_n3A_64, %mul3A_82] : memref<200x16384xi32, #tpu.memory_space<hbm>> -> memref<1x256xi32, #tpu.memory_space<hbm>>
      %dma_start3A_839 = tpu.memref_squeeze %dma_start3A_838 : memref<1x256xi32, #tpu.memory_space<hbm>> -> memref<256xi32, #tpu.memory_space<hbm>>
      %dma_start3A_840 = tpu.memref_slice %arg2[%select_n3A_64, %mul3A_82] : memref<200x16384xi32, #tpu.memory_space<hbm>> -> memref<1x256xi32, #tpu.memory_space<hbm>>
      %dma_start3A_841 = tpu.memref_squeeze %dma_start3A_840 : memref<1x256xi32, #tpu.memory_space<hbm>> -> memref<256xi32, #tpu.memory_space<hbm>>
      tpu.enqueue_dma source(%dma_start3A_841 : memref<256xi32, #tpu.memory_space<hbm>>) target(%arg10 : memref<256xi32, #tpu.memory_space<vmem>>) target_semaphore(%run_scoped3A : memref<!tpu.dma_semaphore, #tpu.memory_space<semaphore_mem>>)
      %dma_wait3A_842 = tpu.memref_slice %arg2[%select_n3A_64, %mul3A_82] : memref<200x16384xi32, #tpu.memory_space<hbm>> -> memref<1x256xi32, #tpu.memory_space<hbm>>
      %dma_wait3A_843 = tpu.memref_squeeze %dma_wait3A_842 : memref<1x256xi32, #tpu.memory_space<hbm>> -> memref<256xi32, #tpu.memory_space<hbm>>
      %dma_wait3A_844 = tpu.memref_slice %arg2[%select_n3A_64, %mul3A_82] : memref<200x16384xi32, #tpu.memory_space<hbm>> -> memref<1x256xi32, #tpu.memory_space<hbm>>
      %dma_wait3A_845 = tpu.memref_squeeze %dma_wait3A_844 : memref<1x256xi32, #tpu.memory_space<hbm>> -> memref<256xi32, #tpu.memory_space<hbm>>
      tpu.wait_dma2 semaphore(%run_scoped3A : memref<!tpu.dma_semaphore, #tpu.memory_space<semaphore_mem>>) src(%dma_wait3A_845 : memref<256xi32, #tpu.memory_space<hbm>>) dst(%arg10 : memref<256xi32, #tpu.memory_space<vmem>>)
      tpu.yield
    }) : () -> ()
    %dma_start3A_83 = arith.constant 0 : i32
    %dma_start3A_84 = arith.constant 0 : i32
    %dma_start3A_85 = tpu.memref_slice %arg3[%dma_start3A_83, %dma_start3A_84] : memref<100001x72xf32, #tpu.memory_space<hbm>> -> memref<100001x72xf32, #tpu.memory_space<hbm>>
    tpu.enqueue_indirect_dma source(%dma_start3A_85 : memref<100001x72xf32, #tpu.memory_space<hbm>>) target(%arg11 : memref<256x72xf32, #tpu.memory_space<vmem>>) offsets(%arg10 : memref<256xi32, #tpu.memory_space<vmem>>) semaphore(%arg13 : memref<!tpu.dma_semaphore, #tpu.memory_space<semaphore_mem>>)
    %scan3A = arith.constant 0 : i32
    %scan3A_86 = arith.constant 0 : i32
    %scan3A_87 = arith.constant 200 : i32
    %scan3A_88 = arith.addi %scan3A_86, %scan3A_87 : i32
    %scan3A_89 = arith.constant 1 : i32
    scf.for %scan3A_838 = %scan3A_86 to %scan3A_88 step %scan3A_89  : i32 {
      %mul3A_839 = arith.constant 2 : i32
      %mul3A_840 = arith.muli %scan3A_838, %mul3A_839 : i32
      %add3A_841 = arith.constant 0 : i32
      %add3A_842 = arith.addi %mul3A_840, %add3A_841 : i32
      %add3A_843 = arith.addi %mul3A_2, %add3A_842 : i32
      %dma_wait3A_844 = arith.constant 0 : i32
      %dma_wait3A_845 = arith.constant 0 : i32
      %dma_wait3A_846 = tpu.memref_slice %arg3[%dma_wait3A_844, %dma_wait3A_845] : memref<100001x72xf32, #tpu.memory_space<hbm>> -> memref<100001x72xf32, #tpu.memory_space<hbm>>
      tpu.wait_indirect_dma semaphore(%arg8 : memref<!tpu.dma_semaphore, #tpu.memory_space<semaphore_mem>>) src(%dma_wait3A_846 : memref<100001x72xf32, #tpu.memory_space<hbm>>) dst(%arg6 : memref<256x72xf32, #tpu.memory_space<vmem>>)
      %add3A_847 = arith.constant 2 : i32
      %add3A_848 = arith.addi %add3A_842, %add3A_847 : i32
      %lt3A_849 = arith.constant 400 : i32
      %lt3A_850 = arith.cmpi slt, %add3A_848, %lt3A_849 : i32
      %convert_element_type3A = arith.extui %lt3A_850 : i1 to i32
      %cond3A = arith.constant 0 : i32
      %cond3A_851 = arith.cmpi ne, %convert_element_type3A, %cond3A : i32
      scf.if %cond3A_851 {
        %add3A_1631 = arith.constant 2 : i32
        %add3A_1632 = arith.addi %add3A_843, %add3A_1631 : i32
        %jit3A_1633 = arith.constant 64 : i32
        %div3A_1634 = arith.divsi %add3A_1632, %jit3A_1633 : i32
        %sign3A_1635 = arith.constant 0 : i32
        %sign3A_1636 = arith.cmpi sgt, %add3A_1632, %sign3A_1635 : i32
        %sign3A_1637 = arith.extui %sign3A_1636 : i1 to i32
        %sign3A_1638 = arith.constant 0 : i32
        %sign3A_1639 = arith.cmpi slt, %add3A_1632, %sign3A_1638 : i32
        %sign3A_1640 = arith.extui %sign3A_1639 : i1 to i32
        %sign3A_1641 = arith.subi %sign3A_1637, %sign3A_1640 : i32
        %sign3A_1642 = arith.constant 0 : i32
        %sign3A_1643 = arith.cmpi sgt, %jit3A_1633, %sign3A_1642 : i32
        %sign3A_1644 = arith.extui %sign3A_1643 : i1 to i32
        %sign3A_1645 = arith.constant 0 : i32
        %sign3A_1646 = arith.cmpi slt, %jit3A_1633, %sign3A_1645 : i32
        %sign3A_1647 = arith.extui %sign3A_1646 : i1 to i32
        %sign3A_1648 = arith.subi %sign3A_1644, %sign3A_1647 : i32
        %ne3A_1649 = arith.cmpi ne, %sign3A_1641, %sign3A_1648 : i32
        %rem3A_1650 = arith.remsi %add3A_1632, %jit3A_1633 : i32
        %ne3A_1651 = arith.constant 0 : i32
        %ne3A_1652 = arith.cmpi ne, %rem3A_1650, %ne3A_1651 : i32
        %and3A_1653 = arith.andi %ne3A_1649, %ne3A_1652 : i1
        %sub3A_1654 = arith.constant 1 : i32
        %sub3A_1655 = arith.subi %div3A_1634, %sub3A_1654 : i32
        %select_n3A_1656 = arith.select %and3A_1653, %sub3A_1655, %div3A_1634 : i32
        %jit3A_1657 = arith.constant 64 : i32
        %eq3A_1658 = arith.constant 0 : i32
        %eq3A_1659 = arith.cmpi eq, %jit3A_1657, %eq3A_1658 : i32
        %jit3A_1660 = arith.constant 1 : i32
        %select_n3A_1661 = arith.select %eq3A_1659, %jit3A_1660, %jit3A_1657 : i32
        %rem3A_1662 = arith.remsi %add3A_1632, %select_n3A_1661 : i32
        %ne3A_1663 = arith.constant 0 : i32
        %ne3A_1664 = arith.cmpi ne, %rem3A_1662, %ne3A_1663 : i32
        %lt3A_1665 = arith.constant 0 : i32
        %lt3A_1666 = arith.cmpi slt, %rem3A_1662, %lt3A_1665 : i32
        %lt3A_1667 = arith.constant 0 : i32
        %lt3A_1668 = arith.cmpi slt, %select_n3A_1661, %lt3A_1667 : i32
        %ne3A_1669 = arith.xori %lt3A_1666, %lt3A_1668 : i1
        %and3A_1670 = arith.andi %ne3A_1669, %ne3A_1664 : i1
        %add3A_1671 = arith.addi %rem3A_1662, %select_n3A_1661 : i32
        %select_n3A_1672 = arith.select %and3A_1670, %add3A_1671, %rem3A_1662 : i32
        %mul3A_1673 = arith.constant 256 : i32
        %mul3A_1674 = arith.muli %select_n3A_1672, %mul3A_1673 : i32
        "tpu.region"() ({
          %run_scoped3A = tpu.sem_alloc : memref<!tpu.dma_semaphore, #tpu.memory_space<semaphore_mem>>
          %dma_start3A_1675 = tpu.memref_slice %arg2[%select_n3A_1656, %mul3A_1674] : memref<200x16384xi32, #tpu.memory_space<hbm>> -> memref<1x256xi32, #tpu.memory_space<hbm>>
          %dma_start3A_1676 = tpu.memref_squeeze %dma_start3A_1675 : memref<1x256xi32, #tpu.memory_space<hbm>> -> memref<256xi32, #tpu.memory_space<hbm>>
          %dma_start3A_1677 = tpu.memref_slice %arg2[%select_n3A_1656, %mul3A_1674] : memref<200x16384xi32, #tpu.memory_space<hbm>> -> memref<1x256xi32, #tpu.memory_space<hbm>>
          %dma_start3A_1678 = tpu.memref_squeeze %dma_start3A_1677 : memref<1x256xi32, #tpu.memory_space<hbm>> -> memref<256xi32, #tpu.memory_space<hbm>>
          tpu.enqueue_dma source(%dma_start3A_1678 : memref<256xi32, #tpu.memory_space<hbm>>) target(%arg5 : memref<256xi32, #tpu.memory_space<vmem>>) target_semaphore(%run_scoped3A : memref<!tpu.dma_semaphore, #tpu.memory_space<semaphore_mem>>)
          %dma_wait3A_1679 = tpu.memref_slice %arg2[%select_n3A_1656, %mul3A_1674] : memref<200x16384xi32, #tpu.memory_space<hbm>> -> memref<1x256xi32, #tpu.memory_space<hbm>>
          %dma_wait3A_1680 = tpu.memref_squeeze %dma_wait3A_1679 : memref<1x256xi32, #tpu.memory_space<hbm>> -> memref<256xi32, #tpu.memory_space<hbm>>
          %dma_wait3A_1681 = tpu.memref_slice %arg2[%select_n3A_1656, %mul3A_1674] : memref<200x16384xi32, #tpu.memory_space<hbm>> -> memref<1x256xi32, #tpu.memory_space<hbm>>
          %dma_wait3A_1682 = tpu.memref_squeeze %dma_wait3A_1681 : memref<1x256xi32, #tpu.memory_space<hbm>> -> memref<256xi32, #tpu.memory_space<hbm>>
          tpu.wait_dma2 semaphore(%run_scoped3A : memref<!tpu.dma_semaphore, #tpu.memory_space<semaphore_mem>>) src(%dma_wait3A_1682 : memref<256xi32, #tpu.memory_space<hbm>>) dst(%arg5 : memref<256xi32, #tpu.memory_space<vmem>>)
          tpu.yield
        }) : () -> ()
      } else {
      }
      %ge3A = arith.constant 2 : i32
      %ge3A_852 = arith.cmpi sge, %add3A_842, %ge3A : i32
      %convert_element_type3A_853 = arith.extui %ge3A_852 : i1 to i32
      %cond3A_854 = arith.constant 0 : i32
      %cond3A_855 = arith.cmpi ne, %convert_element_type3A_853, %cond3A_854 : i32
      scf.if %cond3A_855 {
        %sub3A_1631 = arith.constant 2 : i32
        %sub3A_1632 = arith.subi %add3A_843, %sub3A_1631 : i32
        %jit3A_1633 = arith.constant 64 : i32
        %div3A_1634 = arith.divsi %sub3A_1632, %jit3A_1633 : i32
        %sign3A_1635 = arith.constant 0 : i32
        %sign3A_1636 = arith.cmpi sgt, %sub3A_1632, %sign3A_1635 : i32
        %sign3A_1637 = arith.extui %sign3A_1636 : i1 to i32
        %sign3A_1638 = arith.constant 0 : i32
        %sign3A_1639 = arith.cmpi slt, %sub3A_1632, %sign3A_1638 : i32
        %sign3A_1640 = arith.extui %sign3A_1639 : i1 to i32
        %sign3A_1641 = arith.subi %sign3A_1637, %sign3A_1640 : i32
        %sign3A_1642 = arith.constant 0 : i32
        %sign3A_1643 = arith.cmpi sgt, %jit3A_1633, %sign3A_1642 : i32
        %sign3A_1644 = arith.extui %sign3A_1643 : i1 to i32
        %sign3A_1645 = arith.constant 0 : i32
        %sign3A_1646 = arith.cmpi slt, %jit3A_1633, %sign3A_1645 : i32
        %sign3A_1647 = arith.extui %sign3A_1646 : i1 to i32
        %sign3A_1648 = arith.subi %sign3A_1644, %sign3A_1647 : i32
        %ne3A_1649 = arith.cmpi ne, %sign3A_1641, %sign3A_1648 : i32
        %rem3A_1650 = arith.remsi %sub3A_1632, %jit3A_1633 : i32
        %ne3A_1651 = arith.constant 0 : i32
        %ne3A_1652 = arith.cmpi ne, %rem3A_1650, %ne3A_1651 : i32
        %and3A_1653 = arith.andi %ne3A_1649, %ne3A_1652 : i1
        %sub3A_1654 = arith.constant 1 : i32
        %sub3A_1655 = arith.subi %div3A_1634, %sub3A_1654 : i32
        %select_n3A_1656 = arith.select %and3A_1653, %sub3A_1655, %div3A_1634 : i32
        %jit3A_1657 = arith.constant 64 : i32
        %eq3A_1658 = arith.constant 0 : i32
        %eq3A_1659 = arith.cmpi eq, %jit3A_1657, %eq3A_1658 : i32
        %jit3A_1660 = arith.constant 1 : i32
        %select_n3A_1661 = arith.select %eq3A_1659, %jit3A_1660, %jit3A_1657 : i32
        %rem3A_1662 = arith.remsi %sub3A_1632, %select_n3A_1661 : i32
        %ne3A_1663 = arith.constant 0 : i32
        %ne3A_1664 = arith.cmpi ne, %rem3A_1662, %ne3A_1663 : i32
        %lt3A_1665 = arith.constant 0 : i32
        %lt3A_1666 = arith.cmpi slt, %rem3A_1662, %lt3A_1665 : i32
        %lt3A_1667 = arith.constant 0 : i32
        %lt3A_1668 = arith.cmpi slt, %select_n3A_1661, %lt3A_1667 : i32
        %ne3A_1669 = arith.xori %lt3A_1666, %lt3A_1668 : i1
        %and3A_1670 = arith.andi %ne3A_1669, %ne3A_1664 : i1
        %add3A_1671 = arith.addi %rem3A_1662, %select_n3A_1661 : i32
        %select_n3A_1672 = arith.select %and3A_1670, %add3A_1671, %rem3A_1662 : i32
        %mul3A_1673 = arith.constant 2 : i32
        %mul3A_1674 = arith.muli %select_n3A_1672, %mul3A_1673 : i32
        %add3A_1675 = arith.constant 0 : i32
        %add3A_1676 = arith.addi %mul3A_1674, %add3A_1675 : i32
        %dma_wait3A_1677 = arith.constant 0 : i32
        %dma_wait3A_1678 = arith.constant 0 : i32
        %dma_wait3A_1679 = arith.constant 0 : i32
        %dma_wait3A_1680 = arith.constant 0 : i32
        %dma_wait3A_1681 = arith.constant 0 : i32
        %dma_wait3A_1682 = tpu.memref_slice %arg7[%dma_wait3A_1677, %dma_wait3A_1678, %dma_wait3A_1679, %dma_wait3A_1680, %dma_wait3A_1681] : memref<1x8x1x8x256xf32, #tpu.memory_space<vmem>> -> memref<1x1x1x8x128xf32, #tpu.memory_space<vmem>>
        %dma_wait3A_1683 = arith.constant 0 : i32
        %dma_wait3A_1684 = arith.constant 0 : i32
        %dma_wait3A_1685 = arith.constant 0 : i32
        %dma_wait3A_1686 = tpu.memref_slice %arg4[%select_n3A_1656, %dma_wait3A_1683, %add3A_1676, %dma_wait3A_1684, %dma_wait3A_1685] : memref<200x8x128x8x128xf32, #tpu.memory_space<hbm>> -> memref<1x1x1x8x128xf32, #tpu.memory_space<hbm>>
        %dma_wait3A_1687 = arith.constant 0 : i32
        %dma_wait3A_1688 = arith.constant 0 : i32
        %dma_wait3A_1689 = arith.constant 0 : i32
        %dma_wait3A_1690 = tpu.memref_slice %arg4[%select_n3A_1656, %dma_wait3A_1687, %add3A_1676, %dma_wait3A_1688, %dma_wait3A_1689] : memref<200x8x128x8x128xf32, #tpu.memory_space<hbm>> -> memref<1x1x1x8x128xf32, #tpu.memory_space<hbm>>
        %dma_wait3A_1691 = arith.constant 0 : i32
        %dma_wait3A_1692 = arith.constant 0 : i32
        %dma_wait3A_1693 = arith.constant 0 : i32
        %dma_wait3A_1694 = arith.constant 0 : i32
        %dma_wait3A_1695 = arith.constant 0 : i32
        %dma_wait3A_1696 = tpu.memref_slice %arg7[%dma_wait3A_1691, %dma_wait3A_1692, %dma_wait3A_1693, %dma_wait3A_1694, %dma_wait3A_1695] : memref<1x8x1x8x256xf32, #tpu.memory_space<vmem>> -> memref<1x1x1x8x128xf32, #tpu.memory_space<vmem>>
        tpu.wait_dma2 semaphore(%arg9 : memref<!tpu.dma_semaphore, #tpu.memory_space<semaphore_mem>>) src(%dma_wait3A_1696 : memref<1x1x1x8x128xf32, #tpu.memory_space<vmem>>) dst(%dma_wait3A_1690 : memref<1x1x1x8x128xf32, #tpu.memory_space<hbm>>)
        %dma_wait3A_1697 = arith.constant 0 : i32
        %dma_wait3A_1698 = arith.constant 1 : i32
        %dma_wait3A_1699 = arith.constant 0 : i32
        %dma_wait3A_1700 = arith.constant 0 : i32
        %dma_wait3A_1701 = arith.constant 0 : i32
        %dma_wait3A_1702 = tpu.memref_slice %arg7[%dma_wait3A_1697, %dma_wait3A_1698, %dma_wait3A_1699, %dma_wait3A_1700, %dma_wait3A_1701] : memref<1x8x1x8x256xf32, #tpu.memory_space<vmem>> -> memref<1x1x1x8x128xf32, #tpu.memory_space<vmem>>
        %dma_wait3A_1703 = arith.constant 1 : i32
        %dma_wait3A_1704 = arith.constant 0 : i32
        %dma_wait3A_1705 = arith.constant 0 : i32
        %dma_wait3A_1706 = tpu.memref_slice %arg4[%select_n3A_1656, %dma_wait3A_1703, %add3A_1676, %dma_wait3A_1704, %dma_wait3A_1705] : memref<200x8x128x8x128xf32, #tpu.memory_space<hbm>> -> memref<1x1x1x8x128xf32, #tpu.memory_space<hbm>>
        %dma_wait3A_1707 = arith.constant 1 : i32
        %dma_wait3A_1708 = arith.constant 0 : i32
        %dma_wait3A_1709 = arith.constant 0 : i32
        %dma_wait3A_1710 = tpu.memref_slice %arg4[%select_n3A_1656, %dma_wait3A_1707, %add3A_1676, %dma_wait3A_1708, %dma_wait3A_1709] : memref<200x8x128x8x128xf32, #tpu.memory_space<hbm>> -> memref<1x1x1x8x128xf32, #tpu.memory_space<hbm>>
        %dma_wait3A_1711 = arith.constant 0 : i32
        %dma_wait3A_1712 = arith.constant 1 : i32
        %dma_wait3A_1713 = arith.constant 0 : i32
        %dma_wait3A_1714 = arith.constant 0 : i32
        %dma_wait3A_1715 = arith.constant 0 : i32
        %dma_wait3A_1716 = tpu.memref_slice %arg7[%dma_wait3A_1711, %dma_wait3A_1712, %dma_wait3A_1713, %dma_wait3A_1714, %dma_wait3A_1715] : memref<1x8x1x8x256xf32, #tpu.memory_space<vmem>> -> memref<1x1x1x8x128xf32, #tpu.memory_space<vmem>>
        tpu.wait_dma2 semaphore(%arg9 : memref<!tpu.dma_semaphore, #tpu.memory_space<semaphore_mem>>) src(%dma_wait3A_1716 : memref<1x1x1x8x128xf32, #tpu.memory_space<vmem>>) dst(%dma_wait3A_1710 : memref<1x1x1x8x128xf32, #tpu.memory_space<hbm>>)
        %dma_wait3A_1717 = arith.constant 0 : i32
        %dma_wait3A_1718 = arith.constant 2 : i32
        %dma_wait3A_1719 = arith.constant 0 : i32
        %dma_wait3A_1720 = arith.constant 0 : i32
        %dma_wait3A_1721 = arith.constant 0 : i32
        %dma_wait3A_1722 = tpu.memref_slice %arg7[%dma_wait3A_1717, %dma_wait3A_1718, %dma_wait3A_1719, %dma_wait3A_1720, %dma_wait3A_1721] : memref<1x8x1x8x256xf32, #tpu.memory_space<vmem>> -> memref<1x1x1x8x128xf32, #tpu.memory_space<vmem>>
        %dma_wait3A_1723 = arith.constant 2 : i32
        %dma_wait3A_1724 = arith.constant 0 : i32
        %dma_wait3A_1725 = arith.constant 0 : i32
        %dma_wait3A_1726 = tpu.memref_slice %arg4[%select_n3A_1656, %dma_wait3A_1723, %add3A_1676, %dma_wait3A_1724, %dma_wait3A_1725] : memref<200x8x128x8x128xf32, #tpu.memory_space<hbm>> -> memref<1x1x1x8x128xf32, #tpu.memory_space<hbm>>
        %dma_wait3A_1727 = arith.constant 2 : i32
        %dma_wait3A_1728 = arith.constant 0 : i32
        %dma_wait3A_1729 = arith.constant 0 : i32
        %dma_wait3A_1730 = tpu.memref_slice %arg4[%select_n3A_1656, %dma_wait3A_1727, %add3A_1676, %dma_wait3A_1728, %dma_wait3A_1729] : memref<200x8x128x8x128xf32, #tpu.memory_space<hbm>> -> memref<1x1x1x8x128xf32, #tpu.memory_space<hbm>>
        %dma_wait3A_1731 = arith.constant 0 : i32
        %dma_wait3A_1732 = arith.constant 2 : i32
        %dma_wait3A_1733 = arith.constant 0 : i32
        %dma_wait3A_1734 = arith.constant 0 : i32
        %dma_wait3A_1735 = arith.constant 0 : i32
        %dma_wait3A_1736 = tpu.memref_slice %arg7[%dma_wait3A_1731, %dma_wait3A_1732, %dma_wait3A_1733, %dma_wait3A_1734, %dma_wait3A_1735] : memref<1x8x1x8x256xf32, #tpu.memory_space<vmem>> -> memref<1x1x1x8x128xf32, #tpu.memory_space<vmem>>
        tpu.wait_dma2 semaphore(%arg9 : memref<!tpu.dma_semaphore, #tpu.memory_space<semaphore_mem>>) src(%dma_wait3A_1736 : memref<1x1x1x8x128xf32, #tpu.memory_space<vmem>>) dst(%dma_wait3A_1730 : memref<1x1x1x8x128xf32, #tpu.memory_space<hbm>>)
        %dma_wait3A_1737 = arith.constant 0 : i32
        %dma_wait3A_1738 = arith.constant 3 : i32
        %dma_wait3A_1739 = arith.constant 0 : i32
        %dma_wait3A_1740 = arith.constant 0 : i32
        %dma_wait3A_1741 = arith.constant 0 : i32
        %dma_wait3A_1742 = tpu.memref_slice %arg7[%dma_wait3A_1737, %dma_wait3A_1738, %dma_wait3A_1739, %dma_wait3A_1740, %dma_wait3A_1741] : memref<1x8x1x8x256xf32, #tpu.memory_space<vmem>> -> memref<1x1x1x8x128xf32, #tpu.memory_space<vmem>>
        %dma_wait3A_1743 = arith.constant 3 : i32
        %dma_wait3A_1744 = arith.constant 0 : i32
        %dma_wait3A_1745 = arith.constant 0 : i32
        %dma_wait3A_1746 = tpu.memref_slice %arg4[%select_n3A_1656, %dma_wait3A_1743, %add3A_1676, %dma_wait3A_1744, %dma_wait3A_1745] : memref<200x8x128x8x128xf32, #tpu.memory_space<hbm>> -> memref<1x1x1x8x128xf32, #tpu.memory_space<hbm>>
        %dma_wait3A_1747 = arith.constant 3 : i32
        %dma_wait3A_1748 = arith.constant 0 : i32
        %dma_wait3A_1749 = arith.constant 0 : i32
        %dma_wait3A_1750 = tpu.memref_slice %arg4[%select_n3A_1656, %dma_wait3A_1747, %add3A_1676, %dma_wait3A_1748, %dma_wait3A_1749] : memref<200x8x128x8x128xf32, #tpu.memory_space<hbm>> -> memref<1x1x1x8x128xf32, #tpu.memory_space<hbm>>
        %dma_wait3A_1751 = arith.constant 0 : i32
        %dma_wait3A_1752 = arith.constant 3 : i32
        %dma_wait3A_1753 = arith.constant 0 : i32
        %dma_wait3A_1754 = arith.constant 0 : i32
        %dma_wait3A_1755 = arith.constant 0 : i32
        %dma_wait3A_1756 = tpu.memref_slice %arg7[%dma_wait3A_1751, %dma_wait3A_1752, %dma_wait3A_1753, %dma_wait3A_1754, %dma_wait3A_1755] : memref<1x8x1x8x256xf32, #tpu.memory_space<vmem>> -> memref<1x1x1x8x128xf32, #tpu.memory_space<vmem>>
        tpu.wait_dma2 semaphore(%arg9 : memref<!tpu.dma_semaphore, #tpu.memory_space<semaphore_mem>>) src(%dma_wait3A_1756 : memref<1x1x1x8x128xf32, #tpu.memory_space<vmem>>) dst(%dma_wait3A_1750 : memref<1x1x1x8x128xf32, #tpu.memory_space<hbm>>)
        %dma_wait3A_1757 = arith.constant 0 : i32
        %dma_wait3A_1758 = arith.constant 4 : i32
        %dma_wait3A_1759 = arith.constant 0 : i32
        %dma_wait3A_1760 = arith.constant 0 : i32
        %dma_wait3A_1761 = arith.constant 0 : i32
        %dma_wait3A_1762 = tpu.memref_slice %arg7[%dma_wait3A_1757, %dma_wait3A_1758, %dma_wait3A_1759, %dma_wait3A_1760, %dma_wait3A_1761] : memref<1x8x1x8x256xf32, #tpu.memory_space<vmem>> -> memref<1x1x1x8x128xf32, #tpu.memory_space<vmem>>
        %dma_wait3A_1763 = arith.constant 4 : i32
        %dma_wait3A_1764 = arith.constant 0 : i32
        %dma_wait3A_1765 = arith.constant 0 : i32
        %dma_wait3A_1766 = tpu.memref_slice %arg4[%select_n3A_1656, %dma_wait3A_1763, %add3A_1676, %dma_wait3A_1764, %dma_wait3A_1765] : memref<200x8x128x8x128xf32, #tpu.memory_space<hbm>> -> memref<1x1x1x8x128xf32, #tpu.memory_space<hbm>>
        %dma_wait3A_1767 = arith.constant 4 : i32
        %dma_wait3A_1768 = arith.constant 0 : i32
        %dma_wait3A_1769 = arith.constant 0 : i32
        %dma_wait3A_1770 = tpu.memref_slice %arg4[%select_n3A_1656, %dma_wait3A_1767, %add3A_1676, %dma_wait3A_1768, %dma_wait3A_1769] : memref<200x8x128x8x128xf32, #tpu.memory_space<hbm>> -> memref<1x1x1x8x128xf32, #tpu.memory_space<hbm>>
        %dma_wait3A_1771 = arith.constant 0 : i32
        %dma_wait3A_1772 = arith.constant 4 : i32
        %dma_wait3A_1773 = arith.constant 0 : i32
        %dma_wait3A_1774 = arith.constant 0 : i32
        %dma_wait3A_1775 = arith.constant 0 : i32
        %dma_wait3A_1776 = tpu.memref_slice %arg7[%dma_wait3A_1771, %dma_wait3A_1772, %dma_wait3A_1773, %dma_wait3A_1774, %dma_wait3A_1775] : memref<1x8x1x8x256xf32, #tpu.memory_space<vmem>> -> memref<1x1x1x8x128xf32, #tpu.memory_space<vmem>>
        tpu.wait_dma2 semaphore(%arg9 : memref<!tpu.dma_semaphore, #tpu.memory_space<semaphore_mem>>) src(%dma_wait3A_1776 : memref<1x1x1x8x128xf32, #tpu.memory_space<vmem>>) dst(%dma_wait3A_1770 : memref<1x1x1x8x128xf32, #tpu.memory_space<hbm>>)
        %dma_wait3A_1777 = arith.constant 0 : i32
        %dma_wait3A_1778 = arith.constant 5 : i32
        %dma_wait3A_1779 = arith.constant 0 : i32
        %dma_wait3A_1780 = arith.constant 0 : i32
        %dma_wait3A_1781 = arith.constant 0 : i32
        %dma_wait3A_1782 = tpu.memref_slice %arg7[%dma_wait3A_1777, %dma_wait3A_1778, %dma_wait3A_1779, %dma_wait3A_1780, %dma_wait3A_1781] : memref<1x8x1x8x256xf32, #tpu.memory_space<vmem>> -> memref<1x1x1x8x128xf32, #tpu.memory_space<vmem>>
        %dma_wait3A_1783 = arith.constant 5 : i32
        %dma_wait3A_1784 = arith.constant 0 : i32
        %dma_wait3A_1785 = arith.constant 0 : i32
        %dma_wait3A_1786 = tpu.memref_slice %arg4[%select_n3A_1656, %dma_wait3A_1783, %add3A_1676, %dma_wait3A_1784, %dma_wait3A_1785] : memref<200x8x128x8x128xf32, #tpu.memory_space<hbm>> -> memref<1x1x1x8x128xf32, #tpu.memory_space<hbm>>
        %dma_wait3A_1787 = arith.constant 5 : i32
        %dma_wait3A_1788 = arith.constant 0 : i32
        %dma_wait3A_1789 = arith.constant 0 : i32
        %dma_wait3A_1790 = tpu.memref_slice %arg4[%select_n3A_1656, %dma_wait3A_1787, %add3A_1676, %dma_wait3A_1788, %dma_wait3A_1789] : memref<200x8x128x8x128xf32, #tpu.memory_space<hbm>> -> memref<1x1x1x8x128xf32, #tpu.memory_space<hbm>>
        %dma_wait3A_1791 = arith.constant 0 : i32
        %dma_wait3A_1792 = arith.constant 5 : i32
        %dma_wait3A_1793 = arith.constant 0 : i32
        %dma_wait3A_1794 = arith.constant 0 : i32
        %dma_wait3A_1795 = arith.constant 0 : i32
        %dma_wait3A_1796 = tpu.memref_slice %arg7[%dma_wait3A_1791, %dma_wait3A_1792, %dma_wait3A_1793, %dma_wait3A_1794, %dma_wait3A_1795] : memref<1x8x1x8x256xf32, #tpu.memory_space<vmem>> -> memref<1x1x1x8x128xf32, #tpu.memory_space<vmem>>
        tpu.wait_dma2 semaphore(%arg9 : memref<!tpu.dma_semaphore, #tpu.memory_space<semaphore_mem>>) src(%dma_wait3A_1796 : memref<1x1x1x8x128xf32, #tpu.memory_space<vmem>>) dst(%dma_wait3A_1790 : memref<1x1x1x8x128xf32, #tpu.memory_space<hbm>>)
        %dma_wait3A_1797 = arith.constant 0 : i32
        %dma_wait3A_1798 = arith.constant 6 : i32
        %dma_wait3A_1799 = arith.constant 0 : i32
        %dma_wait3A_1800 = arith.constant 0 : i32
        %dma_wait3A_1801 = arith.constant 0 : i32
        %dma_wait3A_1802 = tpu.memref_slice %arg7[%dma_wait3A_1797, %dma_wait3A_1798, %dma_wait3A_1799, %dma_wait3A_1800, %dma_wait3A_1801] : memref<1x8x1x8x256xf32, #tpu.memory_space<vmem>> -> memref<1x1x1x8x128xf32, #tpu.memory_space<vmem>>
        %dma_wait3A_1803 = arith.constant 6 : i32
        %dma_wait3A_1804 = arith.constant 0 : i32
        %dma_wait3A_1805 = arith.constant 0 : i32
        %dma_wait3A_1806 = tpu.memref_slice %arg4[%select_n3A_1656, %dma_wait3A_1803, %add3A_1676, %dma_wait3A_1804, %dma_wait3A_1805] : memref<200x8x128x8x128xf32, #tpu.memory_space<hbm>> -> memref<1x1x1x8x128xf32, #tpu.memory_space<hbm>>
        %dma_wait3A_1807 = arith.constant 6 : i32
        %dma_wait3A_1808 = arith.constant 0 : i32
        %dma_wait3A_1809 = arith.constant 0 : i32
        %dma_wait3A_1810 = tpu.memref_slice %arg4[%select_n3A_1656, %dma_wait3A_1807, %add3A_1676, %dma_wait3A_1808, %dma_wait3A_1809] : memref<200x8x128x8x128xf32, #tpu.memory_space<hbm>> -> memref<1x1x1x8x128xf32, #tpu.memory_space<hbm>>
        %dma_wait3A_1811 = arith.constant 0 : i32
        %dma_wait3A_1812 = arith.constant 6 : i32
        %dma_wait3A_1813 = arith.constant 0 : i32
        %dma_wait3A_1814 = arith.constant 0 : i32
        %dma_wait3A_1815 = arith.constant 0 : i32
        %dma_wait3A_1816 = tpu.memref_slice %arg7[%dma_wait3A_1811, %dma_wait3A_1812, %dma_wait3A_1813, %dma_wait3A_1814, %dma_wait3A_1815] : memref<1x8x1x8x256xf32, #tpu.memory_space<vmem>> -> memref<1x1x1x8x128xf32, #tpu.memory_space<vmem>>
        tpu.wait_dma2 semaphore(%arg9 : memref<!tpu.dma_semaphore, #tpu.memory_space<semaphore_mem>>) src(%dma_wait3A_1816 : memref<1x1x1x8x128xf32, #tpu.memory_space<vmem>>) dst(%dma_wait3A_1810 : memref<1x1x1x8x128xf32, #tpu.memory_space<hbm>>)
        %dma_wait3A_1817 = arith.constant 0 : i32
        %dma_wait3A_1818 = arith.constant 7 : i32
        %dma_wait3A_1819 = arith.constant 0 : i32
        %dma_wait3A_1820 = arith.constant 0 : i32
        %dma_wait3A_1821 = arith.constant 0 : i32
        %dma_wait3A_1822 = tpu.memref_slice %arg7[%dma_wait3A_1817, %dma_wait3A_1818, %dma_wait3A_1819, %dma_wait3A_1820, %dma_wait3A_1821] : memref<1x8x1x8x256xf32, #tpu.memory_space<vmem>> -> memref<1x1x1x8x128xf32, #tpu.memory_space<vmem>>
        %dma_wait3A_1823 = arith.constant 7 : i32
        %dma_wait3A_1824 = arith.constant 0 : i32
        %dma_wait3A_1825 = arith.constant 0 : i32
        %dma_wait3A_1826 = tpu.memref_slice %arg4[%select_n3A_1656, %dma_wait3A_1823, %add3A_1676, %dma_wait3A_1824, %dma_wait3A_1825] : memref<200x8x128x8x128xf32, #tpu.memory_space<hbm>> -> memref<1x1x1x8x128xf32, #tpu.memory_space<hbm>>
        %dma_wait3A_1827 = arith.constant 7 : i32
        %dma_wait3A_1828 = arith.constant 0 : i32
        %dma_wait3A_1829 = arith.constant 0 : i32
        %dma_wait3A_1830 = tpu.memref_slice %arg4[%select_n3A_1656, %dma_wait3A_1827, %add3A_1676, %dma_wait3A_1828, %dma_wait3A_1829] : memref<200x8x128x8x128xf32, #tpu.memory_space<hbm>> -> memref<1x1x1x8x128xf32, #tpu.memory_space<hbm>>
        %dma_wait3A_1831 = arith.constant 0 : i32
        %dma_wait3A_1832 = arith.constant 7 : i32
        %dma_wait3A_1833 = arith.constant 0 : i32
        %dma_wait3A_1834 = arith.constant 0 : i32
        %dma_wait3A_1835 = arith.constant 0 : i32
        %dma_wait3A_1836 = tpu.memref_slice %arg7[%dma_wait3A_1831, %dma_wait3A_1832, %dma_wait3A_1833, %dma_wait3A_1834, %dma_wait3A_1835] : memref<1x8x1x8x256xf32, #tpu.memory_space<vmem>> -> memref<1x1x1x8x128xf32, #tpu.memory_space<vmem>>
        tpu.wait_dma2 semaphore(%arg9 : memref<!tpu.dma_semaphore, #tpu.memory_space<semaphore_mem>>) src(%dma_wait3A_1836 : memref<1x1x1x8x128xf32, #tpu.memory_space<vmem>>) dst(%dma_wait3A_1830 : memref<1x1x1x8x128xf32, #tpu.memory_space<hbm>>)
        %mul3A_1837 = arith.constant 2 : i32
        %mul3A_1838 = arith.muli %select_n3A_1672, %mul3A_1837 : i32
        %add3A_1839 = arith.constant 1 : i32
        %add3A_1840 = arith.addi %mul3A_1838, %add3A_1839 : i32
        %dma_wait3A_1841 = arith.constant 0 : i32
        %dma_wait3A_1842 = arith.constant 0 : i32
        %dma_wait3A_1843 = arith.constant 0 : i32
        %dma_wait3A_1844 = arith.constant 0 : i32
        %dma_wait3A_1845 = arith.constant 128 : i32
        %dma_wait3A_1846 = tpu.memref_slice %arg7[%dma_wait3A_1841, %dma_wait3A_1842, %dma_wait3A_1843, %dma_wait3A_1844, %dma_wait3A_1845] : memref<1x8x1x8x256xf32, #tpu.memory_space<vmem>> -> memref<1x1x1x8x128xf32, #tpu.memory_space<vmem>>
        %dma_wait3A_1847 = arith.constant 0 : i32
        %dma_wait3A_1848 = arith.constant 0 : i32
        %dma_wait3A_1849 = arith.constant 0 : i32
        %dma_wait3A_1850 = tpu.memref_slice %arg4[%select_n3A_1656, %dma_wait3A_1847, %add3A_1840, %dma_wait3A_1848, %dma_wait3A_1849] : memref<200x8x128x8x128xf32, #tpu.memory_space<hbm>> -> memref<1x1x1x8x128xf32, #tpu.memory_space<hbm>>
        %dma_wait3A_1851 = arith.constant 0 : i32
        %dma_wait3A_1852 = arith.constant 0 : i32
        %dma_wait3A_1853 = arith.constant 0 : i32
        %dma_wait3A_1854 = tpu.memref_slice %arg4[%select_n3A_1656, %dma_wait3A_1851, %add3A_1840, %dma_wait3A_1852, %dma_wait3A_1853] : memref<200x8x128x8x128xf32, #tpu.memory_space<hbm>> -> memref<1x1x1x8x128xf32, #tpu.memory_space<hbm>>
        %dma_wait3A_1855 = arith.constant 0 : i32
        %dma_wait3A_1856 = arith.constant 0 : i32
        %dma_wait3A_1857 = arith.constant 0 : i32
        %dma_wait3A_1858 = arith.constant 0 : i32
        %dma_wait3A_1859 = arith.constant 128 : i32
        %dma_wait3A_1860 = tpu.memref_slice %arg7[%dma_wait3A_1855, %dma_wait3A_1856, %dma_wait3A_1857, %dma_wait3A_1858, %dma_wait3A_1859] : memref<1x8x1x8x256xf32, #tpu.memory_space<vmem>> -> memref<1x1x1x8x128xf32, #tpu.memory_space<vmem>>
        tpu.wait_dma2 semaphore(%arg9 : memref<!tpu.dma_semaphore, #tpu.memory_space<semaphore_mem>>) src(%dma_wait3A_1860 : memref<1x1x1x8x128xf32, #tpu.memory_space<vmem>>) dst(%dma_wait3A_1854 : memref<1x1x1x8x128xf32, #tpu.memory_space<hbm>>)
        %dma_wait3A_1861 = arith.constant 0 : i32
        %dma_wait3A_1862 = arith.constant 1 : i32
        %dma_wait3A_1863 = arith.constant 0 : i32
        %dma_wait3A_1864 = arith.constant 0 : i32
        %dma_wait3A_1865 = arith.constant 128 : i32
        %dma_wait3A_1866 = tpu.memref_slice %arg7[%dma_wait3A_1861, %dma_wait3A_1862, %dma_wait3A_1863, %dma_wait3A_1864, %dma_wait3A_1865] : memref<1x8x1x8x256xf32, #tpu.memory_space<vmem>> -> memref<1x1x1x8x128xf32, #tpu.memory_space<vmem>>
        %dma_wait3A_1867 = arith.constant 1 : i32
        %dma_wait3A_1868 = arith.constant 0 : i32
        %dma_wait3A_1869 = arith.constant 0 : i32
        %dma_wait3A_1870 = tpu.memref_slice %arg4[%select_n3A_1656, %dma_wait3A_1867, %add3A_1840, %dma_wait3A_1868, %dma_wait3A_1869] : memref<200x8x128x8x128xf32, #tpu.memory_space<hbm>> -> memref<1x1x1x8x128xf32, #tpu.memory_space<hbm>>
        %dma_wait3A_1871 = arith.constant 1 : i32
        %dma_wait3A_1872 = arith.constant 0 : i32
        %dma_wait3A_1873 = arith.constant 0 : i32
        %dma_wait3A_1874 = tpu.memref_slice %arg4[%select_n3A_1656, %dma_wait3A_1871, %add3A_1840, %dma_wait3A_1872, %dma_wait3A_1873] : memref<200x8x128x8x128xf32, #tpu.memory_space<hbm>> -> memref<1x1x1x8x128xf32, #tpu.memory_space<hbm>>
        %dma_wait3A_1875 = arith.constant 0 : i32
        %dma_wait3A_1876 = arith.constant 1 : i32
        %dma_wait3A_1877 = arith.constant 0 : i32
        %dma_wait3A_1878 = arith.constant 0 : i32
        %dma_wait3A_1879 = arith.constant 128 : i32
        %dma_wait3A_1880 = tpu.memref_slice %arg7[%dma_wait3A_1875, %dma_wait3A_1876, %dma_wait3A_1877, %dma_wait3A_1878, %dma_wait3A_1879] : memref<1x8x1x8x256xf32, #tpu.memory_space<vmem>> -> memref<1x1x1x8x128xf32, #tpu.memory_space<vmem>>
        tpu.wait_dma2 semaphore(%arg9 : memref<!tpu.dma_semaphore, #tpu.memory_space<semaphore_mem>>) src(%dma_wait3A_1880 : memref<1x1x1x8x128xf32, #tpu.memory_space<vmem>>) dst(%dma_wait3A_1874 : memref<1x1x1x8x128xf32, #tpu.memory_space<hbm>>)
        %dma_wait3A_1881 = arith.constant 0 : i32
        %dma_wait3A_1882 = arith.constant 2 : i32
        %dma_wait3A_1883 = arith.constant 0 : i32
        %dma_wait3A_1884 = arith.constant 0 : i32
        %dma_wait3A_1885 = arith.constant 128 : i32
        %dma_wait3A_1886 = tpu.memref_slice %arg7[%dma_wait3A_1881, %dma_wait3A_1882, %dma_wait3A_1883, %dma_wait3A_1884, %dma_wait3A_1885] : memref<1x8x1x8x256xf32, #tpu.memory_space<vmem>> -> memref<1x1x1x8x128xf32, #tpu.memory_space<vmem>>
        %dma_wait3A_1887 = arith.constant 2 : i32
        %dma_wait3A_1888 = arith.constant 0 : i32
        %dma_wait3A_1889 = arith.constant 0 : i32
        %dma_wait3A_1890 = tpu.memref_slice %arg4[%select_n3A_1656, %dma_wait3A_1887, %add3A_1840, %dma_wait3A_1888, %dma_wait3A_1889] : memref<200x8x128x8x128xf32, #tpu.memory_space<hbm>> -> memref<1x1x1x8x128xf32, #tpu.memory_space<hbm>>
        %dma_wait3A_1891 = arith.constant 2 : i32
        %dma_wait3A_1892 = arith.constant 0 : i32
        %dma_wait3A_1893 = arith.constant 0 : i32
        %dma_wait3A_1894 = tpu.memref_slice %arg4[%select_n3A_1656, %dma_wait3A_1891, %add3A_1840, %dma_wait3A_1892, %dma_wait3A_1893] : memref<200x8x128x8x128xf32, #tpu.memory_space<hbm>> -> memref<1x1x1x8x128xf32, #tpu.memory_space<hbm>>
        %dma_wait3A_1895 = arith.constant 0 : i32
        %dma_wait3A_1896 = arith.constant 2 : i32
        %dma_wait3A_1897 = arith.constant 0 : i32
        %dma_wait3A_1898 = arith.constant 0 : i32
        %dma_wait3A_1899 = arith.constant 128 : i32
        %dma_wait3A_1900 = tpu.memref_slice %arg7[%dma_wait3A_1895, %dma_wait3A_1896, %dma_wait3A_1897, %dma_wait3A_1898, %dma_wait3A_1899] : memref<1x8x1x8x256xf32, #tpu.memory_space<vmem>> -> memref<1x1x1x8x128xf32, #tpu.memory_space<vmem>>
        tpu.wait_dma2 semaphore(%arg9 : memref<!tpu.dma_semaphore, #tpu.memory_space<semaphore_mem>>) src(%dma_wait3A_1900 : memref<1x1x1x8x128xf32, #tpu.memory_space<vmem>>) dst(%dma_wait3A_1894 : memref<1x1x1x8x128xf32, #tpu.memory_space<hbm>>)
        %dma_wait3A_1901 = arith.constant 0 : i32
        %dma_wait3A_1902 = arith.constant 3 : i32
        %dma_wait3A_1903 = arith.constant 0 : i32
        %dma_wait3A_1904 = arith.constant 0 : i32
        %dma_wait3A_1905 = arith.constant 128 : i32
        %dma_wait3A_1906 = tpu.memref_slice %arg7[%dma_wait3A_1901, %dma_wait3A_1902, %dma_wait3A_1903, %dma_wait3A_1904, %dma_wait3A_1905] : memref<1x8x1x8x256xf32, #tpu.memory_space<vmem>> -> memref<1x1x1x8x128xf32, #tpu.memory_space<vmem>>
        %dma_wait3A_1907 = arith.constant 3 : i32
        %dma_wait3A_1908 = arith.constant 0 : i32
        %dma_wait3A_1909 = arith.constant 0 : i32
        %dma_wait3A_1910 = tpu.memref_slice %arg4[%select_n3A_1656, %dma_wait3A_1907, %add3A_1840, %dma_wait3A_1908, %dma_wait3A_1909] : memref<200x8x128x8x128xf32, #tpu.memory_space<hbm>> -> memref<1x1x1x8x128xf32, #tpu.memory_space<hbm>>
        %dma_wait3A_1911 = arith.constant 3 : i32
        %dma_wait3A_1912 = arith.constant 0 : i32
        %dma_wait3A_1913 = arith.constant 0 : i32
        %dma_wait3A_1914 = tpu.memref_slice %arg4[%select_n3A_1656, %dma_wait3A_1911, %add3A_1840, %dma_wait3A_1912, %dma_wait3A_1913] : memref<200x8x128x8x128xf32, #tpu.memory_space<hbm>> -> memref<1x1x1x8x128xf32, #tpu.memory_space<hbm>>
        %dma_wait3A_1915 = arith.constant 0 : i32
        %dma_wait3A_1916 = arith.constant 3 : i32
        %dma_wait3A_1917 = arith.constant 0 : i32
        %dma_wait3A_1918 = arith.constant 0 : i32
        %dma_wait3A_1919 = arith.constant 128 : i32
        %dma_wait3A_1920 = tpu.memref_slice %arg7[%dma_wait3A_1915, %dma_wait3A_1916, %dma_wait3A_1917, %dma_wait3A_1918, %dma_wait3A_1919] : memref<1x8x1x8x256xf32, #tpu.memory_space<vmem>> -> memref<1x1x1x8x128xf32, #tpu.memory_space<vmem>>
        tpu.wait_dma2 semaphore(%arg9 : memref<!tpu.dma_semaphore, #tpu.memory_space<semaphore_mem>>) src(%dma_wait3A_1920 : memref<1x1x1x8x128xf32, #tpu.memory_space<vmem>>) dst(%dma_wait3A_1914 : memref<1x1x1x8x128xf32, #tpu.memory_space<hbm>>)
        %dma_wait3A_1921 = arith.constant 0 : i32
        %dma_wait3A_1922 = arith.constant 4 : i32
        %dma_wait3A_1923 = arith.constant 0 : i32
        %dma_wait3A_1924 = arith.constant 0 : i32
        %dma_wait3A_1925 = arith.constant 128 : i32
        %dma_wait3A_1926 = tpu.memref_slice %arg7[%dma_wait3A_1921, %dma_wait3A_1922, %dma_wait3A_1923, %dma_wait3A_1924, %dma_wait3A_1925] : memref<1x8x1x8x256xf32, #tpu.memory_space<vmem>> -> memref<1x1x1x8x128xf32, #tpu.memory_space<vmem>>
        %dma_wait3A_1927 = arith.constant 4 : i32
        %dma_wait3A_1928 = arith.constant 0 : i32
        %dma_wait3A_1929 = arith.constant 0 : i32
        %dma_wait3A_1930 = tpu.memref_slice %arg4[%select_n3A_1656, %dma_wait3A_1927, %add3A_1840, %dma_wait3A_1928, %dma_wait3A_1929] : memref<200x8x128x8x128xf32, #tpu.memory_space<hbm>> -> memref<1x1x1x8x128xf32, #tpu.memory_space<hbm>>
        %dma_wait3A_1931 = arith.constant 4 : i32
        %dma_wait3A_1932 = arith.constant 0 : i32
        %dma_wait3A_1933 = arith.constant 0 : i32
        %dma_wait3A_1934 = tpu.memref_slice %arg4[%select_n3A_1656, %dma_wait3A_1931, %add3A_1840, %dma_wait3A_1932, %dma_wait3A_1933] : memref<200x8x128x8x128xf32, #tpu.memory_space<hbm>> -> memref<1x1x1x8x128xf32, #tpu.memory_space<hbm>>
        %dma_wait3A_1935 = arith.constant 0 : i32
        %dma_wait3A_1936 = arith.constant 4 : i32
        %dma_wait3A_1937 = arith.constant 0 : i32
        %dma_wait3A_1938 = arith.constant 0 : i32
        %dma_wait3A_1939 = arith.constant 128 : i32
        %dma_wait3A_1940 = tpu.memref_slice %arg7[%dma_wait3A_1935, %dma_wait3A_1936, %dma_wait3A_1937, %dma_wait3A_1938, %dma_wait3A_1939] : memref<1x8x1x8x256xf32, #tpu.memory_space<vmem>> -> memref<1x1x1x8x128xf32, #tpu.memory_space<vmem>>
        tpu.wait_dma2 semaphore(%arg9 : memref<!tpu.dma_semaphore, #tpu.memory_space<semaphore_mem>>) src(%dma_wait3A_1940 : memref<1x1x1x8x128xf32, #tpu.memory_space<vmem>>) dst(%dma_wait3A_1934 : memref<1x1x1x8x128xf32, #tpu.memory_space<hbm>>)
        %dma_wait3A_1941 = arith.constant 0 : i32
        %dma_wait3A_1942 = arith.constant 5 : i32
        %dma_wait3A_1943 = arith.constant 0 : i32
        %dma_wait3A_1944 = arith.constant 0 : i32
        %dma_wait3A_1945 = arith.constant 128 : i32
        %dma_wait3A_1946 = tpu.memref_slice %arg7[%dma_wait3A_1941, %dma_wait3A_1942, %dma_wait3A_1943, %dma_wait3A_1944, %dma_wait3A_1945] : memref<1x8x1x8x256xf32, #tpu.memory_space<vmem>> -> memref<1x1x1x8x128xf32, #tpu.memory_space<vmem>>
        %dma_wait3A_1947 = arith.constant 5 : i32
        %dma_wait3A_1948 = arith.constant 0 : i32
        %dma_wait3A_1949 = arith.constant 0 : i32
        %dma_wait3A_1950 = tpu.memref_slice %arg4[%select_n3A_1656, %dma_wait3A_1947, %add3A_1840, %dma_wait3A_1948, %dma_wait3A_1949] : memref<200x8x128x8x128xf32, #tpu.memory_space<hbm>> -> memref<1x1x1x8x128xf32, #tpu.memory_space<hbm>>
        %dma_wait3A_1951 = arith.constant 5 : i32
        %dma_wait3A_1952 = arith.constant 0 : i32
        %dma_wait3A_1953 = arith.constant 0 : i32
        %dma_wait3A_1954 = tpu.memref_slice %arg4[%select_n3A_1656, %dma_wait3A_1951, %add3A_1840, %dma_wait3A_1952, %dma_wait3A_1953] : memref<200x8x128x8x128xf32, #tpu.memory_space<hbm>> -> memref<1x1x1x8x128xf32, #tpu.memory_space<hbm>>
        %dma_wait3A_1955 = arith.constant 0 : i32
        %dma_wait3A_1956 = arith.constant 5 : i32
        %dma_wait3A_1957 = arith.constant 0 : i32
        %dma_wait3A_1958 = arith.constant 0 : i32
        %dma_wait3A_1959 = arith.constant 128 : i32
        %dma_wait3A_1960 = tpu.memref_slice %arg7[%dma_wait3A_1955, %dma_wait3A_1956, %dma_wait3A_1957, %dma_wait3A_1958, %dma_wait3A_1959] : memref<1x8x1x8x256xf32, #tpu.memory_space<vmem>> -> memref<1x1x1x8x128xf32, #tpu.memory_space<vmem>>
        tpu.wait_dma2 semaphore(%arg9 : memref<!tpu.dma_semaphore, #tpu.memory_space<semaphore_mem>>) src(%dma_wait3A_1960 : memref<1x1x1x8x128xf32, #tpu.memory_space<vmem>>) dst(%dma_wait3A_1954 : memref<1x1x1x8x128xf32, #tpu.memory_space<hbm>>)
        %dma_wait3A_1961 = arith.constant 0 : i32
        %dma_wait3A_1962 = arith.constant 6 : i32
        %dma_wait3A_1963 = arith.constant 0 : i32
        %dma_wait3A_1964 = arith.constant 0 : i32
        %dma_wait3A_1965 = arith.constant 128 : i32
        %dma_wait3A_1966 = tpu.memref_slice %arg7[%dma_wait3A_1961, %dma_wait3A_1962, %dma_wait3A_1963, %dma_wait3A_1964, %dma_wait3A_1965] : memref<1x8x1x8x256xf32, #tpu.memory_space<vmem>> -> memref<1x1x1x8x128xf32, #tpu.memory_space<vmem>>
        %dma_wait3A_1967 = arith.constant 6 : i32
        %dma_wait3A_1968 = arith.constant 0 : i32
        %dma_wait3A_1969 = arith.constant 0 : i32
        %dma_wait3A_1970 = tpu.memref_slice %arg4[%select_n3A_1656, %dma_wait3A_1967, %add3A_1840, %dma_wait3A_1968, %dma_wait3A_1969] : memref<200x8x128x8x128xf32, #tpu.memory_space<hbm>> -> memref<1x1x1x8x128xf32, #tpu.memory_space<hbm>>
        %dma_wait3A_1971 = arith.constant 6 : i32
        %dma_wait3A_1972 = arith.constant 0 : i32
        %dma_wait3A_1973 = arith.constant 0 : i32
        %dma_wait3A_1974 = tpu.memref_slice %arg4[%select_n3A_1656, %dma_wait3A_1971, %add3A_1840, %dma_wait3A_1972, %dma_wait3A_1973] : memref<200x8x128x8x128xf32, #tpu.memory_space<hbm>> -> memref<1x1x1x8x128xf32, #tpu.memory_space<hbm>>
        %dma_wait3A_1975 = arith.constant 0 : i32
        %dma_wait3A_1976 = arith.constant 6 : i32
        %dma_wait3A_1977 = arith.constant 0 : i32
        %dma_wait3A_1978 = arith.constant 0 : i32
        %dma_wait3A_1979 = arith.constant 128 : i32
        %dma_wait3A_1980 = tpu.memref_slice %arg7[%dma_wait3A_1975, %dma_wait3A_1976, %dma_wait3A_1977, %dma_wait3A_1978, %dma_wait3A_1979] : memref<1x8x1x8x256xf32, #tpu.memory_space<vmem>> -> memref<1x1x1x8x128xf32, #tpu.memory_space<vmem>>
        tpu.wait_dma2 semaphore(%arg9 : memref<!tpu.dma_semaphore, #tpu.memory_space<semaphore_mem>>) src(%dma_wait3A_1980 : memref<1x1x1x8x128xf32, #tpu.memory_space<vmem>>) dst(%dma_wait3A_1974 : memref<1x1x1x8x128xf32, #tpu.memory_space<hbm>>)
        %dma_wait3A_1981 = arith.constant 0 : i32
        %dma_wait3A_1982 = arith.constant 7 : i32
        %dma_wait3A_1983 = arith.constant 0 : i32
        %dma_wait3A_1984 = arith.constant 0 : i32
        %dma_wait3A_1985 = arith.constant 128 : i32
        %dma_wait3A_1986 = tpu.memref_slice %arg7[%dma_wait3A_1981, %dma_wait3A_1982, %dma_wait3A_1983, %dma_wait3A_1984, %dma_wait3A_1985] : memref<1x8x1x8x256xf32, #tpu.memory_space<vmem>> -> memref<1x1x1x8x128xf32, #tpu.memory_space<vmem>>
        %dma_wait3A_1987 = arith.constant 7 : i32
        %dma_wait3A_1988 = arith.constant 0 : i32
        %dma_wait3A_1989 = arith.constant 0 : i32
        %dma_wait3A_1990 = tpu.memref_slice %arg4[%select_n3A_1656, %dma_wait3A_1987, %add3A_1840, %dma_wait3A_1988, %dma_wait3A_1989] : memref<200x8x128x8x128xf32, #tpu.memory_space<hbm>> -> memref<1x1x1x8x128xf32, #tpu.memory_space<hbm>>
        %dma_wait3A_1991 = arith.constant 7 : i32
        %dma_wait3A_1992 = arith.constant 0 : i32
        %dma_wait3A_1993 = arith.constant 0 : i32
        %dma_wait3A_1994 = tpu.memref_slice %arg4[%select_n3A_1656, %dma_wait3A_1991, %add3A_1840, %dma_wait3A_1992, %dma_wait3A_1993] : memref<200x8x128x8x128xf32, #tpu.memory_space<hbm>> -> memref<1x1x1x8x128xf32, #tpu.memory_space<hbm>>
        %dma_wait3A_1995 = arith.constant 0 : i32
        %dma_wait3A_1996 = arith.constant 7 : i32
        %dma_wait3A_1997 = arith.constant 0 : i32
        %dma_wait3A_1998 = arith.constant 0 : i32
        %dma_wait3A_1999 = arith.constant 128 : i32
        %dma_wait3A_2000 = tpu.memref_slice %arg7[%dma_wait3A_1995, %dma_wait3A_1996, %dma_wait3A_1997, %dma_wait3A_1998, %dma_wait3A_1999] : memref<1x8x1x8x256xf32, #tpu.memory_space<vmem>> -> memref<1x1x1x8x128xf32, #tpu.memory_space<vmem>>
        tpu.wait_dma2 semaphore(%arg9 : memref<!tpu.dma_semaphore, #tpu.memory_space<semaphore_mem>>) src(%dma_wait3A_2000 : memref<1x1x1x8x128xf32, #tpu.memory_space<vmem>>) dst(%dma_wait3A_1994 : memref<1x1x1x8x128xf32, #tpu.memory_space<hbm>>)
      } else {
      }
      %jit3A_856 = arith.constant 64 : i32
      %div3A_857 = arith.divsi %add3A_843, %jit3A_856 : i32
      %sign3A_858 = arith.constant 0 : i32
      %sign3A_859 = arith.cmpi sgt, %add3A_843, %sign3A_858 : i32
      %sign3A_860 = arith.extui %sign3A_859 : i1 to i32
      %sign3A_861 = arith.constant 0 : i32
      %sign3A_862 = arith.cmpi slt, %add3A_843, %sign3A_861 : i32
      %sign3A_863 = arith.extui %sign3A_862 : i1 to i32
      %sign3A_864 = arith.subi %sign3A_860, %sign3A_863 : i32
      %sign3A_865 = arith.constant 0 : i32
      %sign3A_866 = arith.cmpi sgt, %jit3A_856, %sign3A_865 : i32
      %sign3A_867 = arith.extui %sign3A_866 : i1 to i32
      %sign3A_868 = arith.constant 0 : i32
      %sign3A_869 = arith.cmpi slt, %jit3A_856, %sign3A_868 : i32
      %sign3A_870 = arith.extui %sign3A_869 : i1 to i32
      %sign3A_871 = arith.subi %sign3A_867, %sign3A_870 : i32
      %ne3A_872 = arith.cmpi ne, %sign3A_864, %sign3A_871 : i32
      %rem3A_873 = arith.remsi %add3A_843, %jit3A_856 : i32
      %ne3A_874 = arith.constant 0 : i32
      %ne3A_875 = arith.cmpi ne, %rem3A_873, %ne3A_874 : i32
      %and3A_876 = arith.andi %ne3A_872, %ne3A_875 : i1
      %sub3A_877 = arith.constant 1 : i32
      %sub3A_878 = arith.subi %div3A_857, %sub3A_877 : i32
      %select_n3A_879 = arith.select %and3A_876, %sub3A_878, %div3A_857 : i32
      %jit3A_880 = arith.constant 64 : i32
      %eq3A_881 = arith.constant 0 : i32
      %eq3A_882 = arith.cmpi eq, %jit3A_880, %eq3A_881 : i32
      %jit3A_883 = arith.constant 1 : i32
      %select_n3A_884 = arith.select %eq3A_882, %jit3A_883, %jit3A_880 : i32
      %rem3A_885 = arith.remsi %add3A_843, %select_n3A_884 : i32
      %ne3A_886 = arith.constant 0 : i32
      %ne3A_887 = arith.cmpi ne, %rem3A_885, %ne3A_886 : i32
      %lt3A_888 = arith.constant 0 : i32
      %lt3A_889 = arith.cmpi slt, %rem3A_885, %lt3A_888 : i32
      %lt3A_890 = arith.constant 0 : i32
      %lt3A_891 = arith.cmpi slt, %select_n3A_884, %lt3A_890 : i32
      %ne3A_892 = arith.xori %lt3A_889, %lt3A_891 : i1
      %and3A_893 = arith.andi %ne3A_892, %ne3A_887 : i1
      %add3A_894 = arith.addi %rem3A_885, %select_n3A_884 : i32
      %select_n3A_895 = arith.select %and3A_893, %add3A_894, %rem3A_885 : i32
      %parallel_loop3A = arith.constant 0 : i32
      %parallel_loop3A_896 = arith.constant 64 : i32
      %parallel_loop3A_897 = arith.constant 1 : i32
      scf.for %parallel_loop3A_1631 = %parallel_loop3A to %parallel_loop3A_896 step %parallel_loop3A_897  : i32 {
        %parallel_loop3A_1632 = arith.constant 0 : i32
        %parallel_loop3A_1633 = vector.broadcast %parallel_loop3A_1632 : i32 to vector<16xi32>
        %parallel_loop3A_1634 = vector.broadcast %parallel_loop3A_1631 : i32 to vector<16xi32>
        %parallel_loop3A_1635 = arith.addi %parallel_loop3A_1633, %parallel_loop3A_1634 : vector<16xi32>
        %parallel_loop3A_1636 = arith.constant 3 : i32
        %parallel_loop3A_1637 = arith.shrsi %parallel_loop3A_1631, %parallel_loop3A_1636 : i32
        %parallel_loop3A_1638 = arith.constant 7 : i32
        %parallel_loop3A_1639 = arith.andi %parallel_loop3A_1631, %parallel_loop3A_1638 : i32
        %parallel_loop3A_1640 = arith.constant 0 : i32
        %parallel_loop3A_1641 = vector.broadcast %parallel_loop3A_1640 : i32 to vector<16xi32>
        %parallel_loop3A_1642 = arith.addi %iota3A, %parallel_loop3A_1641 : vector<16xi32>
        %parallel_loop3A_1643 = tpu.vector_load_idx %arg6[%parallel_loop3A_1642, %parallel_loop3A_1635] : memref<256x72xf32, #tpu.memory_space<vmem>>[vector<16xi32>, vector<16xi32>], vector<16xf32>,
        %parallel_loop3A_1644 = arith.constant 0 : i32
        %parallel_loop3A_1645 = arith.constant 0 : i32
        %parallel_loop3A_1646 = arith.index_cast %parallel_loop3A_1644 : i32 to index
        %parallel_loop3A_1647 = arith.index_cast %parallel_loop3A_1637 : i32 to index
        %parallel_loop3A_1648 = arith.index_cast %parallel_loop3A_1645 : i32 to index
        %parallel_loop3A_1649 = arith.index_cast %parallel_loop3A_1639 : i32 to index
        %parallel_loop3A_1650 = arith.constant 0 : index
        %parallel_loop3A_1651 = tpu.vector_load %arg7[%parallel_loop3A_1646, %parallel_loop3A_1647, %parallel_loop3A_1648, %parallel_loop3A_1649, %parallel_loop3A_1650] {strides = array<i32>} : memref<1x8x1x8x256xf32, #tpu.memory_space<vmem>>, vector<16xf32>,
        tpu.vector_store %arg7[%parallel_loop3A_1646, %parallel_loop3A_1647, %parallel_loop3A_1648, %parallel_loop3A_1649, %parallel_loop3A_1650], %parallel_loop3A_1643 {strides = array<i32>} : memref<1x8x1x8x256xf32, #tpu.memory_space<vmem>>, vector<16xf32>,
        %parallel_loop3A_1652 = arith.constant 16 : i32
        %parallel_loop3A_1653 = vector.broadcast %parallel_loop3A_1652 : i32 to vector<16xi32>
        %parallel_loop3A_1654 = arith.addi %iota3A, %parallel_loop3A_1653 : vector<16xi32>
        %parallel_loop3A_1655 = tpu.vector_load_idx %arg6[%parallel_loop3A_1654, %parallel_loop3A_1635] : memref<256x72xf32, #tpu.memory_space<vmem>>[vector<16xi32>, vector<16xi32>], vector<16xf32>,
        %parallel_loop3A_1656 = arith.constant 0 : i32
        %parallel_loop3A_1657 = arith.constant 0 : i32
        %parallel_loop3A_1658 = arith.index_cast %parallel_loop3A_1656 : i32 to index
        %parallel_loop3A_1659 = arith.index_cast %parallel_loop3A_1637 : i32 to index
        %parallel_loop3A_1660 = arith.index_cast %parallel_loop3A_1657 : i32 to index
        %parallel_loop3A_1661 = arith.index_cast %parallel_loop3A_1639 : i32 to index
        %parallel_loop3A_1662 = arith.constant 16 : index
        %parallel_loop3A_1663 = tpu.vector_load %arg7[%parallel_loop3A_1658, %parallel_loop3A_1659, %parallel_loop3A_1660, %parallel_loop3A_1661, %parallel_loop3A_1662] {strides = array<i32>} : memref<1x8x1x8x256xf32, #tpu.memory_space<vmem>>, vector<16xf32>,
        tpu.vector_store %arg7[%parallel_loop3A_1658, %parallel_loop3A_1659, %parallel_loop3A_1660, %parallel_loop3A_1661, %parallel_loop3A_1662], %parallel_loop3A_1655 {strides = array<i32>} : memref<1x8x1x8x256xf32, #tpu.memory_space<vmem>>, vector<16xf32>,
        %parallel_loop3A_1664 = arith.constant 32 : i32
        %parallel_loop3A_1665 = vector.broadcast %parallel_loop3A_1664 : i32 to vector<16xi32>
        %parallel_loop3A_1666 = arith.addi %iota3A, %parallel_loop3A_1665 : vector<16xi32>
        %parallel_loop3A_1667 = tpu.vector_load_idx %arg6[%parallel_loop3A_1666, %parallel_loop3A_1635] : memref<256x72xf32, #tpu.memory_space<vmem>>[vector<16xi32>, vector<16xi32>], vector<16xf32>,
        %parallel_loop3A_1668 = arith.constant 0 : i32
        %parallel_loop3A_1669 = arith.constant 0 : i32
        %parallel_loop3A_1670 = arith.index_cast %parallel_loop3A_1668 : i32 to index
        %parallel_loop3A_1671 = arith.index_cast %parallel_loop3A_1637 : i32 to index
        %parallel_loop3A_1672 = arith.index_cast %parallel_loop3A_1669 : i32 to index
        %parallel_loop3A_1673 = arith.index_cast %parallel_loop3A_1639 : i32 to index
        %parallel_loop3A_1674 = arith.constant 32 : index
        %parallel_loop3A_1675 = tpu.vector_load %arg7[%parallel_loop3A_1670, %parallel_loop3A_1671, %parallel_loop3A_1672, %parallel_loop3A_1673, %parallel_loop3A_1674] {strides = array<i32>} : memref<1x8x1x8x256xf32, #tpu.memory_space<vmem>>, vector<16xf32>,
        tpu.vector_store %arg7[%parallel_loop3A_1670, %parallel_loop3A_1671, %parallel_loop3A_1672, %parallel_loop3A_1673, %parallel_loop3A_1674], %parallel_loop3A_1667 {strides = array<i32>} : memref<1x8x1x8x256xf32, #tpu.memory_space<vmem>>, vector<16xf32>,
        %parallel_loop3A_1676 = arith.constant 48 : i32
        %parallel_loop3A_1677 = vector.broadcast %parallel_loop3A_1676 : i32 to vector<16xi32>
        %parallel_loop3A_1678 = arith.addi %iota3A, %parallel_loop3A_1677 : vector<16xi32>
        %parallel_loop3A_1679 = tpu.vector_load_idx %arg6[%parallel_loop3A_1678, %parallel_loop3A_1635] : memref<256x72xf32, #tpu.memory_space<vmem>>[vector<16xi32>, vector<16xi32>], vector<16xf32>,
        %parallel_loop3A_1680 = arith.constant 0 : i32
        %parallel_loop3A_1681 = arith.constant 0 : i32
        %parallel_loop3A_1682 = arith.index_cast %parallel_loop3A_1680 : i32 to index
        %parallel_loop3A_1683 = arith.index_cast %parallel_loop3A_1637 : i32 to index
        %parallel_loop3A_1684 = arith.index_cast %parallel_loop3A_1681 : i32 to index
        %parallel_loop3A_1685 = arith.index_cast %parallel_loop3A_1639 : i32 to index
        %parallel_loop3A_1686 = arith.constant 48 : index
        %parallel_loop3A_1687 = tpu.vector_load %arg7[%parallel_loop3A_1682, %parallel_loop3A_1683, %parallel_loop3A_1684, %parallel_loop3A_1685, %parallel_loop3A_1686] {strides = array<i32>} : memref<1x8x1x8x256xf32, #tpu.memory_space<vmem>>, vector<16xf32>,
        tpu.vector_store %arg7[%parallel_loop3A_1682, %parallel_loop3A_1683, %parallel_loop3A_1684, %parallel_loop3A_1685, %parallel_loop3A_1686], %parallel_loop3A_1679 {strides = array<i32>} : memref<1x8x1x8x256xf32, #tpu.memory_space<vmem>>, vector<16xf32>,
        %parallel_loop3A_1688 = arith.constant 64 : i32
        %parallel_loop3A_1689 = vector.broadcast %parallel_loop3A_1688 : i32 to vector<16xi32>
        %parallel_loop3A_1690 = arith.addi %iota3A, %parallel_loop3A_1689 : vector<16xi32>
        %parallel_loop3A_1691 = tpu.vector_load_idx %arg6[%parallel_loop3A_1690, %parallel_loop3A_1635] : memref<256x72xf32, #tpu.memory_space<vmem>>[vector<16xi32>, vector<16xi32>], vector<16xf32>,
        %parallel_loop3A_1692 = arith.constant 0 : i32
        %parallel_loop3A_1693 = arith.constant 0 : i32
        %parallel_loop3A_1694 = arith.index_cast %parallel_loop3A_1692 : i32 to index
        %parallel_loop3A_1695 = arith.index_cast %parallel_loop3A_1637 : i32 to index
        %parallel_loop3A_1696 = arith.index_cast %parallel_loop3A_1693 : i32 to index
        %parallel_loop3A_1697 = arith.index_cast %parallel_loop3A_1639 : i32 to index
        %parallel_loop3A_1698 = arith.constant 64 : index
        %parallel_loop3A_1699 = tpu.vector_load %arg7[%parallel_loop3A_1694, %parallel_loop3A_1695, %parallel_loop3A_1696, %parallel_loop3A_1697, %parallel_loop3A_1698] {strides = array<i32>} : memref<1x8x1x8x256xf32, #tpu.memory_space<vmem>>, vector<16xf32>,
        tpu.vector_store %arg7[%parallel_loop3A_1694, %parallel_loop3A_1695, %parallel_loop3A_1696, %parallel_loop3A_1697, %parallel_loop3A_1698], %parallel_loop3A_1691 {strides = array<i32>} : memref<1x8x1x8x256xf32, #tpu.memory_space<vmem>>, vector<16xf32>,
        %parallel_loop3A_1700 = arith.constant 80 : i32
        %parallel_loop3A_1701 = vector.broadcast %parallel_loop3A_1700 : i32 to vector<16xi32>
        %parallel_loop3A_1702 = arith.addi %iota3A, %parallel_loop3A_1701 : vector<16xi32>
        %parallel_loop3A_1703 = tpu.vector_load_idx %arg6[%parallel_loop3A_1702, %parallel_loop3A_1635] : memref<256x72xf32, #tpu.memory_space<vmem>>[vector<16xi32>, vector<16xi32>], vector<16xf32>,
        %parallel_loop3A_1704 = arith.constant 0 : i32
        %parallel_loop3A_1705 = arith.constant 0 : i32
        %parallel_loop3A_1706 = arith.index_cast %parallel_loop3A_1704 : i32 to index
        %parallel_loop3A_1707 = arith.index_cast %parallel_loop3A_1637 : i32 to index
        %parallel_loop3A_1708 = arith.index_cast %parallel_loop3A_1705 : i32 to index
        %parallel_loop3A_1709 = arith.index_cast %parallel_loop3A_1639 : i32 to index
        %parallel_loop3A_1710 = arith.constant 80 : index
        %parallel_loop3A_1711 = tpu.vector_load %arg7[%parallel_loop3A_1706, %parallel_loop3A_1707, %parallel_loop3A_1708, %parallel_loop3A_1709, %parallel_loop3A_1710] {strides = array<i32>} : memref<1x8x1x8x256xf32, #tpu.memory_space<vmem>>, vector<16xf32>,
        tpu.vector_store %arg7[%parallel_loop3A_1706, %parallel_loop3A_1707, %parallel_loop3A_1708, %parallel_loop3A_1709, %parallel_loop3A_1710], %parallel_loop3A_1703 {strides = array<i32>} : memref<1x8x1x8x256xf32, #tpu.memory_space<vmem>>, vector<16xf32>,
        %parallel_loop3A_1712 = arith.constant 96 : i32
        %parallel_loop3A_1713 = vector.broadcast %parallel_loop3A_1712 : i32 to vector<16xi32>
        %parallel_loop3A_1714 = arith.addi %iota3A, %parallel_loop3A_1713 : vector<16xi32>
        %parallel_loop3A_1715 = tpu.vector_load_idx %arg6[%parallel_loop3A_1714, %parallel_loop3A_1635] : memref<256x72xf32, #tpu.memory_space<vmem>>[vector<16xi32>, vector<16xi32>], vector<16xf32>,
        %parallel_loop3A_1716 = arith.constant 0 : i32
        %parallel_loop3A_1717 = arith.constant 0 : i32
        %parallel_loop3A_1718 = arith.index_cast %parallel_loop3A_1716 : i32 to index
        %parallel_loop3A_1719 = arith.index_cast %parallel_loop3A_1637 : i32 to index
        %parallel_loop3A_1720 = arith.index_cast %parallel_loop3A_1717 : i32 to index
        %parallel_loop3A_1721 = arith.index_cast %parallel_loop3A_1639 : i32 to index
        %parallel_loop3A_1722 = arith.constant 96 : index
        %parallel_loop3A_1723 = tpu.vector_load %arg7[%parallel_loop3A_1718, %parallel_loop3A_1719, %parallel_loop3A_1720, %parallel_loop3A_1721, %parallel_loop3A_1722] {strides = array<i32>} : memref<1x8x1x8x256xf32, #tpu.memory_space<vmem>>, vector<16xf32>,
        tpu.vector_store %arg7[%parallel_loop3A_1718, %parallel_loop3A_1719, %parallel_loop3A_1720, %parallel_loop3A_1721, %parallel_loop3A_1722], %parallel_loop3A_1715 {strides = array<i32>} : memref<1x8x1x8x256xf32, #tpu.memory_space<vmem>>, vector<16xf32>,
        %parallel_loop3A_1724 = arith.constant 112 : i32
        %parallel_loop3A_1725 = vector.broadcast %parallel_loop3A_1724 : i32 to vector<16xi32>
        %parallel_loop3A_1726 = arith.addi %iota3A, %parallel_loop3A_1725 : vector<16xi32>
        %parallel_loop3A_1727 = tpu.vector_load_idx %arg6[%parallel_loop3A_1726, %parallel_loop3A_1635] : memref<256x72xf32, #tpu.memory_space<vmem>>[vector<16xi32>, vector<16xi32>], vector<16xf32>,
        %parallel_loop3A_1728 = arith.constant 0 : i32
        %parallel_loop3A_1729 = arith.constant 0 : i32
        %parallel_loop3A_1730 = arith.index_cast %parallel_loop3A_1728 : i32 to index
        %parallel_loop3A_1731 = arith.index_cast %parallel_loop3A_1637 : i32 to index
        %parallel_loop3A_1732 = arith.index_cast %parallel_loop3A_1729 : i32 to index
        %parallel_loop3A_1733 = arith.index_cast %parallel_loop3A_1639 : i32 to index
        %parallel_loop3A_1734 = arith.constant 112 : index
        %parallel_loop3A_1735 = tpu.vector_load %arg7[%parallel_loop3A_1730, %parallel_loop3A_1731, %parallel_loop3A_1732, %parallel_loop3A_1733, %parallel_loop3A_1734] {strides = array<i32>} : memref<1x8x1x8x256xf32, #tpu.memory_space<vmem>>, vector<16xf32>,
        tpu.vector_store %arg7[%parallel_loop3A_1730, %parallel_loop3A_1731, %parallel_loop3A_1732, %parallel_loop3A_1733, %parallel_loop3A_1734], %parallel_loop3A_1727 {strides = array<i32>} : memref<1x8x1x8x256xf32, #tpu.memory_space<vmem>>, vector<16xf32>,
        %parallel_loop3A_1736 = arith.constant 128 : i32
        %parallel_loop3A_1737 = vector.broadcast %parallel_loop3A_1736 : i32 to vector<16xi32>
        %parallel_loop3A_1738 = arith.addi %iota3A, %parallel_loop3A_1737 : vector<16xi32>
        %parallel_loop3A_1739 = tpu.vector_load_idx %arg6[%parallel_loop3A_1738, %parallel_loop3A_1635] : memref<256x72xf32, #tpu.memory_space<vmem>>[vector<16xi32>, vector<16xi32>], vector<16xf32>,
        %parallel_loop3A_1740 = arith.constant 0 : i32
        %parallel_loop3A_1741 = arith.constant 0 : i32
        %parallel_loop3A_1742 = arith.index_cast %parallel_loop3A_1740 : i32 to index
        %parallel_loop3A_1743 = arith.index_cast %parallel_loop3A_1637 : i32 to index
        %parallel_loop3A_1744 = arith.index_cast %parallel_loop3A_1741 : i32 to index
        %parallel_loop3A_1745 = arith.index_cast %parallel_loop3A_1639 : i32 to index
        %parallel_loop3A_1746 = arith.constant 128 : index
        %parallel_loop3A_1747 = tpu.vector_load %arg7[%parallel_loop3A_1742, %parallel_loop3A_1743, %parallel_loop3A_1744, %parallel_loop3A_1745, %parallel_loop3A_1746] {strides = array<i32>} : memref<1x8x1x8x256xf32, #tpu.memory_space<vmem>>, vector<16xf32>,
        tpu.vector_store %arg7[%parallel_loop3A_1742, %parallel_loop3A_1743, %parallel_loop3A_1744, %parallel_loop3A_1745, %parallel_loop3A_1746], %parallel_loop3A_1739 {strides = array<i32>} : memref<1x8x1x8x256xf32, #tpu.memory_space<vmem>>, vector<16xf32>,
        %parallel_loop3A_1748 = arith.constant 144 : i32
        %parallel_loop3A_1749 = vector.broadcast %parallel_loop3A_1748 : i32 to vector<16xi32>
        %parallel_loop3A_1750 = arith.addi %iota3A, %parallel_loop3A_1749 : vector<16xi32>
        %parallel_loop3A_1751 = tpu.vector_load_idx %arg6[%parallel_loop3A_1750, %parallel_loop3A_1635] : memref<256x72xf32, #tpu.memory_space<vmem>>[vector<16xi32>, vector<16xi32>], vector<16xf32>,
        %parallel_loop3A_1752 = arith.constant 0 : i32
        %parallel_loop3A_1753 = arith.constant 0 : i32
        %parallel_loop3A_1754 = arith.index_cast %parallel_loop3A_1752 : i32 to index
        %parallel_loop3A_1755 = arith.index_cast %parallel_loop3A_1637 : i32 to index
        %parallel_loop3A_1756 = arith.index_cast %parallel_loop3A_1753 : i32 to index
        %parallel_loop3A_1757 = arith.index_cast %parallel_loop3A_1639 : i32 to index
        %parallel_loop3A_1758 = arith.constant 144 : index
        %parallel_loop3A_1759 = tpu.vector_load %arg7[%parallel_loop3A_1754, %parallel_loop3A_1755, %parallel_loop3A_1756, %parallel_loop3A_1757, %parallel_loop3A_1758] {strides = array<i32>} : memref<1x8x1x8x256xf32, #tpu.memory_space<vmem>>, vector<16xf32>,
        tpu.vector_store %arg7[%parallel_loop3A_1754, %parallel_loop3A_1755, %parallel_loop3A_1756, %parallel_loop3A_1757, %parallel_loop3A_1758], %parallel_loop3A_1751 {strides = array<i32>} : memref<1x8x1x8x256xf32, #tpu.memory_space<vmem>>, vector<16xf32>,
        %parallel_loop3A_1760 = arith.constant 160 : i32
        %parallel_loop3A_1761 = vector.broadcast %parallel_loop3A_1760 : i32 to vector<16xi32>
        %parallel_loop3A_1762 = arith.addi %iota3A, %parallel_loop3A_1761 : vector<16xi32>
        %parallel_loop3A_1763 = tpu.vector_load_idx %arg6[%parallel_loop3A_1762, %parallel_loop3A_1635] : memref<256x72xf32, #tpu.memory_space<vmem>>[vector<16xi32>, vector<16xi32>], vector<16xf32>,
        %parallel_loop3A_1764 = arith.constant 0 : i32
        %parallel_loop3A_1765 = arith.constant 0 : i32
        %parallel_loop3A_1766 = arith.index_cast %parallel_loop3A_1764 : i32 to index
        %parallel_loop3A_1767 = arith.index_cast %parallel_loop3A_1637 : i32 to index
        %parallel_loop3A_1768 = arith.index_cast %parallel_loop3A_1765 : i32 to index
        %parallel_loop3A_1769 = arith.index_cast %parallel_loop3A_1639 : i32 to index
        %parallel_loop3A_1770 = arith.constant 160 : index
        %parallel_loop3A_1771 = tpu.vector_load %arg7[%parallel_loop3A_1766, %parallel_loop3A_1767, %parallel_loop3A_1768, %parallel_loop3A_1769, %parallel_loop3A_1770] {strides = array<i32>} : memref<1x8x1x8x256xf32, #tpu.memory_space<vmem>>, vector<16xf32>,
        tpu.vector_store %arg7[%parallel_loop3A_1766, %parallel_loop3A_1767, %parallel_loop3A_1768, %parallel_loop3A_1769, %parallel_loop3A_1770], %parallel_loop3A_1763 {strides = array<i32>} : memref<1x8x1x8x256xf32, #tpu.memory_space<vmem>>, vector<16xf32>,
        %parallel_loop3A_1772 = arith.constant 176 : i32
        %parallel_loop3A_1773 = vector.broadcast %parallel_loop3A_1772 : i32 to vector<16xi32>
        %parallel_loop3A_1774 = arith.addi %iota3A, %parallel_loop3A_1773 : vector<16xi32>
        %parallel_loop3A_1775 = tpu.vector_load_idx %arg6[%parallel_loop3A_1774, %parallel_loop3A_1635] : memref<256x72xf32, #tpu.memory_space<vmem>>[vector<16xi32>, vector<16xi32>], vector<16xf32>,
        %parallel_loop3A_1776 = arith.constant 0 : i32
        %parallel_loop3A_1777 = arith.constant 0 : i32
        %parallel_loop3A_1778 = arith.index_cast %parallel_loop3A_1776 : i32 to index
        %parallel_loop3A_1779 = arith.index_cast %parallel_loop3A_1637 : i32 to index
        %parallel_loop3A_1780 = arith.index_cast %parallel_loop3A_1777 : i32 to index
        %parallel_loop3A_1781 = arith.index_cast %parallel_loop3A_1639 : i32 to index
        %parallel_loop3A_1782 = arith.constant 176 : index
        %parallel_loop3A_1783 = tpu.vector_load %arg7[%parallel_loop3A_1778, %parallel_loop3A_1779, %parallel_loop3A_1780, %parallel_loop3A_1781, %parallel_loop3A_1782] {strides = array<i32>} : memref<1x8x1x8x256xf32, #tpu.memory_space<vmem>>, vector<16xf32>,
        tpu.vector_store %arg7[%parallel_loop3A_1778, %parallel_loop3A_1779, %parallel_loop3A_1780, %parallel_loop3A_1781, %parallel_loop3A_1782], %parallel_loop3A_1775 {strides = array<i32>} : memref<1x8x1x8x256xf32, #tpu.memory_space<vmem>>, vector<16xf32>,
        %parallel_loop3A_1784 = arith.constant 192 : i32
        %parallel_loop3A_1785 = vector.broadcast %parallel_loop3A_1784 : i32 to vector<16xi32>
        %parallel_loop3A_1786 = arith.addi %iota3A, %parallel_loop3A_1785 : vector<16xi32>
        %parallel_loop3A_1787 = tpu.vector_load_idx %arg6[%parallel_loop3A_1786, %parallel_loop3A_1635] : memref<256x72xf32, #tpu.memory_space<vmem>>[vector<16xi32>, vector<16xi32>], vector<16xf32>,
        %parallel_loop3A_1788 = arith.constant 0 : i32
        %parallel_loop3A_1789 = arith.constant 0 : i32
        %parallel_loop3A_1790 = arith.index_cast %parallel_loop3A_1788 : i32 to index
        %parallel_loop3A_1791 = arith.index_cast %parallel_loop3A_1637 : i32 to index
        %parallel_loop3A_1792 = arith.index_cast %parallel_loop3A_1789 : i32 to index
        %parallel_loop3A_1793 = arith.index_cast %parallel_loop3A_1639 : i32 to index
        %parallel_loop3A_1794 = arith.constant 192 : index
        %parallel_loop3A_1795 = tpu.vector_load %arg7[%parallel_loop3A_1790, %parallel_loop3A_1791, %parallel_loop3A_1792, %parallel_loop3A_1793, %parallel_loop3A_1794] {strides = array<i32>} : memref<1x8x1x8x256xf32, #tpu.memory_space<vmem>>, vector<16xf32>,
        tpu.vector_store %arg7[%parallel_loop3A_1790, %parallel_loop3A_1791, %parallel_loop3A_1792, %parallel_loop3A_1793, %parallel_loop3A_1794], %parallel_loop3A_1787 {strides = array<i32>} : memref<1x8x1x8x256xf32, #tpu.memory_space<vmem>>, vector<16xf32>,
        %parallel_loop3A_1796 = arith.constant 208 : i32
        %parallel_loop3A_1797 = vector.broadcast %parallel_loop3A_1796 : i32 to vector<16xi32>
        %parallel_loop3A_1798 = arith.addi %iota3A, %parallel_loop3A_1797 : vector<16xi32>
        %parallel_loop3A_1799 = tpu.vector_load_idx %arg6[%parallel_loop3A_1798, %parallel_loop3A_1635] : memref<256x72xf32, #tpu.memory_space<vmem>>[vector<16xi32>, vector<16xi32>], vector<16xf32>,
        %parallel_loop3A_1800 = arith.constant 0 : i32
        %parallel_loop3A_1801 = arith.constant 0 : i32
        %parallel_loop3A_1802 = arith.index_cast %parallel_loop3A_1800 : i32 to index
        %parallel_loop3A_1803 = arith.index_cast %parallel_loop3A_1637 : i32 to index
        %parallel_loop3A_1804 = arith.index_cast %parallel_loop3A_1801 : i32 to index
        %parallel_loop3A_1805 = arith.index_cast %parallel_loop3A_1639 : i32 to index
        %parallel_loop3A_1806 = arith.constant 208 : index
        %parallel_loop3A_1807 = tpu.vector_load %arg7[%parallel_loop3A_1802, %parallel_loop3A_1803, %parallel_loop3A_1804, %parallel_loop3A_1805, %parallel_loop3A_1806] {strides = array<i32>} : memref<1x8x1x8x256xf32, #tpu.memory_space<vmem>>, vector<16xf32>,
        tpu.vector_store %arg7[%parallel_loop3A_1802, %parallel_loop3A_1803, %parallel_loop3A_1804, %parallel_loop3A_1805, %parallel_loop3A_1806], %parallel_loop3A_1799 {strides = array<i32>} : memref<1x8x1x8x256xf32, #tpu.memory_space<vmem>>, vector<16xf32>,
        %parallel_loop3A_1808 = arith.constant 224 : i32
        %parallel_loop3A_1809 = vector.broadcast %parallel_loop3A_1808 : i32 to vector<16xi32>
        %parallel_loop3A_1810 = arith.addi %iota3A, %parallel_loop3A_1809 : vector<16xi32>
        %parallel_loop3A_1811 = tpu.vector_load_idx %arg6[%parallel_loop3A_1810, %parallel_loop3A_1635] : memref<256x72xf32, #tpu.memory_space<vmem>>[vector<16xi32>, vector<16xi32>], vector<16xf32>,
        %parallel_loop3A_1812 = arith.constant 0 : i32
        %parallel_loop3A_1813 = arith.constant 0 : i32
        %parallel_loop3A_1814 = arith.index_cast %parallel_loop3A_1812 : i32 to index
        %parallel_loop3A_1815 = arith.index_cast %parallel_loop3A_1637 : i32 to index
        %parallel_loop3A_1816 = arith.index_cast %parallel_loop3A_1813 : i32 to index
        %parallel_loop3A_1817 = arith.index_cast %parallel_loop3A_1639 : i32 to index
        %parallel_loop3A_1818 = arith.constant 224 : index
        %parallel_loop3A_1819 = tpu.vector_load %arg7[%parallel_loop3A_1814, %parallel_loop3A_1815, %parallel_loop3A_1816, %parallel_loop3A_1817, %parallel_loop3A_1818] {strides = array<i32>} : memref<1x8x1x8x256xf32, #tpu.memory_space<vmem>>, vector<16xf32>,
        tpu.vector_store %arg7[%parallel_loop3A_1814, %parallel_loop3A_1815, %parallel_loop3A_1816, %parallel_loop3A_1817, %parallel_loop3A_1818], %parallel_loop3A_1811 {strides = array<i32>} : memref<1x8x1x8x256xf32, #tpu.memory_space<vmem>>, vector<16xf32>,
        %parallel_loop3A_1820 = arith.constant 240 : i32
        %parallel_loop3A_1821 = vector.broadcast %parallel_loop3A_1820 : i32 to vector<16xi32>
        %parallel_loop3A_1822 = arith.addi %iota3A, %parallel_loop3A_1821 : vector<16xi32>
        %parallel_loop3A_1823 = tpu.vector_load_idx %arg6[%parallel_loop3A_1822, %parallel_loop3A_1635] : memref<256x72xf32, #tpu.memory_space<vmem>>[vector<16xi32>, vector<16xi32>], vector<16xf32>,
        %parallel_loop3A_1824 = arith.constant 0 : i32
        %parallel_loop3A_1825 = arith.constant 0 : i32
        %parallel_loop3A_1826 = arith.index_cast %parallel_loop3A_1824 : i32 to index
        %parallel_loop3A_1827 = arith.index_cast %parallel_loop3A_1637 : i32 to index
        %parallel_loop3A_1828 = arith.index_cast %parallel_loop3A_1825 : i32 to index
        %parallel_loop3A_1829 = arith.index_cast %parallel_loop3A_1639 : i32 to index
        %parallel_loop3A_1830 = arith.constant 240 : index
        %parallel_loop3A_1831 = tpu.vector_load %arg7[%parallel_loop3A_1826, %parallel_loop3A_1827, %parallel_loop3A_1828, %parallel_loop3A_1829, %parallel_loop3A_1830] {strides = array<i32>} : memref<1x8x1x8x256xf32, #tpu.memory_space<vmem>>, vector<16xf32>,
        tpu.vector_store %arg7[%parallel_loop3A_1826, %parallel_loop3A_1827, %parallel_loop3A_1828, %parallel_loop3A_1829, %parallel_loop3A_1830], %parallel_loop3A_1823 {strides = array<i32>} : memref<1x8x1x8x256xf32, #tpu.memory_space<vmem>>, vector<16xf32>,
      } {sc.loop_unroll_factor = 4 : i64, sc.parallel_access}
      %mul3A_898 = arith.constant 2 : i32
      %mul3A_899 = arith.muli %select_n3A_895, %mul3A_898 : i32
      %add3A_900 = arith.constant 0 : i32
      %add3A_901 = arith.addi %mul3A_899, %add3A_900 : i32
      %dma_start3A_902 = arith.constant 0 : i32
      %dma_start3A_903 = arith.constant 0 : i32
      %dma_start3A_904 = arith.constant 0 : i32
      %dma_start3A_905 = arith.constant 0 : i32
      %dma_start3A_906 = arith.constant 0 : i32
      %dma_start3A_907 = tpu.memref_slice %arg7[%dma_start3A_902, %dma_start3A_903, %dma_start3A_904, %dma_start3A_905, %dma_start3A_906] : memref<1x8x1x8x256xf32, #tpu.memory_space<vmem>> -> memref<1x1x1x8x128xf32, #tpu.memory_space<vmem>>
      %dma_start3A_908 = arith.constant 0 : i32
      %dma_start3A_909 = arith.constant 0 : i32
      %dma_start3A_910 = arith.constant 0 : i32
      %dma_start3A_911 = tpu.memref_slice %arg4[%select_n3A_879, %dma_start3A_908, %add3A_901, %dma_start3A_909, %dma_start3A_910] : memref<200x8x128x8x128xf32, #tpu.memory_space<hbm>> -> memref<1x1x1x8x128xf32, #tpu.memory_space<hbm>>
      %dma_start3A_912 = arith.constant 0 : i32
      %dma_start3A_913 = arith.constant 0 : i32
      %dma_start3A_914 = arith.constant 0 : i32
      %dma_start3A_915 = tpu.memref_slice %arg4[%select_n3A_879, %dma_start3A_912, %add3A_901, %dma_start3A_913, %dma_start3A_914] : memref<200x8x128x8x128xf32, #tpu.memory_space<hbm>> -> memref<1x1x1x8x128xf32, #tpu.memory_space<hbm>>
      %dma_start3A_916 = arith.constant 0 : i32
      %dma_start3A_917 = arith.constant 0 : i32
      %dma_start3A_918 = arith.constant 0 : i32
      %dma_start3A_919 = arith.constant 0 : i32
      %dma_start3A_920 = arith.constant 0 : i32
      %dma_start3A_921 = tpu.memref_slice %arg7[%dma_start3A_916, %dma_start3A_917, %dma_start3A_918, %dma_start3A_919, %dma_start3A_920] : memref<1x8x1x8x256xf32, #tpu.memory_space<vmem>> -> memref<1x1x1x8x128xf32, #tpu.memory_space<vmem>>
      tpu.enqueue_dma source(%dma_start3A_921 : memref<1x1x1x8x128xf32, #tpu.memory_space<vmem>>) target(%dma_start3A_915 : memref<1x1x1x8x128xf32, #tpu.memory_space<hbm>>) target_semaphore(%arg9 : memref<!tpu.dma_semaphore, #tpu.memory_space<semaphore_mem>>)
      %dma_start3A_922 = arith.constant 0 : i32
      %dma_start3A_923 = arith.constant 1 : i32
      %dma_start3A_924 = arith.constant 0 : i32
      %dma_start3A_925 = arith.constant 0 : i32
      %dma_start3A_926 = arith.constant 0 : i32
      %dma_start3A_927 = tpu.memref_slice %arg7[%dma_start3A_922, %dma_start3A_923, %dma_start3A_924, %dma_start3A_925, %dma_start3A_926] : memref<1x8x1x8x256xf32, #tpu.memory_space<vmem>> -> memref<1x1x1x8x128xf32, #tpu.memory_space<vmem>>
      %dma_start3A_928 = arith.constant 1 : i32
      %dma_start3A_929 = arith.constant 0 : i32
      %dma_start3A_930 = arith.constant 0 : i32
      %dma_start3A_931 = tpu.memref_slice %arg4[%select_n3A_879, %dma_start3A_928, %add3A_901, %dma_start3A_929, %dma_start3A_930] : memref<200x8x128x8x128xf32, #tpu.memory_space<hbm>> -> memref<1x1x1x8x128xf32, #tpu.memory_space<hbm>>
      %dma_start3A_932 = arith.constant 1 : i32
      %dma_start3A_933 = arith.constant 0 : i32
      %dma_start3A_934 = arith.constant 0 : i32
      %dma_start3A_935 = tpu.memref_slice %arg4[%select_n3A_879, %dma_start3A_932, %add3A_901, %dma_start3A_933, %dma_start3A_934] : memref<200x8x128x8x128xf32, #tpu.memory_space<hbm>> -> memref<1x1x1x8x128xf32, #tpu.memory_space<hbm>>
      %dma_start3A_936 = arith.constant 0 : i32
      %dma_start3A_937 = arith.constant 1 : i32
      %dma_start3A_938 = arith.constant 0 : i32
      %dma_start3A_939 = arith.constant 0 : i32
      %dma_start3A_940 = arith.constant 0 : i32
      %dma_start3A_941 = tpu.memref_slice %arg7[%dma_start3A_936, %dma_start3A_937, %dma_start3A_938, %dma_start3A_939, %dma_start3A_940] : memref<1x8x1x8x256xf32, #tpu.memory_space<vmem>> -> memref<1x1x1x8x128xf32, #tpu.memory_space<vmem>>
      tpu.enqueue_dma source(%dma_start3A_941 : memref<1x1x1x8x128xf32, #tpu.memory_space<vmem>>) target(%dma_start3A_935 : memref<1x1x1x8x128xf32, #tpu.memory_space<hbm>>) target_semaphore(%arg9 : memref<!tpu.dma_semaphore, #tpu.memory_space<semaphore_mem>>)
      %dma_start3A_942 = arith.constant 0 : i32
      %dma_start3A_943 = arith.constant 2 : i32
      %dma_start3A_944 = arith.constant 0 : i32
      %dma_start3A_945 = arith.constant 0 : i32
      %dma_start3A_946 = arith.constant 0 : i32
      %dma_start3A_947 = tpu.memref_slice %arg7[%dma_start3A_942, %dma_start3A_943, %dma_start3A_944, %dma_start3A_945, %dma_start3A_946] : memref<1x8x1x8x256xf32, #tpu.memory_space<vmem>> -> memref<1x1x1x8x128xf32, #tpu.memory_space<vmem>>
      %dma_start3A_948 = arith.constant 2 : i32
      %dma_start3A_949 = arith.constant 0 : i32
      %dma_start3A_950 = arith.constant 0 : i32
      %dma_start3A_951 = tpu.memref_slice %arg4[%select_n3A_879, %dma_start3A_948, %add3A_901, %dma_start3A_949, %dma_start3A_950] : memref<200x8x128x8x128xf32, #tpu.memory_space<hbm>> -> memref<1x1x1x8x128xf32, #tpu.memory_space<hbm>>
      %dma_start3A_952 = arith.constant 2 : i32
      %dma_start3A_953 = arith.constant 0 : i32
      %dma_start3A_954 = arith.constant 0 : i32
      %dma_start3A_955 = tpu.memref_slice %arg4[%select_n3A_879, %dma_start3A_952, %add3A_901, %dma_start3A_953, %dma_start3A_954] : memref<200x8x128x8x128xf32, #tpu.memory_space<hbm>> -> memref<1x1x1x8x128xf32, #tpu.memory_space<hbm>>
      %dma_start3A_956 = arith.constant 0 : i32
      %dma_start3A_957 = arith.constant 2 : i32
      %dma_start3A_958 = arith.constant 0 : i32
      %dma_start3A_959 = arith.constant 0 : i32
      %dma_start3A_960 = arith.constant 0 : i32
      %dma_start3A_961 = tpu.memref_slice %arg7[%dma_start3A_956, %dma_start3A_957, %dma_start3A_958, %dma_start3A_959, %dma_start3A_960] : memref<1x8x1x8x256xf32, #tpu.memory_space<vmem>> -> memref<1x1x1x8x128xf32, #tpu.memory_space<vmem>>
      tpu.enqueue_dma source(%dma_start3A_961 : memref<1x1x1x8x128xf32, #tpu.memory_space<vmem>>) target(%dma_start3A_955 : memref<1x1x1x8x128xf32, #tpu.memory_space<hbm>>) target_semaphore(%arg9 : memref<!tpu.dma_semaphore, #tpu.memory_space<semaphore_mem>>)
      %dma_start3A_962 = arith.constant 0 : i32
      %dma_start3A_963 = arith.constant 3 : i32
      %dma_start3A_964 = arith.constant 0 : i32
      %dma_start3A_965 = arith.constant 0 : i32
      %dma_start3A_966 = arith.constant 0 : i32
      %dma_start3A_967 = tpu.memref_slice %arg7[%dma_start3A_962, %dma_start3A_963, %dma_start3A_964, %dma_start3A_965, %dma_start3A_966] : memref<1x8x1x8x256xf32, #tpu.memory_space<vmem>> -> memref<1x1x1x8x128xf32, #tpu.memory_space<vmem>>
      %dma_start3A_968 = arith.constant 3 : i32
      %dma_start3A_969 = arith.constant 0 : i32
      %dma_start3A_970 = arith.constant 0 : i32
      %dma_start3A_971 = tpu.memref_slice %arg4[%select_n3A_879, %dma_start3A_968, %add3A_901, %dma_start3A_969, %dma_start3A_970] : memref<200x8x128x8x128xf32, #tpu.memory_space<hbm>> -> memref<1x1x1x8x128xf32, #tpu.memory_space<hbm>>
      %dma_start3A_972 = arith.constant 3 : i32
      %dma_start3A_973 = arith.constant 0 : i32
      %dma_start3A_974 = arith.constant 0 : i32
      %dma_start3A_975 = tpu.memref_slice %arg4[%select_n3A_879, %dma_start3A_972, %add3A_901, %dma_start3A_973, %dma_start3A_974] : memref<200x8x128x8x128xf32, #tpu.memory_space<hbm>> -> memref<1x1x1x8x128xf32, #tpu.memory_space<hbm>>
      %dma_start3A_976 = arith.constant 0 : i32
      %dma_start3A_977 = arith.constant 3 : i32
      %dma_start3A_978 = arith.constant 0 : i32
      %dma_start3A_979 = arith.constant 0 : i32
      %dma_start3A_980 = arith.constant 0 : i32
      %dma_start3A_981 = tpu.memref_slice %arg7[%dma_start3A_976, %dma_start3A_977, %dma_start3A_978, %dma_start3A_979, %dma_start3A_980] : memref<1x8x1x8x256xf32, #tpu.memory_space<vmem>> -> memref<1x1x1x8x128xf32, #tpu.memory_space<vmem>>
      tpu.enqueue_dma source(%dma_start3A_981 : memref<1x1x1x8x128xf32, #tpu.memory_space<vmem>>) target(%dma_start3A_975 : memref<1x1x1x8x128xf32, #tpu.memory_space<hbm>>) target_semaphore(%arg9 : memref<!tpu.dma_semaphore, #tpu.memory_space<semaphore_mem>>)
      %dma_start3A_982 = arith.constant 0 : i32
      %dma_start3A_983 = arith.constant 4 : i32
      %dma_start3A_984 = arith.constant 0 : i32
      %dma_start3A_985 = arith.constant 0 : i32
      %dma_start3A_986 = arith.constant 0 : i32
      %dma_start3A_987 = tpu.memref_slice %arg7[%dma_start3A_982, %dma_start3A_983, %dma_start3A_984, %dma_start3A_985, %dma_start3A_986] : memref<1x8x1x8x256xf32, #tpu.memory_space<vmem>> -> memref<1x1x1x8x128xf32, #tpu.memory_space<vmem>>
      %dma_start3A_988 = arith.constant 4 : i32
      %dma_start3A_989 = arith.constant 0 : i32
      %dma_start3A_990 = arith.constant 0 : i32
      %dma_start3A_991 = tpu.memref_slice %arg4[%select_n3A_879, %dma_start3A_988, %add3A_901, %dma_start3A_989, %dma_start3A_990] : memref<200x8x128x8x128xf32, #tpu.memory_space<hbm>> -> memref<1x1x1x8x128xf32, #tpu.memory_space<hbm>>
      %dma_start3A_992 = arith.constant 4 : i32
      %dma_start3A_993 = arith.constant 0 : i32
      %dma_start3A_994 = arith.constant 0 : i32
      %dma_start3A_995 = tpu.memref_slice %arg4[%select_n3A_879, %dma_start3A_992, %add3A_901, %dma_start3A_993, %dma_start3A_994] : memref<200x8x128x8x128xf32, #tpu.memory_space<hbm>> -> memref<1x1x1x8x128xf32, #tpu.memory_space<hbm>>
      %dma_start3A_996 = arith.constant 0 : i32
      %dma_start3A_997 = arith.constant 4 : i32
      %dma_start3A_998 = arith.constant 0 : i32
      %dma_start3A_999 = arith.constant 0 : i32
      %dma_start3A_1000 = arith.constant 0 : i32
      %dma_start3A_1001 = tpu.memref_slice %arg7[%dma_start3A_996, %dma_start3A_997, %dma_start3A_998, %dma_start3A_999, %dma_start3A_1000] : memref<1x8x1x8x256xf32, #tpu.memory_space<vmem>> -> memref<1x1x1x8x128xf32, #tpu.memory_space<vmem>>
      tpu.enqueue_dma source(%dma_start3A_1001 : memref<1x1x1x8x128xf32, #tpu.memory_space<vmem>>) target(%dma_start3A_995 : memref<1x1x1x8x128xf32, #tpu.memory_space<hbm>>) target_semaphore(%arg9 : memref<!tpu.dma_semaphore, #tpu.memory_space<semaphore_mem>>)
      %dma_start3A_1002 = arith.constant 0 : i32
      %dma_start3A_1003 = arith.constant 5 : i32
      %dma_start3A_1004 = arith.constant 0 : i32
      %dma_start3A_1005 = arith.constant 0 : i32
      %dma_start3A_1006 = arith.constant 0 : i32
      %dma_start3A_1007 = tpu.memref_slice %arg7[%dma_start3A_1002, %dma_start3A_1003, %dma_start3A_1004, %dma_start3A_1005, %dma_start3A_1006] : memref<1x8x1x8x256xf32, #tpu.memory_space<vmem>> -> memref<1x1x1x8x128xf32, #tpu.memory_space<vmem>>
      %dma_start3A_1008 = arith.constant 5 : i32
      %dma_start3A_1009 = arith.constant 0 : i32
      %dma_start3A_1010 = arith.constant 0 : i32
      %dma_start3A_1011 = tpu.memref_slice %arg4[%select_n3A_879, %dma_start3A_1008, %add3A_901, %dma_start3A_1009, %dma_start3A_1010] : memref<200x8x128x8x128xf32, #tpu.memory_space<hbm>> -> memref<1x1x1x8x128xf32, #tpu.memory_space<hbm>>
      %dma_start3A_1012 = arith.constant 5 : i32
      %dma_start3A_1013 = arith.constant 0 : i32
      %dma_start3A_1014 = arith.constant 0 : i32
      %dma_start3A_1015 = tpu.memref_slice %arg4[%select_n3A_879, %dma_start3A_1012, %add3A_901, %dma_start3A_1013, %dma_start3A_1014] : memref<200x8x128x8x128xf32, #tpu.memory_space<hbm>> -> memref<1x1x1x8x128xf32, #tpu.memory_space<hbm>>
      %dma_start3A_1016 = arith.constant 0 : i32
      %dma_start3A_1017 = arith.constant 5 : i32
      %dma_start3A_1018 = arith.constant 0 : i32
      %dma_start3A_1019 = arith.constant 0 : i32
      %dma_start3A_1020 = arith.constant 0 : i32
      %dma_start3A_1021 = tpu.memref_slice %arg7[%dma_start3A_1016, %dma_start3A_1017, %dma_start3A_1018, %dma_start3A_1019, %dma_start3A_1020] : memref<1x8x1x8x256xf32, #tpu.memory_space<vmem>> -> memref<1x1x1x8x128xf32, #tpu.memory_space<vmem>>
      tpu.enqueue_dma source(%dma_start3A_1021 : memref<1x1x1x8x128xf32, #tpu.memory_space<vmem>>) target(%dma_start3A_1015 : memref<1x1x1x8x128xf32, #tpu.memory_space<hbm>>) target_semaphore(%arg9 : memref<!tpu.dma_semaphore, #tpu.memory_space<semaphore_mem>>)
      %dma_start3A_1022 = arith.constant 0 : i32
      %dma_start3A_1023 = arith.constant 6 : i32
      %dma_start3A_1024 = arith.constant 0 : i32
      %dma_start3A_1025 = arith.constant 0 : i32
      %dma_start3A_1026 = arith.constant 0 : i32
      %dma_start3A_1027 = tpu.memref_slice %arg7[%dma_start3A_1022, %dma_start3A_1023, %dma_start3A_1024, %dma_start3A_1025, %dma_start3A_1026] : memref<1x8x1x8x256xf32, #tpu.memory_space<vmem>> -> memref<1x1x1x8x128xf32, #tpu.memory_space<vmem>>
      %dma_start3A_1028 = arith.constant 6 : i32
      %dma_start3A_1029 = arith.constant 0 : i32
      %dma_start3A_1030 = arith.constant 0 : i32
      %dma_start3A_1031 = tpu.memref_slice %arg4[%select_n3A_879, %dma_start3A_1028, %add3A_901, %dma_start3A_1029, %dma_start3A_1030] : memref<200x8x128x8x128xf32, #tpu.memory_space<hbm>> -> memref<1x1x1x8x128xf32, #tpu.memory_space<hbm>>
      %dma_start3A_1032 = arith.constant 6 : i32
      %dma_start3A_1033 = arith.constant 0 : i32
      %dma_start3A_1034 = arith.constant 0 : i32
      %dma_start3A_1035 = tpu.memref_slice %arg4[%select_n3A_879, %dma_start3A_1032, %add3A_901, %dma_start3A_1033, %dma_start3A_1034] : memref<200x8x128x8x128xf32, #tpu.memory_space<hbm>> -> memref<1x1x1x8x128xf32, #tpu.memory_space<hbm>>
      %dma_start3A_1036 = arith.constant 0 : i32
      %dma_start3A_1037 = arith.constant 6 : i32
      %dma_start3A_1038 = arith.constant 0 : i32
      %dma_start3A_1039 = arith.constant 0 : i32
      %dma_start3A_1040 = arith.constant 0 : i32
      %dma_start3A_1041 = tpu.memref_slice %arg7[%dma_start3A_1036, %dma_start3A_1037, %dma_start3A_1038, %dma_start3A_1039, %dma_start3A_1040] : memref<1x8x1x8x256xf32, #tpu.memory_space<vmem>> -> memref<1x1x1x8x128xf32, #tpu.memory_space<vmem>>
      tpu.enqueue_dma source(%dma_start3A_1041 : memref<1x1x1x8x128xf32, #tpu.memory_space<vmem>>) target(%dma_start3A_1035 : memref<1x1x1x8x128xf32, #tpu.memory_space<hbm>>) target_semaphore(%arg9 : memref<!tpu.dma_semaphore, #tpu.memory_space<semaphore_mem>>)
      %dma_start3A_1042 = arith.constant 0 : i32
      %dma_start3A_1043 = arith.constant 7 : i32
      %dma_start3A_1044 = arith.constant 0 : i32
      %dma_start3A_1045 = arith.constant 0 : i32
      %dma_start3A_1046 = arith.constant 0 : i32
      %dma_start3A_1047 = tpu.memref_slice %arg7[%dma_start3A_1042, %dma_start3A_1043, %dma_start3A_1044, %dma_start3A_1045, %dma_start3A_1046] : memref<1x8x1x8x256xf32, #tpu.memory_space<vmem>> -> memref<1x1x1x8x128xf32, #tpu.memory_space<vmem>>
      %dma_start3A_1048 = arith.constant 7 : i32
      %dma_start3A_1049 = arith.constant 0 : i32
      %dma_start3A_1050 = arith.constant 0 : i32
      %dma_start3A_1051 = tpu.memref_slice %arg4[%select_n3A_879, %dma_start3A_1048, %add3A_901, %dma_start3A_1049, %dma_start3A_1050] : memref<200x8x128x8x128xf32, #tpu.memory_space<hbm>> -> memref<1x1x1x8x128xf32, #tpu.memory_space<hbm>>
      %dma_start3A_1052 = arith.constant 7 : i32
      %dma_start3A_1053 = arith.constant 0 : i32
      %dma_start3A_1054 = arith.constant 0 : i32
      %dma_start3A_1055 = tpu.memref_slice %arg4[%select_n3A_879, %dma_start3A_1052, %add3A_901, %dma_start3A_1053, %dma_start3A_1054] : memref<200x8x128x8x128xf32, #tpu.memory_space<hbm>> -> memref<1x1x1x8x128xf32, #tpu.memory_space<hbm>>
      %dma_start3A_1056 = arith.constant 0 : i32
      %dma_start3A_1057 = arith.constant 7 : i32
      %dma_start3A_1058 = arith.constant 0 : i32
      %dma_start3A_1059 = arith.constant 0 : i32
      %dma_start3A_1060 = arith.constant 0 : i32
      %dma_start3A_1061 = tpu.memref_slice %arg7[%dma_start3A_1056, %dma_start3A_1057, %dma_start3A_1058, %dma_start3A_1059, %dma_start3A_1060] : memref<1x8x1x8x256xf32, #tpu.memory_space<vmem>> -> memref<1x1x1x8x128xf32, #tpu.memory_space<vmem>>
      tpu.enqueue_dma source(%dma_start3A_1061 : memref<1x1x1x8x128xf32, #tpu.memory_space<vmem>>) target(%dma_start3A_1055 : memref<1x1x1x8x128xf32, #tpu.memory_space<hbm>>) target_semaphore(%arg9 : memref<!tpu.dma_semaphore, #tpu.memory_space<semaphore_mem>>)
      %mul3A_1062 = arith.constant 2 : i32
      %mul3A_1063 = arith.muli %select_n3A_895, %mul3A_1062 : i32
      %add3A_1064 = arith.constant 1 : i32
      %add3A_1065 = arith.addi %mul3A_1063, %add3A_1064 : i32
      %dma_start3A_1066 = arith.constant 0 : i32
      %dma_start3A_1067 = arith.constant 0 : i32
      %dma_start3A_1068 = arith.constant 0 : i32
      %dma_start3A_1069 = arith.constant 0 : i32
      %dma_start3A_1070 = arith.constant 128 : i32
      %dma_start3A_1071 = tpu.memref_slice %arg7[%dma_start3A_1066, %dma_start3A_1067, %dma_start3A_1068, %dma_start3A_1069, %dma_start3A_1070] : memref<1x8x1x8x256xf32, #tpu.memory_space<vmem>> -> memref<1x1x1x8x128xf32, #tpu.memory_space<vmem>>
      %dma_start3A_1072 = arith.constant 0 : i32
      %dma_start3A_1073 = arith.constant 0 : i32
      %dma_start3A_1074 = arith.constant 0 : i32
      %dma_start3A_1075 = tpu.memref_slice %arg4[%select_n3A_879, %dma_start3A_1072, %add3A_1065, %dma_start3A_1073, %dma_start3A_1074] : memref<200x8x128x8x128xf32, #tpu.memory_space<hbm>> -> memref<1x1x1x8x128xf32, #tpu.memory_space<hbm>>
      %dma_start3A_1076 = arith.constant 0 : i32
      %dma_start3A_1077 = arith.constant 0 : i32
      %dma_start3A_1078 = arith.constant 0 : i32
      %dma_start3A_1079 = tpu.memref_slice %arg4[%select_n3A_879, %dma_start3A_1076, %add3A_1065, %dma_start3A_1077, %dma_start3A_1078] : memref<200x8x128x8x128xf32, #tpu.memory_space<hbm>> -> memref<1x1x1x8x128xf32, #tpu.memory_space<hbm>>
      %dma_start3A_1080 = arith.constant 0 : i32
      %dma_start3A_1081 = arith.constant 0 : i32
      %dma_start3A_1082 = arith.constant 0 : i32
      %dma_start3A_1083 = arith.constant 0 : i32
      %dma_start3A_1084 = arith.constant 128 : i32
      %dma_start3A_1085 = tpu.memref_slice %arg7[%dma_start3A_1080, %dma_start3A_1081, %dma_start3A_1082, %dma_start3A_1083, %dma_start3A_1084] : memref<1x8x1x8x256xf32, #tpu.memory_space<vmem>> -> memref<1x1x1x8x128xf32, #tpu.memory_space<vmem>>
      tpu.enqueue_dma source(%dma_start3A_1085 : memref<1x1x1x8x128xf32, #tpu.memory_space<vmem>>) target(%dma_start3A_1079 : memref<1x1x1x8x128xf32, #tpu.memory_space<hbm>>) target_semaphore(%arg9 : memref<!tpu.dma_semaphore, #tpu.memory_space<semaphore_mem>>)
      %dma_start3A_1086 = arith.constant 0 : i32
      %dma_start3A_1087 = arith.constant 1 : i32
      %dma_start3A_1088 = arith.constant 0 : i32
      %dma_start3A_1089 = arith.constant 0 : i32
      %dma_start3A_1090 = arith.constant 128 : i32
      %dma_start3A_1091 = tpu.memref_slice %arg7[%dma_start3A_1086, %dma_start3A_1087, %dma_start3A_1088, %dma_start3A_1089, %dma_start3A_1090] : memref<1x8x1x8x256xf32, #tpu.memory_space<vmem>> -> memref<1x1x1x8x128xf32, #tpu.memory_space<vmem>>
      %dma_start3A_1092 = arith.constant 1 : i32
      %dma_start3A_1093 = arith.constant 0 : i32
      %dma_start3A_1094 = arith.constant 0 : i32
      %dma_start3A_1095 = tpu.memref_slice %arg4[%select_n3A_879, %dma_start3A_1092, %add3A_1065, %dma_start3A_1093, %dma_start3A_1094] : memref<200x8x128x8x128xf32, #tpu.memory_space<hbm>> -> memref<1x1x1x8x128xf32, #tpu.memory_space<hbm>>
      %dma_start3A_1096 = arith.constant 1 : i32
      %dma_start3A_1097 = arith.constant 0 : i32
      %dma_start3A_1098 = arith.constant 0 : i32
      %dma_start3A_1099 = tpu.memref_slice %arg4[%select_n3A_879, %dma_start3A_1096, %add3A_1065, %dma_start3A_1097, %dma_start3A_1098] : memref<200x8x128x8x128xf32, #tpu.memory_space<hbm>> -> memref<1x1x1x8x128xf32, #tpu.memory_space<hbm>>
      %dma_start3A_1100 = arith.constant 0 : i32
      %dma_start3A_1101 = arith.constant 1 : i32
      %dma_start3A_1102 = arith.constant 0 : i32
      %dma_start3A_1103 = arith.constant 0 : i32
      %dma_start3A_1104 = arith.constant 128 : i32
      %dma_start3A_1105 = tpu.memref_slice %arg7[%dma_start3A_1100, %dma_start3A_1101, %dma_start3A_1102, %dma_start3A_1103, %dma_start3A_1104] : memref<1x8x1x8x256xf32, #tpu.memory_space<vmem>> -> memref<1x1x1x8x128xf32, #tpu.memory_space<vmem>>
      tpu.enqueue_dma source(%dma_start3A_1105 : memref<1x1x1x8x128xf32, #tpu.memory_space<vmem>>) target(%dma_start3A_1099 : memref<1x1x1x8x128xf32, #tpu.memory_space<hbm>>) target_semaphore(%arg9 : memref<!tpu.dma_semaphore, #tpu.memory_space<semaphore_mem>>)
      %dma_start3A_1106 = arith.constant 0 : i32
      %dma_start3A_1107 = arith.constant 2 : i32
      %dma_start3A_1108 = arith.constant 0 : i32
      %dma_start3A_1109 = arith.constant 0 : i32
      %dma_start3A_1110 = arith.constant 128 : i32
      %dma_start3A_1111 = tpu.memref_slice %arg7[%dma_start3A_1106, %dma_start3A_1107, %dma_start3A_1108, %dma_start3A_1109, %dma_start3A_1110] : memref<1x8x1x8x256xf32, #tpu.memory_space<vmem>> -> memref<1x1x1x8x128xf32, #tpu.memory_space<vmem>>
      %dma_start3A_1112 = arith.constant 2 : i32
      %dma_start3A_1113 = arith.constant 0 : i32
      %dma_start3A_1114 = arith.constant 0 : i32
      %dma_start3A_1115 = tpu.memref_slice %arg4[%select_n3A_879, %dma_start3A_1112, %add3A_1065, %dma_start3A_1113, %dma_start3A_1114] : memref<200x8x128x8x128xf32, #tpu.memory_space<hbm>> -> memref<1x1x1x8x128xf32, #tpu.memory_space<hbm>>
      %dma_start3A_1116 = arith.constant 2 : i32
      %dma_start3A_1117 = arith.constant 0 : i32
      %dma_start3A_1118 = arith.constant 0 : i32
      %dma_start3A_1119 = tpu.memref_slice %arg4[%select_n3A_879, %dma_start3A_1116, %add3A_1065, %dma_start3A_1117, %dma_start3A_1118] : memref<200x8x128x8x128xf32, #tpu.memory_space<hbm>> -> memref<1x1x1x8x128xf32, #tpu.memory_space<hbm>>
      %dma_start3A_1120 = arith.constant 0 : i32
      %dma_start3A_1121 = arith.constant 2 : i32
      %dma_start3A_1122 = arith.constant 0 : i32
      %dma_start3A_1123 = arith.constant 0 : i32
      %dma_start3A_1124 = arith.constant 128 : i32
      %dma_start3A_1125 = tpu.memref_slice %arg7[%dma_start3A_1120, %dma_start3A_1121, %dma_start3A_1122, %dma_start3A_1123, %dma_start3A_1124] : memref<1x8x1x8x256xf32, #tpu.memory_space<vmem>> -> memref<1x1x1x8x128xf32, #tpu.memory_space<vmem>>
      tpu.enqueue_dma source(%dma_start3A_1125 : memref<1x1x1x8x128xf32, #tpu.memory_space<vmem>>) target(%dma_start3A_1119 : memref<1x1x1x8x128xf32, #tpu.memory_space<hbm>>) target_semaphore(%arg9 : memref<!tpu.dma_semaphore, #tpu.memory_space<semaphore_mem>>)
      %dma_start3A_1126 = arith.constant 0 : i32
      %dma_start3A_1127 = arith.constant 3 : i32
      %dma_start3A_1128 = arith.constant 0 : i32
      %dma_start3A_1129 = arith.constant 0 : i32
      %dma_start3A_1130 = arith.constant 128 : i32
      %dma_start3A_1131 = tpu.memref_slice %arg7[%dma_start3A_1126, %dma_start3A_1127, %dma_start3A_1128, %dma_start3A_1129, %dma_start3A_1130] : memref<1x8x1x8x256xf32, #tpu.memory_space<vmem>> -> memref<1x1x1x8x128xf32, #tpu.memory_space<vmem>>
      %dma_start3A_1132 = arith.constant 3 : i32
      %dma_start3A_1133 = arith.constant 0 : i32
      %dma_start3A_1134 = arith.constant 0 : i32
      %dma_start3A_1135 = tpu.memref_slice %arg4[%select_n3A_879, %dma_start3A_1132, %add3A_1065, %dma_start3A_1133, %dma_start3A_1134] : memref<200x8x128x8x128xf32, #tpu.memory_space<hbm>> -> memref<1x1x1x8x128xf32, #tpu.memory_space<hbm>>
      %dma_start3A_1136 = arith.constant 3 : i32
      %dma_start3A_1137 = arith.constant 0 : i32
      %dma_start3A_1138 = arith.constant 0 : i32
      %dma_start3A_1139 = tpu.memref_slice %arg4[%select_n3A_879, %dma_start3A_1136, %add3A_1065, %dma_start3A_1137, %dma_start3A_1138] : memref<200x8x128x8x128xf32, #tpu.memory_space<hbm>> -> memref<1x1x1x8x128xf32, #tpu.memory_space<hbm>>
      %dma_start3A_1140 = arith.constant 0 : i32
      %dma_start3A_1141 = arith.constant 3 : i32
      %dma_start3A_1142 = arith.constant 0 : i32
      %dma_start3A_1143 = arith.constant 0 : i32
      %dma_start3A_1144 = arith.constant 128 : i32
      %dma_start3A_1145 = tpu.memref_slice %arg7[%dma_start3A_1140, %dma_start3A_1141, %dma_start3A_1142, %dma_start3A_1143, %dma_start3A_1144] : memref<1x8x1x8x256xf32, #tpu.memory_space<vmem>> -> memref<1x1x1x8x128xf32, #tpu.memory_space<vmem>>
      tpu.enqueue_dma source(%dma_start3A_1145 : memref<1x1x1x8x128xf32, #tpu.memory_space<vmem>>) target(%dma_start3A_1139 : memref<1x1x1x8x128xf32, #tpu.memory_space<hbm>>) target_semaphore(%arg9 : memref<!tpu.dma_semaphore, #tpu.memory_space<semaphore_mem>>)
      %dma_start3A_1146 = arith.constant 0 : i32
      %dma_start3A_1147 = arith.constant 4 : i32
      %dma_start3A_1148 = arith.constant 0 : i32
      %dma_start3A_1149 = arith.constant 0 : i32
      %dma_start3A_1150 = arith.constant 128 : i32
      %dma_start3A_1151 = tpu.memref_slice %arg7[%dma_start3A_1146, %dma_start3A_1147, %dma_start3A_1148, %dma_start3A_1149, %dma_start3A_1150] : memref<1x8x1x8x256xf32, #tpu.memory_space<vmem>> -> memref<1x1x1x8x128xf32, #tpu.memory_space<vmem>>
      %dma_start3A_1152 = arith.constant 4 : i32
      %dma_start3A_1153 = arith.constant 0 : i32
      %dma_start3A_1154 = arith.constant 0 : i32
      %dma_start3A_1155 = tpu.memref_slice %arg4[%select_n3A_879, %dma_start3A_1152, %add3A_1065, %dma_start3A_1153, %dma_start3A_1154] : memref<200x8x128x8x128xf32, #tpu.memory_space<hbm>> -> memref<1x1x1x8x128xf32, #tpu.memory_space<hbm>>
      %dma_start3A_1156 = arith.constant 4 : i32
      %dma_start3A_1157 = arith.constant 0 : i32
      %dma_start3A_1158 = arith.constant 0 : i32
      %dma_start3A_1159 = tpu.memref_slice %arg4[%select_n3A_879, %dma_start3A_1156, %add3A_1065, %dma_start3A_1157, %dma_start3A_1158] : memref<200x8x128x8x128xf32, #tpu.memory_space<hbm>> -> memref<1x1x1x8x128xf32, #tpu.memory_space<hbm>>
      %dma_start3A_1160 = arith.constant 0 : i32
      %dma_start3A_1161 = arith.constant 4 : i32
      %dma_start3A_1162 = arith.constant 0 : i32
      %dma_start3A_1163 = arith.constant 0 : i32
      %dma_start3A_1164 = arith.constant 128 : i32
      %dma_start3A_1165 = tpu.memref_slice %arg7[%dma_start3A_1160, %dma_start3A_1161, %dma_start3A_1162, %dma_start3A_1163, %dma_start3A_1164] : memref<1x8x1x8x256xf32, #tpu.memory_space<vmem>> -> memref<1x1x1x8x128xf32, #tpu.memory_space<vmem>>
      tpu.enqueue_dma source(%dma_start3A_1165 : memref<1x1x1x8x128xf32, #tpu.memory_space<vmem>>) target(%dma_start3A_1159 : memref<1x1x1x8x128xf32, #tpu.memory_space<hbm>>) target_semaphore(%arg9 : memref<!tpu.dma_semaphore, #tpu.memory_space<semaphore_mem>>)
      %dma_start3A_1166 = arith.constant 0 : i32
      %dma_start3A_1167 = arith.constant 5 : i32
      %dma_start3A_1168 = arith.constant 0 : i32
      %dma_start3A_1169 = arith.constant 0 : i32
      %dma_start3A_1170 = arith.constant 128 : i32
      %dma_start3A_1171 = tpu.memref_slice %arg7[%dma_start3A_1166, %dma_start3A_1167, %dma_start3A_1168, %dma_start3A_1169, %dma_start3A_1170] : memref<1x8x1x8x256xf32, #tpu.memory_space<vmem>> -> memref<1x1x1x8x128xf32, #tpu.memory_space<vmem>>
      %dma_start3A_1172 = arith.constant 5 : i32
      %dma_start3A_1173 = arith.constant 0 : i32
      %dma_start3A_1174 = arith.constant 0 : i32
      %dma_start3A_1175 = tpu.memref_slice %arg4[%select_n3A_879, %dma_start3A_1172, %add3A_1065, %dma_start3A_1173, %dma_start3A_1174] : memref<200x8x128x8x128xf32, #tpu.memory_space<hbm>> -> memref<1x1x1x8x128xf32, #tpu.memory_space<hbm>>
      %dma_start3A_1176 = arith.constant 5 : i32
      %dma_start3A_1177 = arith.constant 0 : i32
      %dma_start3A_1178 = arith.constant 0 : i32
      %dma_start3A_1179 = tpu.memref_slice %arg4[%select_n3A_879, %dma_start3A_1176, %add3A_1065, %dma_start3A_1177, %dma_start3A_1178] : memref<200x8x128x8x128xf32, #tpu.memory_space<hbm>> -> memref<1x1x1x8x128xf32, #tpu.memory_space<hbm>>
      %dma_start3A_1180 = arith.constant 0 : i32
      %dma_start3A_1181 = arith.constant 5 : i32
      %dma_start3A_1182 = arith.constant 0 : i32
      %dma_start3A_1183 = arith.constant 0 : i32
      %dma_start3A_1184 = arith.constant 128 : i32
      %dma_start3A_1185 = tpu.memref_slice %arg7[%dma_start3A_1180, %dma_start3A_1181, %dma_start3A_1182, %dma_start3A_1183, %dma_start3A_1184] : memref<1x8x1x8x256xf32, #tpu.memory_space<vmem>> -> memref<1x1x1x8x128xf32, #tpu.memory_space<vmem>>
      tpu.enqueue_dma source(%dma_start3A_1185 : memref<1x1x1x8x128xf32, #tpu.memory_space<vmem>>) target(%dma_start3A_1179 : memref<1x1x1x8x128xf32, #tpu.memory_space<hbm>>) target_semaphore(%arg9 : memref<!tpu.dma_semaphore, #tpu.memory_space<semaphore_mem>>)
      %dma_start3A_1186 = arith.constant 0 : i32
      %dma_start3A_1187 = arith.constant 6 : i32
      %dma_start3A_1188 = arith.constant 0 : i32
      %dma_start3A_1189 = arith.constant 0 : i32
      %dma_start3A_1190 = arith.constant 128 : i32
      %dma_start3A_1191 = tpu.memref_slice %arg7[%dma_start3A_1186, %dma_start3A_1187, %dma_start3A_1188, %dma_start3A_1189, %dma_start3A_1190] : memref<1x8x1x8x256xf32, #tpu.memory_space<vmem>> -> memref<1x1x1x8x128xf32, #tpu.memory_space<vmem>>
      %dma_start3A_1192 = arith.constant 6 : i32
      %dma_start3A_1193 = arith.constant 0 : i32
      %dma_start3A_1194 = arith.constant 0 : i32
      %dma_start3A_1195 = tpu.memref_slice %arg4[%select_n3A_879, %dma_start3A_1192, %add3A_1065, %dma_start3A_1193, %dma_start3A_1194] : memref<200x8x128x8x128xf32, #tpu.memory_space<hbm>> -> memref<1x1x1x8x128xf32, #tpu.memory_space<hbm>>
      %dma_start3A_1196 = arith.constant 6 : i32
      %dma_start3A_1197 = arith.constant 0 : i32
      %dma_start3A_1198 = arith.constant 0 : i32
      %dma_start3A_1199 = tpu.memref_slice %arg4[%select_n3A_879, %dma_start3A_1196, %add3A_1065, %dma_start3A_1197, %dma_start3A_1198] : memref<200x8x128x8x128xf32, #tpu.memory_space<hbm>> -> memref<1x1x1x8x128xf32, #tpu.memory_space<hbm>>
      %dma_start3A_1200 = arith.constant 0 : i32
      %dma_start3A_1201 = arith.constant 6 : i32
      %dma_start3A_1202 = arith.constant 0 : i32
      %dma_start3A_1203 = arith.constant 0 : i32
      %dma_start3A_1204 = arith.constant 128 : i32
      %dma_start3A_1205 = tpu.memref_slice %arg7[%dma_start3A_1200, %dma_start3A_1201, %dma_start3A_1202, %dma_start3A_1203, %dma_start3A_1204] : memref<1x8x1x8x256xf32, #tpu.memory_space<vmem>> -> memref<1x1x1x8x128xf32, #tpu.memory_space<vmem>>
      tpu.enqueue_dma source(%dma_start3A_1205 : memref<1x1x1x8x128xf32, #tpu.memory_space<vmem>>) target(%dma_start3A_1199 : memref<1x1x1x8x128xf32, #tpu.memory_space<hbm>>) target_semaphore(%arg9 : memref<!tpu.dma_semaphore, #tpu.memory_space<semaphore_mem>>)
      %dma_start3A_1206 = arith.constant 0 : i32
      %dma_start3A_1207 = arith.constant 7 : i32
      %dma_start3A_1208 = arith.constant 0 : i32
      %dma_start3A_1209 = arith.constant 0 : i32
      %dma_start3A_1210 = arith.constant 128 : i32
      %dma_start3A_1211 = tpu.memref_slice %arg7[%dma_start3A_1206, %dma_start3A_1207, %dma_start3A_1208, %dma_start3A_1209, %dma_start3A_1210] : memref<1x8x1x8x256xf32, #tpu.memory_space<vmem>> -> memref<1x1x1x8x128xf32, #tpu.memory_space<vmem>>
      %dma_start3A_1212 = arith.constant 7 : i32
      %dma_start3A_1213 = arith.constant 0 : i32
      %dma_start3A_1214 = arith.constant 0 : i32
      %dma_start3A_1215 = tpu.memref_slice %arg4[%select_n3A_879, %dma_start3A_1212, %add3A_1065, %dma_start3A_1213, %dma_start3A_1214] : memref<200x8x128x8x128xf32, #tpu.memory_space<hbm>> -> memref<1x1x1x8x128xf32, #tpu.memory_space<hbm>>
      %dma_start3A_1216 = arith.constant 7 : i32
      %dma_start3A_1217 = arith.constant 0 : i32
      %dma_start3A_1218 = arith.constant 0 : i32
      %dma_start3A_1219 = tpu.memref_slice %arg4[%select_n3A_879, %dma_start3A_1216, %add3A_1065, %dma_start3A_1217, %dma_start3A_1218] : memref<200x8x128x8x128xf32, #tpu.memory_space<hbm>> -> memref<1x1x1x8x128xf32, #tpu.memory_space<hbm>>
      %dma_start3A_1220 = arith.constant 0 : i32
      %dma_start3A_1221 = arith.constant 7 : i32
      %dma_start3A_1222 = arith.constant 0 : i32
      %dma_start3A_1223 = arith.constant 0 : i32
      %dma_start3A_1224 = arith.constant 128 : i32
      %dma_start3A_1225 = tpu.memref_slice %arg7[%dma_start3A_1220, %dma_start3A_1221, %dma_start3A_1222, %dma_start3A_1223, %dma_start3A_1224] : memref<1x8x1x8x256xf32, #tpu.memory_space<vmem>> -> memref<1x1x1x8x128xf32, #tpu.memory_space<vmem>>
      tpu.enqueue_dma source(%dma_start3A_1225 : memref<1x1x1x8x128xf32, #tpu.memory_space<vmem>>) target(%dma_start3A_1219 : memref<1x1x1x8x128xf32, #tpu.memory_space<hbm>>) target_semaphore(%arg9 : memref<!tpu.dma_semaphore, #tpu.memory_space<semaphore_mem>>)
      %add3A_1226 = arith.constant 2 : i32
      %add3A_1227 = arith.addi %add3A_842, %add3A_1226 : i32
      %lt3A_1228 = arith.constant 400 : i32
      %lt3A_1229 = arith.cmpi slt, %add3A_1227, %lt3A_1228 : i32
      %convert_element_type3A_1230 = arith.extui %lt3A_1229 : i1 to i32
      %cond3A_1231 = arith.constant 0 : i32
      %cond3A_1232 = arith.cmpi ne, %convert_element_type3A_1230, %cond3A_1231 : i32
      scf.if %cond3A_1232 {
        %dma_start3A_1631 = arith.constant 0 : i32
        %dma_start3A_1632 = arith.constant 0 : i32
        %dma_start3A_1633 = tpu.memref_slice %arg3[%dma_start3A_1631, %dma_start3A_1632] : memref<100001x72xf32, #tpu.memory_space<hbm>> -> memref<100001x72xf32, #tpu.memory_space<hbm>>
        tpu.enqueue_indirect_dma source(%dma_start3A_1633 : memref<100001x72xf32, #tpu.memory_space<hbm>>) target(%arg6 : memref<256x72xf32, #tpu.memory_space<vmem>>) offsets(%arg5 : memref<256xi32, #tpu.memory_space<vmem>>) semaphore(%arg8 : memref<!tpu.dma_semaphore, #tpu.memory_space<semaphore_mem>>)
      } else {
      }
      %mul3A_1233 = arith.constant 2 : i32
      %mul3A_1234 = arith.muli %scan3A_838, %mul3A_1233 : i32
      %add3A_1235 = arith.constant 1 : i32
      %add3A_1236 = arith.addi %mul3A_1234, %add3A_1235 : i32
      %add3A_1237 = arith.addi %mul3A_2, %add3A_1236 : i32
      %dma_wait3A_1238 = arith.constant 0 : i32
      %dma_wait3A_1239 = arith.constant 0 : i32
      %dma_wait3A_1240 = tpu.memref_slice %arg3[%dma_wait3A_1238, %dma_wait3A_1239] : memref<100001x72xf32, #tpu.memory_space<hbm>> -> memref<100001x72xf32, #tpu.memory_space<hbm>>
      tpu.wait_indirect_dma semaphore(%arg13 : memref<!tpu.dma_semaphore, #tpu.memory_space<semaphore_mem>>) src(%dma_wait3A_1240 : memref<100001x72xf32, #tpu.memory_space<hbm>>) dst(%arg11 : memref<256x72xf32, #tpu.memory_space<vmem>>)
      %add3A_1241 = arith.constant 2 : i32
      %add3A_1242 = arith.addi %add3A_1236, %add3A_1241 : i32
      %lt3A_1243 = arith.constant 400 : i32
      %lt3A_1244 = arith.cmpi slt, %add3A_1242, %lt3A_1243 : i32
      %convert_element_type3A_1245 = arith.extui %lt3A_1244 : i1 to i32
      %cond3A_1246 = arith.constant 0 : i32
      %cond3A_1247 = arith.cmpi ne, %convert_element_type3A_1245, %cond3A_1246 : i32
      scf.if %cond3A_1247 {
        %add3A_1631 = arith.constant 2 : i32
        %add3A_1632 = arith.addi %add3A_1237, %add3A_1631 : i32
        %jit3A_1633 = arith.constant 64 : i32
        %div3A_1634 = arith.divsi %add3A_1632, %jit3A_1633 : i32
        %sign3A_1635 = arith.constant 0 : i32
        %sign3A_1636 = arith.cmpi sgt, %add3A_1632, %sign3A_1635 : i32
        %sign3A_1637 = arith.extui %sign3A_1636 : i1 to i32
        %sign3A_1638 = arith.constant 0 : i32
        %sign3A_1639 = arith.cmpi slt, %add3A_1632, %sign3A_1638 : i32
        %sign3A_1640 = arith.extui %sign3A_1639 : i1 to i32
        %sign3A_1641 = arith.subi %sign3A_1637, %sign3A_1640 : i32
        %sign3A_1642 = arith.constant 0 : i32
        %sign3A_1643 = arith.cmpi sgt, %jit3A_1633, %sign3A_1642 : i32
        %sign3A_1644 = arith.extui %sign3A_1643 : i1 to i32
        %sign3A_1645 = arith.constant 0 : i32
        %sign3A_1646 = arith.cmpi slt, %jit3A_1633, %sign3A_1645 : i32
        %sign3A_1647 = arith.extui %sign3A_1646 : i1 to i32
        %sign3A_1648 = arith.subi %sign3A_1644, %sign3A_1647 : i32
        %ne3A_1649 = arith.cmpi ne, %sign3A_1641, %sign3A_1648 : i32
        %rem3A_1650 = arith.remsi %add3A_1632, %jit3A_1633 : i32
        %ne3A_1651 = arith.constant 0 : i32
        %ne3A_1652 = arith.cmpi ne, %rem3A_1650, %ne3A_1651 : i32
        %and3A_1653 = arith.andi %ne3A_1649, %ne3A_1652 : i1
        %sub3A_1654 = arith.constant 1 : i32
        %sub3A_1655 = arith.subi %div3A_1634, %sub3A_1654 : i32
        %select_n3A_1656 = arith.select %and3A_1653, %sub3A_1655, %div3A_1634 : i32
        %jit3A_1657 = arith.constant 64 : i32
        %eq3A_1658 = arith.constant 0 : i32
        %eq3A_1659 = arith.cmpi eq, %jit3A_1657, %eq3A_1658 : i32
        %jit3A_1660 = arith.constant 1 : i32
        %select_n3A_1661 = arith.select %eq3A_1659, %jit3A_1660, %jit3A_1657 : i32
        %rem3A_1662 = arith.remsi %add3A_1632, %select_n3A_1661 : i32
        %ne3A_1663 = arith.constant 0 : i32
        %ne3A_1664 = arith.cmpi ne, %rem3A_1662, %ne3A_1663 : i32
        %lt3A_1665 = arith.constant 0 : i32
        %lt3A_1666 = arith.cmpi slt, %rem3A_1662, %lt3A_1665 : i32
        %lt3A_1667 = arith.constant 0 : i32
        %lt3A_1668 = arith.cmpi slt, %select_n3A_1661, %lt3A_1667 : i32
        %ne3A_1669 = arith.xori %lt3A_1666, %lt3A_1668 : i1
        %and3A_1670 = arith.andi %ne3A_1669, %ne3A_1664 : i1
        %add3A_1671 = arith.addi %rem3A_1662, %select_n3A_1661 : i32
        %select_n3A_1672 = arith.select %and3A_1670, %add3A_1671, %rem3A_1662 : i32
        %mul3A_1673 = arith.constant 256 : i32
        %mul3A_1674 = arith.muli %select_n3A_1672, %mul3A_1673 : i32
        "tpu.region"() ({
          %run_scoped3A = tpu.sem_alloc : memref<!tpu.dma_semaphore, #tpu.memory_space<semaphore_mem>>
          %dma_start3A_1675 = tpu.memref_slice %arg2[%select_n3A_1656, %mul3A_1674] : memref<200x16384xi32, #tpu.memory_space<hbm>> -> memref<1x256xi32, #tpu.memory_space<hbm>>
          %dma_start3A_1676 = tpu.memref_squeeze %dma_start3A_1675 : memref<1x256xi32, #tpu.memory_space<hbm>> -> memref<256xi32, #tpu.memory_space<hbm>>
          %dma_start3A_1677 = tpu.memref_slice %arg2[%select_n3A_1656, %mul3A_1674] : memref<200x16384xi32, #tpu.memory_space<hbm>> -> memref<1x256xi32, #tpu.memory_space<hbm>>
          %dma_start3A_1678 = tpu.memref_squeeze %dma_start3A_1677 : memref<1x256xi32, #tpu.memory_space<hbm>> -> memref<256xi32, #tpu.memory_space<hbm>>
          tpu.enqueue_dma source(%dma_start3A_1678 : memref<256xi32, #tpu.memory_space<hbm>>) target(%arg10 : memref<256xi32, #tpu.memory_space<vmem>>) target_semaphore(%run_scoped3A : memref<!tpu.dma_semaphore, #tpu.memory_space<semaphore_mem>>)
          %dma_wait3A_1679 = tpu.memref_slice %arg2[%select_n3A_1656, %mul3A_1674] : memref<200x16384xi32, #tpu.memory_space<hbm>> -> memref<1x256xi32, #tpu.memory_space<hbm>>
          %dma_wait3A_1680 = tpu.memref_squeeze %dma_wait3A_1679 : memref<1x256xi32, #tpu.memory_space<hbm>> -> memref<256xi32, #tpu.memory_space<hbm>>
          %dma_wait3A_1681 = tpu.memref_slice %arg2[%select_n3A_1656, %mul3A_1674] : memref<200x16384xi32, #tpu.memory_space<hbm>> -> memref<1x256xi32, #tpu.memory_space<hbm>>
          %dma_wait3A_1682 = tpu.memref_squeeze %dma_wait3A_1681 : memref<1x256xi32, #tpu.memory_space<hbm>> -> memref<256xi32, #tpu.memory_space<hbm>>
          tpu.wait_dma2 semaphore(%run_scoped3A : memref<!tpu.dma_semaphore, #tpu.memory_space<semaphore_mem>>) src(%dma_wait3A_1682 : memref<256xi32, #tpu.memory_space<hbm>>) dst(%arg10 : memref<256xi32, #tpu.memory_space<vmem>>)
          tpu.yield
        }) : () -> ()
      } else {
      }
      %ge3A_1248 = arith.constant 2 : i32
      %ge3A_1249 = arith.cmpi sge, %add3A_1236, %ge3A_1248 : i32
      %convert_element_type3A_1250 = arith.extui %ge3A_1249 : i1 to i32
      %cond3A_1251 = arith.constant 0 : i32
      %cond3A_1252 = arith.cmpi ne, %convert_element_type3A_1250, %cond3A_1251 : i32
      scf.if %cond3A_1252 {
        %sub3A_1631 = arith.constant 2 : i32
        %sub3A_1632 = arith.subi %add3A_1237, %sub3A_1631 : i32
        %jit3A_1633 = arith.constant 64 : i32
        %div3A_1634 = arith.divsi %sub3A_1632, %jit3A_1633 : i32
        %sign3A_1635 = arith.constant 0 : i32
        %sign3A_1636 = arith.cmpi sgt, %sub3A_1632, %sign3A_1635 : i32
        %sign3A_1637 = arith.extui %sign3A_1636 : i1 to i32
        %sign3A_1638 = arith.constant 0 : i32
        %sign3A_1639 = arith.cmpi slt, %sub3A_1632, %sign3A_1638 : i32
        %sign3A_1640 = arith.extui %sign3A_1639 : i1 to i32
        %sign3A_1641 = arith.subi %sign3A_1637, %sign3A_1640 : i32
        %sign3A_1642 = arith.constant 0 : i32
        %sign3A_1643 = arith.cmpi sgt, %jit3A_1633, %sign3A_1642 : i32
        %sign3A_1644 = arith.extui %sign3A_1643 : i1 to i32
        %sign3A_1645 = arith.constant 0 : i32
        %sign3A_1646 = arith.cmpi slt, %jit3A_1633, %sign3A_1645 : i32
        %sign3A_1647 = arith.extui %sign3A_1646 : i1 to i32
        %sign3A_1648 = arith.subi %sign3A_1644, %sign3A_1647 : i32
        %ne3A_1649 = arith.cmpi ne, %sign3A_1641, %sign3A_1648 : i32
        %rem3A_1650 = arith.remsi %sub3A_1632, %jit3A_1633 : i32
        %ne3A_1651 = arith.constant 0 : i32
        %ne3A_1652 = arith.cmpi ne, %rem3A_1650, %ne3A_1651 : i32
        %and3A_1653 = arith.andi %ne3A_1649, %ne3A_1652 : i1
        %sub3A_1654 = arith.constant 1 : i32
        %sub3A_1655 = arith.subi %div3A_1634, %sub3A_1654 : i32
        %select_n3A_1656 = arith.select %and3A_1653, %sub3A_1655, %div3A_1634 : i32
        %jit3A_1657 = arith.constant 64 : i32
        %eq3A_1658 = arith.constant 0 : i32
        %eq3A_1659 = arith.cmpi eq, %jit3A_1657, %eq3A_1658 : i32
        %jit3A_1660 = arith.constant 1 : i32
        %select_n3A_1661 = arith.select %eq3A_1659, %jit3A_1660, %jit3A_1657 : i32
        %rem3A_1662 = arith.remsi %sub3A_1632, %select_n3A_1661 : i32
        %ne3A_1663 = arith.constant 0 : i32
        %ne3A_1664 = arith.cmpi ne, %rem3A_1662, %ne3A_1663 : i32
        %lt3A_1665 = arith.constant 0 : i32
        %lt3A_1666 = arith.cmpi slt, %rem3A_1662, %lt3A_1665 : i32
        %lt3A_1667 = arith.constant 0 : i32
        %lt3A_1668 = arith.cmpi slt, %select_n3A_1661, %lt3A_1667 : i32
        %ne3A_1669 = arith.xori %lt3A_1666, %lt3A_1668 : i1
        %and3A_1670 = arith.andi %ne3A_1669, %ne3A_1664 : i1
        %add3A_1671 = arith.addi %rem3A_1662, %select_n3A_1661 : i32
        %select_n3A_1672 = arith.select %and3A_1670, %add3A_1671, %rem3A_1662 : i32
        %mul3A_1673 = arith.constant 2 : i32
        %mul3A_1674 = arith.muli %select_n3A_1672, %mul3A_1673 : i32
        %add3A_1675 = arith.constant 0 : i32
        %add3A_1676 = arith.addi %mul3A_1674, %add3A_1675 : i32
        %dma_wait3A_1677 = arith.constant 0 : i32
        %dma_wait3A_1678 = arith.constant 0 : i32
        %dma_wait3A_1679 = arith.constant 0 : i32
        %dma_wait3A_1680 = arith.constant 0 : i32
        %dma_wait3A_1681 = arith.constant 0 : i32
        %dma_wait3A_1682 = tpu.memref_slice %arg12[%dma_wait3A_1677, %dma_wait3A_1678, %dma_wait3A_1679, %dma_wait3A_1680, %dma_wait3A_1681] : memref<1x8x1x8x256xf32, #tpu.memory_space<vmem>> -> memref<1x1x1x8x128xf32, #tpu.memory_space<vmem>>
        %dma_wait3A_1683 = arith.constant 0 : i32
        %dma_wait3A_1684 = arith.constant 0 : i32
        %dma_wait3A_1685 = arith.constant 0 : i32
        %dma_wait3A_1686 = tpu.memref_slice %arg4[%select_n3A_1656, %dma_wait3A_1683, %add3A_1676, %dma_wait3A_1684, %dma_wait3A_1685] : memref<200x8x128x8x128xf32, #tpu.memory_space<hbm>> -> memref<1x1x1x8x128xf32, #tpu.memory_space<hbm>>
        %dma_wait3A_1687 = arith.constant 0 : i32
        %dma_wait3A_1688 = arith.constant 0 : i32
        %dma_wait3A_1689 = arith.constant 0 : i32
        %dma_wait3A_1690 = tpu.memref_slice %arg4[%select_n3A_1656, %dma_wait3A_1687, %add3A_1676, %dma_wait3A_1688, %dma_wait3A_1689] : memref<200x8x128x8x128xf32, #tpu.memory_space<hbm>> -> memref<1x1x1x8x128xf32, #tpu.memory_space<hbm>>
        %dma_wait3A_1691 = arith.constant 0 : i32
        %dma_wait3A_1692 = arith.constant 0 : i32
        %dma_wait3A_1693 = arith.constant 0 : i32
        %dma_wait3A_1694 = arith.constant 0 : i32
        %dma_wait3A_1695 = arith.constant 0 : i32
        %dma_wait3A_1696 = tpu.memref_slice %arg12[%dma_wait3A_1691, %dma_wait3A_1692, %dma_wait3A_1693, %dma_wait3A_1694, %dma_wait3A_1695] : memref<1x8x1x8x256xf32, #tpu.memory_space<vmem>> -> memref<1x1x1x8x128xf32, #tpu.memory_space<vmem>>
        tpu.wait_dma2 semaphore(%arg14 : memref<!tpu.dma_semaphore, #tpu.memory_space<semaphore_mem>>) src(%dma_wait3A_1696 : memref<1x1x1x8x128xf32, #tpu.memory_space<vmem>>) dst(%dma_wait3A_1690 : memref<1x1x1x8x128xf32, #tpu.memory_space<hbm>>)
        %dma_wait3A_1697 = arith.constant 0 : i32
        %dma_wait3A_1698 = arith.constant 1 : i32
        %dma_wait3A_1699 = arith.constant 0 : i32
        %dma_wait3A_1700 = arith.constant 0 : i32
        %dma_wait3A_1701 = arith.constant 0 : i32
        %dma_wait3A_1702 = tpu.memref_slice %arg12[%dma_wait3A_1697, %dma_wait3A_1698, %dma_wait3A_1699, %dma_wait3A_1700, %dma_wait3A_1701] : memref<1x8x1x8x256xf32, #tpu.memory_space<vmem>> -> memref<1x1x1x8x128xf32, #tpu.memory_space<vmem>>
        %dma_wait3A_1703 = arith.constant 1 : i32
        %dma_wait3A_1704 = arith.constant 0 : i32
        %dma_wait3A_1705 = arith.constant 0 : i32
        %dma_wait3A_1706 = tpu.memref_slice %arg4[%select_n3A_1656, %dma_wait3A_1703, %add3A_1676, %dma_wait3A_1704, %dma_wait3A_1705] : memref<200x8x128x8x128xf32, #tpu.memory_space<hbm>> -> memref<1x1x1x8x128xf32, #tpu.memory_space<hbm>>
        %dma_wait3A_1707 = arith.constant 1 : i32
        %dma_wait3A_1708 = arith.constant 0 : i32
        %dma_wait3A_1709 = arith.constant 0 : i32
        %dma_wait3A_1710 = tpu.memref_slice %arg4[%select_n3A_1656, %dma_wait3A_1707, %add3A_1676, %dma_wait3A_1708, %dma_wait3A_1709] : memref<200x8x128x8x128xf32, #tpu.memory_space<hbm>> -> memref<1x1x1x8x128xf32, #tpu.memory_space<hbm>>
        %dma_wait3A_1711 = arith.constant 0 : i32
        %dma_wait3A_1712 = arith.constant 1 : i32
        %dma_wait3A_1713 = arith.constant 0 : i32
        %dma_wait3A_1714 = arith.constant 0 : i32
        %dma_wait3A_1715 = arith.constant 0 : i32
        %dma_wait3A_1716 = tpu.memref_slice %arg12[%dma_wait3A_1711, %dma_wait3A_1712, %dma_wait3A_1713, %dma_wait3A_1714, %dma_wait3A_1715] : memref<1x8x1x8x256xf32, #tpu.memory_space<vmem>> -> memref<1x1x1x8x128xf32, #tpu.memory_space<vmem>>
        tpu.wait_dma2 semaphore(%arg14 : memref<!tpu.dma_semaphore, #tpu.memory_space<semaphore_mem>>) src(%dma_wait3A_1716 : memref<1x1x1x8x128xf32, #tpu.memory_space<vmem>>) dst(%dma_wait3A_1710 : memref<1x1x1x8x128xf32, #tpu.memory_space<hbm>>)
        %dma_wait3A_1717 = arith.constant 0 : i32
        %dma_wait3A_1718 = arith.constant 2 : i32
        %dma_wait3A_1719 = arith.constant 0 : i32
        %dma_wait3A_1720 = arith.constant 0 : i32
        %dma_wait3A_1721 = arith.constant 0 : i32
        %dma_wait3A_1722 = tpu.memref_slice %arg12[%dma_wait3A_1717, %dma_wait3A_1718, %dma_wait3A_1719, %dma_wait3A_1720, %dma_wait3A_1721] : memref<1x8x1x8x256xf32, #tpu.memory_space<vmem>> -> memref<1x1x1x8x128xf32, #tpu.memory_space<vmem>>
        %dma_wait3A_1723 = arith.constant 2 : i32
        %dma_wait3A_1724 = arith.constant 0 : i32
        %dma_wait3A_1725 = arith.constant 0 : i32
        %dma_wait3A_1726 = tpu.memref_slice %arg4[%select_n3A_1656, %dma_wait3A_1723, %add3A_1676, %dma_wait3A_1724, %dma_wait3A_1725] : memref<200x8x128x8x128xf32, #tpu.memory_space<hbm>> -> memref<1x1x1x8x128xf32, #tpu.memory_space<hbm>>
        %dma_wait3A_1727 = arith.constant 2 : i32
        %dma_wait3A_1728 = arith.constant 0 : i32
        %dma_wait3A_1729 = arith.constant 0 : i32
        %dma_wait3A_1730 = tpu.memref_slice %arg4[%select_n3A_1656, %dma_wait3A_1727, %add3A_1676, %dma_wait3A_1728, %dma_wait3A_1729] : memref<200x8x128x8x128xf32, #tpu.memory_space<hbm>> -> memref<1x1x1x8x128xf32, #tpu.memory_space<hbm>>
        %dma_wait3A_1731 = arith.constant 0 : i32
        %dma_wait3A_1732 = arith.constant 2 : i32
        %dma_wait3A_1733 = arith.constant 0 : i32
        %dma_wait3A_1734 = arith.constant 0 : i32
        %dma_wait3A_1735 = arith.constant 0 : i32
        %dma_wait3A_1736 = tpu.memref_slice %arg12[%dma_wait3A_1731, %dma_wait3A_1732, %dma_wait3A_1733, %dma_wait3A_1734, %dma_wait3A_1735] : memref<1x8x1x8x256xf32, #tpu.memory_space<vmem>> -> memref<1x1x1x8x128xf32, #tpu.memory_space<vmem>>
        tpu.wait_dma2 semaphore(%arg14 : memref<!tpu.dma_semaphore, #tpu.memory_space<semaphore_mem>>) src(%dma_wait3A_1736 : memref<1x1x1x8x128xf32, #tpu.memory_space<vmem>>) dst(%dma_wait3A_1730 : memref<1x1x1x8x128xf32, #tpu.memory_space<hbm>>)
        %dma_wait3A_1737 = arith.constant 0 : i32
        %dma_wait3A_1738 = arith.constant 3 : i32
        %dma_wait3A_1739 = arith.constant 0 : i32
        %dma_wait3A_1740 = arith.constant 0 : i32
        %dma_wait3A_1741 = arith.constant 0 : i32
        %dma_wait3A_1742 = tpu.memref_slice %arg12[%dma_wait3A_1737, %dma_wait3A_1738, %dma_wait3A_1739, %dma_wait3A_1740, %dma_wait3A_1741] : memref<1x8x1x8x256xf32, #tpu.memory_space<vmem>> -> memref<1x1x1x8x128xf32, #tpu.memory_space<vmem>>
        %dma_wait3A_1743 = arith.constant 3 : i32
        %dma_wait3A_1744 = arith.constant 0 : i32
        %dma_wait3A_1745 = arith.constant 0 : i32
        %dma_wait3A_1746 = tpu.memref_slice %arg4[%select_n3A_1656, %dma_wait3A_1743, %add3A_1676, %dma_wait3A_1744, %dma_wait3A_1745] : memref<200x8x128x8x128xf32, #tpu.memory_space<hbm>> -> memref<1x1x1x8x128xf32, #tpu.memory_space<hbm>>
        %dma_wait3A_1747 = arith.constant 3 : i32
        %dma_wait3A_1748 = arith.constant 0 : i32
        %dma_wait3A_1749 = arith.constant 0 : i32
        %dma_wait3A_1750 = tpu.memref_slice %arg4[%select_n3A_1656, %dma_wait3A_1747, %add3A_1676, %dma_wait3A_1748, %dma_wait3A_1749] : memref<200x8x128x8x128xf32, #tpu.memory_space<hbm>> -> memref<1x1x1x8x128xf32, #tpu.memory_space<hbm>>
        %dma_wait3A_1751 = arith.constant 0 : i32
        %dma_wait3A_1752 = arith.constant 3 : i32
        %dma_wait3A_1753 = arith.constant 0 : i32
        %dma_wait3A_1754 = arith.constant 0 : i32
        %dma_wait3A_1755 = arith.constant 0 : i32
        %dma_wait3A_1756 = tpu.memref_slice %arg12[%dma_wait3A_1751, %dma_wait3A_1752, %dma_wait3A_1753, %dma_wait3A_1754, %dma_wait3A_1755] : memref<1x8x1x8x256xf32, #tpu.memory_space<vmem>> -> memref<1x1x1x8x128xf32, #tpu.memory_space<vmem>>
        tpu.wait_dma2 semaphore(%arg14 : memref<!tpu.dma_semaphore, #tpu.memory_space<semaphore_mem>>) src(%dma_wait3A_1756 : memref<1x1x1x8x128xf32, #tpu.memory_space<vmem>>) dst(%dma_wait3A_1750 : memref<1x1x1x8x128xf32, #tpu.memory_space<hbm>>)
        %dma_wait3A_1757 = arith.constant 0 : i32
        %dma_wait3A_1758 = arith.constant 4 : i32
        %dma_wait3A_1759 = arith.constant 0 : i32
        %dma_wait3A_1760 = arith.constant 0 : i32
        %dma_wait3A_1761 = arith.constant 0 : i32
        %dma_wait3A_1762 = tpu.memref_slice %arg12[%dma_wait3A_1757, %dma_wait3A_1758, %dma_wait3A_1759, %dma_wait3A_1760, %dma_wait3A_1761] : memref<1x8x1x8x256xf32, #tpu.memory_space<vmem>> -> memref<1x1x1x8x128xf32, #tpu.memory_space<vmem>>
        %dma_wait3A_1763 = arith.constant 4 : i32
        %dma_wait3A_1764 = arith.constant 0 : i32
        %dma_wait3A_1765 = arith.constant 0 : i32
        %dma_wait3A_1766 = tpu.memref_slice %arg4[%select_n3A_1656, %dma_wait3A_1763, %add3A_1676, %dma_wait3A_1764, %dma_wait3A_1765] : memref<200x8x128x8x128xf32, #tpu.memory_space<hbm>> -> memref<1x1x1x8x128xf32, #tpu.memory_space<hbm>>
        %dma_wait3A_1767 = arith.constant 4 : i32
        %dma_wait3A_1768 = arith.constant 0 : i32
        %dma_wait3A_1769 = arith.constant 0 : i32
        %dma_wait3A_1770 = tpu.memref_slice %arg4[%select_n3A_1656, %dma_wait3A_1767, %add3A_1676, %dma_wait3A_1768, %dma_wait3A_1769] : memref<200x8x128x8x128xf32, #tpu.memory_space<hbm>> -> memref<1x1x1x8x128xf32, #tpu.memory_space<hbm>>
        %dma_wait3A_1771 = arith.constant 0 : i32
        %dma_wait3A_1772 = arith.constant 4 : i32
        %dma_wait3A_1773 = arith.constant 0 : i32
        %dma_wait3A_1774 = arith.constant 0 : i32
        %dma_wait3A_1775 = arith.constant 0 : i32
        %dma_wait3A_1776 = tpu.memref_slice %arg12[%dma_wait3A_1771, %dma_wait3A_1772, %dma_wait3A_1773, %dma_wait3A_1774, %dma_wait3A_1775] : memref<1x8x1x8x256xf32, #tpu.memory_space<vmem>> -> memref<1x1x1x8x128xf32, #tpu.memory_space<vmem>>
        tpu.wait_dma2 semaphore(%arg14 : memref<!tpu.dma_semaphore, #tpu.memory_space<semaphore_mem>>) src(%dma_wait3A_1776 : memref<1x1x1x8x128xf32, #tpu.memory_space<vmem>>) dst(%dma_wait3A_1770 : memref<1x1x1x8x128xf32, #tpu.memory_space<hbm>>)
        %dma_wait3A_1777 = arith.constant 0 : i32
        %dma_wait3A_1778 = arith.constant 5 : i32
        %dma_wait3A_1779 = arith.constant 0 : i32
        %dma_wait3A_1780 = arith.constant 0 : i32
        %dma_wait3A_1781 = arith.constant 0 : i32
        %dma_wait3A_1782 = tpu.memref_slice %arg12[%dma_wait3A_1777, %dma_wait3A_1778, %dma_wait3A_1779, %dma_wait3A_1780, %dma_wait3A_1781] : memref<1x8x1x8x256xf32, #tpu.memory_space<vmem>> -> memref<1x1x1x8x128xf32, #tpu.memory_space<vmem>>
        %dma_wait3A_1783 = arith.constant 5 : i32
        %dma_wait3A_1784 = arith.constant 0 : i32
        %dma_wait3A_1785 = arith.constant 0 : i32
        %dma_wait3A_1786 = tpu.memref_slice %arg4[%select_n3A_1656, %dma_wait3A_1783, %add3A_1676, %dma_wait3A_1784, %dma_wait3A_1785] : memref<200x8x128x8x128xf32, #tpu.memory_space<hbm>> -> memref<1x1x1x8x128xf32, #tpu.memory_space<hbm>>
        %dma_wait3A_1787 = arith.constant 5 : i32
        %dma_wait3A_1788 = arith.constant 0 : i32
        %dma_wait3A_1789 = arith.constant 0 : i32
        %dma_wait3A_1790 = tpu.memref_slice %arg4[%select_n3A_1656, %dma_wait3A_1787, %add3A_1676, %dma_wait3A_1788, %dma_wait3A_1789] : memref<200x8x128x8x128xf32, #tpu.memory_space<hbm>> -> memref<1x1x1x8x128xf32, #tpu.memory_space<hbm>>
        %dma_wait3A_1791 = arith.constant 0 : i32
        %dma_wait3A_1792 = arith.constant 5 : i32
        %dma_wait3A_1793 = arith.constant 0 : i32
        %dma_wait3A_1794 = arith.constant 0 : i32
        %dma_wait3A_1795 = arith.constant 0 : i32
        %dma_wait3A_1796 = tpu.memref_slice %arg12[%dma_wait3A_1791, %dma_wait3A_1792, %dma_wait3A_1793, %dma_wait3A_1794, %dma_wait3A_1795] : memref<1x8x1x8x256xf32, #tpu.memory_space<vmem>> -> memref<1x1x1x8x128xf32, #tpu.memory_space<vmem>>
        tpu.wait_dma2 semaphore(%arg14 : memref<!tpu.dma_semaphore, #tpu.memory_space<semaphore_mem>>) src(%dma_wait3A_1796 : memref<1x1x1x8x128xf32, #tpu.memory_space<vmem>>) dst(%dma_wait3A_1790 : memref<1x1x1x8x128xf32, #tpu.memory_space<hbm>>)
        %dma_wait3A_1797 = arith.constant 0 : i32
        %dma_wait3A_1798 = arith.constant 6 : i32
        %dma_wait3A_1799 = arith.constant 0 : i32
        %dma_wait3A_1800 = arith.constant 0 : i32
        %dma_wait3A_1801 = arith.constant 0 : i32
        %dma_wait3A_1802 = tpu.memref_slice %arg12[%dma_wait3A_1797, %dma_wait3A_1798, %dma_wait3A_1799, %dma_wait3A_1800, %dma_wait3A_1801] : memref<1x8x1x8x256xf32, #tpu.memory_space<vmem>> -> memref<1x1x1x8x128xf32, #tpu.memory_space<vmem>>
        %dma_wait3A_1803 = arith.constant 6 : i32
        %dma_wait3A_1804 = arith.constant 0 : i32
        %dma_wait3A_1805 = arith.constant 0 : i32
        %dma_wait3A_1806 = tpu.memref_slice %arg4[%select_n3A_1656, %dma_wait3A_1803, %add3A_1676, %dma_wait3A_1804, %dma_wait3A_1805] : memref<200x8x128x8x128xf32, #tpu.memory_space<hbm>> -> memref<1x1x1x8x128xf32, #tpu.memory_space<hbm>>
        %dma_wait3A_1807 = arith.constant 6 : i32
        %dma_wait3A_1808 = arith.constant 0 : i32
        %dma_wait3A_1809 = arith.constant 0 : i32
        %dma_wait3A_1810 = tpu.memref_slice %arg4[%select_n3A_1656, %dma_wait3A_1807, %add3A_1676, %dma_wait3A_1808, %dma_wait3A_1809] : memref<200x8x128x8x128xf32, #tpu.memory_space<hbm>> -> memref<1x1x1x8x128xf32, #tpu.memory_space<hbm>>
        %dma_wait3A_1811 = arith.constant 0 : i32
        %dma_wait3A_1812 = arith.constant 6 : i32
        %dma_wait3A_1813 = arith.constant 0 : i32
        %dma_wait3A_1814 = arith.constant 0 : i32
        %dma_wait3A_1815 = arith.constant 0 : i32
        %dma_wait3A_1816 = tpu.memref_slice %arg12[%dma_wait3A_1811, %dma_wait3A_1812, %dma_wait3A_1813, %dma_wait3A_1814, %dma_wait3A_1815] : memref<1x8x1x8x256xf32, #tpu.memory_space<vmem>> -> memref<1x1x1x8x128xf32, #tpu.memory_space<vmem>>
        tpu.wait_dma2 semaphore(%arg14 : memref<!tpu.dma_semaphore, #tpu.memory_space<semaphore_mem>>) src(%dma_wait3A_1816 : memref<1x1x1x8x128xf32, #tpu.memory_space<vmem>>) dst(%dma_wait3A_1810 : memref<1x1x1x8x128xf32, #tpu.memory_space<hbm>>)
        %dma_wait3A_1817 = arith.constant 0 : i32
        %dma_wait3A_1818 = arith.constant 7 : i32
        %dma_wait3A_1819 = arith.constant 0 : i32
        %dma_wait3A_1820 = arith.constant 0 : i32
        %dma_wait3A_1821 = arith.constant 0 : i32
        %dma_wait3A_1822 = tpu.memref_slice %arg12[%dma_wait3A_1817, %dma_wait3A_1818, %dma_wait3A_1819, %dma_wait3A_1820, %dma_wait3A_1821] : memref<1x8x1x8x256xf32, #tpu.memory_space<vmem>> -> memref<1x1x1x8x128xf32, #tpu.memory_space<vmem>>
        %dma_wait3A_1823 = arith.constant 7 : i32
        %dma_wait3A_1824 = arith.constant 0 : i32
        %dma_wait3A_1825 = arith.constant 0 : i32
        %dma_wait3A_1826 = tpu.memref_slice %arg4[%select_n3A_1656, %dma_wait3A_1823, %add3A_1676, %dma_wait3A_1824, %dma_wait3A_1825] : memref<200x8x128x8x128xf32, #tpu.memory_space<hbm>> -> memref<1x1x1x8x128xf32, #tpu.memory_space<hbm>>
        %dma_wait3A_1827 = arith.constant 7 : i32
        %dma_wait3A_1828 = arith.constant 0 : i32
        %dma_wait3A_1829 = arith.constant 0 : i32
        %dma_wait3A_1830 = tpu.memref_slice %arg4[%select_n3A_1656, %dma_wait3A_1827, %add3A_1676, %dma_wait3A_1828, %dma_wait3A_1829] : memref<200x8x128x8x128xf32, #tpu.memory_space<hbm>> -> memref<1x1x1x8x128xf32, #tpu.memory_space<hbm>>
        %dma_wait3A_1831 = arith.constant 0 : i32
        %dma_wait3A_1832 = arith.constant 7 : i32
        %dma_wait3A_1833 = arith.constant 0 : i32
        %dma_wait3A_1834 = arith.constant 0 : i32
        %dma_wait3A_1835 = arith.constant 0 : i32
        %dma_wait3A_1836 = tpu.memref_slice %arg12[%dma_wait3A_1831, %dma_wait3A_1832, %dma_wait3A_1833, %dma_wait3A_1834, %dma_wait3A_1835] : memref<1x8x1x8x256xf32, #tpu.memory_space<vmem>> -> memref<1x1x1x8x128xf32, #tpu.memory_space<vmem>>
        tpu.wait_dma2 semaphore(%arg14 : memref<!tpu.dma_semaphore, #tpu.memory_space<semaphore_mem>>) src(%dma_wait3A_1836 : memref<1x1x1x8x128xf32, #tpu.memory_space<vmem>>) dst(%dma_wait3A_1830 : memref<1x1x1x8x128xf32, #tpu.memory_space<hbm>>)
        %mul3A_1837 = arith.constant 2 : i32
        %mul3A_1838 = arith.muli %select_n3A_1672, %mul3A_1837 : i32
        %add3A_1839 = arith.constant 1 : i32
        %add3A_1840 = arith.addi %mul3A_1838, %add3A_1839 : i32
        %dma_wait3A_1841 = arith.constant 0 : i32
        %dma_wait3A_1842 = arith.constant 0 : i32
        %dma_wait3A_1843 = arith.constant 0 : i32
        %dma_wait3A_1844 = arith.constant 0 : i32
        %dma_wait3A_1845 = arith.constant 128 : i32
        %dma_wait3A_1846 = tpu.memref_slice %arg12[%dma_wait3A_1841, %dma_wait3A_1842, %dma_wait3A_1843, %dma_wait3A_1844, %dma_wait3A_1845] : memref<1x8x1x8x256xf32, #tpu.memory_space<vmem>> -> memref<1x1x1x8x128xf32, #tpu.memory_space<vmem>>
        %dma_wait3A_1847 = arith.constant 0 : i32
        %dma_wait3A_1848 = arith.constant 0 : i32
        %dma_wait3A_1849 = arith.constant 0 : i32
        %dma_wait3A_1850 = tpu.memref_slice %arg4[%select_n3A_1656, %dma_wait3A_1847, %add3A_1840, %dma_wait3A_1848, %dma_wait3A_1849] : memref<200x8x128x8x128xf32, #tpu.memory_space<hbm>> -> memref<1x1x1x8x128xf32, #tpu.memory_space<hbm>>
        %dma_wait3A_1851 = arith.constant 0 : i32
        %dma_wait3A_1852 = arith.constant 0 : i32
        %dma_wait3A_1853 = arith.constant 0 : i32
        %dma_wait3A_1854 = tpu.memref_slice %arg4[%select_n3A_1656, %dma_wait3A_1851, %add3A_1840, %dma_wait3A_1852, %dma_wait3A_1853] : memref<200x8x128x8x128xf32, #tpu.memory_space<hbm>> -> memref<1x1x1x8x128xf32, #tpu.memory_space<hbm>>
        %dma_wait3A_1855 = arith.constant 0 : i32
        %dma_wait3A_1856 = arith.constant 0 : i32
        %dma_wait3A_1857 = arith.constant 0 : i32
        %dma_wait3A_1858 = arith.constant 0 : i32
        %dma_wait3A_1859 = arith.constant 128 : i32
        %dma_wait3A_1860 = tpu.memref_slice %arg12[%dma_wait3A_1855, %dma_wait3A_1856, %dma_wait3A_1857, %dma_wait3A_1858, %dma_wait3A_1859] : memref<1x8x1x8x256xf32, #tpu.memory_space<vmem>> -> memref<1x1x1x8x128xf32, #tpu.memory_space<vmem>>
        tpu.wait_dma2 semaphore(%arg14 : memref<!tpu.dma_semaphore, #tpu.memory_space<semaphore_mem>>) src(%dma_wait3A_1860 : memref<1x1x1x8x128xf32, #tpu.memory_space<vmem>>) dst(%dma_wait3A_1854 : memref<1x1x1x8x128xf32, #tpu.memory_space<hbm>>)
        %dma_wait3A_1861 = arith.constant 0 : i32
        %dma_wait3A_1862 = arith.constant 1 : i32
        %dma_wait3A_1863 = arith.constant 0 : i32
        %dma_wait3A_1864 = arith.constant 0 : i32
        %dma_wait3A_1865 = arith.constant 128 : i32
        %dma_wait3A_1866 = tpu.memref_slice %arg12[%dma_wait3A_1861, %dma_wait3A_1862, %dma_wait3A_1863, %dma_wait3A_1864, %dma_wait3A_1865] : memref<1x8x1x8x256xf32, #tpu.memory_space<vmem>> -> memref<1x1x1x8x128xf32, #tpu.memory_space<vmem>>
        %dma_wait3A_1867 = arith.constant 1 : i32
        %dma_wait3A_1868 = arith.constant 0 : i32
        %dma_wait3A_1869 = arith.constant 0 : i32
        %dma_wait3A_1870 = tpu.memref_slice %arg4[%select_n3A_1656, %dma_wait3A_1867, %add3A_1840, %dma_wait3A_1868, %dma_wait3A_1869] : memref<200x8x128x8x128xf32, #tpu.memory_space<hbm>> -> memref<1x1x1x8x128xf32, #tpu.memory_space<hbm>>
        %dma_wait3A_1871 = arith.constant 1 : i32
        %dma_wait3A_1872 = arith.constant 0 : i32
        %dma_wait3A_1873 = arith.constant 0 : i32
        %dma_wait3A_1874 = tpu.memref_slice %arg4[%select_n3A_1656, %dma_wait3A_1871, %add3A_1840, %dma_wait3A_1872, %dma_wait3A_1873] : memref<200x8x128x8x128xf32, #tpu.memory_space<hbm>> -> memref<1x1x1x8x128xf32, #tpu.memory_space<hbm>>
        %dma_wait3A_1875 = arith.constant 0 : i32
        %dma_wait3A_1876 = arith.constant 1 : i32
        %dma_wait3A_1877 = arith.constant 0 : i32
        %dma_wait3A_1878 = arith.constant 0 : i32
        %dma_wait3A_1879 = arith.constant 128 : i32
        %dma_wait3A_1880 = tpu.memref_slice %arg12[%dma_wait3A_1875, %dma_wait3A_1876, %dma_wait3A_1877, %dma_wait3A_1878, %dma_wait3A_1879] : memref<1x8x1x8x256xf32, #tpu.memory_space<vmem>> -> memref<1x1x1x8x128xf32, #tpu.memory_space<vmem>>
        tpu.wait_dma2 semaphore(%arg14 : memref<!tpu.dma_semaphore, #tpu.memory_space<semaphore_mem>>) src(%dma_wait3A_1880 : memref<1x1x1x8x128xf32, #tpu.memory_space<vmem>>) dst(%dma_wait3A_1874 : memref<1x1x1x8x128xf32, #tpu.memory_space<hbm>>)
        %dma_wait3A_1881 = arith.constant 0 : i32
        %dma_wait3A_1882 = arith.constant 2 : i32
        %dma_wait3A_1883 = arith.constant 0 : i32
        %dma_wait3A_1884 = arith.constant 0 : i32
        %dma_wait3A_1885 = arith.constant 128 : i32
        %dma_wait3A_1886 = tpu.memref_slice %arg12[%dma_wait3A_1881, %dma_wait3A_1882, %dma_wait3A_1883, %dma_wait3A_1884, %dma_wait3A_1885] : memref<1x8x1x8x256xf32, #tpu.memory_space<vmem>> -> memref<1x1x1x8x128xf32, #tpu.memory_space<vmem>>
        %dma_wait3A_1887 = arith.constant 2 : i32
        %dma_wait3A_1888 = arith.constant 0 : i32
        %dma_wait3A_1889 = arith.constant 0 : i32
        %dma_wait3A_1890 = tpu.memref_slice %arg4[%select_n3A_1656, %dma_wait3A_1887, %add3A_1840, %dma_wait3A_1888, %dma_wait3A_1889] : memref<200x8x128x8x128xf32, #tpu.memory_space<hbm>> -> memref<1x1x1x8x128xf32, #tpu.memory_space<hbm>>
        %dma_wait3A_1891 = arith.constant 2 : i32
        %dma_wait3A_1892 = arith.constant 0 : i32
        %dma_wait3A_1893 = arith.constant 0 : i32
        %dma_wait3A_1894 = tpu.memref_slice %arg4[%select_n3A_1656, %dma_wait3A_1891, %add3A_1840, %dma_wait3A_1892, %dma_wait3A_1893] : memref<200x8x128x8x128xf32, #tpu.memory_space<hbm>> -> memref<1x1x1x8x128xf32, #tpu.memory_space<hbm>>
        %dma_wait3A_1895 = arith.constant 0 : i32
        %dma_wait3A_1896 = arith.constant 2 : i32
        %dma_wait3A_1897 = arith.constant 0 : i32
        %dma_wait3A_1898 = arith.constant 0 : i32
        %dma_wait3A_1899 = arith.constant 128 : i32
        %dma_wait3A_1900 = tpu.memref_slice %arg12[%dma_wait3A_1895, %dma_wait3A_1896, %dma_wait3A_1897, %dma_wait3A_1898, %dma_wait3A_1899] : memref<1x8x1x8x256xf32, #tpu.memory_space<vmem>> -> memref<1x1x1x8x128xf32, #tpu.memory_space<vmem>>
        tpu.wait_dma2 semaphore(%arg14 : memref<!tpu.dma_semaphore, #tpu.memory_space<semaphore_mem>>) src(%dma_wait3A_1900 : memref<1x1x1x8x128xf32, #tpu.memory_space<vmem>>) dst(%dma_wait3A_1894 : memref<1x1x1x8x128xf32, #tpu.memory_space<hbm>>)
        %dma_wait3A_1901 = arith.constant 0 : i32
        %dma_wait3A_1902 = arith.constant 3 : i32
        %dma_wait3A_1903 = arith.constant 0 : i32
        %dma_wait3A_1904 = arith.constant 0 : i32
        %dma_wait3A_1905 = arith.constant 128 : i32
        %dma_wait3A_1906 = tpu.memref_slice %arg12[%dma_wait3A_1901, %dma_wait3A_1902, %dma_wait3A_1903, %dma_wait3A_1904, %dma_wait3A_1905] : memref<1x8x1x8x256xf32, #tpu.memory_space<vmem>> -> memref<1x1x1x8x128xf32, #tpu.memory_space<vmem>>
        %dma_wait3A_1907 = arith.constant 3 : i32
        %dma_wait3A_1908 = arith.constant 0 : i32
        %dma_wait3A_1909 = arith.constant 0 : i32
        %dma_wait3A_1910 = tpu.memref_slice %arg4[%select_n3A_1656, %dma_wait3A_1907, %add3A_1840, %dma_wait3A_1908, %dma_wait3A_1909] : memref<200x8x128x8x128xf32, #tpu.memory_space<hbm>> -> memref<1x1x1x8x128xf32, #tpu.memory_space<hbm>>
        %dma_wait3A_1911 = arith.constant 3 : i32
        %dma_wait3A_1912 = arith.constant 0 : i32
        %dma_wait3A_1913 = arith.constant 0 : i32
        %dma_wait3A_1914 = tpu.memref_slice %arg4[%select_n3A_1656, %dma_wait3A_1911, %add3A_1840, %dma_wait3A_1912, %dma_wait3A_1913] : memref<200x8x128x8x128xf32, #tpu.memory_space<hbm>> -> memref<1x1x1x8x128xf32, #tpu.memory_space<hbm>>
        %dma_wait3A_1915 = arith.constant 0 : i32
        %dma_wait3A_1916 = arith.constant 3 : i32
        %dma_wait3A_1917 = arith.constant 0 : i32
        %dma_wait3A_1918 = arith.constant 0 : i32
        %dma_wait3A_1919 = arith.constant 128 : i32
        %dma_wait3A_1920 = tpu.memref_slice %arg12[%dma_wait3A_1915, %dma_wait3A_1916, %dma_wait3A_1917, %dma_wait3A_1918, %dma_wait3A_1919] : memref<1x8x1x8x256xf32, #tpu.memory_space<vmem>> -> memref<1x1x1x8x128xf32, #tpu.memory_space<vmem>>
        tpu.wait_dma2 semaphore(%arg14 : memref<!tpu.dma_semaphore, #tpu.memory_space<semaphore_mem>>) src(%dma_wait3A_1920 : memref<1x1x1x8x128xf32, #tpu.memory_space<vmem>>) dst(%dma_wait3A_1914 : memref<1x1x1x8x128xf32, #tpu.memory_space<hbm>>)
        %dma_wait3A_1921 = arith.constant 0 : i32
        %dma_wait3A_1922 = arith.constant 4 : i32
        %dma_wait3A_1923 = arith.constant 0 : i32
        %dma_wait3A_1924 = arith.constant 0 : i32
        %dma_wait3A_1925 = arith.constant 128 : i32
        %dma_wait3A_1926 = tpu.memref_slice %arg12[%dma_wait3A_1921, %dma_wait3A_1922, %dma_wait3A_1923, %dma_wait3A_1924, %dma_wait3A_1925] : memref<1x8x1x8x256xf32, #tpu.memory_space<vmem>> -> memref<1x1x1x8x128xf32, #tpu.memory_space<vmem>>
        %dma_wait3A_1927 = arith.constant 4 : i32
        %dma_wait3A_1928 = arith.constant 0 : i32
        %dma_wait3A_1929 = arith.constant 0 : i32
        %dma_wait3A_1930 = tpu.memref_slice %arg4[%select_n3A_1656, %dma_wait3A_1927, %add3A_1840, %dma_wait3A_1928, %dma_wait3A_1929] : memref<200x8x128x8x128xf32, #tpu.memory_space<hbm>> -> memref<1x1x1x8x128xf32, #tpu.memory_space<hbm>>
        %dma_wait3A_1931 = arith.constant 4 : i32
        %dma_wait3A_1932 = arith.constant 0 : i32
        %dma_wait3A_1933 = arith.constant 0 : i32
        %dma_wait3A_1934 = tpu.memref_slice %arg4[%select_n3A_1656, %dma_wait3A_1931, %add3A_1840, %dma_wait3A_1932, %dma_wait3A_1933] : memref<200x8x128x8x128xf32, #tpu.memory_space<hbm>> -> memref<1x1x1x8x128xf32, #tpu.memory_space<hbm>>
        %dma_wait3A_1935 = arith.constant 0 : i32
        %dma_wait3A_1936 = arith.constant 4 : i32
        %dma_wait3A_1937 = arith.constant 0 : i32
        %dma_wait3A_1938 = arith.constant 0 : i32
        %dma_wait3A_1939 = arith.constant 128 : i32
        %dma_wait3A_1940 = tpu.memref_slice %arg12[%dma_wait3A_1935, %dma_wait3A_1936, %dma_wait3A_1937, %dma_wait3A_1938, %dma_wait3A_1939] : memref<1x8x1x8x256xf32, #tpu.memory_space<vmem>> -> memref<1x1x1x8x128xf32, #tpu.memory_space<vmem>>
        tpu.wait_dma2 semaphore(%arg14 : memref<!tpu.dma_semaphore, #tpu.memory_space<semaphore_mem>>) src(%dma_wait3A_1940 : memref<1x1x1x8x128xf32, #tpu.memory_space<vmem>>) dst(%dma_wait3A_1934 : memref<1x1x1x8x128xf32, #tpu.memory_space<hbm>>)
        %dma_wait3A_1941 = arith.constant 0 : i32
        %dma_wait3A_1942 = arith.constant 5 : i32
        %dma_wait3A_1943 = arith.constant 0 : i32
        %dma_wait3A_1944 = arith.constant 0 : i32
        %dma_wait3A_1945 = arith.constant 128 : i32
        %dma_wait3A_1946 = tpu.memref_slice %arg12[%dma_wait3A_1941, %dma_wait3A_1942, %dma_wait3A_1943, %dma_wait3A_1944, %dma_wait3A_1945] : memref<1x8x1x8x256xf32, #tpu.memory_space<vmem>> -> memref<1x1x1x8x128xf32, #tpu.memory_space<vmem>>
        %dma_wait3A_1947 = arith.constant 5 : i32
        %dma_wait3A_1948 = arith.constant 0 : i32
        %dma_wait3A_1949 = arith.constant 0 : i32
        %dma_wait3A_1950 = tpu.memref_slice %arg4[%select_n3A_1656, %dma_wait3A_1947, %add3A_1840, %dma_wait3A_1948, %dma_wait3A_1949] : memref<200x8x128x8x128xf32, #tpu.memory_space<hbm>> -> memref<1x1x1x8x128xf32, #tpu.memory_space<hbm>>
        %dma_wait3A_1951 = arith.constant 5 : i32
        %dma_wait3A_1952 = arith.constant 0 : i32
        %dma_wait3A_1953 = arith.constant 0 : i32
        %dma_wait3A_1954 = tpu.memref_slice %arg4[%select_n3A_1656, %dma_wait3A_1951, %add3A_1840, %dma_wait3A_1952, %dma_wait3A_1953] : memref<200x8x128x8x128xf32, #tpu.memory_space<hbm>> -> memref<1x1x1x8x128xf32, #tpu.memory_space<hbm>>
        %dma_wait3A_1955 = arith.constant 0 : i32
        %dma_wait3A_1956 = arith.constant 5 : i32
        %dma_wait3A_1957 = arith.constant 0 : i32
        %dma_wait3A_1958 = arith.constant 0 : i32
        %dma_wait3A_1959 = arith.constant 128 : i32
        %dma_wait3A_1960 = tpu.memref_slice %arg12[%dma_wait3A_1955, %dma_wait3A_1956, %dma_wait3A_1957, %dma_wait3A_1958, %dma_wait3A_1959] : memref<1x8x1x8x256xf32, #tpu.memory_space<vmem>> -> memref<1x1x1x8x128xf32, #tpu.memory_space<vmem>>
        tpu.wait_dma2 semaphore(%arg14 : memref<!tpu.dma_semaphore, #tpu.memory_space<semaphore_mem>>) src(%dma_wait3A_1960 : memref<1x1x1x8x128xf32, #tpu.memory_space<vmem>>) dst(%dma_wait3A_1954 : memref<1x1x1x8x128xf32, #tpu.memory_space<hbm>>)
        %dma_wait3A_1961 = arith.constant 0 : i32
        %dma_wait3A_1962 = arith.constant 6 : i32
        %dma_wait3A_1963 = arith.constant 0 : i32
        %dma_wait3A_1964 = arith.constant 0 : i32
        %dma_wait3A_1965 = arith.constant 128 : i32
        %dma_wait3A_1966 = tpu.memref_slice %arg12[%dma_wait3A_1961, %dma_wait3A_1962, %dma_wait3A_1963, %dma_wait3A_1964, %dma_wait3A_1965] : memref<1x8x1x8x256xf32, #tpu.memory_space<vmem>> -> memref<1x1x1x8x128xf32, #tpu.memory_space<vmem>>
        %dma_wait3A_1967 = arith.constant 6 : i32
        %dma_wait3A_1968 = arith.constant 0 : i32
        %dma_wait3A_1969 = arith.constant 0 : i32
        %dma_wait3A_1970 = tpu.memref_slice %arg4[%select_n3A_1656, %dma_wait3A_1967, %add3A_1840, %dma_wait3A_1968, %dma_wait3A_1969] : memref<200x8x128x8x128xf32, #tpu.memory_space<hbm>> -> memref<1x1x1x8x128xf32, #tpu.memory_space<hbm>>
        %dma_wait3A_1971 = arith.constant 6 : i32
        %dma_wait3A_1972 = arith.constant 0 : i32
        %dma_wait3A_1973 = arith.constant 0 : i32
        %dma_wait3A_1974 = tpu.memref_slice %arg4[%select_n3A_1656, %dma_wait3A_1971, %add3A_1840, %dma_wait3A_1972, %dma_wait3A_1973] : memref<200x8x128x8x128xf32, #tpu.memory_space<hbm>> -> memref<1x1x1x8x128xf32, #tpu.memory_space<hbm>>
        %dma_wait3A_1975 = arith.constant 0 : i32
        %dma_wait3A_1976 = arith.constant 6 : i32
        %dma_wait3A_1977 = arith.constant 0 : i32
        %dma_wait3A_1978 = arith.constant 0 : i32
        %dma_wait3A_1979 = arith.constant 128 : i32
        %dma_wait3A_1980 = tpu.memref_slice %arg12[%dma_wait3A_1975, %dma_wait3A_1976, %dma_wait3A_1977, %dma_wait3A_1978, %dma_wait3A_1979] : memref<1x8x1x8x256xf32, #tpu.memory_space<vmem>> -> memref<1x1x1x8x128xf32, #tpu.memory_space<vmem>>
        tpu.wait_dma2 semaphore(%arg14 : memref<!tpu.dma_semaphore, #tpu.memory_space<semaphore_mem>>) src(%dma_wait3A_1980 : memref<1x1x1x8x128xf32, #tpu.memory_space<vmem>>) dst(%dma_wait3A_1974 : memref<1x1x1x8x128xf32, #tpu.memory_space<hbm>>)
        %dma_wait3A_1981 = arith.constant 0 : i32
        %dma_wait3A_1982 = arith.constant 7 : i32
        %dma_wait3A_1983 = arith.constant 0 : i32
        %dma_wait3A_1984 = arith.constant 0 : i32
        %dma_wait3A_1985 = arith.constant 128 : i32
        %dma_wait3A_1986 = tpu.memref_slice %arg12[%dma_wait3A_1981, %dma_wait3A_1982, %dma_wait3A_1983, %dma_wait3A_1984, %dma_wait3A_1985] : memref<1x8x1x8x256xf32, #tpu.memory_space<vmem>> -> memref<1x1x1x8x128xf32, #tpu.memory_space<vmem>>
        %dma_wait3A_1987 = arith.constant 7 : i32
        %dma_wait3A_1988 = arith.constant 0 : i32
        %dma_wait3A_1989 = arith.constant 0 : i32
        %dma_wait3A_1990 = tpu.memref_slice %arg4[%select_n3A_1656, %dma_wait3A_1987, %add3A_1840, %dma_wait3A_1988, %dma_wait3A_1989] : memref<200x8x128x8x128xf32, #tpu.memory_space<hbm>> -> memref<1x1x1x8x128xf32, #tpu.memory_space<hbm>>
        %dma_wait3A_1991 = arith.constant 7 : i32
        %dma_wait3A_1992 = arith.constant 0 : i32
        %dma_wait3A_1993 = arith.constant 0 : i32
        %dma_wait3A_1994 = tpu.memref_slice %arg4[%select_n3A_1656, %dma_wait3A_1991, %add3A_1840, %dma_wait3A_1992, %dma_wait3A_1993] : memref<200x8x128x8x128xf32, #tpu.memory_space<hbm>> -> memref<1x1x1x8x128xf32, #tpu.memory_space<hbm>>
        %dma_wait3A_1995 = arith.constant 0 : i32
        %dma_wait3A_1996 = arith.constant 7 : i32
        %dma_wait3A_1997 = arith.constant 0 : i32
        %dma_wait3A_1998 = arith.constant 0 : i32
        %dma_wait3A_1999 = arith.constant 128 : i32
        %dma_wait3A_2000 = tpu.memref_slice %arg12[%dma_wait3A_1995, %dma_wait3A_1996, %dma_wait3A_1997, %dma_wait3A_1998, %dma_wait3A_1999] : memref<1x8x1x8x256xf32, #tpu.memory_space<vmem>> -> memref<1x1x1x8x128xf32, #tpu.memory_space<vmem>>
        tpu.wait_dma2 semaphore(%arg14 : memref<!tpu.dma_semaphore, #tpu.memory_space<semaphore_mem>>) src(%dma_wait3A_2000 : memref<1x1x1x8x128xf32, #tpu.memory_space<vmem>>) dst(%dma_wait3A_1994 : memref<1x1x1x8x128xf32, #tpu.memory_space<hbm>>)
      } else {
      }
      %jit3A_1253 = arith.constant 64 : i32
      %div3A_1254 = arith.divsi %add3A_1237, %jit3A_1253 : i32
      %sign3A_1255 = arith.constant 0 : i32
      %sign3A_1256 = arith.cmpi sgt, %add3A_1237, %sign3A_1255 : i32
      %sign3A_1257 = arith.extui %sign3A_1256 : i1 to i32
      %sign3A_1258 = arith.constant 0 : i32
      %sign3A_1259 = arith.cmpi slt, %add3A_1237, %sign3A_1258 : i32
      %sign3A_1260 = arith.extui %sign3A_1259 : i1 to i32
      %sign3A_1261 = arith.subi %sign3A_1257, %sign3A_1260 : i32
      %sign3A_1262 = arith.constant 0 : i32
      %sign3A_1263 = arith.cmpi sgt, %jit3A_1253, %sign3A_1262 : i32
      %sign3A_1264 = arith.extui %sign3A_1263 : i1 to i32
      %sign3A_1265 = arith.constant 0 : i32
      %sign3A_1266 = arith.cmpi slt, %jit3A_1253, %sign3A_1265 : i32
      %sign3A_1267 = arith.extui %sign3A_1266 : i1 to i32
      %sign3A_1268 = arith.subi %sign3A_1264, %sign3A_1267 : i32
      %ne3A_1269 = arith.cmpi ne, %sign3A_1261, %sign3A_1268 : i32
      %rem3A_1270 = arith.remsi %add3A_1237, %jit3A_1253 : i32
      %ne3A_1271 = arith.constant 0 : i32
      %ne3A_1272 = arith.cmpi ne, %rem3A_1270, %ne3A_1271 : i32
      %and3A_1273 = arith.andi %ne3A_1269, %ne3A_1272 : i1
      %sub3A_1274 = arith.constant 1 : i32
      %sub3A_1275 = arith.subi %div3A_1254, %sub3A_1274 : i32
      %select_n3A_1276 = arith.select %and3A_1273, %sub3A_1275, %div3A_1254 : i32
      %jit3A_1277 = arith.constant 64 : i32
      %eq3A_1278 = arith.constant 0 : i32
      %eq3A_1279 = arith.cmpi eq, %jit3A_1277, %eq3A_1278 : i32
      %jit3A_1280 = arith.constant 1 : i32
      %select_n3A_1281 = arith.select %eq3A_1279, %jit3A_1280, %jit3A_1277 : i32
      %rem3A_1282 = arith.remsi %add3A_1237, %select_n3A_1281 : i32
      %ne3A_1283 = arith.constant 0 : i32
      %ne3A_1284 = arith.cmpi ne, %rem3A_1282, %ne3A_1283 : i32
      %lt3A_1285 = arith.constant 0 : i32
      %lt3A_1286 = arith.cmpi slt, %rem3A_1282, %lt3A_1285 : i32
      %lt3A_1287 = arith.constant 0 : i32
      %lt3A_1288 = arith.cmpi slt, %select_n3A_1281, %lt3A_1287 : i32
      %ne3A_1289 = arith.xori %lt3A_1286, %lt3A_1288 : i1
      %and3A_1290 = arith.andi %ne3A_1289, %ne3A_1284 : i1
      %add3A_1291 = arith.addi %rem3A_1282, %select_n3A_1281 : i32
      %select_n3A_1292 = arith.select %and3A_1290, %add3A_1291, %rem3A_1282 : i32
      %parallel_loop3A_1293 = arith.constant 0 : i32
      %parallel_loop3A_1294 = arith.constant 64 : i32
      %parallel_loop3A_1295 = arith.constant 1 : i32
      scf.for %parallel_loop3A_1631 = %parallel_loop3A_1293 to %parallel_loop3A_1294 step %parallel_loop3A_1295  : i32 {
        %parallel_loop3A_1632 = arith.constant 0 : i32
        %parallel_loop3A_1633 = vector.broadcast %parallel_loop3A_1632 : i32 to vector<16xi32>
        %parallel_loop3A_1634 = vector.broadcast %parallel_loop3A_1631 : i32 to vector<16xi32>
        %parallel_loop3A_1635 = arith.addi %parallel_loop3A_1633, %parallel_loop3A_1634 : vector<16xi32>
        %parallel_loop3A_1636 = arith.constant 3 : i32
        %parallel_loop3A_1637 = arith.shrsi %parallel_loop3A_1631, %parallel_loop3A_1636 : i32
        %parallel_loop3A_1638 = arith.constant 7 : i32
        %parallel_loop3A_1639 = arith.andi %parallel_loop3A_1631, %parallel_loop3A_1638 : i32
        %parallel_loop3A_1640 = arith.constant 0 : i32
        %parallel_loop3A_1641 = vector.broadcast %parallel_loop3A_1640 : i32 to vector<16xi32>
        %parallel_loop3A_1642 = arith.addi %iota3A, %parallel_loop3A_1641 : vector<16xi32>
        %parallel_loop3A_1643 = tpu.vector_load_idx %arg11[%parallel_loop3A_1642, %parallel_loop3A_1635] : memref<256x72xf32, #tpu.memory_space<vmem>>[vector<16xi32>, vector<16xi32>], vector<16xf32>,
        %parallel_loop3A_1644 = arith.constant 0 : i32
        %parallel_loop3A_1645 = arith.constant 0 : i32
        %parallel_loop3A_1646 = arith.index_cast %parallel_loop3A_1644 : i32 to index
        %parallel_loop3A_1647 = arith.index_cast %parallel_loop3A_1637 : i32 to index
        %parallel_loop3A_1648 = arith.index_cast %parallel_loop3A_1645 : i32 to index
        %parallel_loop3A_1649 = arith.index_cast %parallel_loop3A_1639 : i32 to index
        %parallel_loop3A_1650 = arith.constant 0 : index
        %parallel_loop3A_1651 = tpu.vector_load %arg12[%parallel_loop3A_1646, %parallel_loop3A_1647, %parallel_loop3A_1648, %parallel_loop3A_1649, %parallel_loop3A_1650] {strides = array<i32>} : memref<1x8x1x8x256xf32, #tpu.memory_space<vmem>>, vector<16xf32>,
        tpu.vector_store %arg12[%parallel_loop3A_1646, %parallel_loop3A_1647, %parallel_loop3A_1648, %parallel_loop3A_1649, %parallel_loop3A_1650], %parallel_loop3A_1643 {strides = array<i32>} : memref<1x8x1x8x256xf32, #tpu.memory_space<vmem>>, vector<16xf32>,
        %parallel_loop3A_1652 = arith.constant 16 : i32
        %parallel_loop3A_1653 = vector.broadcast %parallel_loop3A_1652 : i32 to vector<16xi32>
        %parallel_loop3A_1654 = arith.addi %iota3A, %parallel_loop3A_1653 : vector<16xi32>
        %parallel_loop3A_1655 = tpu.vector_load_idx %arg11[%parallel_loop3A_1654, %parallel_loop3A_1635] : memref<256x72xf32, #tpu.memory_space<vmem>>[vector<16xi32>, vector<16xi32>], vector<16xf32>,
        %parallel_loop3A_1656 = arith.constant 0 : i32
        %parallel_loop3A_1657 = arith.constant 0 : i32
        %parallel_loop3A_1658 = arith.index_cast %parallel_loop3A_1656 : i32 to index
        %parallel_loop3A_1659 = arith.index_cast %parallel_loop3A_1637 : i32 to index
        %parallel_loop3A_1660 = arith.index_cast %parallel_loop3A_1657 : i32 to index
        %parallel_loop3A_1661 = arith.index_cast %parallel_loop3A_1639 : i32 to index
        %parallel_loop3A_1662 = arith.constant 16 : index
        %parallel_loop3A_1663 = tpu.vector_load %arg12[%parallel_loop3A_1658, %parallel_loop3A_1659, %parallel_loop3A_1660, %parallel_loop3A_1661, %parallel_loop3A_1662] {strides = array<i32>} : memref<1x8x1x8x256xf32, #tpu.memory_space<vmem>>, vector<16xf32>,
        tpu.vector_store %arg12[%parallel_loop3A_1658, %parallel_loop3A_1659, %parallel_loop3A_1660, %parallel_loop3A_1661, %parallel_loop3A_1662], %parallel_loop3A_1655 {strides = array<i32>} : memref<1x8x1x8x256xf32, #tpu.memory_space<vmem>>, vector<16xf32>,
        %parallel_loop3A_1664 = arith.constant 32 : i32
        %parallel_loop3A_1665 = vector.broadcast %parallel_loop3A_1664 : i32 to vector<16xi32>
        %parallel_loop3A_1666 = arith.addi %iota3A, %parallel_loop3A_1665 : vector<16xi32>
        %parallel_loop3A_1667 = tpu.vector_load_idx %arg11[%parallel_loop3A_1666, %parallel_loop3A_1635] : memref<256x72xf32, #tpu.memory_space<vmem>>[vector<16xi32>, vector<16xi32>], vector<16xf32>,
        %parallel_loop3A_1668 = arith.constant 0 : i32
        %parallel_loop3A_1669 = arith.constant 0 : i32
        %parallel_loop3A_1670 = arith.index_cast %parallel_loop3A_1668 : i32 to index
        %parallel_loop3A_1671 = arith.index_cast %parallel_loop3A_1637 : i32 to index
        %parallel_loop3A_1672 = arith.index_cast %parallel_loop3A_1669 : i32 to index
        %parallel_loop3A_1673 = arith.index_cast %parallel_loop3A_1639 : i32 to index
        %parallel_loop3A_1674 = arith.constant 32 : index
        %parallel_loop3A_1675 = tpu.vector_load %arg12[%parallel_loop3A_1670, %parallel_loop3A_1671, %parallel_loop3A_1672, %parallel_loop3A_1673, %parallel_loop3A_1674] {strides = array<i32>} : memref<1x8x1x8x256xf32, #tpu.memory_space<vmem>>, vector<16xf32>,
        tpu.vector_store %arg12[%parallel_loop3A_1670, %parallel_loop3A_1671, %parallel_loop3A_1672, %parallel_loop3A_1673, %parallel_loop3A_1674], %parallel_loop3A_1667 {strides = array<i32>} : memref<1x8x1x8x256xf32, #tpu.memory_space<vmem>>, vector<16xf32>,
        %parallel_loop3A_1676 = arith.constant 48 : i32
        %parallel_loop3A_1677 = vector.broadcast %parallel_loop3A_1676 : i32 to vector<16xi32>
        %parallel_loop3A_1678 = arith.addi %iota3A, %parallel_loop3A_1677 : vector<16xi32>
        %parallel_loop3A_1679 = tpu.vector_load_idx %arg11[%parallel_loop3A_1678, %parallel_loop3A_1635] : memref<256x72xf32, #tpu.memory_space<vmem>>[vector<16xi32>, vector<16xi32>], vector<16xf32>,
        %parallel_loop3A_1680 = arith.constant 0 : i32
        %parallel_loop3A_1681 = arith.constant 0 : i32
        %parallel_loop3A_1682 = arith.index_cast %parallel_loop3A_1680 : i32 to index
        %parallel_loop3A_1683 = arith.index_cast %parallel_loop3A_1637 : i32 to index
        %parallel_loop3A_1684 = arith.index_cast %parallel_loop3A_1681 : i32 to index
        %parallel_loop3A_1685 = arith.index_cast %parallel_loop3A_1639 : i32 to index
        %parallel_loop3A_1686 = arith.constant 48 : index
        %parallel_loop3A_1687 = tpu.vector_load %arg12[%parallel_loop3A_1682, %parallel_loop3A_1683, %parallel_loop3A_1684, %parallel_loop3A_1685, %parallel_loop3A_1686] {strides = array<i32>} : memref<1x8x1x8x256xf32, #tpu.memory_space<vmem>>, vector<16xf32>,
        tpu.vector_store %arg12[%parallel_loop3A_1682, %parallel_loop3A_1683, %parallel_loop3A_1684, %parallel_loop3A_1685, %parallel_loop3A_1686], %parallel_loop3A_1679 {strides = array<i32>} : memref<1x8x1x8x256xf32, #tpu.memory_space<vmem>>, vector<16xf32>,
        %parallel_loop3A_1688 = arith.constant 64 : i32
        %parallel_loop3A_1689 = vector.broadcast %parallel_loop3A_1688 : i32 to vector<16xi32>
        %parallel_loop3A_1690 = arith.addi %iota3A, %parallel_loop3A_1689 : vector<16xi32>
        %parallel_loop3A_1691 = tpu.vector_load_idx %arg11[%parallel_loop3A_1690, %parallel_loop3A_1635] : memref<256x72xf32, #tpu.memory_space<vmem>>[vector<16xi32>, vector<16xi32>], vector<16xf32>,
        %parallel_loop3A_1692 = arith.constant 0 : i32
        %parallel_loop3A_1693 = arith.constant 0 : i32
        %parallel_loop3A_1694 = arith.index_cast %parallel_loop3A_1692 : i32 to index
        %parallel_loop3A_1695 = arith.index_cast %parallel_loop3A_1637 : i32 to index
        %parallel_loop3A_1696 = arith.index_cast %parallel_loop3A_1693 : i32 to index
        %parallel_loop3A_1697 = arith.index_cast %parallel_loop3A_1639 : i32 to index
        %parallel_loop3A_1698 = arith.constant 64 : index
        %parallel_loop3A_1699 = tpu.vector_load %arg12[%parallel_loop3A_1694, %parallel_loop3A_1695, %parallel_loop3A_1696, %parallel_loop3A_1697, %parallel_loop3A_1698] {strides = array<i32>} : memref<1x8x1x8x256xf32, #tpu.memory_space<vmem>>, vector<16xf32>,
        tpu.vector_store %arg12[%parallel_loop3A_1694, %parallel_loop3A_1695, %parallel_loop3A_1696, %parallel_loop3A_1697, %parallel_loop3A_1698], %parallel_loop3A_1691 {strides = array<i32>} : memref<1x8x1x8x256xf32, #tpu.memory_space<vmem>>, vector<16xf32>,
        %parallel_loop3A_1700 = arith.constant 80 : i32
        %parallel_loop3A_1701 = vector.broadcast %parallel_loop3A_1700 : i32 to vector<16xi32>
        %parallel_loop3A_1702 = arith.addi %iota3A, %parallel_loop3A_1701 : vector<16xi32>
        %parallel_loop3A_1703 = tpu.vector_load_idx %arg11[%parallel_loop3A_1702, %parallel_loop3A_1635] : memref<256x72xf32, #tpu.memory_space<vmem>>[vector<16xi32>, vector<16xi32>], vector<16xf32>,
        %parallel_loop3A_1704 = arith.constant 0 : i32
        %parallel_loop3A_1705 = arith.constant 0 : i32
        %parallel_loop3A_1706 = arith.index_cast %parallel_loop3A_1704 : i32 to index
        %parallel_loop3A_1707 = arith.index_cast %parallel_loop3A_1637 : i32 to index
        %parallel_loop3A_1708 = arith.index_cast %parallel_loop3A_1705 : i32 to index
        %parallel_loop3A_1709 = arith.index_cast %parallel_loop3A_1639 : i32 to index
        %parallel_loop3A_1710 = arith.constant 80 : index
        %parallel_loop3A_1711 = tpu.vector_load %arg12[%parallel_loop3A_1706, %parallel_loop3A_1707, %parallel_loop3A_1708, %parallel_loop3A_1709, %parallel_loop3A_1710] {strides = array<i32>} : memref<1x8x1x8x256xf32, #tpu.memory_space<vmem>>, vector<16xf32>,
        tpu.vector_store %arg12[%parallel_loop3A_1706, %parallel_loop3A_1707, %parallel_loop3A_1708, %parallel_loop3A_1709, %parallel_loop3A_1710], %parallel_loop3A_1703 {strides = array<i32>} : memref<1x8x1x8x256xf32, #tpu.memory_space<vmem>>, vector<16xf32>,
        %parallel_loop3A_1712 = arith.constant 96 : i32
        %parallel_loop3A_1713 = vector.broadcast %parallel_loop3A_1712 : i32 to vector<16xi32>
        %parallel_loop3A_1714 = arith.addi %iota3A, %parallel_loop3A_1713 : vector<16xi32>
        %parallel_loop3A_1715 = tpu.vector_load_idx %arg11[%parallel_loop3A_1714, %parallel_loop3A_1635] : memref<256x72xf32, #tpu.memory_space<vmem>>[vector<16xi32>, vector<16xi32>], vector<16xf32>,
        %parallel_loop3A_1716 = arith.constant 0 : i32
        %parallel_loop3A_1717 = arith.constant 0 : i32
        %parallel_loop3A_1718 = arith.index_cast %parallel_loop3A_1716 : i32 to index
        %parallel_loop3A_1719 = arith.index_cast %parallel_loop3A_1637 : i32 to index
        %parallel_loop3A_1720 = arith.index_cast %parallel_loop3A_1717 : i32 to index
        %parallel_loop3A_1721 = arith.index_cast %parallel_loop3A_1639 : i32 to index
        %parallel_loop3A_1722 = arith.constant 96 : index
        %parallel_loop3A_1723 = tpu.vector_load %arg12[%parallel_loop3A_1718, %parallel_loop3A_1719, %parallel_loop3A_1720, %parallel_loop3A_1721, %parallel_loop3A_1722] {strides = array<i32>} : memref<1x8x1x8x256xf32, #tpu.memory_space<vmem>>, vector<16xf32>,
        tpu.vector_store %arg12[%parallel_loop3A_1718, %parallel_loop3A_1719, %parallel_loop3A_1720, %parallel_loop3A_1721, %parallel_loop3A_1722], %parallel_loop3A_1715 {strides = array<i32>} : memref<1x8x1x8x256xf32, #tpu.memory_space<vmem>>, vector<16xf32>,
        %parallel_loop3A_1724 = arith.constant 112 : i32
        %parallel_loop3A_1725 = vector.broadcast %parallel_loop3A_1724 : i32 to vector<16xi32>
        %parallel_loop3A_1726 = arith.addi %iota3A, %parallel_loop3A_1725 : vector<16xi32>
        %parallel_loop3A_1727 = tpu.vector_load_idx %arg11[%parallel_loop3A_1726, %parallel_loop3A_1635] : memref<256x72xf32, #tpu.memory_space<vmem>>[vector<16xi32>, vector<16xi32>], vector<16xf32>,
        %parallel_loop3A_1728 = arith.constant 0 : i32
        %parallel_loop3A_1729 = arith.constant 0 : i32
        %parallel_loop3A_1730 = arith.index_cast %parallel_loop3A_1728 : i32 to index
        %parallel_loop3A_1731 = arith.index_cast %parallel_loop3A_1637 : i32 to index
        %parallel_loop3A_1732 = arith.index_cast %parallel_loop3A_1729 : i32 to index
        %parallel_loop3A_1733 = arith.index_cast %parallel_loop3A_1639 : i32 to index
        %parallel_loop3A_1734 = arith.constant 112 : index
        %parallel_loop3A_1735 = tpu.vector_load %arg12[%parallel_loop3A_1730, %parallel_loop3A_1731, %parallel_loop3A_1732, %parallel_loop3A_1733, %parallel_loop3A_1734] {strides = array<i32>} : memref<1x8x1x8x256xf32, #tpu.memory_space<vmem>>, vector<16xf32>,
        tpu.vector_store %arg12[%parallel_loop3A_1730, %parallel_loop3A_1731, %parallel_loop3A_1732, %parallel_loop3A_1733, %parallel_loop3A_1734], %parallel_loop3A_1727 {strides = array<i32>} : memref<1x8x1x8x256xf32, #tpu.memory_space<vmem>>, vector<16xf32>,
        %parallel_loop3A_1736 = arith.constant 128 : i32
        %parallel_loop3A_1737 = vector.broadcast %parallel_loop3A_1736 : i32 to vector<16xi32>
        %parallel_loop3A_1738 = arith.addi %iota3A, %parallel_loop3A_1737 : vector<16xi32>
        %parallel_loop3A_1739 = tpu.vector_load_idx %arg11[%parallel_loop3A_1738, %parallel_loop3A_1635] : memref<256x72xf32, #tpu.memory_space<vmem>>[vector<16xi32>, vector<16xi32>], vector<16xf32>,
        %parallel_loop3A_1740 = arith.constant 0 : i32
        %parallel_loop3A_1741 = arith.constant 0 : i32
        %parallel_loop3A_1742 = arith.index_cast %parallel_loop3A_1740 : i32 to index
        %parallel_loop3A_1743 = arith.index_cast %parallel_loop3A_1637 : i32 to index
        %parallel_loop3A_1744 = arith.index_cast %parallel_loop3A_1741 : i32 to index
        %parallel_loop3A_1745 = arith.index_cast %parallel_loop3A_1639 : i32 to index
        %parallel_loop3A_1746 = arith.constant 128 : index
        %parallel_loop3A_1747 = tpu.vector_load %arg12[%parallel_loop3A_1742, %parallel_loop3A_1743, %parallel_loop3A_1744, %parallel_loop3A_1745, %parallel_loop3A_1746] {strides = array<i32>} : memref<1x8x1x8x256xf32, #tpu.memory_space<vmem>>, vector<16xf32>,
        tpu.vector_store %arg12[%parallel_loop3A_1742, %parallel_loop3A_1743, %parallel_loop3A_1744, %parallel_loop3A_1745, %parallel_loop3A_1746], %parallel_loop3A_1739 {strides = array<i32>} : memref<1x8x1x8x256xf32, #tpu.memory_space<vmem>>, vector<16xf32>,
        %parallel_loop3A_1748 = arith.constant 144 : i32
        %parallel_loop3A_1749 = vector.broadcast %parallel_loop3A_1748 : i32 to vector<16xi32>
        %parallel_loop3A_1750 = arith.addi %iota3A, %parallel_loop3A_1749 : vector<16xi32>
        %parallel_loop3A_1751 = tpu.vector_load_idx %arg11[%parallel_loop3A_1750, %parallel_loop3A_1635] : memref<256x72xf32, #tpu.memory_space<vmem>>[vector<16xi32>, vector<16xi32>], vector<16xf32>,
        %parallel_loop3A_1752 = arith.constant 0 : i32
        %parallel_loop3A_1753 = arith.constant 0 : i32
        %parallel_loop3A_1754 = arith.index_cast %parallel_loop3A_1752 : i32 to index
        %parallel_loop3A_1755 = arith.index_cast %parallel_loop3A_1637 : i32 to index
        %parallel_loop3A_1756 = arith.index_cast %parallel_loop3A_1753 : i32 to index
        %parallel_loop3A_1757 = arith.index_cast %parallel_loop3A_1639 : i32 to index
        %parallel_loop3A_1758 = arith.constant 144 : index
        %parallel_loop3A_1759 = tpu.vector_load %arg12[%parallel_loop3A_1754, %parallel_loop3A_1755, %parallel_loop3A_1756, %parallel_loop3A_1757, %parallel_loop3A_1758] {strides = array<i32>} : memref<1x8x1x8x256xf32, #tpu.memory_space<vmem>>, vector<16xf32>,
        tpu.vector_store %arg12[%parallel_loop3A_1754, %parallel_loop3A_1755, %parallel_loop3A_1756, %parallel_loop3A_1757, %parallel_loop3A_1758], %parallel_loop3A_1751 {strides = array<i32>} : memref<1x8x1x8x256xf32, #tpu.memory_space<vmem>>, vector<16xf32>,
        %parallel_loop3A_1760 = arith.constant 160 : i32
        %parallel_loop3A_1761 = vector.broadcast %parallel_loop3A_1760 : i32 to vector<16xi32>
        %parallel_loop3A_1762 = arith.addi %iota3A, %parallel_loop3A_1761 : vector<16xi32>
        %parallel_loop3A_1763 = tpu.vector_load_idx %arg11[%parallel_loop3A_1762, %parallel_loop3A_1635] : memref<256x72xf32, #tpu.memory_space<vmem>>[vector<16xi32>, vector<16xi32>], vector<16xf32>,
        %parallel_loop3A_1764 = arith.constant 0 : i32
        %parallel_loop3A_1765 = arith.constant 0 : i32
        %parallel_loop3A_1766 = arith.index_cast %parallel_loop3A_1764 : i32 to index
        %parallel_loop3A_1767 = arith.index_cast %parallel_loop3A_1637 : i32 to index
        %parallel_loop3A_1768 = arith.index_cast %parallel_loop3A_1765 : i32 to index
        %parallel_loop3A_1769 = arith.index_cast %parallel_loop3A_1639 : i32 to index
        %parallel_loop3A_1770 = arith.constant 160 : index
        %parallel_loop3A_1771 = tpu.vector_load %arg12[%parallel_loop3A_1766, %parallel_loop3A_1767, %parallel_loop3A_1768, %parallel_loop3A_1769, %parallel_loop3A_1770] {strides = array<i32>} : memref<1x8x1x8x256xf32, #tpu.memory_space<vmem>>, vector<16xf32>,
        tpu.vector_store %arg12[%parallel_loop3A_1766, %parallel_loop3A_1767, %parallel_loop3A_1768, %parallel_loop3A_1769, %parallel_loop3A_1770], %parallel_loop3A_1763 {strides = array<i32>} : memref<1x8x1x8x256xf32, #tpu.memory_space<vmem>>, vector<16xf32>,
        %parallel_loop3A_1772 = arith.constant 176 : i32
        %parallel_loop3A_1773 = vector.broadcast %parallel_loop3A_1772 : i32 to vector<16xi32>
        %parallel_loop3A_1774 = arith.addi %iota3A, %parallel_loop3A_1773 : vector<16xi32>
        %parallel_loop3A_1775 = tpu.vector_load_idx %arg11[%parallel_loop3A_1774, %parallel_loop3A_1635] : memref<256x72xf32, #tpu.memory_space<vmem>>[vector<16xi32>, vector<16xi32>], vector<16xf32>,
        %parallel_loop3A_1776 = arith.constant 0 : i32
        %parallel_loop3A_1777 = arith.constant 0 : i32
        %parallel_loop3A_1778 = arith.index_cast %parallel_loop3A_1776 : i32 to index
        %parallel_loop3A_1779 = arith.index_cast %parallel_loop3A_1637 : i32 to index
        %parallel_loop3A_1780 = arith.index_cast %parallel_loop3A_1777 : i32 to index
        %parallel_loop3A_1781 = arith.index_cast %parallel_loop3A_1639 : i32 to index
        %parallel_loop3A_1782 = arith.constant 176 : index
        %parallel_loop3A_1783 = tpu.vector_load %arg12[%parallel_loop3A_1778, %parallel_loop3A_1779, %parallel_loop3A_1780, %parallel_loop3A_1781, %parallel_loop3A_1782] {strides = array<i32>} : memref<1x8x1x8x256xf32, #tpu.memory_space<vmem>>, vector<16xf32>,
        tpu.vector_store %arg12[%parallel_loop3A_1778, %parallel_loop3A_1779, %parallel_loop3A_1780, %parallel_loop3A_1781, %parallel_loop3A_1782], %parallel_loop3A_1775 {strides = array<i32>} : memref<1x8x1x8x256xf32, #tpu.memory_space<vmem>>, vector<16xf32>,
        %parallel_loop3A_1784 = arith.constant 192 : i32
        %parallel_loop3A_1785 = vector.broadcast %parallel_loop3A_1784 : i32 to vector<16xi32>
        %parallel_loop3A_1786 = arith.addi %iota3A, %parallel_loop3A_1785 : vector<16xi32>
        %parallel_loop3A_1787 = tpu.vector_load_idx %arg11[%parallel_loop3A_1786, %parallel_loop3A_1635] : memref<256x72xf32, #tpu.memory_space<vmem>>[vector<16xi32>, vector<16xi32>], vector<16xf32>,
        %parallel_loop3A_1788 = arith.constant 0 : i32
        %parallel_loop3A_1789 = arith.constant 0 : i32
        %parallel_loop3A_1790 = arith.index_cast %parallel_loop3A_1788 : i32 to index
        %parallel_loop3A_1791 = arith.index_cast %parallel_loop3A_1637 : i32 to index
        %parallel_loop3A_1792 = arith.index_cast %parallel_loop3A_1789 : i32 to index
        %parallel_loop3A_1793 = arith.index_cast %parallel_loop3A_1639 : i32 to index
        %parallel_loop3A_1794 = arith.constant 192 : index
        %parallel_loop3A_1795 = tpu.vector_load %arg12[%parallel_loop3A_1790, %parallel_loop3A_1791, %parallel_loop3A_1792, %parallel_loop3A_1793, %parallel_loop3A_1794] {strides = array<i32>} : memref<1x8x1x8x256xf32, #tpu.memory_space<vmem>>, vector<16xf32>,
        tpu.vector_store %arg12[%parallel_loop3A_1790, %parallel_loop3A_1791, %parallel_loop3A_1792, %parallel_loop3A_1793, %parallel_loop3A_1794], %parallel_loop3A_1787 {strides = array<i32>} : memref<1x8x1x8x256xf32, #tpu.memory_space<vmem>>, vector<16xf32>,
        %parallel_loop3A_1796 = arith.constant 208 : i32
        %parallel_loop3A_1797 = vector.broadcast %parallel_loop3A_1796 : i32 to vector<16xi32>
        %parallel_loop3A_1798 = arith.addi %iota3A, %parallel_loop3A_1797 : vector<16xi32>
        %parallel_loop3A_1799 = tpu.vector_load_idx %arg11[%parallel_loop3A_1798, %parallel_loop3A_1635] : memref<256x72xf32, #tpu.memory_space<vmem>>[vector<16xi32>, vector<16xi32>], vector<16xf32>,
        %parallel_loop3A_1800 = arith.constant 0 : i32
        %parallel_loop3A_1801 = arith.constant 0 : i32
        %parallel_loop3A_1802 = arith.index_cast %parallel_loop3A_1800 : i32 to index
        %parallel_loop3A_1803 = arith.index_cast %parallel_loop3A_1637 : i32 to index
        %parallel_loop3A_1804 = arith.index_cast %parallel_loop3A_1801 : i32 to index
        %parallel_loop3A_1805 = arith.index_cast %parallel_loop3A_1639 : i32 to index
        %parallel_loop3A_1806 = arith.constant 208 : index
        %parallel_loop3A_1807 = tpu.vector_load %arg12[%parallel_loop3A_1802, %parallel_loop3A_1803, %parallel_loop3A_1804, %parallel_loop3A_1805, %parallel_loop3A_1806] {strides = array<i32>} : memref<1x8x1x8x256xf32, #tpu.memory_space<vmem>>, vector<16xf32>,
        tpu.vector_store %arg12[%parallel_loop3A_1802, %parallel_loop3A_1803, %parallel_loop3A_1804, %parallel_loop3A_1805, %parallel_loop3A_1806], %parallel_loop3A_1799 {strides = array<i32>} : memref<1x8x1x8x256xf32, #tpu.memory_space<vmem>>, vector<16xf32>,
        %parallel_loop3A_1808 = arith.constant 224 : i32
        %parallel_loop3A_1809 = vector.broadcast %parallel_loop3A_1808 : i32 to vector<16xi32>
        %parallel_loop3A_1810 = arith.addi %iota3A, %parallel_loop3A_1809 : vector<16xi32>
        %parallel_loop3A_1811 = tpu.vector_load_idx %arg11[%parallel_loop3A_1810, %parallel_loop3A_1635] : memref<256x72xf32, #tpu.memory_space<vmem>>[vector<16xi32>, vector<16xi32>], vector<16xf32>,
        %parallel_loop3A_1812 = arith.constant 0 : i32
        %parallel_loop3A_1813 = arith.constant 0 : i32
        %parallel_loop3A_1814 = arith.index_cast %parallel_loop3A_1812 : i32 to index
        %parallel_loop3A_1815 = arith.index_cast %parallel_loop3A_1637 : i32 to index
        %parallel_loop3A_1816 = arith.index_cast %parallel_loop3A_1813 : i32 to index
        %parallel_loop3A_1817 = arith.index_cast %parallel_loop3A_1639 : i32 to index
        %parallel_loop3A_1818 = arith.constant 224 : index
        %parallel_loop3A_1819 = tpu.vector_load %arg12[%parallel_loop3A_1814, %parallel_loop3A_1815, %parallel_loop3A_1816, %parallel_loop3A_1817, %parallel_loop3A_1818] {strides = array<i32>} : memref<1x8x1x8x256xf32, #tpu.memory_space<vmem>>, vector<16xf32>,
        tpu.vector_store %arg12[%parallel_loop3A_1814, %parallel_loop3A_1815, %parallel_loop3A_1816, %parallel_loop3A_1817, %parallel_loop3A_1818], %parallel_loop3A_1811 {strides = array<i32>} : memref<1x8x1x8x256xf32, #tpu.memory_space<vmem>>, vector<16xf32>,
        %parallel_loop3A_1820 = arith.constant 240 : i32
        %parallel_loop3A_1821 = vector.broadcast %parallel_loop3A_1820 : i32 to vector<16xi32>
        %parallel_loop3A_1822 = arith.addi %iota3A, %parallel_loop3A_1821 : vector<16xi32>
        %parallel_loop3A_1823 = tpu.vector_load_idx %arg11[%parallel_loop3A_1822, %parallel_loop3A_1635] : memref<256x72xf32, #tpu.memory_space<vmem>>[vector<16xi32>, vector<16xi32>], vector<16xf32>,
        %parallel_loop3A_1824 = arith.constant 0 : i32
        %parallel_loop3A_1825 = arith.constant 0 : i32
        %parallel_loop3A_1826 = arith.index_cast %parallel_loop3A_1824 : i32 to index
        %parallel_loop3A_1827 = arith.index_cast %parallel_loop3A_1637 : i32 to index
        %parallel_loop3A_1828 = arith.index_cast %parallel_loop3A_1825 : i32 to index
        %parallel_loop3A_1829 = arith.index_cast %parallel_loop3A_1639 : i32 to index
        %parallel_loop3A_1830 = arith.constant 240 : index
        %parallel_loop3A_1831 = tpu.vector_load %arg12[%parallel_loop3A_1826, %parallel_loop3A_1827, %parallel_loop3A_1828, %parallel_loop3A_1829, %parallel_loop3A_1830] {strides = array<i32>} : memref<1x8x1x8x256xf32, #tpu.memory_space<vmem>>, vector<16xf32>,
        tpu.vector_store %arg12[%parallel_loop3A_1826, %parallel_loop3A_1827, %parallel_loop3A_1828, %parallel_loop3A_1829, %parallel_loop3A_1830], %parallel_loop3A_1823 {strides = array<i32>} : memref<1x8x1x8x256xf32, #tpu.memory_space<vmem>>, vector<16xf32>,
      } {sc.loop_unroll_factor = 4 : i64, sc.parallel_access}
      %mul3A_1296 = arith.constant 2 : i32
      %mul3A_1297 = arith.muli %select_n3A_1292, %mul3A_1296 : i32
      %add3A_1298 = arith.constant 0 : i32
      %add3A_1299 = arith.addi %mul3A_1297, %add3A_1298 : i32
      %dma_start3A_1300 = arith.constant 0 : i32
      %dma_start3A_1301 = arith.constant 0 : i32
      %dma_start3A_1302 = arith.constant 0 : i32
      %dma_start3A_1303 = arith.constant 0 : i32
      %dma_start3A_1304 = arith.constant 0 : i32
      %dma_start3A_1305 = tpu.memref_slice %arg12[%dma_start3A_1300, %dma_start3A_1301, %dma_start3A_1302, %dma_start3A_1303, %dma_start3A_1304] : memref<1x8x1x8x256xf32, #tpu.memory_space<vmem>> -> memref<1x1x1x8x128xf32, #tpu.memory_space<vmem>>
      %dma_start3A_1306 = arith.constant 0 : i32
      %dma_start3A_1307 = arith.constant 0 : i32
      %dma_start3A_1308 = arith.constant 0 : i32
      %dma_start3A_1309 = tpu.memref_slice %arg4[%select_n3A_1276, %dma_start3A_1306, %add3A_1299, %dma_start3A_1307, %dma_start3A_1308] : memref<200x8x128x8x128xf32, #tpu.memory_space<hbm>> -> memref<1x1x1x8x128xf32, #tpu.memory_space<hbm>>
      %dma_start3A_1310 = arith.constant 0 : i32
      %dma_start3A_1311 = arith.constant 0 : i32
      %dma_start3A_1312 = arith.constant 0 : i32
      %dma_start3A_1313 = tpu.memref_slice %arg4[%select_n3A_1276, %dma_start3A_1310, %add3A_1299, %dma_start3A_1311, %dma_start3A_1312] : memref<200x8x128x8x128xf32, #tpu.memory_space<hbm>> -> memref<1x1x1x8x128xf32, #tpu.memory_space<hbm>>
      %dma_start3A_1314 = arith.constant 0 : i32
      %dma_start3A_1315 = arith.constant 0 : i32
      %dma_start3A_1316 = arith.constant 0 : i32
      %dma_start3A_1317 = arith.constant 0 : i32
      %dma_start3A_1318 = arith.constant 0 : i32
      %dma_start3A_1319 = tpu.memref_slice %arg12[%dma_start3A_1314, %dma_start3A_1315, %dma_start3A_1316, %dma_start3A_1317, %dma_start3A_1318] : memref<1x8x1x8x256xf32, #tpu.memory_space<vmem>> -> memref<1x1x1x8x128xf32, #tpu.memory_space<vmem>>
      tpu.enqueue_dma source(%dma_start3A_1319 : memref<1x1x1x8x128xf32, #tpu.memory_space<vmem>>) target(%dma_start3A_1313 : memref<1x1x1x8x128xf32, #tpu.memory_space<hbm>>) target_semaphore(%arg14 : memref<!tpu.dma_semaphore, #tpu.memory_space<semaphore_mem>>)
      %dma_start3A_1320 = arith.constant 0 : i32
      %dma_start3A_1321 = arith.constant 1 : i32
      %dma_start3A_1322 = arith.constant 0 : i32
      %dma_start3A_1323 = arith.constant 0 : i32
      %dma_start3A_1324 = arith.constant 0 : i32
      %dma_start3A_1325 = tpu.memref_slice %arg12[%dma_start3A_1320, %dma_start3A_1321, %dma_start3A_1322, %dma_start3A_1323, %dma_start3A_1324] : memref<1x8x1x8x256xf32, #tpu.memory_space<vmem>> -> memref<1x1x1x8x128xf32, #tpu.memory_space<vmem>>
      %dma_start3A_1326 = arith.constant 1 : i32
      %dma_start3A_1327 = arith.constant 0 : i32
      %dma_start3A_1328 = arith.constant 0 : i32
      %dma_start3A_1329 = tpu.memref_slice %arg4[%select_n3A_1276, %dma_start3A_1326, %add3A_1299, %dma_start3A_1327, %dma_start3A_1328] : memref<200x8x128x8x128xf32, #tpu.memory_space<hbm>> -> memref<1x1x1x8x128xf32, #tpu.memory_space<hbm>>
      %dma_start3A_1330 = arith.constant 1 : i32
      %dma_start3A_1331 = arith.constant 0 : i32
      %dma_start3A_1332 = arith.constant 0 : i32
      %dma_start3A_1333 = tpu.memref_slice %arg4[%select_n3A_1276, %dma_start3A_1330, %add3A_1299, %dma_start3A_1331, %dma_start3A_1332] : memref<200x8x128x8x128xf32, #tpu.memory_space<hbm>> -> memref<1x1x1x8x128xf32, #tpu.memory_space<hbm>>
      %dma_start3A_1334 = arith.constant 0 : i32
      %dma_start3A_1335 = arith.constant 1 : i32
      %dma_start3A_1336 = arith.constant 0 : i32
      %dma_start3A_1337 = arith.constant 0 : i32
      %dma_start3A_1338 = arith.constant 0 : i32
      %dma_start3A_1339 = tpu.memref_slice %arg12[%dma_start3A_1334, %dma_start3A_1335, %dma_start3A_1336, %dma_start3A_1337, %dma_start3A_1338] : memref<1x8x1x8x256xf32, #tpu.memory_space<vmem>> -> memref<1x1x1x8x128xf32, #tpu.memory_space<vmem>>
      tpu.enqueue_dma source(%dma_start3A_1339 : memref<1x1x1x8x128xf32, #tpu.memory_space<vmem>>) target(%dma_start3A_1333 : memref<1x1x1x8x128xf32, #tpu.memory_space<hbm>>) target_semaphore(%arg14 : memref<!tpu.dma_semaphore, #tpu.memory_space<semaphore_mem>>)
      %dma_start3A_1340 = arith.constant 0 : i32
      %dma_start3A_1341 = arith.constant 2 : i32
      %dma_start3A_1342 = arith.constant 0 : i32
      %dma_start3A_1343 = arith.constant 0 : i32
      %dma_start3A_1344 = arith.constant 0 : i32
      %dma_start3A_1345 = tpu.memref_slice %arg12[%dma_start3A_1340, %dma_start3A_1341, %dma_start3A_1342, %dma_start3A_1343, %dma_start3A_1344] : memref<1x8x1x8x256xf32, #tpu.memory_space<vmem>> -> memref<1x1x1x8x128xf32, #tpu.memory_space<vmem>>
      %dma_start3A_1346 = arith.constant 2 : i32
      %dma_start3A_1347 = arith.constant 0 : i32
      %dma_start3A_1348 = arith.constant 0 : i32
      %dma_start3A_1349 = tpu.memref_slice %arg4[%select_n3A_1276, %dma_start3A_1346, %add3A_1299, %dma_start3A_1347, %dma_start3A_1348] : memref<200x8x128x8x128xf32, #tpu.memory_space<hbm>> -> memref<1x1x1x8x128xf32, #tpu.memory_space<hbm>>
      %dma_start3A_1350 = arith.constant 2 : i32
      %dma_start3A_1351 = arith.constant 0 : i32
      %dma_start3A_1352 = arith.constant 0 : i32
      %dma_start3A_1353 = tpu.memref_slice %arg4[%select_n3A_1276, %dma_start3A_1350, %add3A_1299, %dma_start3A_1351, %dma_start3A_1352] : memref<200x8x128x8x128xf32, #tpu.memory_space<hbm>> -> memref<1x1x1x8x128xf32, #tpu.memory_space<hbm>>
      %dma_start3A_1354 = arith.constant 0 : i32
      %dma_start3A_1355 = arith.constant 2 : i32
      %dma_start3A_1356 = arith.constant 0 : i32
      %dma_start3A_1357 = arith.constant 0 : i32
      %dma_start3A_1358 = arith.constant 0 : i32
      %dma_start3A_1359 = tpu.memref_slice %arg12[%dma_start3A_1354, %dma_start3A_1355, %dma_start3A_1356, %dma_start3A_1357, %dma_start3A_1358] : memref<1x8x1x8x256xf32, #tpu.memory_space<vmem>> -> memref<1x1x1x8x128xf32, #tpu.memory_space<vmem>>
      tpu.enqueue_dma source(%dma_start3A_1359 : memref<1x1x1x8x128xf32, #tpu.memory_space<vmem>>) target(%dma_start3A_1353 : memref<1x1x1x8x128xf32, #tpu.memory_space<hbm>>) target_semaphore(%arg14 : memref<!tpu.dma_semaphore, #tpu.memory_space<semaphore_mem>>)
      %dma_start3A_1360 = arith.constant 0 : i32
      %dma_start3A_1361 = arith.constant 3 : i32
      %dma_start3A_1362 = arith.constant 0 : i32
      %dma_start3A_1363 = arith.constant 0 : i32
      %dma_start3A_1364 = arith.constant 0 : i32
      %dma_start3A_1365 = tpu.memref_slice %arg12[%dma_start3A_1360, %dma_start3A_1361, %dma_start3A_1362, %dma_start3A_1363, %dma_start3A_1364] : memref<1x8x1x8x256xf32, #tpu.memory_space<vmem>> -> memref<1x1x1x8x128xf32, #tpu.memory_space<vmem>>
      %dma_start3A_1366 = arith.constant 3 : i32
      %dma_start3A_1367 = arith.constant 0 : i32
      %dma_start3A_1368 = arith.constant 0 : i32
      %dma_start3A_1369 = tpu.memref_slice %arg4[%select_n3A_1276, %dma_start3A_1366, %add3A_1299, %dma_start3A_1367, %dma_start3A_1368] : memref<200x8x128x8x128xf32, #tpu.memory_space<hbm>> -> memref<1x1x1x8x128xf32, #tpu.memory_space<hbm>>
      %dma_start3A_1370 = arith.constant 3 : i32
      %dma_start3A_1371 = arith.constant 0 : i32
      %dma_start3A_1372 = arith.constant 0 : i32
      %dma_start3A_1373 = tpu.memref_slice %arg4[%select_n3A_1276, %dma_start3A_1370, %add3A_1299, %dma_start3A_1371, %dma_start3A_1372] : memref<200x8x128x8x128xf32, #tpu.memory_space<hbm>> -> memref<1x1x1x8x128xf32, #tpu.memory_space<hbm>>
      %dma_start3A_1374 = arith.constant 0 : i32
      %dma_start3A_1375 = arith.constant 3 : i32
      %dma_start3A_1376 = arith.constant 0 : i32
      %dma_start3A_1377 = arith.constant 0 : i32
      %dma_start3A_1378 = arith.constant 0 : i32
      %dma_start3A_1379 = tpu.memref_slice %arg12[%dma_start3A_1374, %dma_start3A_1375, %dma_start3A_1376, %dma_start3A_1377, %dma_start3A_1378] : memref<1x8x1x8x256xf32, #tpu.memory_space<vmem>> -> memref<1x1x1x8x128xf32, #tpu.memory_space<vmem>>
      tpu.enqueue_dma source(%dma_start3A_1379 : memref<1x1x1x8x128xf32, #tpu.memory_space<vmem>>) target(%dma_start3A_1373 : memref<1x1x1x8x128xf32, #tpu.memory_space<hbm>>) target_semaphore(%arg14 : memref<!tpu.dma_semaphore, #tpu.memory_space<semaphore_mem>>)
      %dma_start3A_1380 = arith.constant 0 : i32
      %dma_start3A_1381 = arith.constant 4 : i32
      %dma_start3A_1382 = arith.constant 0 : i32
      %dma_start3A_1383 = arith.constant 0 : i32
      %dma_start3A_1384 = arith.constant 0 : i32
      %dma_start3A_1385 = tpu.memref_slice %arg12[%dma_start3A_1380, %dma_start3A_1381, %dma_start3A_1382, %dma_start3A_1383, %dma_start3A_1384] : memref<1x8x1x8x256xf32, #tpu.memory_space<vmem>> -> memref<1x1x1x8x128xf32, #tpu.memory_space<vmem>>
      %dma_start3A_1386 = arith.constant 4 : i32
      %dma_start3A_1387 = arith.constant 0 : i32
      %dma_start3A_1388 = arith.constant 0 : i32
      %dma_start3A_1389 = tpu.memref_slice %arg4[%select_n3A_1276, %dma_start3A_1386, %add3A_1299, %dma_start3A_1387, %dma_start3A_1388] : memref<200x8x128x8x128xf32, #tpu.memory_space<hbm>> -> memref<1x1x1x8x128xf32, #tpu.memory_space<hbm>>
      %dma_start3A_1390 = arith.constant 4 : i32
      %dma_start3A_1391 = arith.constant 0 : i32
      %dma_start3A_1392 = arith.constant 0 : i32
      %dma_start3A_1393 = tpu.memref_slice %arg4[%select_n3A_1276, %dma_start3A_1390, %add3A_1299, %dma_start3A_1391, %dma_start3A_1392] : memref<200x8x128x8x128xf32, #tpu.memory_space<hbm>> -> memref<1x1x1x8x128xf32, #tpu.memory_space<hbm>>
      %dma_start3A_1394 = arith.constant 0 : i32
      %dma_start3A_1395 = arith.constant 4 : i32
      %dma_start3A_1396 = arith.constant 0 : i32
      %dma_start3A_1397 = arith.constant 0 : i32
      %dma_start3A_1398 = arith.constant 0 : i32
      %dma_start3A_1399 = tpu.memref_slice %arg12[%dma_start3A_1394, %dma_start3A_1395, %dma_start3A_1396, %dma_start3A_1397, %dma_start3A_1398] : memref<1x8x1x8x256xf32, #tpu.memory_space<vmem>> -> memref<1x1x1x8x128xf32, #tpu.memory_space<vmem>>
      tpu.enqueue_dma source(%dma_start3A_1399 : memref<1x1x1x8x128xf32, #tpu.memory_space<vmem>>) target(%dma_start3A_1393 : memref<1x1x1x8x128xf32, #tpu.memory_space<hbm>>) target_semaphore(%arg14 : memref<!tpu.dma_semaphore, #tpu.memory_space<semaphore_mem>>)
      %dma_start3A_1400 = arith.constant 0 : i32
      %dma_start3A_1401 = arith.constant 5 : i32
      %dma_start3A_1402 = arith.constant 0 : i32
      %dma_start3A_1403 = arith.constant 0 : i32
      %dma_start3A_1404 = arith.constant 0 : i32
      %dma_start3A_1405 = tpu.memref_slice %arg12[%dma_start3A_1400, %dma_start3A_1401, %dma_start3A_1402, %dma_start3A_1403, %dma_start3A_1404] : memref<1x8x1x8x256xf32, #tpu.memory_space<vmem>> -> memref<1x1x1x8x128xf32, #tpu.memory_space<vmem>>
      %dma_start3A_1406 = arith.constant 5 : i32
      %dma_start3A_1407 = arith.constant 0 : i32
      %dma_start3A_1408 = arith.constant 0 : i32
      %dma_start3A_1409 = tpu.memref_slice %arg4[%select_n3A_1276, %dma_start3A_1406, %add3A_1299, %dma_start3A_1407, %dma_start3A_1408] : memref<200x8x128x8x128xf32, #tpu.memory_space<hbm>> -> memref<1x1x1x8x128xf32, #tpu.memory_space<hbm>>
      %dma_start3A_1410 = arith.constant 5 : i32
      %dma_start3A_1411 = arith.constant 0 : i32
      %dma_start3A_1412 = arith.constant 0 : i32
      %dma_start3A_1413 = tpu.memref_slice %arg4[%select_n3A_1276, %dma_start3A_1410, %add3A_1299, %dma_start3A_1411, %dma_start3A_1412] : memref<200x8x128x8x128xf32, #tpu.memory_space<hbm>> -> memref<1x1x1x8x128xf32, #tpu.memory_space<hbm>>
      %dma_start3A_1414 = arith.constant 0 : i32
      %dma_start3A_1415 = arith.constant 5 : i32
      %dma_start3A_1416 = arith.constant 0 : i32
      %dma_start3A_1417 = arith.constant 0 : i32
      %dma_start3A_1418 = arith.constant 0 : i32
      %dma_start3A_1419 = tpu.memref_slice %arg12[%dma_start3A_1414, %dma_start3A_1415, %dma_start3A_1416, %dma_start3A_1417, %dma_start3A_1418] : memref<1x8x1x8x256xf32, #tpu.memory_space<vmem>> -> memref<1x1x1x8x128xf32, #tpu.memory_space<vmem>>
      tpu.enqueue_dma source(%dma_start3A_1419 : memref<1x1x1x8x128xf32, #tpu.memory_space<vmem>>) target(%dma_start3A_1413 : memref<1x1x1x8x128xf32, #tpu.memory_space<hbm>>) target_semaphore(%arg14 : memref<!tpu.dma_semaphore, #tpu.memory_space<semaphore_mem>>)
      %dma_start3A_1420 = arith.constant 0 : i32
      %dma_start3A_1421 = arith.constant 6 : i32
      %dma_start3A_1422 = arith.constant 0 : i32
      %dma_start3A_1423 = arith.constant 0 : i32
      %dma_start3A_1424 = arith.constant 0 : i32
      %dma_start3A_1425 = tpu.memref_slice %arg12[%dma_start3A_1420, %dma_start3A_1421, %dma_start3A_1422, %dma_start3A_1423, %dma_start3A_1424] : memref<1x8x1x8x256xf32, #tpu.memory_space<vmem>> -> memref<1x1x1x8x128xf32, #tpu.memory_space<vmem>>
      %dma_start3A_1426 = arith.constant 6 : i32
      %dma_start3A_1427 = arith.constant 0 : i32
      %dma_start3A_1428 = arith.constant 0 : i32
      %dma_start3A_1429 = tpu.memref_slice %arg4[%select_n3A_1276, %dma_start3A_1426, %add3A_1299, %dma_start3A_1427, %dma_start3A_1428] : memref<200x8x128x8x128xf32, #tpu.memory_space<hbm>> -> memref<1x1x1x8x128xf32, #tpu.memory_space<hbm>>
      %dma_start3A_1430 = arith.constant 6 : i32
      %dma_start3A_1431 = arith.constant 0 : i32
      %dma_start3A_1432 = arith.constant 0 : i32
      %dma_start3A_1433 = tpu.memref_slice %arg4[%select_n3A_1276, %dma_start3A_1430, %add3A_1299, %dma_start3A_1431, %dma_start3A_1432] : memref<200x8x128x8x128xf32, #tpu.memory_space<hbm>> -> memref<1x1x1x8x128xf32, #tpu.memory_space<hbm>>
      %dma_start3A_1434 = arith.constant 0 : i32
      %dma_start3A_1435 = arith.constant 6 : i32
      %dma_start3A_1436 = arith.constant 0 : i32
      %dma_start3A_1437 = arith.constant 0 : i32
      %dma_start3A_1438 = arith.constant 0 : i32
      %dma_start3A_1439 = tpu.memref_slice %arg12[%dma_start3A_1434, %dma_start3A_1435, %dma_start3A_1436, %dma_start3A_1437, %dma_start3A_1438] : memref<1x8x1x8x256xf32, #tpu.memory_space<vmem>> -> memref<1x1x1x8x128xf32, #tpu.memory_space<vmem>>
      tpu.enqueue_dma source(%dma_start3A_1439 : memref<1x1x1x8x128xf32, #tpu.memory_space<vmem>>) target(%dma_start3A_1433 : memref<1x1x1x8x128xf32, #tpu.memory_space<hbm>>) target_semaphore(%arg14 : memref<!tpu.dma_semaphore, #tpu.memory_space<semaphore_mem>>)
      %dma_start3A_1440 = arith.constant 0 : i32
      %dma_start3A_1441 = arith.constant 7 : i32
      %dma_start3A_1442 = arith.constant 0 : i32
      %dma_start3A_1443 = arith.constant 0 : i32
      %dma_start3A_1444 = arith.constant 0 : i32
      %dma_start3A_1445 = tpu.memref_slice %arg12[%dma_start3A_1440, %dma_start3A_1441, %dma_start3A_1442, %dma_start3A_1443, %dma_start3A_1444] : memref<1x8x1x8x256xf32, #tpu.memory_space<vmem>> -> memref<1x1x1x8x128xf32, #tpu.memory_space<vmem>>
      %dma_start3A_1446 = arith.constant 7 : i32
      %dma_start3A_1447 = arith.constant 0 : i32
      %dma_start3A_1448 = arith.constant 0 : i32
      %dma_start3A_1449 = tpu.memref_slice %arg4[%select_n3A_1276, %dma_start3A_1446, %add3A_1299, %dma_start3A_1447, %dma_start3A_1448] : memref<200x8x128x8x128xf32, #tpu.memory_space<hbm>> -> memref<1x1x1x8x128xf32, #tpu.memory_space<hbm>>
      %dma_start3A_1450 = arith.constant 7 : i32
      %dma_start3A_1451 = arith.constant 0 : i32
      %dma_start3A_1452 = arith.constant 0 : i32
      %dma_start3A_1453 = tpu.memref_slice %arg4[%select_n3A_1276, %dma_start3A_1450, %add3A_1299, %dma_start3A_1451, %dma_start3A_1452] : memref<200x8x128x8x128xf32, #tpu.memory_space<hbm>> -> memref<1x1x1x8x128xf32, #tpu.memory_space<hbm>>
      %dma_start3A_1454 = arith.constant 0 : i32
      %dma_start3A_1455 = arith.constant 7 : i32
      %dma_start3A_1456 = arith.constant 0 : i32
      %dma_start3A_1457 = arith.constant 0 : i32
      %dma_start3A_1458 = arith.constant 0 : i32
      %dma_start3A_1459 = tpu.memref_slice %arg12[%dma_start3A_1454, %dma_start3A_1455, %dma_start3A_1456, %dma_start3A_1457, %dma_start3A_1458] : memref<1x8x1x8x256xf32, #tpu.memory_space<vmem>> -> memref<1x1x1x8x128xf32, #tpu.memory_space<vmem>>
      tpu.enqueue_dma source(%dma_start3A_1459 : memref<1x1x1x8x128xf32, #tpu.memory_space<vmem>>) target(%dma_start3A_1453 : memref<1x1x1x8x128xf32, #tpu.memory_space<hbm>>) target_semaphore(%arg14 : memref<!tpu.dma_semaphore, #tpu.memory_space<semaphore_mem>>)
      %mul3A_1460 = arith.constant 2 : i32
      %mul3A_1461 = arith.muli %select_n3A_1292, %mul3A_1460 : i32
      %add3A_1462 = arith.constant 1 : i32
      %add3A_1463 = arith.addi %mul3A_1461, %add3A_1462 : i32
      %dma_start3A_1464 = arith.constant 0 : i32
      %dma_start3A_1465 = arith.constant 0 : i32
      %dma_start3A_1466 = arith.constant 0 : i32
      %dma_start3A_1467 = arith.constant 0 : i32
      %dma_start3A_1468 = arith.constant 128 : i32
      %dma_start3A_1469 = tpu.memref_slice %arg12[%dma_start3A_1464, %dma_start3A_1465, %dma_start3A_1466, %dma_start3A_1467, %dma_start3A_1468] : memref<1x8x1x8x256xf32, #tpu.memory_space<vmem>> -> memref<1x1x1x8x128xf32, #tpu.memory_space<vmem>>
      %dma_start3A_1470 = arith.constant 0 : i32
      %dma_start3A_1471 = arith.constant 0 : i32
      %dma_start3A_1472 = arith.constant 0 : i32
      %dma_start3A_1473 = tpu.memref_slice %arg4[%select_n3A_1276, %dma_start3A_1470, %add3A_1463, %dma_start3A_1471, %dma_start3A_1472] : memref<200x8x128x8x128xf32, #tpu.memory_space<hbm>> -> memref<1x1x1x8x128xf32, #tpu.memory_space<hbm>>
      %dma_start3A_1474 = arith.constant 0 : i32
      %dma_start3A_1475 = arith.constant 0 : i32
      %dma_start3A_1476 = arith.constant 0 : i32
      %dma_start3A_1477 = tpu.memref_slice %arg4[%select_n3A_1276, %dma_start3A_1474, %add3A_1463, %dma_start3A_1475, %dma_start3A_1476] : memref<200x8x128x8x128xf32, #tpu.memory_space<hbm>> -> memref<1x1x1x8x128xf32, #tpu.memory_space<hbm>>
      %dma_start3A_1478 = arith.constant 0 : i32
      %dma_start3A_1479 = arith.constant 0 : i32
      %dma_start3A_1480 = arith.constant 0 : i32
      %dma_start3A_1481 = arith.constant 0 : i32
      %dma_start3A_1482 = arith.constant 128 : i32
      %dma_start3A_1483 = tpu.memref_slice %arg12[%dma_start3A_1478, %dma_start3A_1479, %dma_start3A_1480, %dma_start3A_1481, %dma_start3A_1482] : memref<1x8x1x8x256xf32, #tpu.memory_space<vmem>> -> memref<1x1x1x8x128xf32, #tpu.memory_space<vmem>>
      tpu.enqueue_dma source(%dma_start3A_1483 : memref<1x1x1x8x128xf32, #tpu.memory_space<vmem>>) target(%dma_start3A_1477 : memref<1x1x1x8x128xf32, #tpu.memory_space<hbm>>) target_semaphore(%arg14 : memref<!tpu.dma_semaphore, #tpu.memory_space<semaphore_mem>>)
      %dma_start3A_1484 = arith.constant 0 : i32
      %dma_start3A_1485 = arith.constant 1 : i32
      %dma_start3A_1486 = arith.constant 0 : i32
      %dma_start3A_1487 = arith.constant 0 : i32
      %dma_start3A_1488 = arith.constant 128 : i32
      %dma_start3A_1489 = tpu.memref_slice %arg12[%dma_start3A_1484, %dma_start3A_1485, %dma_start3A_1486, %dma_start3A_1487, %dma_start3A_1488] : memref<1x8x1x8x256xf32, #tpu.memory_space<vmem>> -> memref<1x1x1x8x128xf32, #tpu.memory_space<vmem>>
      %dma_start3A_1490 = arith.constant 1 : i32
      %dma_start3A_1491 = arith.constant 0 : i32
      %dma_start3A_1492 = arith.constant 0 : i32
      %dma_start3A_1493 = tpu.memref_slice %arg4[%select_n3A_1276, %dma_start3A_1490, %add3A_1463, %dma_start3A_1491, %dma_start3A_1492] : memref<200x8x128x8x128xf32, #tpu.memory_space<hbm>> -> memref<1x1x1x8x128xf32, #tpu.memory_space<hbm>>
      %dma_start3A_1494 = arith.constant 1 : i32
      %dma_start3A_1495 = arith.constant 0 : i32
      %dma_start3A_1496 = arith.constant 0 : i32
      %dma_start3A_1497 = tpu.memref_slice %arg4[%select_n3A_1276, %dma_start3A_1494, %add3A_1463, %dma_start3A_1495, %dma_start3A_1496] : memref<200x8x128x8x128xf32, #tpu.memory_space<hbm>> -> memref<1x1x1x8x128xf32, #tpu.memory_space<hbm>>
      %dma_start3A_1498 = arith.constant 0 : i32
      %dma_start3A_1499 = arith.constant 1 : i32
      %dma_start3A_1500 = arith.constant 0 : i32
      %dma_start3A_1501 = arith.constant 0 : i32
      %dma_start3A_1502 = arith.constant 128 : i32
      %dma_start3A_1503 = tpu.memref_slice %arg12[%dma_start3A_1498, %dma_start3A_1499, %dma_start3A_1500, %dma_start3A_1501, %dma_start3A_1502] : memref<1x8x1x8x256xf32, #tpu.memory_space<vmem>> -> memref<1x1x1x8x128xf32, #tpu.memory_space<vmem>>
      tpu.enqueue_dma source(%dma_start3A_1503 : memref<1x1x1x8x128xf32, #tpu.memory_space<vmem>>) target(%dma_start3A_1497 : memref<1x1x1x8x128xf32, #tpu.memory_space<hbm>>) target_semaphore(%arg14 : memref<!tpu.dma_semaphore, #tpu.memory_space<semaphore_mem>>)
      %dma_start3A_1504 = arith.constant 0 : i32
      %dma_start3A_1505 = arith.constant 2 : i32
      %dma_start3A_1506 = arith.constant 0 : i32
      %dma_start3A_1507 = arith.constant 0 : i32
      %dma_start3A_1508 = arith.constant 128 : i32
      %dma_start3A_1509 = tpu.memref_slice %arg12[%dma_start3A_1504, %dma_start3A_1505, %dma_start3A_1506, %dma_start3A_1507, %dma_start3A_1508] : memref<1x8x1x8x256xf32, #tpu.memory_space<vmem>> -> memref<1x1x1x8x128xf32, #tpu.memory_space<vmem>>
      %dma_start3A_1510 = arith.constant 2 : i32
      %dma_start3A_1511 = arith.constant 0 : i32
      %dma_start3A_1512 = arith.constant 0 : i32
      %dma_start3A_1513 = tpu.memref_slice %arg4[%select_n3A_1276, %dma_start3A_1510, %add3A_1463, %dma_start3A_1511, %dma_start3A_1512] : memref<200x8x128x8x128xf32, #tpu.memory_space<hbm>> -> memref<1x1x1x8x128xf32, #tpu.memory_space<hbm>>
      %dma_start3A_1514 = arith.constant 2 : i32
      %dma_start3A_1515 = arith.constant 0 : i32
      %dma_start3A_1516 = arith.constant 0 : i32
      %dma_start3A_1517 = tpu.memref_slice %arg4[%select_n3A_1276, %dma_start3A_1514, %add3A_1463, %dma_start3A_1515, %dma_start3A_1516] : memref<200x8x128x8x128xf32, #tpu.memory_space<hbm>> -> memref<1x1x1x8x128xf32, #tpu.memory_space<hbm>>
      %dma_start3A_1518 = arith.constant 0 : i32
      %dma_start3A_1519 = arith.constant 2 : i32
      %dma_start3A_1520 = arith.constant 0 : i32
      %dma_start3A_1521 = arith.constant 0 : i32
      %dma_start3A_1522 = arith.constant 128 : i32
      %dma_start3A_1523 = tpu.memref_slice %arg12[%dma_start3A_1518, %dma_start3A_1519, %dma_start3A_1520, %dma_start3A_1521, %dma_start3A_1522] : memref<1x8x1x8x256xf32, #tpu.memory_space<vmem>> -> memref<1x1x1x8x128xf32, #tpu.memory_space<vmem>>
      tpu.enqueue_dma source(%dma_start3A_1523 : memref<1x1x1x8x128xf32, #tpu.memory_space<vmem>>) target(%dma_start3A_1517 : memref<1x1x1x8x128xf32, #tpu.memory_space<hbm>>) target_semaphore(%arg14 : memref<!tpu.dma_semaphore, #tpu.memory_space<semaphore_mem>>)
      %dma_start3A_1524 = arith.constant 0 : i32
      %dma_start3A_1525 = arith.constant 3 : i32
      %dma_start3A_1526 = arith.constant 0 : i32
      %dma_start3A_1527 = arith.constant 0 : i32
      %dma_start3A_1528 = arith.constant 128 : i32
      %dma_start3A_1529 = tpu.memref_slice %arg12[%dma_start3A_1524, %dma_start3A_1525, %dma_start3A_1526, %dma_start3A_1527, %dma_start3A_1528] : memref<1x8x1x8x256xf32, #tpu.memory_space<vmem>> -> memref<1x1x1x8x128xf32, #tpu.memory_space<vmem>>
      %dma_start3A_1530 = arith.constant 3 : i32
      %dma_start3A_1531 = arith.constant 0 : i32
      %dma_start3A_1532 = arith.constant 0 : i32
      %dma_start3A_1533 = tpu.memref_slice %arg4[%select_n3A_1276, %dma_start3A_1530, %add3A_1463, %dma_start3A_1531, %dma_start3A_1532] : memref<200x8x128x8x128xf32, #tpu.memory_space<hbm>> -> memref<1x1x1x8x128xf32, #tpu.memory_space<hbm>>
      %dma_start3A_1534 = arith.constant 3 : i32
      %dma_start3A_1535 = arith.constant 0 : i32
      %dma_start3A_1536 = arith.constant 0 : i32
      %dma_start3A_1537 = tpu.memref_slice %arg4[%select_n3A_1276, %dma_start3A_1534, %add3A_1463, %dma_start3A_1535, %dma_start3A_1536] : memref<200x8x128x8x128xf32, #tpu.memory_space<hbm>> -> memref<1x1x1x8x128xf32, #tpu.memory_space<hbm>>
      %dma_start3A_1538 = arith.constant 0 : i32
      %dma_start3A_1539 = arith.constant 3 : i32
      %dma_start3A_1540 = arith.constant 0 : i32
      %dma_start3A_1541 = arith.constant 0 : i32
      %dma_start3A_1542 = arith.constant 128 : i32
      %dma_start3A_1543 = tpu.memref_slice %arg12[%dma_start3A_1538, %dma_start3A_1539, %dma_start3A_1540, %dma_start3A_1541, %dma_start3A_1542] : memref<1x8x1x8x256xf32, #tpu.memory_space<vmem>> -> memref<1x1x1x8x128xf32, #tpu.memory_space<vmem>>
      tpu.enqueue_dma source(%dma_start3A_1543 : memref<1x1x1x8x128xf32, #tpu.memory_space<vmem>>) target(%dma_start3A_1537 : memref<1x1x1x8x128xf32, #tpu.memory_space<hbm>>) target_semaphore(%arg14 : memref<!tpu.dma_semaphore, #tpu.memory_space<semaphore_mem>>)
      %dma_start3A_1544 = arith.constant 0 : i32
      %dma_start3A_1545 = arith.constant 4 : i32
      %dma_start3A_1546 = arith.constant 0 : i32
      %dma_start3A_1547 = arith.constant 0 : i32
      %dma_start3A_1548 = arith.constant 128 : i32
      %dma_start3A_1549 = tpu.memref_slice %arg12[%dma_start3A_1544, %dma_start3A_1545, %dma_start3A_1546, %dma_start3A_1547, %dma_start3A_1548] : memref<1x8x1x8x256xf32, #tpu.memory_space<vmem>> -> memref<1x1x1x8x128xf32, #tpu.memory_space<vmem>>
      %dma_start3A_1550 = arith.constant 4 : i32
      %dma_start3A_1551 = arith.constant 0 : i32
      %dma_start3A_1552 = arith.constant 0 : i32
      %dma_start3A_1553 = tpu.memref_slice %arg4[%select_n3A_1276, %dma_start3A_1550, %add3A_1463, %dma_start3A_1551, %dma_start3A_1552] : memref<200x8x128x8x128xf32, #tpu.memory_space<hbm>> -> memref<1x1x1x8x128xf32, #tpu.memory_space<hbm>>
      %dma_start3A_1554 = arith.constant 4 : i32
      %dma_start3A_1555 = arith.constant 0 : i32
      %dma_start3A_1556 = arith.constant 0 : i32
      %dma_start3A_1557 = tpu.memref_slice %arg4[%select_n3A_1276, %dma_start3A_1554, %add3A_1463, %dma_start3A_1555, %dma_start3A_1556] : memref<200x8x128x8x128xf32, #tpu.memory_space<hbm>> -> memref<1x1x1x8x128xf32, #tpu.memory_space<hbm>>
      %dma_start3A_1558 = arith.constant 0 : i32
      %dma_start3A_1559 = arith.constant 4 : i32
      %dma_start3A_1560 = arith.constant 0 : i32
      %dma_start3A_1561 = arith.constant 0 : i32
      %dma_start3A_1562 = arith.constant 128 : i32
      %dma_start3A_1563 = tpu.memref_slice %arg12[%dma_start3A_1558, %dma_start3A_1559, %dma_start3A_1560, %dma_start3A_1561, %dma_start3A_1562] : memref<1x8x1x8x256xf32, #tpu.memory_space<vmem>> -> memref<1x1x1x8x128xf32, #tpu.memory_space<vmem>>
      tpu.enqueue_dma source(%dma_start3A_1563 : memref<1x1x1x8x128xf32, #tpu.memory_space<vmem>>) target(%dma_start3A_1557 : memref<1x1x1x8x128xf32, #tpu.memory_space<hbm>>) target_semaphore(%arg14 : memref<!tpu.dma_semaphore, #tpu.memory_space<semaphore_mem>>)
      %dma_start3A_1564 = arith.constant 0 : i32
      %dma_start3A_1565 = arith.constant 5 : i32
      %dma_start3A_1566 = arith.constant 0 : i32
      %dma_start3A_1567 = arith.constant 0 : i32
      %dma_start3A_1568 = arith.constant 128 : i32
      %dma_start3A_1569 = tpu.memref_slice %arg12[%dma_start3A_1564, %dma_start3A_1565, %dma_start3A_1566, %dma_start3A_1567, %dma_start3A_1568] : memref<1x8x1x8x256xf32, #tpu.memory_space<vmem>> -> memref<1x1x1x8x128xf32, #tpu.memory_space<vmem>>
      %dma_start3A_1570 = arith.constant 5 : i32
      %dma_start3A_1571 = arith.constant 0 : i32
      %dma_start3A_1572 = arith.constant 0 : i32
      %dma_start3A_1573 = tpu.memref_slice %arg4[%select_n3A_1276, %dma_start3A_1570, %add3A_1463, %dma_start3A_1571, %dma_start3A_1572] : memref<200x8x128x8x128xf32, #tpu.memory_space<hbm>> -> memref<1x1x1x8x128xf32, #tpu.memory_space<hbm>>
      %dma_start3A_1574 = arith.constant 5 : i32
      %dma_start3A_1575 = arith.constant 0 : i32
      %dma_start3A_1576 = arith.constant 0 : i32
      %dma_start3A_1577 = tpu.memref_slice %arg4[%select_n3A_1276, %dma_start3A_1574, %add3A_1463, %dma_start3A_1575, %dma_start3A_1576] : memref<200x8x128x8x128xf32, #tpu.memory_space<hbm>> -> memref<1x1x1x8x128xf32, #tpu.memory_space<hbm>>
      %dma_start3A_1578 = arith.constant 0 : i32
      %dma_start3A_1579 = arith.constant 5 : i32
      %dma_start3A_1580 = arith.constant 0 : i32
      %dma_start3A_1581 = arith.constant 0 : i32
      %dma_start3A_1582 = arith.constant 128 : i32
      %dma_start3A_1583 = tpu.memref_slice %arg12[%dma_start3A_1578, %dma_start3A_1579, %dma_start3A_1580, %dma_start3A_1581, %dma_start3A_1582] : memref<1x8x1x8x256xf32, #tpu.memory_space<vmem>> -> memref<1x1x1x8x128xf32, #tpu.memory_space<vmem>>
      tpu.enqueue_dma source(%dma_start3A_1583 : memref<1x1x1x8x128xf32, #tpu.memory_space<vmem>>) target(%dma_start3A_1577 : memref<1x1x1x8x128xf32, #tpu.memory_space<hbm>>) target_semaphore(%arg14 : memref<!tpu.dma_semaphore, #tpu.memory_space<semaphore_mem>>)
      %dma_start3A_1584 = arith.constant 0 : i32
      %dma_start3A_1585 = arith.constant 6 : i32
      %dma_start3A_1586 = arith.constant 0 : i32
      %dma_start3A_1587 = arith.constant 0 : i32
      %dma_start3A_1588 = arith.constant 128 : i32
      %dma_start3A_1589 = tpu.memref_slice %arg12[%dma_start3A_1584, %dma_start3A_1585, %dma_start3A_1586, %dma_start3A_1587, %dma_start3A_1588] : memref<1x8x1x8x256xf32, #tpu.memory_space<vmem>> -> memref<1x1x1x8x128xf32, #tpu.memory_space<vmem>>
      %dma_start3A_1590 = arith.constant 6 : i32
      %dma_start3A_1591 = arith.constant 0 : i32
      %dma_start3A_1592 = arith.constant 0 : i32
      %dma_start3A_1593 = tpu.memref_slice %arg4[%select_n3A_1276, %dma_start3A_1590, %add3A_1463, %dma_start3A_1591, %dma_start3A_1592] : memref<200x8x128x8x128xf32, #tpu.memory_space<hbm>> -> memref<1x1x1x8x128xf32, #tpu.memory_space<hbm>>
      %dma_start3A_1594 = arith.constant 6 : i32
      %dma_start3A_1595 = arith.constant 0 : i32
      %dma_start3A_1596 = arith.constant 0 : i32
      %dma_start3A_1597 = tpu.memref_slice %arg4[%select_n3A_1276, %dma_start3A_1594, %add3A_1463, %dma_start3A_1595, %dma_start3A_1596] : memref<200x8x128x8x128xf32, #tpu.memory_space<hbm>> -> memref<1x1x1x8x128xf32, #tpu.memory_space<hbm>>
      %dma_start3A_1598 = arith.constant 0 : i32
      %dma_start3A_1599 = arith.constant 6 : i32
      %dma_start3A_1600 = arith.constant 0 : i32
      %dma_start3A_1601 = arith.constant 0 : i32
      %dma_start3A_1602 = arith.constant 128 : i32
      %dma_start3A_1603 = tpu.memref_slice %arg12[%dma_start3A_1598, %dma_start3A_1599, %dma_start3A_1600, %dma_start3A_1601, %dma_start3A_1602] : memref<1x8x1x8x256xf32, #tpu.memory_space<vmem>> -> memref<1x1x1x8x128xf32, #tpu.memory_space<vmem>>
      tpu.enqueue_dma source(%dma_start3A_1603 : memref<1x1x1x8x128xf32, #tpu.memory_space<vmem>>) target(%dma_start3A_1597 : memref<1x1x1x8x128xf32, #tpu.memory_space<hbm>>) target_semaphore(%arg14 : memref<!tpu.dma_semaphore, #tpu.memory_space<semaphore_mem>>)
      %dma_start3A_1604 = arith.constant 0 : i32
      %dma_start3A_1605 = arith.constant 7 : i32
      %dma_start3A_1606 = arith.constant 0 : i32
      %dma_start3A_1607 = arith.constant 0 : i32
      %dma_start3A_1608 = arith.constant 128 : i32
      %dma_start3A_1609 = tpu.memref_slice %arg12[%dma_start3A_1604, %dma_start3A_1605, %dma_start3A_1606, %dma_start3A_1607, %dma_start3A_1608] : memref<1x8x1x8x256xf32, #tpu.memory_space<vmem>> -> memref<1x1x1x8x128xf32, #tpu.memory_space<vmem>>
      %dma_start3A_1610 = arith.constant 7 : i32
      %dma_start3A_1611 = arith.constant 0 : i32
      %dma_start3A_1612 = arith.constant 0 : i32
      %dma_start3A_1613 = tpu.memref_slice %arg4[%select_n3A_1276, %dma_start3A_1610, %add3A_1463, %dma_start3A_1611, %dma_start3A_1612] : memref<200x8x128x8x128xf32, #tpu.memory_space<hbm>> -> memref<1x1x1x8x128xf32, #tpu.memory_space<hbm>>
      %dma_start3A_1614 = arith.constant 7 : i32
      %dma_start3A_1615 = arith.constant 0 : i32
      %dma_start3A_1616 = arith.constant 0 : i32
      %dma_start3A_1617 = tpu.memref_slice %arg4[%select_n3A_1276, %dma_start3A_1614, %add3A_1463, %dma_start3A_1615, %dma_start3A_1616] : memref<200x8x128x8x128xf32, #tpu.memory_space<hbm>> -> memref<1x1x1x8x128xf32, #tpu.memory_space<hbm>>
      %dma_start3A_1618 = arith.constant 0 : i32
      %dma_start3A_1619 = arith.constant 7 : i32
      %dma_start3A_1620 = arith.constant 0 : i32
      %dma_start3A_1621 = arith.constant 0 : i32
      %dma_start3A_1622 = arith.constant 128 : i32
      %dma_start3A_1623 = tpu.memref_slice %arg12[%dma_start3A_1618, %dma_start3A_1619, %dma_start3A_1620, %dma_start3A_1621, %dma_start3A_1622] : memref<1x8x1x8x256xf32, #tpu.memory_space<vmem>> -> memref<1x1x1x8x128xf32, #tpu.memory_space<vmem>>
      tpu.enqueue_dma source(%dma_start3A_1623 : memref<1x1x1x8x128xf32, #tpu.memory_space<vmem>>) target(%dma_start3A_1617 : memref<1x1x1x8x128xf32, #tpu.memory_space<hbm>>) target_semaphore(%arg14 : memref<!tpu.dma_semaphore, #tpu.memory_space<semaphore_mem>>)
      %add3A_1624 = arith.constant 2 : i32
      %add3A_1625 = arith.addi %add3A_1236, %add3A_1624 : i32
      %lt3A_1626 = arith.constant 400 : i32
      %lt3A_1627 = arith.cmpi slt, %add3A_1625, %lt3A_1626 : i32
      %convert_element_type3A_1628 = arith.extui %lt3A_1627 : i1 to i32
      %cond3A_1629 = arith.constant 0 : i32
      %cond3A_1630 = arith.cmpi ne, %convert_element_type3A_1628, %cond3A_1629 : i32
      scf.if %cond3A_1630 {
        %dma_start3A_1631 = arith.constant 0 : i32
        %dma_start3A_1632 = arith.constant 0 : i32
        %dma_start3A_1633 = tpu.memref_slice %arg3[%dma_start3A_1631, %dma_start3A_1632] : memref<100001x72xf32, #tpu.memory_space<hbm>> -> memref<100001x72xf32, #tpu.memory_space<hbm>>
        tpu.enqueue_indirect_dma source(%dma_start3A_1633 : memref<100001x72xf32, #tpu.memory_space<hbm>>) target(%arg11 : memref<256x72xf32, #tpu.memory_space<vmem>>) offsets(%arg10 : memref<256xi32, #tpu.memory_space<vmem>>) semaphore(%arg13 : memref<!tpu.dma_semaphore, #tpu.memory_space<semaphore_mem>>)
      } else {
      }
    }
    %scan3A_90 = arith.constant 200 : i32
    %add3A_91 = arith.constant 400 : i32
    %add3A_92 = arith.addi %mul3A_2, %add3A_91 : i32
    %sub3A_93 = arith.constant 2 : i32
    %sub3A_94 = arith.subi %add3A_92, %sub3A_93 : i32
    %add3A_95 = arith.constant 0 : i32
    %add3A_96 = arith.addi %sub3A_94, %add3A_95 : i32
    %jit3A_97 = arith.constant 64 : i32
    %div3A_98 = arith.divsi %add3A_96, %jit3A_97 : i32
    %sign3A_99 = arith.constant 0 : i32
    %sign3A_100 = arith.cmpi sgt, %add3A_96, %sign3A_99 : i32
    %sign3A_101 = arith.extui %sign3A_100 : i1 to i32
    %sign3A_102 = arith.constant 0 : i32
    %sign3A_103 = arith.cmpi slt, %add3A_96, %sign3A_102 : i32
    %sign3A_104 = arith.extui %sign3A_103 : i1 to i32
    %sign3A_105 = arith.subi %sign3A_101, %sign3A_104 : i32
    %sign3A_106 = arith.constant 0 : i32
    %sign3A_107 = arith.cmpi sgt, %jit3A_97, %sign3A_106 : i32
    %sign3A_108 = arith.extui %sign3A_107 : i1 to i32
    %sign3A_109 = arith.constant 0 : i32
    %sign3A_110 = arith.cmpi slt, %jit3A_97, %sign3A_109 : i32
    %sign3A_111 = arith.extui %sign3A_110 : i1 to i32
    %sign3A_112 = arith.subi %sign3A_108, %sign3A_111 : i32
    %ne3A_113 = arith.cmpi ne, %sign3A_105, %sign3A_112 : i32
    %rem3A_114 = arith.remsi %add3A_96, %jit3A_97 : i32
    %ne3A_115 = arith.constant 0 : i32
    %ne3A_116 = arith.cmpi ne, %rem3A_114, %ne3A_115 : i32
    %and3A_117 = arith.andi %ne3A_113, %ne3A_116 : i1
    %sub3A_118 = arith.constant 1 : i32
    %sub3A_119 = arith.subi %div3A_98, %sub3A_118 : i32
    %select_n3A_120 = arith.select %and3A_117, %sub3A_119, %div3A_98 : i32
    %jit3A_121 = arith.constant 64 : i32
    %eq3A_122 = arith.constant 0 : i32
    %eq3A_123 = arith.cmpi eq, %jit3A_121, %eq3A_122 : i32
    %jit3A_124 = arith.constant 1 : i32
    %select_n3A_125 = arith.select %eq3A_123, %jit3A_124, %jit3A_121 : i32
    %rem3A_126 = arith.remsi %add3A_96, %select_n3A_125 : i32
    %ne3A_127 = arith.constant 0 : i32
    %ne3A_128 = arith.cmpi ne, %rem3A_126, %ne3A_127 : i32
    %lt3A_129 = arith.constant 0 : i32
    %lt3A_130 = arith.cmpi slt, %rem3A_126, %lt3A_129 : i32
    %lt3A_131 = arith.constant 0 : i32
    %lt3A_132 = arith.cmpi slt, %select_n3A_125, %lt3A_131 : i32
    %ne3A_133 = arith.xori %lt3A_130, %lt3A_132 : i1
    %and3A_134 = arith.andi %ne3A_133, %ne3A_128 : i1
    %add3A_135 = arith.addi %rem3A_126, %select_n3A_125 : i32
    %select_n3A_136 = arith.select %and3A_134, %add3A_135, %rem3A_126 : i32
    %mul3A_137 = arith.constant 2 : i32
    %mul3A_138 = arith.muli %select_n3A_136, %mul3A_137 : i32
    %add3A_139 = arith.constant 0 : i32
    %add3A_140 = arith.addi %mul3A_138, %add3A_139 : i32
    %dma_wait3A = arith.constant 0 : i32
    %dma_wait3A_141 = arith.constant 0 : i32
    %dma_wait3A_142 = arith.constant 0 : i32
    %dma_wait3A_143 = arith.constant 0 : i32
    %dma_wait3A_144 = arith.constant 0 : i32
    %dma_wait3A_145 = tpu.memref_slice %arg7[%dma_wait3A, %dma_wait3A_141, %dma_wait3A_142, %dma_wait3A_143, %dma_wait3A_144] : memref<1x8x1x8x256xf32, #tpu.memory_space<vmem>> -> memref<1x1x1x8x128xf32, #tpu.memory_space<vmem>>
    %dma_wait3A_146 = arith.constant 0 : i32
    %dma_wait3A_147 = arith.constant 0 : i32
    %dma_wait3A_148 = arith.constant 0 : i32
    %dma_wait3A_149 = tpu.memref_slice %arg4[%select_n3A_120, %dma_wait3A_146, %add3A_140, %dma_wait3A_147, %dma_wait3A_148] : memref<200x8x128x8x128xf32, #tpu.memory_space<hbm>> -> memref<1x1x1x8x128xf32, #tpu.memory_space<hbm>>
    %dma_wait3A_150 = arith.constant 0 : i32
    %dma_wait3A_151 = arith.constant 0 : i32
    %dma_wait3A_152 = arith.constant 0 : i32
    %dma_wait3A_153 = tpu.memref_slice %arg4[%select_n3A_120, %dma_wait3A_150, %add3A_140, %dma_wait3A_151, %dma_wait3A_152] : memref<200x8x128x8x128xf32, #tpu.memory_space<hbm>> -> memref<1x1x1x8x128xf32, #tpu.memory_space<hbm>>
    %dma_wait3A_154 = arith.constant 0 : i32
    %dma_wait3A_155 = arith.constant 0 : i32
    %dma_wait3A_156 = arith.constant 0 : i32
    %dma_wait3A_157 = arith.constant 0 : i32
    %dma_wait3A_158 = arith.constant 0 : i32
    %dma_wait3A_159 = tpu.memref_slice %arg7[%dma_wait3A_154, %dma_wait3A_155, %dma_wait3A_156, %dma_wait3A_157, %dma_wait3A_158] : memref<1x8x1x8x256xf32, #tpu.memory_space<vmem>> -> memref<1x1x1x8x128xf32, #tpu.memory_space<vmem>>
    tpu.wait_dma2 semaphore(%arg9 : memref<!tpu.dma_semaphore, #tpu.memory_space<semaphore_mem>>) src(%dma_wait3A_159 : memref<1x1x1x8x128xf32, #tpu.memory_space<vmem>>) dst(%dma_wait3A_153 : memref<1x1x1x8x128xf32, #tpu.memory_space<hbm>>)
    %dma_wait3A_160 = arith.constant 0 : i32
    %dma_wait3A_161 = arith.constant 1 : i32
    %dma_wait3A_162 = arith.constant 0 : i32
    %dma_wait3A_163 = arith.constant 0 : i32
    %dma_wait3A_164 = arith.constant 0 : i32
    %dma_wait3A_165 = tpu.memref_slice %arg7[%dma_wait3A_160, %dma_wait3A_161, %dma_wait3A_162, %dma_wait3A_163, %dma_wait3A_164] : memref<1x8x1x8x256xf32, #tpu.memory_space<vmem>> -> memref<1x1x1x8x128xf32, #tpu.memory_space<vmem>>
    %dma_wait3A_166 = arith.constant 1 : i32
    %dma_wait3A_167 = arith.constant 0 : i32
    %dma_wait3A_168 = arith.constant 0 : i32
    %dma_wait3A_169 = tpu.memref_slice %arg4[%select_n3A_120, %dma_wait3A_166, %add3A_140, %dma_wait3A_167, %dma_wait3A_168] : memref<200x8x128x8x128xf32, #tpu.memory_space<hbm>> -> memref<1x1x1x8x128xf32, #tpu.memory_space<hbm>>
    %dma_wait3A_170 = arith.constant 1 : i32
    %dma_wait3A_171 = arith.constant 0 : i32
    %dma_wait3A_172 = arith.constant 0 : i32
    %dma_wait3A_173 = tpu.memref_slice %arg4[%select_n3A_120, %dma_wait3A_170, %add3A_140, %dma_wait3A_171, %dma_wait3A_172] : memref<200x8x128x8x128xf32, #tpu.memory_space<hbm>> -> memref<1x1x1x8x128xf32, #tpu.memory_space<hbm>>
    %dma_wait3A_174 = arith.constant 0 : i32
    %dma_wait3A_175 = arith.constant 1 : i32
    %dma_wait3A_176 = arith.constant 0 : i32
    %dma_wait3A_177 = arith.constant 0 : i32
    %dma_wait3A_178 = arith.constant 0 : i32
    %dma_wait3A_179 = tpu.memref_slice %arg7[%dma_wait3A_174, %dma_wait3A_175, %dma_wait3A_176, %dma_wait3A_177, %dma_wait3A_178] : memref<1x8x1x8x256xf32, #tpu.memory_space<vmem>> -> memref<1x1x1x8x128xf32, #tpu.memory_space<vmem>>
    tpu.wait_dma2 semaphore(%arg9 : memref<!tpu.dma_semaphore, #tpu.memory_space<semaphore_mem>>) src(%dma_wait3A_179 : memref<1x1x1x8x128xf32, #tpu.memory_space<vmem>>) dst(%dma_wait3A_173 : memref<1x1x1x8x128xf32, #tpu.memory_space<hbm>>)
    %dma_wait3A_180 = arith.constant 0 : i32
    %dma_wait3A_181 = arith.constant 2 : i32
    %dma_wait3A_182 = arith.constant 0 : i32
    %dma_wait3A_183 = arith.constant 0 : i32
    %dma_wait3A_184 = arith.constant 0 : i32
    %dma_wait3A_185 = tpu.memref_slice %arg7[%dma_wait3A_180, %dma_wait3A_181, %dma_wait3A_182, %dma_wait3A_183, %dma_wait3A_184] : memref<1x8x1x8x256xf32, #tpu.memory_space<vmem>> -> memref<1x1x1x8x128xf32, #tpu.memory_space<vmem>>
    %dma_wait3A_186 = arith.constant 2 : i32
    %dma_wait3A_187 = arith.constant 0 : i32
    %dma_wait3A_188 = arith.constant 0 : i32
    %dma_wait3A_189 = tpu.memref_slice %arg4[%select_n3A_120, %dma_wait3A_186, %add3A_140, %dma_wait3A_187, %dma_wait3A_188] : memref<200x8x128x8x128xf32, #tpu.memory_space<hbm>> -> memref<1x1x1x8x128xf32, #tpu.memory_space<hbm>>
    %dma_wait3A_190 = arith.constant 2 : i32
    %dma_wait3A_191 = arith.constant 0 : i32
    %dma_wait3A_192 = arith.constant 0 : i32
    %dma_wait3A_193 = tpu.memref_slice %arg4[%select_n3A_120, %dma_wait3A_190, %add3A_140, %dma_wait3A_191, %dma_wait3A_192] : memref<200x8x128x8x128xf32, #tpu.memory_space<hbm>> -> memref<1x1x1x8x128xf32, #tpu.memory_space<hbm>>
    %dma_wait3A_194 = arith.constant 0 : i32
    %dma_wait3A_195 = arith.constant 2 : i32
    %dma_wait3A_196 = arith.constant 0 : i32
    %dma_wait3A_197 = arith.constant 0 : i32
    %dma_wait3A_198 = arith.constant 0 : i32
    %dma_wait3A_199 = tpu.memref_slice %arg7[%dma_wait3A_194, %dma_wait3A_195, %dma_wait3A_196, %dma_wait3A_197, %dma_wait3A_198] : memref<1x8x1x8x256xf32, #tpu.memory_space<vmem>> -> memref<1x1x1x8x128xf32, #tpu.memory_space<vmem>>
    tpu.wait_dma2 semaphore(%arg9 : memref<!tpu.dma_semaphore, #tpu.memory_space<semaphore_mem>>) src(%dma_wait3A_199 : memref<1x1x1x8x128xf32, #tpu.memory_space<vmem>>) dst(%dma_wait3A_193 : memref<1x1x1x8x128xf32, #tpu.memory_space<hbm>>)
    %dma_wait3A_200 = arith.constant 0 : i32
    %dma_wait3A_201 = arith.constant 3 : i32
    %dma_wait3A_202 = arith.constant 0 : i32
    %dma_wait3A_203 = arith.constant 0 : i32
    %dma_wait3A_204 = arith.constant 0 : i32
    %dma_wait3A_205 = tpu.memref_slice %arg7[%dma_wait3A_200, %dma_wait3A_201, %dma_wait3A_202, %dma_wait3A_203, %dma_wait3A_204] : memref<1x8x1x8x256xf32, #tpu.memory_space<vmem>> -> memref<1x1x1x8x128xf32, #tpu.memory_space<vmem>>
    %dma_wait3A_206 = arith.constant 3 : i32
    %dma_wait3A_207 = arith.constant 0 : i32
    %dma_wait3A_208 = arith.constant 0 : i32
    %dma_wait3A_209 = tpu.memref_slice %arg4[%select_n3A_120, %dma_wait3A_206, %add3A_140, %dma_wait3A_207, %dma_wait3A_208] : memref<200x8x128x8x128xf32, #tpu.memory_space<hbm>> -> memref<1x1x1x8x128xf32, #tpu.memory_space<hbm>>
    %dma_wait3A_210 = arith.constant 3 : i32
    %dma_wait3A_211 = arith.constant 0 : i32
    %dma_wait3A_212 = arith.constant 0 : i32
    %dma_wait3A_213 = tpu.memref_slice %arg4[%select_n3A_120, %dma_wait3A_210, %add3A_140, %dma_wait3A_211, %dma_wait3A_212] : memref<200x8x128x8x128xf32, #tpu.memory_space<hbm>> -> memref<1x1x1x8x128xf32, #tpu.memory_space<hbm>>
    %dma_wait3A_214 = arith.constant 0 : i32
    %dma_wait3A_215 = arith.constant 3 : i32
    %dma_wait3A_216 = arith.constant 0 : i32
    %dma_wait3A_217 = arith.constant 0 : i32
    %dma_wait3A_218 = arith.constant 0 : i32
    %dma_wait3A_219 = tpu.memref_slice %arg7[%dma_wait3A_214, %dma_wait3A_215, %dma_wait3A_216, %dma_wait3A_217, %dma_wait3A_218] : memref<1x8x1x8x256xf32, #tpu.memory_space<vmem>> -> memref<1x1x1x8x128xf32, #tpu.memory_space<vmem>>
    tpu.wait_dma2 semaphore(%arg9 : memref<!tpu.dma_semaphore, #tpu.memory_space<semaphore_mem>>) src(%dma_wait3A_219 : memref<1x1x1x8x128xf32, #tpu.memory_space<vmem>>) dst(%dma_wait3A_213 : memref<1x1x1x8x128xf32, #tpu.memory_space<hbm>>)
    %dma_wait3A_220 = arith.constant 0 : i32
    %dma_wait3A_221 = arith.constant 4 : i32
    %dma_wait3A_222 = arith.constant 0 : i32
    %dma_wait3A_223 = arith.constant 0 : i32
    %dma_wait3A_224 = arith.constant 0 : i32
    %dma_wait3A_225 = tpu.memref_slice %arg7[%dma_wait3A_220, %dma_wait3A_221, %dma_wait3A_222, %dma_wait3A_223, %dma_wait3A_224] : memref<1x8x1x8x256xf32, #tpu.memory_space<vmem>> -> memref<1x1x1x8x128xf32, #tpu.memory_space<vmem>>
    %dma_wait3A_226 = arith.constant 4 : i32
    %dma_wait3A_227 = arith.constant 0 : i32
    %dma_wait3A_228 = arith.constant 0 : i32
    %dma_wait3A_229 = tpu.memref_slice %arg4[%select_n3A_120, %dma_wait3A_226, %add3A_140, %dma_wait3A_227, %dma_wait3A_228] : memref<200x8x128x8x128xf32, #tpu.memory_space<hbm>> -> memref<1x1x1x8x128xf32, #tpu.memory_space<hbm>>
    %dma_wait3A_230 = arith.constant 4 : i32
    %dma_wait3A_231 = arith.constant 0 : i32
    %dma_wait3A_232 = arith.constant 0 : i32
    %dma_wait3A_233 = tpu.memref_slice %arg4[%select_n3A_120, %dma_wait3A_230, %add3A_140, %dma_wait3A_231, %dma_wait3A_232] : memref<200x8x128x8x128xf32, #tpu.memory_space<hbm>> -> memref<1x1x1x8x128xf32, #tpu.memory_space<hbm>>
    %dma_wait3A_234 = arith.constant 0 : i32
    %dma_wait3A_235 = arith.constant 4 : i32
    %dma_wait3A_236 = arith.constant 0 : i32
    %dma_wait3A_237 = arith.constant 0 : i32
    %dma_wait3A_238 = arith.constant 0 : i32
    %dma_wait3A_239 = tpu.memref_slice %arg7[%dma_wait3A_234, %dma_wait3A_235, %dma_wait3A_236, %dma_wait3A_237, %dma_wait3A_238] : memref<1x8x1x8x256xf32, #tpu.memory_space<vmem>> -> memref<1x1x1x8x128xf32, #tpu.memory_space<vmem>>
    tpu.wait_dma2 semaphore(%arg9 : memref<!tpu.dma_semaphore, #tpu.memory_space<semaphore_mem>>) src(%dma_wait3A_239 : memref<1x1x1x8x128xf32, #tpu.memory_space<vmem>>) dst(%dma_wait3A_233 : memref<1x1x1x8x128xf32, #tpu.memory_space<hbm>>)
    %dma_wait3A_240 = arith.constant 0 : i32
    %dma_wait3A_241 = arith.constant 5 : i32
    %dma_wait3A_242 = arith.constant 0 : i32
    %dma_wait3A_243 = arith.constant 0 : i32
    %dma_wait3A_244 = arith.constant 0 : i32
    %dma_wait3A_245 = tpu.memref_slice %arg7[%dma_wait3A_240, %dma_wait3A_241, %dma_wait3A_242, %dma_wait3A_243, %dma_wait3A_244] : memref<1x8x1x8x256xf32, #tpu.memory_space<vmem>> -> memref<1x1x1x8x128xf32, #tpu.memory_space<vmem>>
    %dma_wait3A_246 = arith.constant 5 : i32
    %dma_wait3A_247 = arith.constant 0 : i32
    %dma_wait3A_248 = arith.constant 0 : i32
    %dma_wait3A_249 = tpu.memref_slice %arg4[%select_n3A_120, %dma_wait3A_246, %add3A_140, %dma_wait3A_247, %dma_wait3A_248] : memref<200x8x128x8x128xf32, #tpu.memory_space<hbm>> -> memref<1x1x1x8x128xf32, #tpu.memory_space<hbm>>
    %dma_wait3A_250 = arith.constant 5 : i32
    %dma_wait3A_251 = arith.constant 0 : i32
    %dma_wait3A_252 = arith.constant 0 : i32
    %dma_wait3A_253 = tpu.memref_slice %arg4[%select_n3A_120, %dma_wait3A_250, %add3A_140, %dma_wait3A_251, %dma_wait3A_252] : memref<200x8x128x8x128xf32, #tpu.memory_space<hbm>> -> memref<1x1x1x8x128xf32, #tpu.memory_space<hbm>>
    %dma_wait3A_254 = arith.constant 0 : i32
    %dma_wait3A_255 = arith.constant 5 : i32
    %dma_wait3A_256 = arith.constant 0 : i32
    %dma_wait3A_257 = arith.constant 0 : i32
    %dma_wait3A_258 = arith.constant 0 : i32
    %dma_wait3A_259 = tpu.memref_slice %arg7[%dma_wait3A_254, %dma_wait3A_255, %dma_wait3A_256, %dma_wait3A_257, %dma_wait3A_258] : memref<1x8x1x8x256xf32, #tpu.memory_space<vmem>> -> memref<1x1x1x8x128xf32, #tpu.memory_space<vmem>>
    tpu.wait_dma2 semaphore(%arg9 : memref<!tpu.dma_semaphore, #tpu.memory_space<semaphore_mem>>) src(%dma_wait3A_259 : memref<1x1x1x8x128xf32, #tpu.memory_space<vmem>>) dst(%dma_wait3A_253 : memref<1x1x1x8x128xf32, #tpu.memory_space<hbm>>)
    %dma_wait3A_260 = arith.constant 0 : i32
    %dma_wait3A_261 = arith.constant 6 : i32
    %dma_wait3A_262 = arith.constant 0 : i32
    %dma_wait3A_263 = arith.constant 0 : i32
    %dma_wait3A_264 = arith.constant 0 : i32
    %dma_wait3A_265 = tpu.memref_slice %arg7[%dma_wait3A_260, %dma_wait3A_261, %dma_wait3A_262, %dma_wait3A_263, %dma_wait3A_264] : memref<1x8x1x8x256xf32, #tpu.memory_space<vmem>> -> memref<1x1x1x8x128xf32, #tpu.memory_space<vmem>>
    %dma_wait3A_266 = arith.constant 6 : i32
    %dma_wait3A_267 = arith.constant 0 : i32
    %dma_wait3A_268 = arith.constant 0 : i32
    %dma_wait3A_269 = tpu.memref_slice %arg4[%select_n3A_120, %dma_wait3A_266, %add3A_140, %dma_wait3A_267, %dma_wait3A_268] : memref<200x8x128x8x128xf32, #tpu.memory_space<hbm>> -> memref<1x1x1x8x128xf32, #tpu.memory_space<hbm>>
    %dma_wait3A_270 = arith.constant 6 : i32
    %dma_wait3A_271 = arith.constant 0 : i32
    %dma_wait3A_272 = arith.constant 0 : i32
    %dma_wait3A_273 = tpu.memref_slice %arg4[%select_n3A_120, %dma_wait3A_270, %add3A_140, %dma_wait3A_271, %dma_wait3A_272] : memref<200x8x128x8x128xf32, #tpu.memory_space<hbm>> -> memref<1x1x1x8x128xf32, #tpu.memory_space<hbm>>
    %dma_wait3A_274 = arith.constant 0 : i32
    %dma_wait3A_275 = arith.constant 6 : i32
    %dma_wait3A_276 = arith.constant 0 : i32
    %dma_wait3A_277 = arith.constant 0 : i32
    %dma_wait3A_278 = arith.constant 0 : i32
    %dma_wait3A_279 = tpu.memref_slice %arg7[%dma_wait3A_274, %dma_wait3A_275, %dma_wait3A_276, %dma_wait3A_277, %dma_wait3A_278] : memref<1x8x1x8x256xf32, #tpu.memory_space<vmem>> -> memref<1x1x1x8x128xf32, #tpu.memory_space<vmem>>
    tpu.wait_dma2 semaphore(%arg9 : memref<!tpu.dma_semaphore, #tpu.memory_space<semaphore_mem>>) src(%dma_wait3A_279 : memref<1x1x1x8x128xf32, #tpu.memory_space<vmem>>) dst(%dma_wait3A_273 : memref<1x1x1x8x128xf32, #tpu.memory_space<hbm>>)
    %dma_wait3A_280 = arith.constant 0 : i32
    %dma_wait3A_281 = arith.constant 7 : i32
    %dma_wait3A_282 = arith.constant 0 : i32
    %dma_wait3A_283 = arith.constant 0 : i32
    %dma_wait3A_284 = arith.constant 0 : i32
    %dma_wait3A_285 = tpu.memref_slice %arg7[%dma_wait3A_280, %dma_wait3A_281, %dma_wait3A_282, %dma_wait3A_283, %dma_wait3A_284] : memref<1x8x1x8x256xf32, #tpu.memory_space<vmem>> -> memref<1x1x1x8x128xf32, #tpu.memory_space<vmem>>
    %dma_wait3A_286 = arith.constant 7 : i32
    %dma_wait3A_287 = arith.constant 0 : i32
    %dma_wait3A_288 = arith.constant 0 : i32
    %dma_wait3A_289 = tpu.memref_slice %arg4[%select_n3A_120, %dma_wait3A_286, %add3A_140, %dma_wait3A_287, %dma_wait3A_288] : memref<200x8x128x8x128xf32, #tpu.memory_space<hbm>> -> memref<1x1x1x8x128xf32, #tpu.memory_space<hbm>>
    %dma_wait3A_290 = arith.constant 7 : i32
    %dma_wait3A_291 = arith.constant 0 : i32
    %dma_wait3A_292 = arith.constant 0 : i32
    %dma_wait3A_293 = tpu.memref_slice %arg4[%select_n3A_120, %dma_wait3A_290, %add3A_140, %dma_wait3A_291, %dma_wait3A_292] : memref<200x8x128x8x128xf32, #tpu.memory_space<hbm>> -> memref<1x1x1x8x128xf32, #tpu.memory_space<hbm>>
    %dma_wait3A_294 = arith.constant 0 : i32
    %dma_wait3A_295 = arith.constant 7 : i32
    %dma_wait3A_296 = arith.constant 0 : i32
    %dma_wait3A_297 = arith.constant 0 : i32
    %dma_wait3A_298 = arith.constant 0 : i32
    %dma_wait3A_299 = tpu.memref_slice %arg7[%dma_wait3A_294, %dma_wait3A_295, %dma_wait3A_296, %dma_wait3A_297, %dma_wait3A_298] : memref<1x8x1x8x256xf32, #tpu.memory_space<vmem>> -> memref<1x1x1x8x128xf32, #tpu.memory_space<vmem>>
    tpu.wait_dma2 semaphore(%arg9 : memref<!tpu.dma_semaphore, #tpu.memory_space<semaphore_mem>>) src(%dma_wait3A_299 : memref<1x1x1x8x128xf32, #tpu.memory_space<vmem>>) dst(%dma_wait3A_293 : memref<1x1x1x8x128xf32, #tpu.memory_space<hbm>>)
    %mul3A_300 = arith.constant 2 : i32
    %mul3A_301 = arith.muli %select_n3A_136, %mul3A_300 : i32
    %add3A_302 = arith.constant 1 : i32
    %add3A_303 = arith.addi %mul3A_301, %add3A_302 : i32
    %dma_wait3A_304 = arith.constant 0 : i32
    %dma_wait3A_305 = arith.constant 0 : i32
    %dma_wait3A_306 = arith.constant 0 : i32
    %dma_wait3A_307 = arith.constant 0 : i32
    %dma_wait3A_308 = arith.constant 128 : i32
    %dma_wait3A_309 = tpu.memref_slice %arg7[%dma_wait3A_304, %dma_wait3A_305, %dma_wait3A_306, %dma_wait3A_307, %dma_wait3A_308] : memref<1x8x1x8x256xf32, #tpu.memory_space<vmem>> -> memref<1x1x1x8x128xf32, #tpu.memory_space<vmem>>
    %dma_wait3A_310 = arith.constant 0 : i32
    %dma_wait3A_311 = arith.constant 0 : i32
    %dma_wait3A_312 = arith.constant 0 : i32
    %dma_wait3A_313 = tpu.memref_slice %arg4[%select_n3A_120, %dma_wait3A_310, %add3A_303, %dma_wait3A_311, %dma_wait3A_312] : memref<200x8x128x8x128xf32, #tpu.memory_space<hbm>> -> memref<1x1x1x8x128xf32, #tpu.memory_space<hbm>>
    %dma_wait3A_314 = arith.constant 0 : i32
    %dma_wait3A_315 = arith.constant 0 : i32
    %dma_wait3A_316 = arith.constant 0 : i32
    %dma_wait3A_317 = tpu.memref_slice %arg4[%select_n3A_120, %dma_wait3A_314, %add3A_303, %dma_wait3A_315, %dma_wait3A_316] : memref<200x8x128x8x128xf32, #tpu.memory_space<hbm>> -> memref<1x1x1x8x128xf32, #tpu.memory_space<hbm>>
    %dma_wait3A_318 = arith.constant 0 : i32
    %dma_wait3A_319 = arith.constant 0 : i32
    %dma_wait3A_320 = arith.constant 0 : i32
    %dma_wait3A_321 = arith.constant 0 : i32
    %dma_wait3A_322 = arith.constant 128 : i32
    %dma_wait3A_323 = tpu.memref_slice %arg7[%dma_wait3A_318, %dma_wait3A_319, %dma_wait3A_320, %dma_wait3A_321, %dma_wait3A_322] : memref<1x8x1x8x256xf32, #tpu.memory_space<vmem>> -> memref<1x1x1x8x128xf32, #tpu.memory_space<vmem>>
    tpu.wait_dma2 semaphore(%arg9 : memref<!tpu.dma_semaphore, #tpu.memory_space<semaphore_mem>>) src(%dma_wait3A_323 : memref<1x1x1x8x128xf32, #tpu.memory_space<vmem>>) dst(%dma_wait3A_317 : memref<1x1x1x8x128xf32, #tpu.memory_space<hbm>>)
    %dma_wait3A_324 = arith.constant 0 : i32
    %dma_wait3A_325 = arith.constant 1 : i32
    %dma_wait3A_326 = arith.constant 0 : i32
    %dma_wait3A_327 = arith.constant 0 : i32
    %dma_wait3A_328 = arith.constant 128 : i32
    %dma_wait3A_329 = tpu.memref_slice %arg7[%dma_wait3A_324, %dma_wait3A_325, %dma_wait3A_326, %dma_wait3A_327, %dma_wait3A_328] : memref<1x8x1x8x256xf32, #tpu.memory_space<vmem>> -> memref<1x1x1x8x128xf32, #tpu.memory_space<vmem>>
    %dma_wait3A_330 = arith.constant 1 : i32
    %dma_wait3A_331 = arith.constant 0 : i32
    %dma_wait3A_332 = arith.constant 0 : i32
    %dma_wait3A_333 = tpu.memref_slice %arg4[%select_n3A_120, %dma_wait3A_330, %add3A_303, %dma_wait3A_331, %dma_wait3A_332] : memref<200x8x128x8x128xf32, #tpu.memory_space<hbm>> -> memref<1x1x1x8x128xf32, #tpu.memory_space<hbm>>
    %dma_wait3A_334 = arith.constant 1 : i32
    %dma_wait3A_335 = arith.constant 0 : i32
    %dma_wait3A_336 = arith.constant 0 : i32
    %dma_wait3A_337 = tpu.memref_slice %arg4[%select_n3A_120, %dma_wait3A_334, %add3A_303, %dma_wait3A_335, %dma_wait3A_336] : memref<200x8x128x8x128xf32, #tpu.memory_space<hbm>> -> memref<1x1x1x8x128xf32, #tpu.memory_space<hbm>>
    %dma_wait3A_338 = arith.constant 0 : i32
    %dma_wait3A_339 = arith.constant 1 : i32
    %dma_wait3A_340 = arith.constant 0 : i32
    %dma_wait3A_341 = arith.constant 0 : i32
    %dma_wait3A_342 = arith.constant 128 : i32
    %dma_wait3A_343 = tpu.memref_slice %arg7[%dma_wait3A_338, %dma_wait3A_339, %dma_wait3A_340, %dma_wait3A_341, %dma_wait3A_342] : memref<1x8x1x8x256xf32, #tpu.memory_space<vmem>> -> memref<1x1x1x8x128xf32, #tpu.memory_space<vmem>>
    tpu.wait_dma2 semaphore(%arg9 : memref<!tpu.dma_semaphore, #tpu.memory_space<semaphore_mem>>) src(%dma_wait3A_343 : memref<1x1x1x8x128xf32, #tpu.memory_space<vmem>>) dst(%dma_wait3A_337 : memref<1x1x1x8x128xf32, #tpu.memory_space<hbm>>)
    %dma_wait3A_344 = arith.constant 0 : i32
    %dma_wait3A_345 = arith.constant 2 : i32
    %dma_wait3A_346 = arith.constant 0 : i32
    %dma_wait3A_347 = arith.constant 0 : i32
    %dma_wait3A_348 = arith.constant 128 : i32
    %dma_wait3A_349 = tpu.memref_slice %arg7[%dma_wait3A_344, %dma_wait3A_345, %dma_wait3A_346, %dma_wait3A_347, %dma_wait3A_348] : memref<1x8x1x8x256xf32, #tpu.memory_space<vmem>> -> memref<1x1x1x8x128xf32, #tpu.memory_space<vmem>>
    %dma_wait3A_350 = arith.constant 2 : i32
    %dma_wait3A_351 = arith.constant 0 : i32
    %dma_wait3A_352 = arith.constant 0 : i32
    %dma_wait3A_353 = tpu.memref_slice %arg4[%select_n3A_120, %dma_wait3A_350, %add3A_303, %dma_wait3A_351, %dma_wait3A_352] : memref<200x8x128x8x128xf32, #tpu.memory_space<hbm>> -> memref<1x1x1x8x128xf32, #tpu.memory_space<hbm>>
    %dma_wait3A_354 = arith.constant 2 : i32
    %dma_wait3A_355 = arith.constant 0 : i32
    %dma_wait3A_356 = arith.constant 0 : i32
    %dma_wait3A_357 = tpu.memref_slice %arg4[%select_n3A_120, %dma_wait3A_354, %add3A_303, %dma_wait3A_355, %dma_wait3A_356] : memref<200x8x128x8x128xf32, #tpu.memory_space<hbm>> -> memref<1x1x1x8x128xf32, #tpu.memory_space<hbm>>
    %dma_wait3A_358 = arith.constant 0 : i32
    %dma_wait3A_359 = arith.constant 2 : i32
    %dma_wait3A_360 = arith.constant 0 : i32
    %dma_wait3A_361 = arith.constant 0 : i32
    %dma_wait3A_362 = arith.constant 128 : i32
    %dma_wait3A_363 = tpu.memref_slice %arg7[%dma_wait3A_358, %dma_wait3A_359, %dma_wait3A_360, %dma_wait3A_361, %dma_wait3A_362] : memref<1x8x1x8x256xf32, #tpu.memory_space<vmem>> -> memref<1x1x1x8x128xf32, #tpu.memory_space<vmem>>
    tpu.wait_dma2 semaphore(%arg9 : memref<!tpu.dma_semaphore, #tpu.memory_space<semaphore_mem>>) src(%dma_wait3A_363 : memref<1x1x1x8x128xf32, #tpu.memory_space<vmem>>) dst(%dma_wait3A_357 : memref<1x1x1x8x128xf32, #tpu.memory_space<hbm>>)
    %dma_wait3A_364 = arith.constant 0 : i32
    %dma_wait3A_365 = arith.constant 3 : i32
    %dma_wait3A_366 = arith.constant 0 : i32
    %dma_wait3A_367 = arith.constant 0 : i32
    %dma_wait3A_368 = arith.constant 128 : i32
    %dma_wait3A_369 = tpu.memref_slice %arg7[%dma_wait3A_364, %dma_wait3A_365, %dma_wait3A_366, %dma_wait3A_367, %dma_wait3A_368] : memref<1x8x1x8x256xf32, #tpu.memory_space<vmem>> -> memref<1x1x1x8x128xf32, #tpu.memory_space<vmem>>
    %dma_wait3A_370 = arith.constant 3 : i32
    %dma_wait3A_371 = arith.constant 0 : i32
    %dma_wait3A_372 = arith.constant 0 : i32
    %dma_wait3A_373 = tpu.memref_slice %arg4[%select_n3A_120, %dma_wait3A_370, %add3A_303, %dma_wait3A_371, %dma_wait3A_372] : memref<200x8x128x8x128xf32, #tpu.memory_space<hbm>> -> memref<1x1x1x8x128xf32, #tpu.memory_space<hbm>>
    %dma_wait3A_374 = arith.constant 3 : i32
    %dma_wait3A_375 = arith.constant 0 : i32
    %dma_wait3A_376 = arith.constant 0 : i32
    %dma_wait3A_377 = tpu.memref_slice %arg4[%select_n3A_120, %dma_wait3A_374, %add3A_303, %dma_wait3A_375, %dma_wait3A_376] : memref<200x8x128x8x128xf32, #tpu.memory_space<hbm>> -> memref<1x1x1x8x128xf32, #tpu.memory_space<hbm>>
    %dma_wait3A_378 = arith.constant 0 : i32
    %dma_wait3A_379 = arith.constant 3 : i32
    %dma_wait3A_380 = arith.constant 0 : i32
    %dma_wait3A_381 = arith.constant 0 : i32
    %dma_wait3A_382 = arith.constant 128 : i32
    %dma_wait3A_383 = tpu.memref_slice %arg7[%dma_wait3A_378, %dma_wait3A_379, %dma_wait3A_380, %dma_wait3A_381, %dma_wait3A_382] : memref<1x8x1x8x256xf32, #tpu.memory_space<vmem>> -> memref<1x1x1x8x128xf32, #tpu.memory_space<vmem>>
    tpu.wait_dma2 semaphore(%arg9 : memref<!tpu.dma_semaphore, #tpu.memory_space<semaphore_mem>>) src(%dma_wait3A_383 : memref<1x1x1x8x128xf32, #tpu.memory_space<vmem>>) dst(%dma_wait3A_377 : memref<1x1x1x8x128xf32, #tpu.memory_space<hbm>>)
    %dma_wait3A_384 = arith.constant 0 : i32
    %dma_wait3A_385 = arith.constant 4 : i32
    %dma_wait3A_386 = arith.constant 0 : i32
    %dma_wait3A_387 = arith.constant 0 : i32
    %dma_wait3A_388 = arith.constant 128 : i32
    %dma_wait3A_389 = tpu.memref_slice %arg7[%dma_wait3A_384, %dma_wait3A_385, %dma_wait3A_386, %dma_wait3A_387, %dma_wait3A_388] : memref<1x8x1x8x256xf32, #tpu.memory_space<vmem>> -> memref<1x1x1x8x128xf32, #tpu.memory_space<vmem>>
    %dma_wait3A_390 = arith.constant 4 : i32
    %dma_wait3A_391 = arith.constant 0 : i32
    %dma_wait3A_392 = arith.constant 0 : i32
    %dma_wait3A_393 = tpu.memref_slice %arg4[%select_n3A_120, %dma_wait3A_390, %add3A_303, %dma_wait3A_391, %dma_wait3A_392] : memref<200x8x128x8x128xf32, #tpu.memory_space<hbm>> -> memref<1x1x1x8x128xf32, #tpu.memory_space<hbm>>
    %dma_wait3A_394 = arith.constant 4 : i32
    %dma_wait3A_395 = arith.constant 0 : i32
    %dma_wait3A_396 = arith.constant 0 : i32
    %dma_wait3A_397 = tpu.memref_slice %arg4[%select_n3A_120, %dma_wait3A_394, %add3A_303, %dma_wait3A_395, %dma_wait3A_396] : memref<200x8x128x8x128xf32, #tpu.memory_space<hbm>> -> memref<1x1x1x8x128xf32, #tpu.memory_space<hbm>>
    %dma_wait3A_398 = arith.constant 0 : i32
    %dma_wait3A_399 = arith.constant 4 : i32
    %dma_wait3A_400 = arith.constant 0 : i32
    %dma_wait3A_401 = arith.constant 0 : i32
    %dma_wait3A_402 = arith.constant 128 : i32
    %dma_wait3A_403 = tpu.memref_slice %arg7[%dma_wait3A_398, %dma_wait3A_399, %dma_wait3A_400, %dma_wait3A_401, %dma_wait3A_402] : memref<1x8x1x8x256xf32, #tpu.memory_space<vmem>> -> memref<1x1x1x8x128xf32, #tpu.memory_space<vmem>>
    tpu.wait_dma2 semaphore(%arg9 : memref<!tpu.dma_semaphore, #tpu.memory_space<semaphore_mem>>) src(%dma_wait3A_403 : memref<1x1x1x8x128xf32, #tpu.memory_space<vmem>>) dst(%dma_wait3A_397 : memref<1x1x1x8x128xf32, #tpu.memory_space<hbm>>)
    %dma_wait3A_404 = arith.constant 0 : i32
    %dma_wait3A_405 = arith.constant 5 : i32
    %dma_wait3A_406 = arith.constant 0 : i32
    %dma_wait3A_407 = arith.constant 0 : i32
    %dma_wait3A_408 = arith.constant 128 : i32
    %dma_wait3A_409 = tpu.memref_slice %arg7[%dma_wait3A_404, %dma_wait3A_405, %dma_wait3A_406, %dma_wait3A_407, %dma_wait3A_408] : memref<1x8x1x8x256xf32, #tpu.memory_space<vmem>> -> memref<1x1x1x8x128xf32, #tpu.memory_space<vmem>>
    %dma_wait3A_410 = arith.constant 5 : i32
    %dma_wait3A_411 = arith.constant 0 : i32
    %dma_wait3A_412 = arith.constant 0 : i32
    %dma_wait3A_413 = tpu.memref_slice %arg4[%select_n3A_120, %dma_wait3A_410, %add3A_303, %dma_wait3A_411, %dma_wait3A_412] : memref<200x8x128x8x128xf32, #tpu.memory_space<hbm>> -> memref<1x1x1x8x128xf32, #tpu.memory_space<hbm>>
    %dma_wait3A_414 = arith.constant 5 : i32
    %dma_wait3A_415 = arith.constant 0 : i32
    %dma_wait3A_416 = arith.constant 0 : i32
    %dma_wait3A_417 = tpu.memref_slice %arg4[%select_n3A_120, %dma_wait3A_414, %add3A_303, %dma_wait3A_415, %dma_wait3A_416] : memref<200x8x128x8x128xf32, #tpu.memory_space<hbm>> -> memref<1x1x1x8x128xf32, #tpu.memory_space<hbm>>
    %dma_wait3A_418 = arith.constant 0 : i32
    %dma_wait3A_419 = arith.constant 5 : i32
    %dma_wait3A_420 = arith.constant 0 : i32
    %dma_wait3A_421 = arith.constant 0 : i32
    %dma_wait3A_422 = arith.constant 128 : i32
    %dma_wait3A_423 = tpu.memref_slice %arg7[%dma_wait3A_418, %dma_wait3A_419, %dma_wait3A_420, %dma_wait3A_421, %dma_wait3A_422] : memref<1x8x1x8x256xf32, #tpu.memory_space<vmem>> -> memref<1x1x1x8x128xf32, #tpu.memory_space<vmem>>
    tpu.wait_dma2 semaphore(%arg9 : memref<!tpu.dma_semaphore, #tpu.memory_space<semaphore_mem>>) src(%dma_wait3A_423 : memref<1x1x1x8x128xf32, #tpu.memory_space<vmem>>) dst(%dma_wait3A_417 : memref<1x1x1x8x128xf32, #tpu.memory_space<hbm>>)
    %dma_wait3A_424 = arith.constant 0 : i32
    %dma_wait3A_425 = arith.constant 6 : i32
    %dma_wait3A_426 = arith.constant 0 : i32
    %dma_wait3A_427 = arith.constant 0 : i32
    %dma_wait3A_428 = arith.constant 128 : i32
    %dma_wait3A_429 = tpu.memref_slice %arg7[%dma_wait3A_424, %dma_wait3A_425, %dma_wait3A_426, %dma_wait3A_427, %dma_wait3A_428] : memref<1x8x1x8x256xf32, #tpu.memory_space<vmem>> -> memref<1x1x1x8x128xf32, #tpu.memory_space<vmem>>
    %dma_wait3A_430 = arith.constant 6 : i32
    %dma_wait3A_431 = arith.constant 0 : i32
    %dma_wait3A_432 = arith.constant 0 : i32
    %dma_wait3A_433 = tpu.memref_slice %arg4[%select_n3A_120, %dma_wait3A_430, %add3A_303, %dma_wait3A_431, %dma_wait3A_432] : memref<200x8x128x8x128xf32, #tpu.memory_space<hbm>> -> memref<1x1x1x8x128xf32, #tpu.memory_space<hbm>>
    %dma_wait3A_434 = arith.constant 6 : i32
    %dma_wait3A_435 = arith.constant 0 : i32
    %dma_wait3A_436 = arith.constant 0 : i32
    %dma_wait3A_437 = tpu.memref_slice %arg4[%select_n3A_120, %dma_wait3A_434, %add3A_303, %dma_wait3A_435, %dma_wait3A_436] : memref<200x8x128x8x128xf32, #tpu.memory_space<hbm>> -> memref<1x1x1x8x128xf32, #tpu.memory_space<hbm>>
    %dma_wait3A_438 = arith.constant 0 : i32
    %dma_wait3A_439 = arith.constant 6 : i32
    %dma_wait3A_440 = arith.constant 0 : i32
    %dma_wait3A_441 = arith.constant 0 : i32
    %dma_wait3A_442 = arith.constant 128 : i32
    %dma_wait3A_443 = tpu.memref_slice %arg7[%dma_wait3A_438, %dma_wait3A_439, %dma_wait3A_440, %dma_wait3A_441, %dma_wait3A_442] : memref<1x8x1x8x256xf32, #tpu.memory_space<vmem>> -> memref<1x1x1x8x128xf32, #tpu.memory_space<vmem>>
    tpu.wait_dma2 semaphore(%arg9 : memref<!tpu.dma_semaphore, #tpu.memory_space<semaphore_mem>>) src(%dma_wait3A_443 : memref<1x1x1x8x128xf32, #tpu.memory_space<vmem>>) dst(%dma_wait3A_437 : memref<1x1x1x8x128xf32, #tpu.memory_space<hbm>>)
    %dma_wait3A_444 = arith.constant 0 : i32
    %dma_wait3A_445 = arith.constant 7 : i32
    %dma_wait3A_446 = arith.constant 0 : i32
    %dma_wait3A_447 = arith.constant 0 : i32
    %dma_wait3A_448 = arith.constant 128 : i32
    %dma_wait3A_449 = tpu.memref_slice %arg7[%dma_wait3A_444, %dma_wait3A_445, %dma_wait3A_446, %dma_wait3A_447, %dma_wait3A_448] : memref<1x8x1x8x256xf32, #tpu.memory_space<vmem>> -> memref<1x1x1x8x128xf32, #tpu.memory_space<vmem>>
    %dma_wait3A_450 = arith.constant 7 : i32
    %dma_wait3A_451 = arith.constant 0 : i32
    %dma_wait3A_452 = arith.constant 0 : i32
    %dma_wait3A_453 = tpu.memref_slice %arg4[%select_n3A_120, %dma_wait3A_450, %add3A_303, %dma_wait3A_451, %dma_wait3A_452] : memref<200x8x128x8x128xf32, #tpu.memory_space<hbm>> -> memref<1x1x1x8x128xf32, #tpu.memory_space<hbm>>
    %dma_wait3A_454 = arith.constant 7 : i32
    %dma_wait3A_455 = arith.constant 0 : i32
    %dma_wait3A_456 = arith.constant 0 : i32
    %dma_wait3A_457 = tpu.memref_slice %arg4[%select_n3A_120, %dma_wait3A_454, %add3A_303, %dma_wait3A_455, %dma_wait3A_456] : memref<200x8x128x8x128xf32, #tpu.memory_space<hbm>> -> memref<1x1x1x8x128xf32, #tpu.memory_space<hbm>>
    %dma_wait3A_458 = arith.constant 0 : i32
    %dma_wait3A_459 = arith.constant 7 : i32
    %dma_wait3A_460 = arith.constant 0 : i32
    %dma_wait3A_461 = arith.constant 0 : i32
    %dma_wait3A_462 = arith.constant 128 : i32
    %dma_wait3A_463 = tpu.memref_slice %arg7[%dma_wait3A_458, %dma_wait3A_459, %dma_wait3A_460, %dma_wait3A_461, %dma_wait3A_462] : memref<1x8x1x8x256xf32, #tpu.memory_space<vmem>> -> memref<1x1x1x8x128xf32, #tpu.memory_space<vmem>>
    tpu.wait_dma2 semaphore(%arg9 : memref<!tpu.dma_semaphore, #tpu.memory_space<semaphore_mem>>) src(%dma_wait3A_463 : memref<1x1x1x8x128xf32, #tpu.memory_space<vmem>>) dst(%dma_wait3A_457 : memref<1x1x1x8x128xf32, #tpu.memory_space<hbm>>)
    %add3A_464 = arith.constant 400 : i32
    %add3A_465 = arith.addi %mul3A_2, %add3A_464 : i32
    %sub3A_466 = arith.constant 2 : i32
    %sub3A_467 = arith.subi %add3A_465, %sub3A_466 : i32
    %add3A_468 = arith.constant 1 : i32
    %add3A_469 = arith.addi %sub3A_467, %add3A_468 : i32
    %jit3A_470 = arith.constant 64 : i32
    %div3A_471 = arith.divsi %add3A_469, %jit3A_470 : i32
    %sign3A_472 = arith.constant 0 : i32
    %sign3A_473 = arith.cmpi sgt, %add3A_469, %sign3A_472 : i32
    %sign3A_474 = arith.extui %sign3A_473 : i1 to i32
    %sign3A_475 = arith.constant 0 : i32
    %sign3A_476 = arith.cmpi slt, %add3A_469, %sign3A_475 : i32
    %sign3A_477 = arith.extui %sign3A_476 : i1 to i32
    %sign3A_478 = arith.subi %sign3A_474, %sign3A_477 : i32
    %sign3A_479 = arith.constant 0 : i32
    %sign3A_480 = arith.cmpi sgt, %jit3A_470, %sign3A_479 : i32
    %sign3A_481 = arith.extui %sign3A_480 : i1 to i32
    %sign3A_482 = arith.constant 0 : i32
    %sign3A_483 = arith.cmpi slt, %jit3A_470, %sign3A_482 : i32
    %sign3A_484 = arith.extui %sign3A_483 : i1 to i32
    %sign3A_485 = arith.subi %sign3A_481, %sign3A_484 : i32
    %ne3A_486 = arith.cmpi ne, %sign3A_478, %sign3A_485 : i32
    %rem3A_487 = arith.remsi %add3A_469, %jit3A_470 : i32
    %ne3A_488 = arith.constant 0 : i32
    %ne3A_489 = arith.cmpi ne, %rem3A_487, %ne3A_488 : i32
    %and3A_490 = arith.andi %ne3A_486, %ne3A_489 : i1
    %sub3A_491 = arith.constant 1 : i32
    %sub3A_492 = arith.subi %div3A_471, %sub3A_491 : i32
    %select_n3A_493 = arith.select %and3A_490, %sub3A_492, %div3A_471 : i32
    %jit3A_494 = arith.constant 64 : i32
    %eq3A_495 = arith.constant 0 : i32
    %eq3A_496 = arith.cmpi eq, %jit3A_494, %eq3A_495 : i32
    %jit3A_497 = arith.constant 1 : i32
    %select_n3A_498 = arith.select %eq3A_496, %jit3A_497, %jit3A_494 : i32
    %rem3A_499 = arith.remsi %add3A_469, %select_n3A_498 : i32
    %ne3A_500 = arith.constant 0 : i32
    %ne3A_501 = arith.cmpi ne, %rem3A_499, %ne3A_500 : i32
    %lt3A_502 = arith.constant 0 : i32
    %lt3A_503 = arith.cmpi slt, %rem3A_499, %lt3A_502 : i32
    %lt3A_504 = arith.constant 0 : i32
    %lt3A_505 = arith.cmpi slt, %select_n3A_498, %lt3A_504 : i32
    %ne3A_506 = arith.xori %lt3A_503, %lt3A_505 : i1
    %and3A_507 = arith.andi %ne3A_506, %ne3A_501 : i1
    %add3A_508 = arith.addi %rem3A_499, %select_n3A_498 : i32
    %select_n3A_509 = arith.select %and3A_507, %add3A_508, %rem3A_499 : i32
    %mul3A_510 = arith.constant 2 : i32
    %mul3A_511 = arith.muli %select_n3A_509, %mul3A_510 : i32
    %add3A_512 = arith.constant 0 : i32
    %add3A_513 = arith.addi %mul3A_511, %add3A_512 : i32
    %dma_wait3A_514 = arith.constant 0 : i32
    %dma_wait3A_515 = arith.constant 0 : i32
    %dma_wait3A_516 = arith.constant 0 : i32
    %dma_wait3A_517 = arith.constant 0 : i32
    %dma_wait3A_518 = arith.constant 0 : i32
    %dma_wait3A_519 = tpu.memref_slice %arg12[%dma_wait3A_514, %dma_wait3A_515, %dma_wait3A_516, %dma_wait3A_517, %dma_wait3A_518] : memref<1x8x1x8x256xf32, #tpu.memory_space<vmem>> -> memref<1x1x1x8x128xf32, #tpu.memory_space<vmem>>
    %dma_wait3A_520 = arith.constant 0 : i32
    %dma_wait3A_521 = arith.constant 0 : i32
    %dma_wait3A_522 = arith.constant 0 : i32
    %dma_wait3A_523 = tpu.memref_slice %arg4[%select_n3A_493, %dma_wait3A_520, %add3A_513, %dma_wait3A_521, %dma_wait3A_522] : memref<200x8x128x8x128xf32, #tpu.memory_space<hbm>> -> memref<1x1x1x8x128xf32, #tpu.memory_space<hbm>>
    %dma_wait3A_524 = arith.constant 0 : i32
    %dma_wait3A_525 = arith.constant 0 : i32
    %dma_wait3A_526 = arith.constant 0 : i32
    %dma_wait3A_527 = tpu.memref_slice %arg4[%select_n3A_493, %dma_wait3A_524, %add3A_513, %dma_wait3A_525, %dma_wait3A_526] : memref<200x8x128x8x128xf32, #tpu.memory_space<hbm>> -> memref<1x1x1x8x128xf32, #tpu.memory_space<hbm>>
    %dma_wait3A_528 = arith.constant 0 : i32
    %dma_wait3A_529 = arith.constant 0 : i32
    %dma_wait3A_530 = arith.constant 0 : i32
    %dma_wait3A_531 = arith.constant 0 : i32
    %dma_wait3A_532 = arith.constant 0 : i32
    %dma_wait3A_533 = tpu.memref_slice %arg12[%dma_wait3A_528, %dma_wait3A_529, %dma_wait3A_530, %dma_wait3A_531, %dma_wait3A_532] : memref<1x8x1x8x256xf32, #tpu.memory_space<vmem>> -> memref<1x1x1x8x128xf32, #tpu.memory_space<vmem>>
    tpu.wait_dma2 semaphore(%arg14 : memref<!tpu.dma_semaphore, #tpu.memory_space<semaphore_mem>>) src(%dma_wait3A_533 : memref<1x1x1x8x128xf32, #tpu.memory_space<vmem>>) dst(%dma_wait3A_527 : memref<1x1x1x8x128xf32, #tpu.memory_space<hbm>>)
    %dma_wait3A_534 = arith.constant 0 : i32
    %dma_wait3A_535 = arith.constant 1 : i32
    %dma_wait3A_536 = arith.constant 0 : i32
    %dma_wait3A_537 = arith.constant 0 : i32
    %dma_wait3A_538 = arith.constant 0 : i32
    %dma_wait3A_539 = tpu.memref_slice %arg12[%dma_wait3A_534, %dma_wait3A_535, %dma_wait3A_536, %dma_wait3A_537, %dma_wait3A_538] : memref<1x8x1x8x256xf32, #tpu.memory_space<vmem>> -> memref<1x1x1x8x128xf32, #tpu.memory_space<vmem>>
    %dma_wait3A_540 = arith.constant 1 : i32
    %dma_wait3A_541 = arith.constant 0 : i32
    %dma_wait3A_542 = arith.constant 0 : i32
    %dma_wait3A_543 = tpu.memref_slice %arg4[%select_n3A_493, %dma_wait3A_540, %add3A_513, %dma_wait3A_541, %dma_wait3A_542] : memref<200x8x128x8x128xf32, #tpu.memory_space<hbm>> -> memref<1x1x1x8x128xf32, #tpu.memory_space<hbm>>
    %dma_wait3A_544 = arith.constant 1 : i32
    %dma_wait3A_545 = arith.constant 0 : i32
    %dma_wait3A_546 = arith.constant 0 : i32
    %dma_wait3A_547 = tpu.memref_slice %arg4[%select_n3A_493, %dma_wait3A_544, %add3A_513, %dma_wait3A_545, %dma_wait3A_546] : memref<200x8x128x8x128xf32, #tpu.memory_space<hbm>> -> memref<1x1x1x8x128xf32, #tpu.memory_space<hbm>>
    %dma_wait3A_548 = arith.constant 0 : i32
    %dma_wait3A_549 = arith.constant 1 : i32
    %dma_wait3A_550 = arith.constant 0 : i32
    %dma_wait3A_551 = arith.constant 0 : i32
    %dma_wait3A_552 = arith.constant 0 : i32
    %dma_wait3A_553 = tpu.memref_slice %arg12[%dma_wait3A_548, %dma_wait3A_549, %dma_wait3A_550, %dma_wait3A_551, %dma_wait3A_552] : memref<1x8x1x8x256xf32, #tpu.memory_space<vmem>> -> memref<1x1x1x8x128xf32, #tpu.memory_space<vmem>>
    tpu.wait_dma2 semaphore(%arg14 : memref<!tpu.dma_semaphore, #tpu.memory_space<semaphore_mem>>) src(%dma_wait3A_553 : memref<1x1x1x8x128xf32, #tpu.memory_space<vmem>>) dst(%dma_wait3A_547 : memref<1x1x1x8x128xf32, #tpu.memory_space<hbm>>)
    %dma_wait3A_554 = arith.constant 0 : i32
    %dma_wait3A_555 = arith.constant 2 : i32
    %dma_wait3A_556 = arith.constant 0 : i32
    %dma_wait3A_557 = arith.constant 0 : i32
    %dma_wait3A_558 = arith.constant 0 : i32
    %dma_wait3A_559 = tpu.memref_slice %arg12[%dma_wait3A_554, %dma_wait3A_555, %dma_wait3A_556, %dma_wait3A_557, %dma_wait3A_558] : memref<1x8x1x8x256xf32, #tpu.memory_space<vmem>> -> memref<1x1x1x8x128xf32, #tpu.memory_space<vmem>>
    %dma_wait3A_560 = arith.constant 2 : i32
    %dma_wait3A_561 = arith.constant 0 : i32
    %dma_wait3A_562 = arith.constant 0 : i32
    %dma_wait3A_563 = tpu.memref_slice %arg4[%select_n3A_493, %dma_wait3A_560, %add3A_513, %dma_wait3A_561, %dma_wait3A_562] : memref<200x8x128x8x128xf32, #tpu.memory_space<hbm>> -> memref<1x1x1x8x128xf32, #tpu.memory_space<hbm>>
    %dma_wait3A_564 = arith.constant 2 : i32
    %dma_wait3A_565 = arith.constant 0 : i32
    %dma_wait3A_566 = arith.constant 0 : i32
    %dma_wait3A_567 = tpu.memref_slice %arg4[%select_n3A_493, %dma_wait3A_564, %add3A_513, %dma_wait3A_565, %dma_wait3A_566] : memref<200x8x128x8x128xf32, #tpu.memory_space<hbm>> -> memref<1x1x1x8x128xf32, #tpu.memory_space<hbm>>
    %dma_wait3A_568 = arith.constant 0 : i32
    %dma_wait3A_569 = arith.constant 2 : i32
    %dma_wait3A_570 = arith.constant 0 : i32
    %dma_wait3A_571 = arith.constant 0 : i32
    %dma_wait3A_572 = arith.constant 0 : i32
    %dma_wait3A_573 = tpu.memref_slice %arg12[%dma_wait3A_568, %dma_wait3A_569, %dma_wait3A_570, %dma_wait3A_571, %dma_wait3A_572] : memref<1x8x1x8x256xf32, #tpu.memory_space<vmem>> -> memref<1x1x1x8x128xf32, #tpu.memory_space<vmem>>
    tpu.wait_dma2 semaphore(%arg14 : memref<!tpu.dma_semaphore, #tpu.memory_space<semaphore_mem>>) src(%dma_wait3A_573 : memref<1x1x1x8x128xf32, #tpu.memory_space<vmem>>) dst(%dma_wait3A_567 : memref<1x1x1x8x128xf32, #tpu.memory_space<hbm>>)
    %dma_wait3A_574 = arith.constant 0 : i32
    %dma_wait3A_575 = arith.constant 3 : i32
    %dma_wait3A_576 = arith.constant 0 : i32
    %dma_wait3A_577 = arith.constant 0 : i32
    %dma_wait3A_578 = arith.constant 0 : i32
    %dma_wait3A_579 = tpu.memref_slice %arg12[%dma_wait3A_574, %dma_wait3A_575, %dma_wait3A_576, %dma_wait3A_577, %dma_wait3A_578] : memref<1x8x1x8x256xf32, #tpu.memory_space<vmem>> -> memref<1x1x1x8x128xf32, #tpu.memory_space<vmem>>
    %dma_wait3A_580 = arith.constant 3 : i32
    %dma_wait3A_581 = arith.constant 0 : i32
    %dma_wait3A_582 = arith.constant 0 : i32
    %dma_wait3A_583 = tpu.memref_slice %arg4[%select_n3A_493, %dma_wait3A_580, %add3A_513, %dma_wait3A_581, %dma_wait3A_582] : memref<200x8x128x8x128xf32, #tpu.memory_space<hbm>> -> memref<1x1x1x8x128xf32, #tpu.memory_space<hbm>>
    %dma_wait3A_584 = arith.constant 3 : i32
    %dma_wait3A_585 = arith.constant 0 : i32
    %dma_wait3A_586 = arith.constant 0 : i32
    %dma_wait3A_587 = tpu.memref_slice %arg4[%select_n3A_493, %dma_wait3A_584, %add3A_513, %dma_wait3A_585, %dma_wait3A_586] : memref<200x8x128x8x128xf32, #tpu.memory_space<hbm>> -> memref<1x1x1x8x128xf32, #tpu.memory_space<hbm>>
    %dma_wait3A_588 = arith.constant 0 : i32
    %dma_wait3A_589 = arith.constant 3 : i32
    %dma_wait3A_590 = arith.constant 0 : i32
    %dma_wait3A_591 = arith.constant 0 : i32
    %dma_wait3A_592 = arith.constant 0 : i32
    %dma_wait3A_593 = tpu.memref_slice %arg12[%dma_wait3A_588, %dma_wait3A_589, %dma_wait3A_590, %dma_wait3A_591, %dma_wait3A_592] : memref<1x8x1x8x256xf32, #tpu.memory_space<vmem>> -> memref<1x1x1x8x128xf32, #tpu.memory_space<vmem>>
    tpu.wait_dma2 semaphore(%arg14 : memref<!tpu.dma_semaphore, #tpu.memory_space<semaphore_mem>>) src(%dma_wait3A_593 : memref<1x1x1x8x128xf32, #tpu.memory_space<vmem>>) dst(%dma_wait3A_587 : memref<1x1x1x8x128xf32, #tpu.memory_space<hbm>>)
    %dma_wait3A_594 = arith.constant 0 : i32
    %dma_wait3A_595 = arith.constant 4 : i32
    %dma_wait3A_596 = arith.constant 0 : i32
    %dma_wait3A_597 = arith.constant 0 : i32
    %dma_wait3A_598 = arith.constant 0 : i32
    %dma_wait3A_599 = tpu.memref_slice %arg12[%dma_wait3A_594, %dma_wait3A_595, %dma_wait3A_596, %dma_wait3A_597, %dma_wait3A_598] : memref<1x8x1x8x256xf32, #tpu.memory_space<vmem>> -> memref<1x1x1x8x128xf32, #tpu.memory_space<vmem>>
    %dma_wait3A_600 = arith.constant 4 : i32
    %dma_wait3A_601 = arith.constant 0 : i32
    %dma_wait3A_602 = arith.constant 0 : i32
    %dma_wait3A_603 = tpu.memref_slice %arg4[%select_n3A_493, %dma_wait3A_600, %add3A_513, %dma_wait3A_601, %dma_wait3A_602] : memref<200x8x128x8x128xf32, #tpu.memory_space<hbm>> -> memref<1x1x1x8x128xf32, #tpu.memory_space<hbm>>
    %dma_wait3A_604 = arith.constant 4 : i32
    %dma_wait3A_605 = arith.constant 0 : i32
    %dma_wait3A_606 = arith.constant 0 : i32
    %dma_wait3A_607 = tpu.memref_slice %arg4[%select_n3A_493, %dma_wait3A_604, %add3A_513, %dma_wait3A_605, %dma_wait3A_606] : memref<200x8x128x8x128xf32, #tpu.memory_space<hbm>> -> memref<1x1x1x8x128xf32, #tpu.memory_space<hbm>>
    %dma_wait3A_608 = arith.constant 0 : i32
    %dma_wait3A_609 = arith.constant 4 : i32
    %dma_wait3A_610 = arith.constant 0 : i32
    %dma_wait3A_611 = arith.constant 0 : i32
    %dma_wait3A_612 = arith.constant 0 : i32
    %dma_wait3A_613 = tpu.memref_slice %arg12[%dma_wait3A_608, %dma_wait3A_609, %dma_wait3A_610, %dma_wait3A_611, %dma_wait3A_612] : memref<1x8x1x8x256xf32, #tpu.memory_space<vmem>> -> memref<1x1x1x8x128xf32, #tpu.memory_space<vmem>>
    tpu.wait_dma2 semaphore(%arg14 : memref<!tpu.dma_semaphore, #tpu.memory_space<semaphore_mem>>) src(%dma_wait3A_613 : memref<1x1x1x8x128xf32, #tpu.memory_space<vmem>>) dst(%dma_wait3A_607 : memref<1x1x1x8x128xf32, #tpu.memory_space<hbm>>)
    %dma_wait3A_614 = arith.constant 0 : i32
    %dma_wait3A_615 = arith.constant 5 : i32
    %dma_wait3A_616 = arith.constant 0 : i32
    %dma_wait3A_617 = arith.constant 0 : i32
    %dma_wait3A_618 = arith.constant 0 : i32
    %dma_wait3A_619 = tpu.memref_slice %arg12[%dma_wait3A_614, %dma_wait3A_615, %dma_wait3A_616, %dma_wait3A_617, %dma_wait3A_618] : memref<1x8x1x8x256xf32, #tpu.memory_space<vmem>> -> memref<1x1x1x8x128xf32, #tpu.memory_space<vmem>>
    %dma_wait3A_620 = arith.constant 5 : i32
    %dma_wait3A_621 = arith.constant 0 : i32
    %dma_wait3A_622 = arith.constant 0 : i32
    %dma_wait3A_623 = tpu.memref_slice %arg4[%select_n3A_493, %dma_wait3A_620, %add3A_513, %dma_wait3A_621, %dma_wait3A_622] : memref<200x8x128x8x128xf32, #tpu.memory_space<hbm>> -> memref<1x1x1x8x128xf32, #tpu.memory_space<hbm>>
    %dma_wait3A_624 = arith.constant 5 : i32
    %dma_wait3A_625 = arith.constant 0 : i32
    %dma_wait3A_626 = arith.constant 0 : i32
    %dma_wait3A_627 = tpu.memref_slice %arg4[%select_n3A_493, %dma_wait3A_624, %add3A_513, %dma_wait3A_625, %dma_wait3A_626] : memref<200x8x128x8x128xf32, #tpu.memory_space<hbm>> -> memref<1x1x1x8x128xf32, #tpu.memory_space<hbm>>
    %dma_wait3A_628 = arith.constant 0 : i32
    %dma_wait3A_629 = arith.constant 5 : i32
    %dma_wait3A_630 = arith.constant 0 : i32
    %dma_wait3A_631 = arith.constant 0 : i32
    %dma_wait3A_632 = arith.constant 0 : i32
    %dma_wait3A_633 = tpu.memref_slice %arg12[%dma_wait3A_628, %dma_wait3A_629, %dma_wait3A_630, %dma_wait3A_631, %dma_wait3A_632] : memref<1x8x1x8x256xf32, #tpu.memory_space<vmem>> -> memref<1x1x1x8x128xf32, #tpu.memory_space<vmem>>
    tpu.wait_dma2 semaphore(%arg14 : memref<!tpu.dma_semaphore, #tpu.memory_space<semaphore_mem>>) src(%dma_wait3A_633 : memref<1x1x1x8x128xf32, #tpu.memory_space<vmem>>) dst(%dma_wait3A_627 : memref<1x1x1x8x128xf32, #tpu.memory_space<hbm>>)
    %dma_wait3A_634 = arith.constant 0 : i32
    %dma_wait3A_635 = arith.constant 6 : i32
    %dma_wait3A_636 = arith.constant 0 : i32
    %dma_wait3A_637 = arith.constant 0 : i32
    %dma_wait3A_638 = arith.constant 0 : i32
    %dma_wait3A_639 = tpu.memref_slice %arg12[%dma_wait3A_634, %dma_wait3A_635, %dma_wait3A_636, %dma_wait3A_637, %dma_wait3A_638] : memref<1x8x1x8x256xf32, #tpu.memory_space<vmem>> -> memref<1x1x1x8x128xf32, #tpu.memory_space<vmem>>
    %dma_wait3A_640 = arith.constant 6 : i32
    %dma_wait3A_641 = arith.constant 0 : i32
    %dma_wait3A_642 = arith.constant 0 : i32
    %dma_wait3A_643 = tpu.memref_slice %arg4[%select_n3A_493, %dma_wait3A_640, %add3A_513, %dma_wait3A_641, %dma_wait3A_642] : memref<200x8x128x8x128xf32, #tpu.memory_space<hbm>> -> memref<1x1x1x8x128xf32, #tpu.memory_space<hbm>>
    %dma_wait3A_644 = arith.constant 6 : i32
    %dma_wait3A_645 = arith.constant 0 : i32
    %dma_wait3A_646 = arith.constant 0 : i32
    %dma_wait3A_647 = tpu.memref_slice %arg4[%select_n3A_493, %dma_wait3A_644, %add3A_513, %dma_wait3A_645, %dma_wait3A_646] : memref<200x8x128x8x128xf32, #tpu.memory_space<hbm>> -> memref<1x1x1x8x128xf32, #tpu.memory_space<hbm>>
    %dma_wait3A_648 = arith.constant 0 : i32
    %dma_wait3A_649 = arith.constant 6 : i32
    %dma_wait3A_650 = arith.constant 0 : i32
    %dma_wait3A_651 = arith.constant 0 : i32
    %dma_wait3A_652 = arith.constant 0 : i32
    %dma_wait3A_653 = tpu.memref_slice %arg12[%dma_wait3A_648, %dma_wait3A_649, %dma_wait3A_650, %dma_wait3A_651, %dma_wait3A_652] : memref<1x8x1x8x256xf32, #tpu.memory_space<vmem>> -> memref<1x1x1x8x128xf32, #tpu.memory_space<vmem>>
    tpu.wait_dma2 semaphore(%arg14 : memref<!tpu.dma_semaphore, #tpu.memory_space<semaphore_mem>>) src(%dma_wait3A_653 : memref<1x1x1x8x128xf32, #tpu.memory_space<vmem>>) dst(%dma_wait3A_647 : memref<1x1x1x8x128xf32, #tpu.memory_space<hbm>>)
    %dma_wait3A_654 = arith.constant 0 : i32
    %dma_wait3A_655 = arith.constant 7 : i32
    %dma_wait3A_656 = arith.constant 0 : i32
    %dma_wait3A_657 = arith.constant 0 : i32
    %dma_wait3A_658 = arith.constant 0 : i32
    %dma_wait3A_659 = tpu.memref_slice %arg12[%dma_wait3A_654, %dma_wait3A_655, %dma_wait3A_656, %dma_wait3A_657, %dma_wait3A_658] : memref<1x8x1x8x256xf32, #tpu.memory_space<vmem>> -> memref<1x1x1x8x128xf32, #tpu.memory_space<vmem>>
    %dma_wait3A_660 = arith.constant 7 : i32
    %dma_wait3A_661 = arith.constant 0 : i32
    %dma_wait3A_662 = arith.constant 0 : i32
    %dma_wait3A_663 = tpu.memref_slice %arg4[%select_n3A_493, %dma_wait3A_660, %add3A_513, %dma_wait3A_661, %dma_wait3A_662] : memref<200x8x128x8x128xf32, #tpu.memory_space<hbm>> -> memref<1x1x1x8x128xf32, #tpu.memory_space<hbm>>
    %dma_wait3A_664 = arith.constant 7 : i32
    %dma_wait3A_665 = arith.constant 0 : i32
    %dma_wait3A_666 = arith.constant 0 : i32
    %dma_wait3A_667 = tpu.memref_slice %arg4[%select_n3A_493, %dma_wait3A_664, %add3A_513, %dma_wait3A_665, %dma_wait3A_666] : memref<200x8x128x8x128xf32, #tpu.memory_space<hbm>> -> memref<1x1x1x8x128xf32, #tpu.memory_space<hbm>>
    %dma_wait3A_668 = arith.constant 0 : i32
    %dma_wait3A_669 = arith.constant 7 : i32
    %dma_wait3A_670 = arith.constant 0 : i32
    %dma_wait3A_671 = arith.constant 0 : i32
    %dma_wait3A_672 = arith.constant 0 : i32
    %dma_wait3A_673 = tpu.memref_slice %arg12[%dma_wait3A_668, %dma_wait3A_669, %dma_wait3A_670, %dma_wait3A_671, %dma_wait3A_672] : memref<1x8x1x8x256xf32, #tpu.memory_space<vmem>> -> memref<1x1x1x8x128xf32, #tpu.memory_space<vmem>>
    tpu.wait_dma2 semaphore(%arg14 : memref<!tpu.dma_semaphore, #tpu.memory_space<semaphore_mem>>) src(%dma_wait3A_673 : memref<1x1x1x8x128xf32, #tpu.memory_space<vmem>>) dst(%dma_wait3A_667 : memref<1x1x1x8x128xf32, #tpu.memory_space<hbm>>)
    %mul3A_674 = arith.constant 2 : i32
    %mul3A_675 = arith.muli %select_n3A_509, %mul3A_674 : i32
    %add3A_676 = arith.constant 1 : i32
    %add3A_677 = arith.addi %mul3A_675, %add3A_676 : i32
    %dma_wait3A_678 = arith.constant 0 : i32
    %dma_wait3A_679 = arith.constant 0 : i32
    %dma_wait3A_680 = arith.constant 0 : i32
    %dma_wait3A_681 = arith.constant 0 : i32
    %dma_wait3A_682 = arith.constant 128 : i32
    %dma_wait3A_683 = tpu.memref_slice %arg12[%dma_wait3A_678, %dma_wait3A_679, %dma_wait3A_680, %dma_wait3A_681, %dma_wait3A_682] : memref<1x8x1x8x256xf32, #tpu.memory_space<vmem>> -> memref<1x1x1x8x128xf32, #tpu.memory_space<vmem>>
    %dma_wait3A_684 = arith.constant 0 : i32
    %dma_wait3A_685 = arith.constant 0 : i32
    %dma_wait3A_686 = arith.constant 0 : i32
    %dma_wait3A_687 = tpu.memref_slice %arg4[%select_n3A_493, %dma_wait3A_684, %add3A_677, %dma_wait3A_685, %dma_wait3A_686] : memref<200x8x128x8x128xf32, #tpu.memory_space<hbm>> -> memref<1x1x1x8x128xf32, #tpu.memory_space<hbm>>
    %dma_wait3A_688 = arith.constant 0 : i32
    %dma_wait3A_689 = arith.constant 0 : i32
    %dma_wait3A_690 = arith.constant 0 : i32
    %dma_wait3A_691 = tpu.memref_slice %arg4[%select_n3A_493, %dma_wait3A_688, %add3A_677, %dma_wait3A_689, %dma_wait3A_690] : memref<200x8x128x8x128xf32, #tpu.memory_space<hbm>> -> memref<1x1x1x8x128xf32, #tpu.memory_space<hbm>>
    %dma_wait3A_692 = arith.constant 0 : i32
    %dma_wait3A_693 = arith.constant 0 : i32
    %dma_wait3A_694 = arith.constant 0 : i32
    %dma_wait3A_695 = arith.constant 0 : i32
    %dma_wait3A_696 = arith.constant 128 : i32
    %dma_wait3A_697 = tpu.memref_slice %arg12[%dma_wait3A_692, %dma_wait3A_693, %dma_wait3A_694, %dma_wait3A_695, %dma_wait3A_696] : memref<1x8x1x8x256xf32, #tpu.memory_space<vmem>> -> memref<1x1x1x8x128xf32, #tpu.memory_space<vmem>>
    tpu.wait_dma2 semaphore(%arg14 : memref<!tpu.dma_semaphore, #tpu.memory_space<semaphore_mem>>) src(%dma_wait3A_697 : memref<1x1x1x8x128xf32, #tpu.memory_space<vmem>>) dst(%dma_wait3A_691 : memref<1x1x1x8x128xf32, #tpu.memory_space<hbm>>)
    %dma_wait3A_698 = arith.constant 0 : i32
    %dma_wait3A_699 = arith.constant 1 : i32
    %dma_wait3A_700 = arith.constant 0 : i32
    %dma_wait3A_701 = arith.constant 0 : i32
    %dma_wait3A_702 = arith.constant 128 : i32
    %dma_wait3A_703 = tpu.memref_slice %arg12[%dma_wait3A_698, %dma_wait3A_699, %dma_wait3A_700, %dma_wait3A_701, %dma_wait3A_702] : memref<1x8x1x8x256xf32, #tpu.memory_space<vmem>> -> memref<1x1x1x8x128xf32, #tpu.memory_space<vmem>>
    %dma_wait3A_704 = arith.constant 1 : i32
    %dma_wait3A_705 = arith.constant 0 : i32
    %dma_wait3A_706 = arith.constant 0 : i32
    %dma_wait3A_707 = tpu.memref_slice %arg4[%select_n3A_493, %dma_wait3A_704, %add3A_677, %dma_wait3A_705, %dma_wait3A_706] : memref<200x8x128x8x128xf32, #tpu.memory_space<hbm>> -> memref<1x1x1x8x128xf32, #tpu.memory_space<hbm>>
    %dma_wait3A_708 = arith.constant 1 : i32
    %dma_wait3A_709 = arith.constant 0 : i32
    %dma_wait3A_710 = arith.constant 0 : i32
    %dma_wait3A_711 = tpu.memref_slice %arg4[%select_n3A_493, %dma_wait3A_708, %add3A_677, %dma_wait3A_709, %dma_wait3A_710] : memref<200x8x128x8x128xf32, #tpu.memory_space<hbm>> -> memref<1x1x1x8x128xf32, #tpu.memory_space<hbm>>
    %dma_wait3A_712 = arith.constant 0 : i32
    %dma_wait3A_713 = arith.constant 1 : i32
    %dma_wait3A_714 = arith.constant 0 : i32
    %dma_wait3A_715 = arith.constant 0 : i32
    %dma_wait3A_716 = arith.constant 128 : i32
    %dma_wait3A_717 = tpu.memref_slice %arg12[%dma_wait3A_712, %dma_wait3A_713, %dma_wait3A_714, %dma_wait3A_715, %dma_wait3A_716] : memref<1x8x1x8x256xf32, #tpu.memory_space<vmem>> -> memref<1x1x1x8x128xf32, #tpu.memory_space<vmem>>
    tpu.wait_dma2 semaphore(%arg14 : memref<!tpu.dma_semaphore, #tpu.memory_space<semaphore_mem>>) src(%dma_wait3A_717 : memref<1x1x1x8x128xf32, #tpu.memory_space<vmem>>) dst(%dma_wait3A_711 : memref<1x1x1x8x128xf32, #tpu.memory_space<hbm>>)
    %dma_wait3A_718 = arith.constant 0 : i32
    %dma_wait3A_719 = arith.constant 2 : i32
    %dma_wait3A_720 = arith.constant 0 : i32
    %dma_wait3A_721 = arith.constant 0 : i32
    %dma_wait3A_722 = arith.constant 128 : i32
    %dma_wait3A_723 = tpu.memref_slice %arg12[%dma_wait3A_718, %dma_wait3A_719, %dma_wait3A_720, %dma_wait3A_721, %dma_wait3A_722] : memref<1x8x1x8x256xf32, #tpu.memory_space<vmem>> -> memref<1x1x1x8x128xf32, #tpu.memory_space<vmem>>
    %dma_wait3A_724 = arith.constant 2 : i32
    %dma_wait3A_725 = arith.constant 0 : i32
    %dma_wait3A_726 = arith.constant 0 : i32
    %dma_wait3A_727 = tpu.memref_slice %arg4[%select_n3A_493, %dma_wait3A_724, %add3A_677, %dma_wait3A_725, %dma_wait3A_726] : memref<200x8x128x8x128xf32, #tpu.memory_space<hbm>> -> memref<1x1x1x8x128xf32, #tpu.memory_space<hbm>>
    %dma_wait3A_728 = arith.constant 2 : i32
    %dma_wait3A_729 = arith.constant 0 : i32
    %dma_wait3A_730 = arith.constant 0 : i32
    %dma_wait3A_731 = tpu.memref_slice %arg4[%select_n3A_493, %dma_wait3A_728, %add3A_677, %dma_wait3A_729, %dma_wait3A_730] : memref<200x8x128x8x128xf32, #tpu.memory_space<hbm>> -> memref<1x1x1x8x128xf32, #tpu.memory_space<hbm>>
    %dma_wait3A_732 = arith.constant 0 : i32
    %dma_wait3A_733 = arith.constant 2 : i32
    %dma_wait3A_734 = arith.constant 0 : i32
    %dma_wait3A_735 = arith.constant 0 : i32
    %dma_wait3A_736 = arith.constant 128 : i32
    %dma_wait3A_737 = tpu.memref_slice %arg12[%dma_wait3A_732, %dma_wait3A_733, %dma_wait3A_734, %dma_wait3A_735, %dma_wait3A_736] : memref<1x8x1x8x256xf32, #tpu.memory_space<vmem>> -> memref<1x1x1x8x128xf32, #tpu.memory_space<vmem>>
    tpu.wait_dma2 semaphore(%arg14 : memref<!tpu.dma_semaphore, #tpu.memory_space<semaphore_mem>>) src(%dma_wait3A_737 : memref<1x1x1x8x128xf32, #tpu.memory_space<vmem>>) dst(%dma_wait3A_731 : memref<1x1x1x8x128xf32, #tpu.memory_space<hbm>>)
    %dma_wait3A_738 = arith.constant 0 : i32
    %dma_wait3A_739 = arith.constant 3 : i32
    %dma_wait3A_740 = arith.constant 0 : i32
    %dma_wait3A_741 = arith.constant 0 : i32
    %dma_wait3A_742 = arith.constant 128 : i32
    %dma_wait3A_743 = tpu.memref_slice %arg12[%dma_wait3A_738, %dma_wait3A_739, %dma_wait3A_740, %dma_wait3A_741, %dma_wait3A_742] : memref<1x8x1x8x256xf32, #tpu.memory_space<vmem>> -> memref<1x1x1x8x128xf32, #tpu.memory_space<vmem>>
    %dma_wait3A_744 = arith.constant 3 : i32
    %dma_wait3A_745 = arith.constant 0 : i32
    %dma_wait3A_746 = arith.constant 0 : i32
    %dma_wait3A_747 = tpu.memref_slice %arg4[%select_n3A_493, %dma_wait3A_744, %add3A_677, %dma_wait3A_745, %dma_wait3A_746] : memref<200x8x128x8x128xf32, #tpu.memory_space<hbm>> -> memref<1x1x1x8x128xf32, #tpu.memory_space<hbm>>
    %dma_wait3A_748 = arith.constant 3 : i32
    %dma_wait3A_749 = arith.constant 0 : i32
    %dma_wait3A_750 = arith.constant 0 : i32
    %dma_wait3A_751 = tpu.memref_slice %arg4[%select_n3A_493, %dma_wait3A_748, %add3A_677, %dma_wait3A_749, %dma_wait3A_750] : memref<200x8x128x8x128xf32, #tpu.memory_space<hbm>> -> memref<1x1x1x8x128xf32, #tpu.memory_space<hbm>>
    %dma_wait3A_752 = arith.constant 0 : i32
    %dma_wait3A_753 = arith.constant 3 : i32
    %dma_wait3A_754 = arith.constant 0 : i32
    %dma_wait3A_755 = arith.constant 0 : i32
    %dma_wait3A_756 = arith.constant 128 : i32
    %dma_wait3A_757 = tpu.memref_slice %arg12[%dma_wait3A_752, %dma_wait3A_753, %dma_wait3A_754, %dma_wait3A_755, %dma_wait3A_756] : memref<1x8x1x8x256xf32, #tpu.memory_space<vmem>> -> memref<1x1x1x8x128xf32, #tpu.memory_space<vmem>>
    tpu.wait_dma2 semaphore(%arg14 : memref<!tpu.dma_semaphore, #tpu.memory_space<semaphore_mem>>) src(%dma_wait3A_757 : memref<1x1x1x8x128xf32, #tpu.memory_space<vmem>>) dst(%dma_wait3A_751 : memref<1x1x1x8x128xf32, #tpu.memory_space<hbm>>)
    %dma_wait3A_758 = arith.constant 0 : i32
    %dma_wait3A_759 = arith.constant 4 : i32
    %dma_wait3A_760 = arith.constant 0 : i32
    %dma_wait3A_761 = arith.constant 0 : i32
    %dma_wait3A_762 = arith.constant 128 : i32
    %dma_wait3A_763 = tpu.memref_slice %arg12[%dma_wait3A_758, %dma_wait3A_759, %dma_wait3A_760, %dma_wait3A_761, %dma_wait3A_762] : memref<1x8x1x8x256xf32, #tpu.memory_space<vmem>> -> memref<1x1x1x8x128xf32, #tpu.memory_space<vmem>>
    %dma_wait3A_764 = arith.constant 4 : i32
    %dma_wait3A_765 = arith.constant 0 : i32
    %dma_wait3A_766 = arith.constant 0 : i32
    %dma_wait3A_767 = tpu.memref_slice %arg4[%select_n3A_493, %dma_wait3A_764, %add3A_677, %dma_wait3A_765, %dma_wait3A_766] : memref<200x8x128x8x128xf32, #tpu.memory_space<hbm>> -> memref<1x1x1x8x128xf32, #tpu.memory_space<hbm>>
    %dma_wait3A_768 = arith.constant 4 : i32
    %dma_wait3A_769 = arith.constant 0 : i32
    %dma_wait3A_770 = arith.constant 0 : i32
    %dma_wait3A_771 = tpu.memref_slice %arg4[%select_n3A_493, %dma_wait3A_768, %add3A_677, %dma_wait3A_769, %dma_wait3A_770] : memref<200x8x128x8x128xf32, #tpu.memory_space<hbm>> -> memref<1x1x1x8x128xf32, #tpu.memory_space<hbm>>
    %dma_wait3A_772 = arith.constant 0 : i32
    %dma_wait3A_773 = arith.constant 4 : i32
    %dma_wait3A_774 = arith.constant 0 : i32
    %dma_wait3A_775 = arith.constant 0 : i32
    %dma_wait3A_776 = arith.constant 128 : i32
    %dma_wait3A_777 = tpu.memref_slice %arg12[%dma_wait3A_772, %dma_wait3A_773, %dma_wait3A_774, %dma_wait3A_775, %dma_wait3A_776] : memref<1x8x1x8x256xf32, #tpu.memory_space<vmem>> -> memref<1x1x1x8x128xf32, #tpu.memory_space<vmem>>
    tpu.wait_dma2 semaphore(%arg14 : memref<!tpu.dma_semaphore, #tpu.memory_space<semaphore_mem>>) src(%dma_wait3A_777 : memref<1x1x1x8x128xf32, #tpu.memory_space<vmem>>) dst(%dma_wait3A_771 : memref<1x1x1x8x128xf32, #tpu.memory_space<hbm>>)
    %dma_wait3A_778 = arith.constant 0 : i32
    %dma_wait3A_779 = arith.constant 5 : i32
    %dma_wait3A_780 = arith.constant 0 : i32
    %dma_wait3A_781 = arith.constant 0 : i32
    %dma_wait3A_782 = arith.constant 128 : i32
    %dma_wait3A_783 = tpu.memref_slice %arg12[%dma_wait3A_778, %dma_wait3A_779, %dma_wait3A_780, %dma_wait3A_781, %dma_wait3A_782] : memref<1x8x1x8x256xf32, #tpu.memory_space<vmem>> -> memref<1x1x1x8x128xf32, #tpu.memory_space<vmem>>
    %dma_wait3A_784 = arith.constant 5 : i32
    %dma_wait3A_785 = arith.constant 0 : i32
    %dma_wait3A_786 = arith.constant 0 : i32
    %dma_wait3A_787 = tpu.memref_slice %arg4[%select_n3A_493, %dma_wait3A_784, %add3A_677, %dma_wait3A_785, %dma_wait3A_786] : memref<200x8x128x8x128xf32, #tpu.memory_space<hbm>> -> memref<1x1x1x8x128xf32, #tpu.memory_space<hbm>>
    %dma_wait3A_788 = arith.constant 5 : i32
    %dma_wait3A_789 = arith.constant 0 : i32
    %dma_wait3A_790 = arith.constant 0 : i32
    %dma_wait3A_791 = tpu.memref_slice %arg4[%select_n3A_493, %dma_wait3A_788, %add3A_677, %dma_wait3A_789, %dma_wait3A_790] : memref<200x8x128x8x128xf32, #tpu.memory_space<hbm>> -> memref<1x1x1x8x128xf32, #tpu.memory_space<hbm>>
    %dma_wait3A_792 = arith.constant 0 : i32
    %dma_wait3A_793 = arith.constant 5 : i32
    %dma_wait3A_794 = arith.constant 0 : i32
    %dma_wait3A_795 = arith.constant 0 : i32
    %dma_wait3A_796 = arith.constant 128 : i32
    %dma_wait3A_797 = tpu.memref_slice %arg12[%dma_wait3A_792, %dma_wait3A_793, %dma_wait3A_794, %dma_wait3A_795, %dma_wait3A_796] : memref<1x8x1x8x256xf32, #tpu.memory_space<vmem>> -> memref<1x1x1x8x128xf32, #tpu.memory_space<vmem>>
    tpu.wait_dma2 semaphore(%arg14 : memref<!tpu.dma_semaphore, #tpu.memory_space<semaphore_mem>>) src(%dma_wait3A_797 : memref<1x1x1x8x128xf32, #tpu.memory_space<vmem>>) dst(%dma_wait3A_791 : memref<1x1x1x8x128xf32, #tpu.memory_space<hbm>>)
    %dma_wait3A_798 = arith.constant 0 : i32
    %dma_wait3A_799 = arith.constant 6 : i32
    %dma_wait3A_800 = arith.constant 0 : i32
    %dma_wait3A_801 = arith.constant 0 : i32
    %dma_wait3A_802 = arith.constant 128 : i32
    %dma_wait3A_803 = tpu.memref_slice %arg12[%dma_wait3A_798, %dma_wait3A_799, %dma_wait3A_800, %dma_wait3A_801, %dma_wait3A_802] : memref<1x8x1x8x256xf32, #tpu.memory_space<vmem>> -> memref<1x1x1x8x128xf32, #tpu.memory_space<vmem>>
    %dma_wait3A_804 = arith.constant 6 : i32
    %dma_wait3A_805 = arith.constant 0 : i32
    %dma_wait3A_806 = arith.constant 0 : i32
    %dma_wait3A_807 = tpu.memref_slice %arg4[%select_n3A_493, %dma_wait3A_804, %add3A_677, %dma_wait3A_805, %dma_wait3A_806] : memref<200x8x128x8x128xf32, #tpu.memory_space<hbm>> -> memref<1x1x1x8x128xf32, #tpu.memory_space<hbm>>
    %dma_wait3A_808 = arith.constant 6 : i32
    %dma_wait3A_809 = arith.constant 0 : i32
    %dma_wait3A_810 = arith.constant 0 : i32
    %dma_wait3A_811 = tpu.memref_slice %arg4[%select_n3A_493, %dma_wait3A_808, %add3A_677, %dma_wait3A_809, %dma_wait3A_810] : memref<200x8x128x8x128xf32, #tpu.memory_space<hbm>> -> memref<1x1x1x8x128xf32, #tpu.memory_space<hbm>>
    %dma_wait3A_812 = arith.constant 0 : i32
    %dma_wait3A_813 = arith.constant 6 : i32
    %dma_wait3A_814 = arith.constant 0 : i32
    %dma_wait3A_815 = arith.constant 0 : i32
    %dma_wait3A_816 = arith.constant 128 : i32
    %dma_wait3A_817 = tpu.memref_slice %arg12[%dma_wait3A_812, %dma_wait3A_813, %dma_wait3A_814, %dma_wait3A_815, %dma_wait3A_816] : memref<1x8x1x8x256xf32, #tpu.memory_space<vmem>> -> memref<1x1x1x8x128xf32, #tpu.memory_space<vmem>>
    tpu.wait_dma2 semaphore(%arg14 : memref<!tpu.dma_semaphore, #tpu.memory_space<semaphore_mem>>) src(%dma_wait3A_817 : memref<1x1x1x8x128xf32, #tpu.memory_space<vmem>>) dst(%dma_wait3A_811 : memref<1x1x1x8x128xf32, #tpu.memory_space<hbm>>)
    %dma_wait3A_818 = arith.constant 0 : i32
    %dma_wait3A_819 = arith.constant 7 : i32
    %dma_wait3A_820 = arith.constant 0 : i32
    %dma_wait3A_821 = arith.constant 0 : i32
    %dma_wait3A_822 = arith.constant 128 : i32
    %dma_wait3A_823 = tpu.memref_slice %arg12[%dma_wait3A_818, %dma_wait3A_819, %dma_wait3A_820, %dma_wait3A_821, %dma_wait3A_822] : memref<1x8x1x8x256xf32, #tpu.memory_space<vmem>> -> memref<1x1x1x8x128xf32, #tpu.memory_space<vmem>>
    %dma_wait3A_824 = arith.constant 7 : i32
    %dma_wait3A_825 = arith.constant 0 : i32
    %dma_wait3A_826 = arith.constant 0 : i32
    %dma_wait3A_827 = tpu.memref_slice %arg4[%select_n3A_493, %dma_wait3A_824, %add3A_677, %dma_wait3A_825, %dma_wait3A_826] : memref<200x8x128x8x128xf32, #tpu.memory_space<hbm>> -> memref<1x1x1x8x128xf32, #tpu.memory_space<hbm>>
    %dma_wait3A_828 = arith.constant 7 : i32
    %dma_wait3A_829 = arith.constant 0 : i32
    %dma_wait3A_830 = arith.constant 0 : i32
    %dma_wait3A_831 = tpu.memref_slice %arg4[%select_n3A_493, %dma_wait3A_828, %add3A_677, %dma_wait3A_829, %dma_wait3A_830] : memref<200x8x128x8x128xf32, #tpu.memory_space<hbm>> -> memref<1x1x1x8x128xf32, #tpu.memory_space<hbm>>
    %dma_wait3A_832 = arith.constant 0 : i32
    %dma_wait3A_833 = arith.constant 7 : i32
    %dma_wait3A_834 = arith.constant 0 : i32
    %dma_wait3A_835 = arith.constant 0 : i32
    %dma_wait3A_836 = arith.constant 128 : i32
    %dma_wait3A_837 = tpu.memref_slice %arg12[%dma_wait3A_832, %dma_wait3A_833, %dma_wait3A_834, %dma_wait3A_835, %dma_wait3A_836] : memref<1x8x1x8x256xf32, #tpu.memory_space<vmem>> -> memref<1x1x1x8x128xf32, #tpu.memory_space<vmem>>
    tpu.wait_dma2 semaphore(%arg14 : memref<!tpu.dma_semaphore, #tpu.memory_space<semaphore_mem>>) src(%dma_wait3A_837 : memref<1x1x1x8x128xf32, #tpu.memory_space<vmem>>) dst(%dma_wait3A_831 : memref<1x1x1x8x128xf32, #tpu.memory_space<hbm>>)
    return
  }
}

</mosaic_0001>

<sc_bundles>
// kernel: kernel.3.cloned.1.call-start
scs
__scs_entry_jumppad:
0x0: {  	(pc) =	sbr.rel $0x88, $3  }
0x1: {  	(tag) =	ssettag $0x0;
	lr =	simm.s32 $0x1  }
0x2: {  	[smem:$0x3F9F] =	sst lr;
	_ =	strace $0xD0000000  }
0x3: {  	_ = 	snop  }
0x4: {  	_ = 	snop  }
0x5: {  	_ = 	snop  }
0x6: {  	_ = 	snop  }
0x7: {  	_ = 	snop  }
__scs_overlays_trampoline_lowered:
0x8: {  	[smem:$0x3FAE] =	sst s0  }
0x9: {  	[smem:$0x3FAF] =	sst s1  }
0xa: {  	[smem:$0x3FB0] =	sst s2  }
0xb: {  	[smem:$0x3FB1] =	sst s3  }
0xc: {  	[smem:$0x3FB2] =	sst s4  }
0xd: {  	[smem:$0x3FB3] =	sst s5  }
0xe: {  	[smem:$0x3FB4] =	sst s6  }
0xf: {  	[smem:$0x3FB5] =	sst s7  }
0x10: {  	[smem:$0x3FB6] =	sst s8  }
0x11: {  	[smem:$0x3FB7] =	sst s9;
	s0 =	simm.s32 @!p0 $0x0  }
0x12: {  	s1 =	sld [smem:$0x3F9D];
	s0 =	simm.s32 @p0 $0x1  }
0x13: {  	[smem:$0x3FB8] =	sst s0;
	s0 =	simm.s32 @!p1 $0x0  }
0x14: {  	s2 =	sld [smem:$0x3F9C];
	s0 =	simm.s32 @p1 $0x1  }
0x15: {  	[smem:$0x3FB9] =	sst s0;
	s0 =	simm.s32 @!p2 $0x0  }
0x16: {  	s3 =	sld [smem:$0x3FDB];
	s0 =	simm.s32 @p2 $0x1  }
0x17: {  	s4 =	simm.s32 $0x1BF5;
	[smem:$0x3FBB] =	sst s0  }
0x18: {  	s0 =	sld [smem:$0x3F9E];
	_ =	swait.ge [sflag:s4], $0x0  }
0x19: {  	s7 =	sld [smem:$0x3F9F]  }
0x1a: {  	s8 =	sadd.s32 $0xFFFFE003, lr  }
0x1b: {  	s9 =	sadd.s32 $0xFFFFFEF7, lr;
	s5 =	simm.s32 $0xFFFFFFFF;
	p2 =	slt.u32 s8, $0xFFFFF086  }
0x1c: {  	p1 =	slt.u32 s9, $0xF7A;
	s5 =	simm.s32 @!p2 $0x0  }
0x1d: {  	s5 =	simm.s32 @p1 $0x1;
	p0 =	seq.s32 s7, s2  }
0x1e: {  	s7 =	smul.u32 @!p0 $0xF7A, s2;
	p2 =	seq.s32 @!p0 s5, $0x0  }
0x1f: {  	s9 =	smul.u32 $0xF7A, s1;
	s8 =	simm.s32 @!p0 $0x1BF5;
	p2 =	por !p2, p0  }
0x20: {  	[sflag:s8] =	ssyncset.s32 @!p0 $0xFFFFF086;
	s6 =	sadd.s32 @!p0 s3, s7;
	s7 =	simm.s32 @!p0 $0x108  }
0x21: {  	s3 =	sadd.s32 s3, s9;
	s6 =	sadd.s32 @!p0 $0x88, s6;
	s7 =	simm.s32 @p2 $0x1082  }
0x22: {  	[simem:s7], [sflag:s8] =	dma.local @!p0 [hbm:s6], $0xF7A  }
0x23: {  	s9 =	sor.u32 $0xD0000000, s2;
	s6 =	simm.s32 $0x108;
	_ =	swait.ge @!p0 [sflag:s8], $0x0  }
0x24: {  	s3 =	sadd.s32 $0x88, s3;
	s6 =	simm.s32 @!p1 $0x1082;
	[sflag:s4] =	ssyncset.s32 $0xFFFFF086  }
0x25: {  	[simem:s6], [sflag:s4] =	dma.local [hbm:s3], $0xF7A  }
0x26: {  	[smem:$0x3F9F] =	sst s1;
	(tag) =	ssettag s2;
	_ =	strace s9  }
0x27: {  	s1 =	sld [smem:$0x3FAF]  }
0x28: {  	s2 =	sld [smem:$0x3FB0]  }
0x29: {  	s4 =	sld [smem:$0x3FB2]  }
0x2a: {  	p0 =	seq.s32 s5, $0x0;
	s5 =	sld [smem:$0x3FB3]  }
0x2b: {  	s6 =	sld [smem:$0x3FB4]  }
0x2c: {  	s7 =	sld [smem:$0x3FB5]  }
0x2d: {  	s3 =	simm.s32 $0x108;
	s8 =	sld [smem:$0x3FB6]  }
0x2e: {  	s3 =	simm.s32 @!p0 $0x1082;
	s9 =	sld [smem:$0x3FB7]  }
0x2f: {  	lr =	sadd.s32 s0, s3;
	s0 =	sld [smem:$0x3FAE]  }
0x30: {  	s3 =	sld [smem:$0x3FB1]  }
0x31: {  	[smem:$0x3FBA] =	sst s10  }
0x32: {  	s10 =	sld [smem:$0x3FB8];
	_ =	sdelay $0x3  }
0x33: {  	p0 =	seq.s32 s10, $0x1;
	s10 =	sld [smem:$0x3FBA];
	_ =	sdelay $0x3  }
0x34: {  	[smem:$0x3FBA] =	sst s10  }
0x35: {  	s10 =	sld [smem:$0x3FB9];
	_ =	sdelay $0x3  }
0x36: {  	p1 =	seq.s32 s10, $0x1;
	s10 =	sld [smem:$0x3FBA];
	_ =	sdelay $0x3  }
0x37: {  	[smem:$0x3FBA] =	sst s10  }
0x38: {  	s10 =	sld [smem:$0x3FBB]  }
0x39: {  	_ = 	snop;
	(pc) =	sbr.ind lr, $3  }
0x3a: {  	_ = 	snop  }
0x3b: {  	_ = 	snop  }
0x3c: {  	p2 =	seq.s32 s10, $0x1;
	s10 =	sld [smem:$0x3FBA]  }
0x3d: {  	_ =	shalt  }
0x3e: {  	_ =	shalt  }
0x3f: {  	_ =	shalt  }
0x40: {  	_ =	shalt  }
0x41: {  	_ =	shalt  }
0x42: {  	_ =	shalt  }
0x43: {  	_ =	shalt  }
0x44: {  	_ =	shalt  }
0x45: {  	_ =	shalt  }
0x46: {  	_ =	shalt  }
0x47: {  	_ =	shalt  }
0x48: {  	_ =	shalt  }
0x49: {  	_ =	shalt  }
0x4a: {  	_ =	shalt  }
0x4b: {  	_ =	shalt  }
0x4c: {  	_ =	shalt  }
0x4d: {  	_ =	shalt  }
0x4e: {  	_ =	shalt  }
0x4f: {  	_ =	shalt  }
0x50: {  	_ =	shalt  }
0x51: {  	_ =	shalt  }
0x52: {  	_ =	shalt  }
0x53: {  	_ =	shalt  }
0x54: {  	_ =	shalt  }
0x55: {  	_ =	shalt  }
0x56: {  	_ =	shalt  }
0x57: {  	_ =	shalt  }
0x58: {  	_ =	shalt  }
0x59: {  	_ =	shalt  }
0x5a: {  	_ =	shalt  }
0x5b: {  	_ =	shalt  }
0x5c: {  	_ =	shalt  }
0x5d: {  	_ =	shalt  }
0x5e: {  	_ =	shalt  }
0x5f: {  	_ =	shalt  }
0x60: {  	_ =	shalt  }
0x61: {  	_ =	shalt  }
0x62: {  	_ =	shalt  }
0x63: {  	_ =	shalt  }
0x64: {  	_ =	shalt  }
0x65: {  	_ =	shalt  }
0x66: {  	_ =	shalt  }
0x67: {  	_ =	shalt  }
0x68: {  	_ =	shalt  }
0x69: {  	_ =	shalt  }
0x6a: {  	_ =	shalt  }
0x6b: {  	_ =	shalt  }
0x6c: {  	_ =	shalt  }
0x6d: {  	_ =	shalt  }
0x6e: {  	_ =	shalt  }
0x6f: {  	_ =	shalt  }
0x70: {  	_ =	shalt  }
0x71: {  	_ =	shalt  }
0x72: {  	_ =	shalt  }
0x73: {  	_ =	shalt  }
0x74: {  	_ =	shalt  }
0x75: {  	_ =	shalt  }
0x76: {  	_ =	shalt  }
0x77: {  	_ =	shalt  }
0x78: {  	_ =	shalt  }
0x79: {  	_ =	shalt  }
0x7a: {  	_ =	shalt  }
0x7b: {  	_ =	shalt  }
0x7c: {  	_ =	shalt  }
0x7d: {  	_ =	shalt  }
0x7e: {  	_ =	shalt  }
0x7f: {  	_ =	shalt  }
0x80: {  	_ =	shalt  }
0x81: {  	_ =	shalt  }
0x82: {  	_ =	shalt  }
0x83: {  	_ =	shalt  }
0x84: {  	_ =	shalt  }
0x85: {  	_ =	shalt  }
0x86: {  	_ =	shalt  }
0x87: {  	_ =	shalt  }
.Lfunc_end0:
.L_simem_size_0:
called_computation_lowered:
.L_overlay_start_0:
0x88: {  	s2 =	sld [smem:$0x3FD9]  }
0x89: {  	s3 =	sld [smem:$0x3FFE];
	_ =	sdelay $0x1  }
0x8a: {  	s1 =	srdreg.scid  }
0x8b: {  	s0 =	sand.u32 $0x1, s1  }
0x8c: {  	s17 =	sshll.u32 s0, $0xA;
	s2 =	sadd.s32 s3, s2  }
0x8d: {  	s2 =	sadd.s32 s2, s17  }
0x8e: {  	[smem:$0x3FC6] =	sst s2  }
0x8f: {  	_ = 	snop  }
0x90: {  	s2 =	sld [smem:$0x3FD0];
	(tm) =	ssettm $0x1  }
0x91: {  	s18 =	sld [smem:$0x3FFB];
	_ =	sdelay $0x3  }
0x92: {  	_ =	strace s18  }
0x93: {  	s3 =	sld [smem:$0x3FFC];
	_ =	sdelay $0x3  }
0x94: {  	_ =	strace s3  }
0x95: {  	s3 =	sld [smem:$0x3FFD];
	_ =	sdelay $0x3  }
0x96: {  	_ =	strace s3  }
0x97: {  	_ =	strace $0x8FFFFFFF  }
0x98: {  	s19 =	sld [smem:$0x3FDB];
	_ =	sdelay $0x1  }
0x99: {  	s4 =	simm.s32 $_scs_section_size  }
0x9a: {  	s5 =	simm.s32 $_size__tile_overlayer_lowered;
	s6 =	simm.s32 $_tile_overlayer_lowered  }
0x9b: {  	s22 =	simm.s32 $0x1BFF;
	s21 =	sshll.u32 s6, $0x1;
	s3 =	sadd.s32 s4, s19  }
0x9c: {  	s7 =	simm.s32 $0x0;
	s20 =	sshll.u32 s5, $0x1;
	s5 =	sadd.s32 s21, s3  }
0x9d: {  	[timem:s7], [sflag:s22] =	dma.local [hbm:s5], s20  }
0x9e: {  	_ =	swait.ge [sflag:s22], s20  }
0x9f: {  	s4 =	ssub.s32 $0x0, s20;
	[sflag:s22] =	ssyncset.done $0x0  }
0xa0: {  	[sflag:s22] =	ssyncadd.s32 s4;
	_ =	sdelay $0x1  }
0xa1: {  	s23 =	simm.s32 $0x1B8B  }
0xa2: {  	_ =	swait.ge [sflag:s23], $0x1  }
0xa3: {  	[sflag:s23] =	ssyncset.done $0x0  }
0xa4: {  	s25 =	simm.s32 $0x1B8E;
	s24 =	sld [smem:$0x3FFE];
	[sflag:s23] =	ssyncadd.s32 $0xFFFFFFFF  }
0xa5: {  	s26 =	simm.s32 $execute0_lowered;
	[smem:$0x3FD2] =	sst s25  }
0xa6: {  	s5 =	sshll.u32 s26, $0x1;
	_ =	strace $0x80000046;
	[dreg:$0x1] =	wrdreg $0xFFFFFFFF  }
0xa7: {  	s28 =	simm.s32 $_size_execute0_lowered;
	s3 =	sadd.s32 s3, s5;
	[dreg:$0x0] =	wrdreg $0x0  }
0xa8: {  	s5 =	sshll.u32 s28, $0x1;
	[dreg:$0x2] =	wrdreg s3  }
0xa9: {  	[dreg:$0x3] =	wrdreg s5  }
0xaa: {  	[dreg:$0x4] =	wrdreg $0xC0  }
0xab: {  	_ =	task [dreg:s7], $0x5FFFF  }
0xac: {  	[dreg:$0x1] =	wrdreg $0xFFFFFFFF  }
0xad: {  	[dreg:$0x0] =	wrdreg $0x60  }
0xae: {  	[dreg:$0x2] =	wrdreg s24  }
0xaf: {  	[dreg:$0x3] =	wrdreg s2  }
0xb0: {  	[dreg:$0x4] =	wrdreg $0x9  }
0xb1: {  	_ =	task.clear_ibuf [dreg:s7], $0x5FFFF;
	_ =	strace $0x90000046  }
0xb2: {  	s29 =	simm.s32 $0x9;
	_ =	strace $0x80000048  }
0xb3: {  	_ =	swait.ge [sflag:s29], $0x1  }
0xb4: {  	[sflag:s29] =	ssyncadd.s32 $0xFFFFFFFF  }
0xb5: {  	_ =	strace $0x90000048  }
0xb6: {  	_ =	sfence  }
0xb7: {  	s30 =	sld [smem:$0x0];
	_ =	sdelay $0x2  }
0xb8: {  	s31 =	sshll.u32 s1, $0xD;
	s1 =	sshrl.u32 s1, $0x2  }
0xb9: {  	s3 =	sand.u32 $0x4000, s31;
	s1 =	sadd.s32 s1, s30  }
0xba: {  	s0 =	sor.u32 s3, s0;
	s1 =	sshll.u32 s1, $0x11  }
0xbb: {  	s0 =	sor.u32 s1, s0  }
0xbc: {  	s0 =	sadd.s32 $0x8F2B, s0  }
0xbd: {  	[sflag:s0] =	ssyncadd.remote.s32 $0x1  }
0xbe: {  	_ =	sfence.sel $0xFFFF  }
0xbf: {  	[dreg:$0x0] =	wrdreg $0xFFFFFFFF;
	(pc) =	sbr.abs _section_cstart, $3  }
0xc0: {  	[dreg:$0x1] =	wrdreg $0xFFFFFFFF  }
0xc1: {  	_ =	task.clear_ibuf [dreg:s7], $0x2FFFF;
	_ =	strace $0x9FFFFFFF  }
0xc2: {  	(tm) =	ssettm $0x7FFFFFFF  }
0xc3: {  	_ =	shalt  }
tec
execute0_lowered:
.L_overlay_start_1:
0x0: {  	(tag) =	ssettag $0x1  }
0x1: {  	s0 =	srdreg.scid;
	s6 =	rddreg [dreg:$0x0]  }
0x2: {  	s1 =	stileid.u32;
	s2 =	rddreg [dreg:$0x1];
	s18 =	simm.s32 $0x100  }
0x3: {  	s20 =	simm.s32 $0x8A00;
	s17 =	simm.s32 $0x2;
	s0 =	sand.u32 $0x1, s0  }
0x4: {  	s1 =	sshll.u32 s1, $0x1;
	s8 =	sadd.s32 $0x4000, s2;
	s9 =	sadd.s32 $0x8000, s2  }
0x5: {  	s10 =	sadd.s32 $0xC000, s2;
	s11 =	sadd.s32 $0x10000, s2;
	s1 =	sor.u32 s0, s1  }
0x6: {  	s12 =	sadd.s32 $0x14000, s2;
	s13 =	sadd.s32 $0x18000, s2;
	s3 =	smul.u32 $0x19000, s1  }
0x7: {  	v0 =	vlaneseq.u32;
	s14 =	sadd.s32 $0x1C000, s2;
	s0 =	ssub.s32 $0x2, s0;
	s4 =	sshll.u32 s1, $0xC  }
0x8: {  	v0 =	vmul.u32 $0x48, v0;
	s29 =	sshrl.u32 s0, $0x1;
	s4 =	sand.u32 $0x3000, s4;
	s5 =	sand.u32 $0x3FC000, s3  }
0x9: {  	s16 =	sadd.s32 $0x640, s6;
	s0 =	ssub.s32 s0, s29;
	s4 =	sor.u32 s4, s5  }
.Ltmp0:
0xa: {  	v1 =	vadd.s32 $0x480, v0;
	v2 =	vadd.s32 $0x900, v0;
	v3 =	vadd.s32 $0xD80, v0;
	s3 =	simm.s32 $0x0;
	s4 =	sshrl.u32 s4, $0x3;
	(pc) =	sbr.rel .LBB2_1-.Ltmp0, $4  }
0xb: {  	v4 =	vadd.s32 $0x1200, v0;
	v5 =	vadd.s32 $0x1680, v0;
	v6 =	vadd.s32 $0x1B00, v0;
	s0 =	smax.u32 s0, $0x1;
	[smem:$0x7FF] =	sst s3;
	s7 =	sadd.s32 s4, s6  }
0xc: {  	v7 =	vadd.s32 $0x1F80, v0;
	v8 =	vadd.s32 $0x2400, v0;
	v9 =	vadd.s32 $0x2880, v0;
	_ =	strace $0x80000047;
	[dreg:$0x5] =	wrdreg s0;
	s30 =	sadd.s32 $0x600, s7  }
0xd: {  	v10 =	vadd.s32 $0x2D00, v0;
	v11 =	vadd.s32 $0x3180, v0;
	v12 =	vadd.s32 $0x3600, v0;
	s5 =	smul.u32 $0x190, s1;
	s31 =	sadd.s32 $0x620, s7;
	[dreg:$0x3] =	wrdreg s30  }
0xe: {  	v13 =	vadd.s32 $0x3A80, v0;
	v14 =	vadd.s32 $0x3F00, v0;
	v15 =	vadd.s32 $0x4380, v0;
	s4 =	sadd.s32 $0x1EB200, s6;
	s6 =	simm.s32 $0x0;
	[dreg:$0x4] =	wrdreg s31  }
.LBB2_11:
0xf: {  	_ =	swait.ge [sflag:s17], $0x400  }
0x10: {  	[sflag:s17] =	ssyncset.done $0x0  }
0x11: {  	[sflag:s17] =	ssyncadd.s32 $0xFFFFFC00  }
0x12: {  	_ =	swait.ge [sflag:s17], $0x400  }
0x13: {  	[sflag:s17] =	ssyncset.done $0x0  }
0x14: {  	[sflag:s17] =	ssyncadd.s32 $0xFFFFFC00  }
0x15: {  	_ =	swait.ge [sflag:s17], $0x400  }
0x16: {  	[sflag:s17] =	ssyncset.done $0x0  }
0x17: {  	[sflag:s17] =	ssyncadd.s32 $0xFFFFFC00  }
0x18: {  	_ =	swait.ge [sflag:s17], $0x400  }
0x19: {  	[sflag:s17] =	ssyncset.done $0x0  }
0x1a: {  	[sflag:s17] =	ssyncadd.s32 $0xFFFFFC00  }
0x1b: {  	_ =	swait.ge [sflag:s17], $0x400  }
0x1c: {  	[sflag:s17] =	ssyncset.done $0x0  }
0x1d: {  	[sflag:s17] =	ssyncadd.s32 $0xFFFFFC00  }
0x1e: {  	_ =	swait.ge [sflag:s17], $0x400  }
0x1f: {  	[sflag:s17] =	ssyncset.done $0x0  }
0x20: {  	[sflag:s17] =	ssyncadd.s32 $0xFFFFFC00  }
0x21: {  	_ =	swait.ge [sflag:s17], $0x400  }
0x22: {  	[sflag:s17] =	ssyncset.done $0x0  }
0x23: {  	[sflag:s17] =	ssyncadd.s32 $0xFFFFFC00  }
0x24: {  	_ =	swait.ge [sflag:s17], $0x400  }
0x25: {  	[sflag:s17] =	ssyncset.done $0x0  }
0x26: {  	[sflag:s17] =	ssyncadd.s32 $0xFFFFFC00  }
0x27: {  	_ =	swait.ge [sflag:s17], $0x400  }
0x28: {  	[sflag:s17] =	ssyncset.done $0x0  }
0x29: {  	[sflag:s17] =	ssyncadd.s32 $0xFFFFFC00  }
0x2a: {  	_ =	swait.ge [sflag:s17], $0x400  }
0x2b: {  	[sflag:s17] =	ssyncset.done $0x0  }
0x2c: {  	[sflag:s17] =	ssyncadd.s32 $0xFFFFFC00  }
0x2d: {  	_ =	swait.ge [sflag:s17], $0x400  }
0x2e: {  	[sflag:s17] =	ssyncset.done $0x0  }
0x2f: {  	[sflag:s17] =	ssyncadd.s32 $0xFFFFFC00  }
0x30: {  	_ =	swait.ge [sflag:s17], $0x400  }
0x31: {  	[sflag:s17] =	ssyncset.done $0x0  }
0x32: {  	[sflag:s17] =	ssyncadd.s32 $0xFFFFFC00  }
0x33: {  	_ =	swait.ge [sflag:s17], $0x400  }
0x34: {  	[sflag:s17] =	ssyncset.done $0x0  }
0x35: {  	[sflag:s17] =	ssyncadd.s32 $0xFFFFFC00  }
0x36: {  	_ =	swait.ge [sflag:s17], $0x400  }
0x37: {  	[sflag:s17] =	ssyncset.done $0x0  }
0x38: {  	[sflag:s17] =	ssyncadd.s32 $0xFFFFFC00  }
0x39: {  	_ =	swait.ge [sflag:s17], $0x400  }
0x3a: {  	[sflag:s17] =	ssyncset.done $0x0  }
0x3b: {  	[sflag:s17] =	ssyncadd.s32 $0xFFFFFC00  }
0x3c: {  	_ =	swait.ge [sflag:s17], $0x400  }
0x3d: {  	[sflag:s17] =	ssyncset.done $0x0  }
0x3e: {  	s1 =	simm.s32 $0x4;
	[sflag:s17] =	ssyncadd.s32 $0xFFFFFC00  }
0x3f: {  	_ =	swait.ge [sflag:s1], $0x400  }
0x40: {  	[sflag:s1] =	ssyncset.done $0x0  }
0x41: {  	[sflag:s1] =	ssyncadd.s32 $0xFFFFFC00  }
0x42: {  	_ =	swait.ge [sflag:s1], $0x400  }
0x43: {  	[sflag:s1] =	ssyncset.done $0x0  }
0x44: {  	[sflag:s1] =	ssyncadd.s32 $0xFFFFFC00  }
0x45: {  	_ =	swait.ge [sflag:s1], $0x400  }
0x46: {  	[sflag:s1] =	ssyncset.done $0x0  }
0x47: {  	[sflag:s1] =	ssyncadd.s32 $0xFFFFFC00  }
0x48: {  	_ =	swait.ge [sflag:s1], $0x400  }
0x49: {  	[sflag:s1] =	ssyncset.done $0x0  }
0x4a: {  	[sflag:s1] =	ssyncadd.s32 $0xFFFFFC00  }
0x4b: {  	_ =	swait.ge [sflag:s1], $0x400  }
0x4c: {  	[sflag:s1] =	ssyncset.done $0x0  }
0x4d: {  	[sflag:s1] =	ssyncadd.s32 $0xFFFFFC00  }
0x4e: {  	_ =	swait.ge [sflag:s1], $0x400  }
0x4f: {  	[sflag:s1] =	ssyncset.done $0x0  }
0x50: {  	[sflag:s1] =	ssyncadd.s32 $0xFFFFFC00  }
0x51: {  	_ =	swait.ge [sflag:s1], $0x400  }
0x52: {  	[sflag:s1] =	ssyncset.done $0x0  }
0x53: {  	[sflag:s1] =	ssyncadd.s32 $0xFFFFFC00  }
0x54: {  	_ =	swait.ge [sflag:s1], $0x400  }
0x55: {  	[sflag:s1] =	ssyncset.done $0x0  }
0x56: {  	[sflag:s1] =	ssyncadd.s32 $0xFFFFFC00  }
0x57: {  	_ =	swait.ge [sflag:s1], $0x400  }
0x58: {  	[sflag:s1] =	ssyncset.done $0x0  }
0x59: {  	[sflag:s1] =	ssyncadd.s32 $0xFFFFFC00  }
0x5a: {  	_ =	swait.ge [sflag:s1], $0x400  }
0x5b: {  	[sflag:s1] =	ssyncset.done $0x0  }
0x5c: {  	[sflag:s1] =	ssyncadd.s32 $0xFFFFFC00  }
0x5d: {  	_ =	swait.ge [sflag:s1], $0x400  }
0x5e: {  	[sflag:s1] =	ssyncset.done $0x0  }
0x5f: {  	[sflag:s1] =	ssyncadd.s32 $0xFFFFFC00  }
0x60: {  	_ =	swait.ge [sflag:s1], $0x400  }
0x61: {  	[sflag:s1] =	ssyncset.done $0x0  }
0x62: {  	[sflag:s1] =	ssyncadd.s32 $0xFFFFFC00  }
0x63: {  	_ =	swait.ge [sflag:s1], $0x400  }
0x64: {  	[sflag:s1] =	ssyncset.done $0x0  }
0x65: {  	[sflag:s1] =	ssyncadd.s32 $0xFFFFFC00  }
0x66: {  	_ =	swait.ge [sflag:s1], $0x400  }
0x67: {  	[sflag:s1] =	ssyncset.done $0x0  }
0x68: {  	[sflag:s1] =	ssyncadd.s32 $0xFFFFFC00  }
0x69: {  	_ =	swait.ge [sflag:s1], $0x400  }
0x6a: {  	[sflag:s1] =	ssyncset.done $0x0  }
0x6b: {  	[sflag:s1] =	ssyncadd.s32 $0xFFFFFC00  }
0x6c: {  	_ =	swait.ge [sflag:s1], $0x400  }
0x6d: {  	s6 =	rddreg [dreg:$0x6]  }
0x6e: {  	s0 =	rddreg [dreg:$0x5];
	s6 =	sadd.s32 $0x1, s6  }
0x6f: {  	p0 =	sne.s32 s6, s0  }
.Ltmp1:
0x70: {  	_ = 	snop;
	(pc) =	sbr.rel @!p0 .LBB2_12-.Ltmp1, $3  }
0x71: {  	_ =	sdelay $0x1  }
0x72: {  	[sflag:s1] =	ssyncset.done $0x0  }
0x73: {  	[sflag:s1] =	ssyncadd.s32 $0xFFFFFC00  }
.LBB2_1:
0x74: {  	[dreg:$0x6] =	wrdreg s6  }
0x75: {  	s0 =	rddreg [dreg:$0x3];
	s1 =	simm.s32 $0x5  }
0x76: {  	[tilespmem:s3], [sflag:$0x5] =	stream.linear.gather [hbm4b:s0+s3], $0x100, $0x38;
	[tilespmem:$0x11200] =	vst v63  }
0x77: {  	_ =	swait.ge [sflag:s1], $0x100  }
0x78: {  	[sflag:s1] =	ssyncset.done $0x0  }
0x79: {  	[sflag:s1] =	ssyncadd.s32 $0xFFFFFF00  }
0x7a: {  	[tilespmem:s18], [sflag:$0x1] =	stream.indirect.gather [hbm4b:s4+s18], $0x48, s3, s18, $0xb8;
	[tilespmem:$0x11200] =	vst v63  }
0x7b: {  	s31 =	simm.s32 $0x8900;
	s30 =	rddreg [dreg:$0x4]  }
0x7c: {  	[tilespmem:s31], [sflag:$0x5] =	stream.linear.gather [hbm4b:s30+s3], $0x100, $0x38;
	[tilespmem:$0x11200] =	vst v63  }
0x7d: {  	_ =	swait.ge [sflag:s1], $0x100  }
0x7e: {  	[sflag:s1] =	ssyncset.done $0x0  }
0x7f: {  	s22 =	simm.s32 $0x0;
	[sflag:s1] =	ssyncadd.s32 $0xFFFFFF00  }
0x80: {  	[tilespmem:s20], [sflag:$0x3] =	stream.indirect.gather [hbm4b:s4+s18], $0x48, s31, s18, $0xb8;
	[tilespmem:$0x11200] =	vst v63  }
.LBB2_2:
0x81: {  	s23 =	sshll.u32 s22, $0x1;
	s1 =	simm.s32 $0x1;
	p0 =	seq.s32 s22, $0xC7  }
0x82: {  	s24 =	sadd.s32 s5, s23;
	_ =	swait.ge [sflag:s1], $0x4800;
	p1 =	seq.s32 @!p0 s22, $0x0  }
0x83: {  	[sflag:s1] =	ssyncset.done $0x0;
	s0 =	sshll.u32 @!p0 s24, $0x5;
	p1 =	por p0, !p1  }
0x84: {  	[sflag:s1] =	ssyncadd.s32 $0xFFFFB800;
	s0 =	sadd.s32 @!p0 s16, s0;
	s1 =	simm.s32 @!p0 $0x0  }
0x85: {  	[tilespmem:s1], [sflag:$0x5] =	stream.linear.gather @!p0 [hbm4b:s0+s1], $0x100, $0x38;
	[tilespmem:$0x11200] =	vst v63  }
.Ltmp2:
0x86: {  	_ = 	snop;
	(pc) =	sbr.rel @!p1 .LBB2_3-.Ltmp2, $4  }
0x87: {  	s0 =	simm.s32 @!p0 $0x5  }
0x88: {  	_ =	swait.ge @!p0 [sflag:s0], $0x100  }
0x89: {  	[sflag:s0] =	ssyncset.done @!p0 $0x0  }
0x8a: {  	[sflag:s0] =	ssyncadd.s32 @!p0 $0xFFFFFF00  }
0x8b: {  	_ =	swait.ge [sflag:s17], $0x400  }
0x8c: {  	[sflag:s17] =	ssyncset.done $0x0  }
0x8d: {  	[sflag:s17] =	ssyncadd.s32 $0xFFFFFC00  }
0x8e: {  	_ =	swait.ge [sflag:s17], $0x400  }
0x8f: {  	[sflag:s17] =	ssyncset.done $0x0  }
0x90: {  	[sflag:s17] =	ssyncadd.s32 $0xFFFFFC00  }
0x91: {  	_ =	swait.ge [sflag:s17], $0x400  }
0x92: {  	[sflag:s17] =	ssyncset.done $0x0  }
0x93: {  	[sflag:s17] =	ssyncadd.s32 $0xFFFFFC00  }
0x94: {  	_ =	swait.ge [sflag:s17], $0x400  }
0x95: {  	[sflag:s17] =	ssyncset.done $0x0  }
0x96: {  	[sflag:s17] =	ssyncadd.s32 $0xFFFFFC00  }
0x97: {  	_ =	swait.ge [sflag:s17], $0x400  }
0x98: {  	[sflag:s17] =	ssyncset.done $0x0  }
0x99: {  	[sflag:s17] =	ssyncadd.s32 $0xFFFFFC00  }
0x9a: {  	_ =	swait.ge [sflag:s17], $0x400  }
0x9b: {  	[sflag:s17] =	ssyncset.done $0x0  }
0x9c: {  	[sflag:s17] =	ssyncadd.s32 $0xFFFFFC00  }
0x9d: {  	_ =	swait.ge [sflag:s17], $0x400  }
0x9e: {  	[sflag:s17] =	ssyncset.done $0x0  }
0x9f: {  	[sflag:s17] =	ssyncadd.s32 $0xFFFFFC00  }
0xa0: {  	_ =	swait.ge [sflag:s17], $0x400  }
0xa1: {  	[sflag:s17] =	ssyncset.done $0x0  }
0xa2: {  	[sflag:s17] =	ssyncadd.s32 $0xFFFFFC00  }
0xa3: {  	_ =	swait.ge [sflag:s17], $0x400  }
0xa4: {  	[sflag:s17] =	ssyncset.done $0x0  }
0xa5: {  	[sflag:s17] =	ssyncadd.s32 $0xFFFFFC00  }
0xa6: {  	_ =	swait.ge [sflag:s17], $0x400  }
0xa7: {  	[sflag:s17] =	ssyncset.done $0x0  }
0xa8: {  	[sflag:s17] =	ssyncadd.s32 $0xFFFFFC00  }
0xa9: {  	_ =	swait.ge [sflag:s17], $0x400  }
0xaa: {  	[sflag:s17] =	ssyncset.done $0x0  }
0xab: {  	[sflag:s17] =	ssyncadd.s32 $0xFFFFFC00  }
0xac: {  	_ =	swait.ge [sflag:s17], $0x400  }
0xad: {  	[sflag:s17] =	ssyncset.done $0x0  }
0xae: {  	[sflag:s17] =	ssyncadd.s32 $0xFFFFFC00  }
0xaf: {  	_ =	swait.ge [sflag:s17], $0x400  }
0xb0: {  	[sflag:s17] =	ssyncset.done $0x0  }
0xb1: {  	[sflag:s17] =	ssyncadd.s32 $0xFFFFFC00  }
0xb2: {  	_ =	swait.ge [sflag:s17], $0x400  }
0xb3: {  	[sflag:s17] =	ssyncset.done $0x0  }
0xb4: {  	[sflag:s17] =	ssyncadd.s32 $0xFFFFFC00  }
0xb5: {  	_ =	swait.ge [sflag:s17], $0x400  }
.Ltmp3:
0xb6: {  	[sflag:s17] =	ssyncset.done $0x0;
	(pc) =	sbr.rel .LBB2_5-.Ltmp3, $4  }
0xb7: {  	[sflag:s17] =	ssyncadd.s32 $0xFFFFFC00  }
0xb8: {  	_ =	swait.ge [sflag:s17], $0x400  }
0xb9: {  	[sflag:s17] =	ssyncset.done $0x0  }
0xba: {  	p1 =	por $0x0, $0x0;
	[sflag:s17] =	ssyncadd.s32 $0xFFFFFC00  }
.LBB2_3:
0xbb: {  	p1 =	por @!p0 $0x1, $0x1  }
.LBB2_5:
0xbc: {  	s0 =	simm.s32 $0x0  }
0xbd: {  	v16 =	vmov s0  }
0xbe: {  	s28 =	simm.s32 $0x1;
	v21 =	vand.u32 $0x3C, v16  }
0xbf: {  	v16 =	vmov s28;
	v17 =	vadd.s32 v0, v21  }
0xc0: {  	v16 =	vand.u32 $0x3D, v16  }
0xc1: {  	s1 =	simm.s32 $0x3;
	v18 =	vadd.s32 v0, v16  }
0xc2: {  	v19 =	vmov s1  }
0xc3: {  	s6 =	simm.s32 $0x2;
	v23 =	vand.u32 $0x3F, v19  }
0xc4: {  	v19 =	vmov s6;
	v20 =	vadd.s32 v0, v23;
	v17 =	vld.idx.msk [tilespmem:v17+s18+$0x0], $0xffff  }
0xc5: {  	v22 =	vand.u32 $0x3E, v19;
	v19 =	vadd.s32 v1, v21  }
0xc6: {  	v24 =	vadd.s32 v0, v22;
	v18 =	vld.idx.msk [tilespmem:v18+s18+$0x0], $0xffff  }
0xc7: {  	s7 =	simm.s32 $0x0;
	v25 =	vadd.s32 v1, v16  }
0xc8: {  	s30 =	simm.s32 $0x4980;
	s0 =	sand.u32 $0x3800, s7;
	s1 =	simm.s32 $0x100  }
0xc9: {  	s1 =	sand.u32 $0x500, s1;
	s0 =	sadd.s32 $0x4900, s0;
	[tilespmem:s30+$0xFFFFFF80] =	vst v17;
	v17 =	vld.idx.msk [tilespmem:v20+s18+$0x0], $0xffff  }
0xca: {  	s25 =	sadd.s32 s1, s0;
	v20 =	vadd.s32 v1, v23;
	v19 =	vld.idx.msk [tilespmem:v19+s18+$0x0], $0xffff  }
0xcb: {  	s15 =	simm.s32 $0x300;
	v24 =	vld.idx.msk [tilespmem:v24+s18+$0x0], $0xffff;
	[tilespmem:s25+$0x0] =	vst v18;
	v18 =	vadd.s32 v2, v21  }
0xcc: {  	s1 =	sand.u32 $0x700, s15;
	v26 =	vadd.s32 v1, v22;
	v25 =	vld.idx.msk [tilespmem:v25+s18+$0x0], $0xffff  }
0xcd: {  	s6 =	simm.s32 $0x200;
	v27 =	vadd.s32 v2, v16;
	s29 =	sadd.s32 s1, s0  }
0xce: {  	s19 =	sand.u32 $0x600, s6;
	[tilespmem:s29+$0x0] =	vst v17  }
0xcf: {  	s26 =	sor.u32 s19, s0;
	[tilespmem:s30+$0xFFFFFF90] =	vst v19;
	v17 =	vld.idx.msk [tilespmem:v20+s18+$0x0], $0xffff  }
0xd0: {  	[tilespmem:s26+$0x0] =	vst v24;
	v19 =	vadd.s32 v2, v23;
	v18 =	vld.idx.msk [tilespmem:v18+s18+$0x0], $0xffff  }
0xd1: {  	v24 =	vadd.s32 v3, v21;
	v20 =	vld.idx.msk [tilespmem:v26+s18+$0x0], $0xffff;
	[tilespmem:s25+$0x10] =	vst v25  }
0xd2: {  	v25 =	vadd.s32 v2, v22;
	v26 =	vld.idx.msk [tilespmem:v27+s18+$0x0], $0xffff  }
0xd3: {  	v27 =	vadd.s32 v3, v16  }
0xd4: {  	[tilespmem:s29+$0x10] =	vst v17  }
0xd5: {  	[tilespmem:s30+$0xFFFFFFA0] =	vst v18;
	v17 =	vld.idx.msk [tilespmem:v19+s18+$0x0], $0xffff  }
0xd6: {  	[tilespmem:s26+$0x10] =	vst v20;
	v19 =	vadd.s32 v3, v23;
	v18 =	vld.idx.msk [tilespmem:v24+s18+$0x0], $0xffff  }
0xd7: {  	v20 =	vld.idx.msk [tilespmem:v25+s18+$0x0], $0xffff;
	[tilespmem:s25+$0x20] =	vst v26;
	v24 =	vadd.s32 v4, v21  }
0xd8: {  	v25 =	vadd.s32 v3, v22;
	v26 =	vld.idx.msk [tilespmem:v27+s18+$0x0], $0xffff  }
0xd9: {  	v27 =	vadd.s32 v4, v16  }
0xda: {  	[tilespmem:s29+$0x20] =	vst v17  }
0xdb: {  	[tilespmem:s30+$0xFFFFFFB0] =	vst v18;
	v17 =	vld.idx.msk [tilespmem:v19+s18+$0x0], $0xffff  }
0xdc: {  	[tilespmem:s26+$0x20] =	vst v20;
	v19 =	vadd.s32 v4, v23;
	v18 =	vld.idx.msk [tilespmem:v24+s18+$0x0], $0xffff  }
0xdd: {  	v20 =	vld.idx.msk [tilespmem:v25+s18+$0x0], $0xffff;
	[tilespmem:s25+$0x30] =	vst v26;
	v24 =	vadd.s32 v5, v21  }
0xde: {  	v26 =	vadd.s32 v4, v22;
	v25 =	vld.idx.msk [tilespmem:v27+s18+$0x0], $0xffff  }
0xdf: {  	v27 =	vadd.s32 v5, v16  }
0xe0: {  	[tilespmem:s29+$0x30] =	vst v17  }
0xe1: {  	[tilespmem:s30+$0xFFFFFFC0] =	vst v18;
	v17 =	vld.idx.msk [tilespmem:v19+s18+$0x0], $0xffff  }
0xe2: {  	[tilespmem:s26+$0x30] =	vst v20;
	v19 =	vadd.s32 v5, v23;
	v18 =	vld.idx.msk [tilespmem:v24+s18+$0x0], $0xffff  }
0xe3: {  	v20 =	vld.idx.msk [tilespmem:v26+s18+$0x0], $0xffff;
	[tilespmem:s25+$0x40] =	vst v25;
	v24 =	vadd.s32 v6, v21  }
0xe4: {  	v26 =	vadd.s32 v5, v22;
	v25 =	vld.idx.msk [tilespmem:v27+s18+$0x0], $0xffff  }
0xe5: {  	v27 =	vadd.s32 v6, v16  }
0xe6: {  	[tilespmem:s29+$0x40] =	vst v17  }
0xe7: {  	[tilespmem:s30+$0xFFFFFFD0] =	vst v18;
	v17 =	vld.idx.msk [tilespmem:v19+s18+$0x0], $0xffff  }
0xe8: {  	[tilespmem:s26+$0x40] =	vst v20;
	v19 =	vadd.s32 v6, v23;
	v18 =	vld.idx.msk [tilespmem:v24+s18+$0x0], $0xffff  }
0xe9: {  	v20 =	vld.idx.msk [tilespmem:v26+s18+$0x0], $0xffff;
	[tilespmem:s25+$0x50] =	vst v25;
	v24 =	vadd.s32 v7, v21  }
0xea: {  	v26 =	vadd.s32 v6, v22;
	v25 =	vld.idx.msk [tilespmem:v27+s18+$0x0], $0xffff  }
0xeb: {  	v27 =	vadd.s32 v7, v16  }
0xec: {  	[tilespmem:s29+$0x50] =	vst v17  }
0xed: {  	s21 =	simm.s32 $0x5;
	[tilespmem:s30+$0xFFFFFFE0] =	vst v18;
	v19 =	vld.idx.msk [tilespmem:v19+s18+$0x0], $0xffff  }
0xee: {  	[tilespmem:s26+$0x50] =	vst v20;
	v17 =	vmov s21;
	v20 =	vld.idx.msk [tilespmem:v24+s18+$0x0], $0xffff;
	v24 =	vadd.s32 v7, v23  }
0xef: {  	s28 =	simm.s32 $0x6;
	v28 =	vadd.s32 v8, v21;
	v18 =	vand.u32 $0x3D, v17;
	[tilespmem:s25+$0x60] =	vst v25;
	v25 =	vld.idx.msk [tilespmem:v26+s18+$0x0], $0xffff  }
0xf0: {  	v29 =	vmov s28;
	v31 =	vadd.s32 v0, v18;
	v26 =	vld.idx.msk [tilespmem:v27+s18+$0x0], $0xffff  }
0xf1: {  	v17 =	vand.u32 $0x3E, v29;
	v27 =	vadd.s32 v7, v22  }
0xf2: {  	s1 =	simm.s32 $0x4;
	v29 =	vadd.s32 v0, v17;
	[tilespmem:s29+$0x60] =	vst v19  }
0xf3: {  	v30 =	vadd.s32 v8, v16;
	v19 =	vmov s1;
	[tilespmem:s30+$0xFFFFFFF0] =	vst v20;
	v20 =	vld.idx.msk [tilespmem:v24+s18+$0x0], $0xffff  }
0xf4: {  	[tilespmem:s26+$0x60] =	vst v25;
	v25 =	vadd.s32 v8, v23;
	v19 =	vand.u32 $0x3C, v19;
	v24 =	vld.idx.msk [tilespmem:v28+s18+$0x0], $0xffff  }
0xf5: {  	v31 =	vld.idx.msk [tilespmem:v31+s18+$0x0], $0xffff;
	[tilespmem:s25+$0x70] =	vst v26;
	v26 =	vadd.s32 v0, v19  }
0xf6: {  	s7 =	simm.s32 $0x400;
	v34 =	vadd.s32 v1, v18;
	v27 =	vld.idx.msk [tilespmem:v27+s18+$0x0], $0xffff  }
0xf7: {  	s15 =	sand.u32 $0x3800, s7;
	s19 =	simm.s32 $0x500;
	v29 =	vld.idx.msk [tilespmem:v29+s18+$0x0], $0xffff;
	v28 =	vadd.s32 v9, v21  }
0xf8: {  	v32 =	vadd.s32 v8, v22;
	s21 =	sadd.s32 $0x4900, s15;
	s1 =	sand.u32 $0x500, s19;
	v30 =	vld.idx.msk [tilespmem:v30+s18+$0x0], $0xffff;
	[tilespmem:s29+$0x70] =	vst v20  }
0xf9: {  	s6 =	simm.s32 $0x7;
	v33 =	vadd.s32 v9, v16;
	s31 =	sadd.s32 s1, s21;
	[tilespmem:s30+$0x0] =	vst v24;
	v24 =	vld.idx.msk [tilespmem:v25+s18+$0x0], $0xffff  }
0xfa: {  	v20 =	vmov s6;
	[tilespmem:s31+$0x0] =	vst v31;
	v25 =	vadd.s32 v1, v17;
	v26 =	vld.idx.msk [tilespmem:v26+s18+$0x0], $0xffff  }
0xfb: {  	s28 =	simm.s32 $0x600;
	v20 =	vand.u32 $0x3F, v20;
	[tilespmem:s26+$0x70] =	vst v27;
	v27 =	vadd.s32 v9, v23;
	v42 =	vld.idx.msk [tilespmem:v34+s18+$0x0], $0xffff  }
0xfc: {  	s0 =	sand.u32 $0x600, s28;
	v28 =	vld.idx.msk [tilespmem:v28+s18+$0x0], $0xffff;
	v35 =	vadd.s32 v0, v20  }
0xfd: {  	s0 =	sor.u32 s0, s21;
	v41 =	vadd.s32 v1, v19;
	[tilespmem:s25+$0x80] =	vst v30;
	v30 =	vld.idx.msk [tilespmem:v32+s18+$0x0], $0xffff  }
0xfe: {  	[tilespmem:s0+$0x0] =	vst v29;
	v29 =	vadd.s32 v10, v21;
	v31 =	vld.idx.msk [tilespmem:v33+s18+$0x0], $0xffff  }
0xff: {  	v44 =	vadd.s32 v9, v22;
	s1 =	simm.s32 $0x4D80;
	v25 =	vld.idx.msk [tilespmem:v25+s18+$0x0], $0xffff;
	[tilespmem:s29+$0x80] =	vst v24  }
0x100: {  	v43 =	vadd.s32 v10, v16;
	[tilespmem:s1+$0xFFFFFF80] =	vst v26;
	v27 =	vld.idx.msk [tilespmem:v27+s18+$0x0], $0xffff  }
0x101: {  	v24 =	vadd.s32 v2, v18;
	[tilespmem:s31+$0x10] =	vst v42;
	v35 =	vld.idx.msk [tilespmem:v35+s18+$0x0], $0xffff  }
0x102: {  	v26 =	vadd.s32 v2, v17;
	[tilespmem:s30+$0x10] =	vst v28;
	v28 =	vld.idx.msk [tilespmem:v41+s18+$0x0], $0xffff  }
0x103: {  	v36 =	vadd.s32 v10, v23;
	[tilespmem:s26+$0x80] =	vst v30;
	v29 =	vld.idx.msk [tilespmem:v29+s18+$0x0], $0xffff  }
0x104: {  	s7 =	simm.s32 $0x700;
	[tilespmem:s25+$0x90] =	vst v31;
	v31 =	vadd.s32 v1, v20;
	v30 =	vld.idx.msk [tilespmem:v44+s18+$0x0], $0xffff  }
0x105: {  	s15 =	sand.u32 $0x700, s7;
	v46 =	vadd.s32 v2, v19;
	v45 =	vld.idx.msk [tilespmem:v43+s18+$0x0], $0xffff;
	[tilespmem:s0+$0x10] =	vst v25  }
0x106: {  	v47 =	vadd.s32 v11, v21;
	s6 =	sadd.s32 s15, s21;
	v24 =	vld.idx.msk [tilespmem:v24+s18+$0x0], $0xffff;
	[tilespmem:s29+$0x90] =	vst v27  }
0x107: {  	v25 =	vld.idx.msk [tilespmem:v26+s18+$0x0], $0xffff;
	v26 =	vadd.s32 v11, v16;
	[tilespmem:s6+$0x0] =	vst v35  }
0x108: {  	v27 =	vadd.s32 v3, v18;
	[tilespmem:s1+$0xFFFFFF90] =	vst v28;
	v48 =	vld.idx.msk [tilespmem:v36+s18+$0x0], $0xffff  }
0x109: {  	v28 =	vld.idx.msk [tilespmem:v31+s18+$0x0], $0xffff;
	v31 =	vadd.s32 v10, v22;
	[tilespmem:s30+$0x20] =	vst v29  }
0x10a: {  	v49 =	vadd.s32 v3, v17;
	v34 =	vld.idx.msk [tilespmem:v46+s18+$0x0], $0xffff;
	[tilespmem:s26+$0x90] =	vst v30  }
0x10b: {  	v50 =	vadd.s32 v3, v19;
	[tilespmem:s25+$0xA0] =	vst v45;
	v29 =	vld.idx.msk [tilespmem:v47+s18+$0x0], $0xffff  }
0x10c: {  	v53 =	vadd.s32 v11, v23;
	[tilespmem:s31+$0x20] =	vst v24;
	v26 =	vld.idx.msk [tilespmem:v26+s18+$0x0], $0xffff  }
0x10d: {  	v24 =	vadd.s32 v2, v20;
	v27 =	vld.idx.msk [tilespmem:v27+s18+$0x0], $0xffff;
	[tilespmem:s0+$0x20] =	vst v25  }
0x10e: {  	v51 =	vadd.s32 v12, v16;
	v25 =	vld.idx.msk [tilespmem:v31+s18+$0x0], $0xffff;
	[tilespmem:s6+$0x10] =	vst v28  }
0x10f: {  	v30 =	vadd.s32 v4, v18;
	v31 =	vld.idx.msk [tilespmem:v49+s18+$0x0], $0xffff;
	[tilespmem:s1+$0xFFFFFFA0] =	vst v34  }
0x110: {  	v28 =	vadd.s32 v12, v21;
	[tilespmem:s29+$0xA0] =	vst v48;
	v33 =	vld.idx.msk [tilespmem:v50+s18+$0x0], $0xffff  }
0x111: {  	v52 =	vadd.s32 v11, v22;
	[tilespmem:s30+$0x30] =	vst v29;
	v35 =	vld.idx.msk [tilespmem:v53+s18+$0x0], $0xffff  }
0x112: {  	v55 =	vadd.s32 v4, v17;
	v24 =	vld.idx.msk [tilespmem:v24+s18+$0x0], $0xffff;
	[tilespmem:s25+$0xB0] =	vst v26  }
0x113: {  	v54 =	vadd.s32 v4, v19;
	[tilespmem:s31+$0x30] =	vst v27;
	v27 =	vld.idx.msk [tilespmem:v51+s18+$0x0], $0xffff  }
0x114: {  	v26 =	vadd.s32 v3, v20;
	v30 =	vld.idx.msk [tilespmem:v30+s18+$0x0], $0xffff;
	[tilespmem:s26+$0xA0] =	vst v25  }
0x115: {  	v29 =	vadd.s32 v13, v16;
	v28 =	vld.idx.msk [tilespmem:v28+s18+$0x0], $0xffff;
	[tilespmem:s0+$0x30] =	vst v31  }
0x116: {  	v25 =	vadd.s32 v5, v18;
	v34 =	vld.idx.msk [tilespmem:v52+s18+$0x0], $0xffff;
	[tilespmem:s1+$0xFFFFFFB0] =	vst v33  }
0x117: {  	v56 =	vadd.s32 v12, v23;
	v31 =	vld.idx.msk [tilespmem:v55+s18+$0x0], $0xffff;
	[tilespmem:s29+$0xB0] =	vst v35  }
0x118: {  	v32 =	vld.idx.msk [tilespmem:v54+s18+$0x0], $0xffff;
	[tilespmem:s6+$0x20] =	vst v24;
	v24 =	vadd.s32 v13, v21  }
0x119: {  	v58 =	vadd.s32 v5, v17;
	v26 =	vld.idx.msk [tilespmem:v26+s18+$0x0], $0xffff;
	[tilespmem:s25+$0xC0] =	vst v27  }
0x11a: {  	[tilespmem:s31+$0x40] =	vst v30;
	v27 =	vadd.s32 v4, v20;
	v37 =	vld.idx.msk [tilespmem:v29+s18+$0x0], $0xffff  }
0x11b: {  	[tilespmem:s30+$0x40] =	vst v28;
	v29 =	vadd.s32 v5, v19;
	v25 =	vld.idx.msk [tilespmem:v25+s18+$0x0], $0xffff  }
0x11c: {  	v57 =	vld.idx.msk [tilespmem:v56+s18+$0x0], $0xffff;
	v28 =	vadd.s32 v12, v22;
	[tilespmem:s0+$0x40] =	vst v31  }
0x11d: {  	v30 =	vadd.s32 v6, v18;
	[tilespmem:s1+$0xFFFFFFC0] =	vst v32;
	v24 =	vld.idx.msk [tilespmem:v24+s18+$0x0], $0xffff  }
0x11e: {  	v32 =	vld.idx.msk [tilespmem:v58+s18+$0x0], $0xffff;
	[tilespmem:s6+$0x30] =	vst v26;
	v26 =	vadd.s32 v14, v21  }
0x11f: {  	v59 =	vadd.s32 v13, v23;
	[tilespmem:s26+$0xB0] =	vst v34;
	v27 =	vld.idx.msk [tilespmem:v27+s18+$0x0], $0xffff  }
0x120: {  	v29 =	vld.idx.msk [tilespmem:v29+s18+$0x0], $0xffff;
	[tilespmem:s31+$0x50] =	vst v25;
	v25 =	vadd.s32 v5, v20  }
0x121: {  	v60 =	vadd.s32 v6, v19;
	[tilespmem:s29+$0xC0] =	vst v57;
	v28 =	vld.idx.msk [tilespmem:v28+s18+$0x0], $0xffff  }
0x122: {  	v30 =	vld.idx.msk [tilespmem:v30+s18+$0x0], $0xffff;
	[tilespmem:s30+$0x50] =	vst v24;
	v24 =	vadd.s32 v13, v22  }
0x123: {  	v31 =	vadd.s32 v7, v18;
	[tilespmem:s25+$0xD0] =	vst v37;
	v26 =	vld.idx.msk [tilespmem:v26+s18+$0x0], $0xffff  }
0x124: {  	v61 =	vadd.s32 v6, v17;
	[tilespmem:s6+$0x40] =	vst v27;
	v27 =	vld.idx.msk [tilespmem:v59+s18+$0x0], $0xffff  }
0x125: {  	v21 =	vadd.s32 v15, v21;
	[tilespmem:s1+$0xFFFFFFD0] =	vst v29;
	v25 =	vld.idx.msk [tilespmem:v25+s18+$0x0], $0xffff  }
0x126: {  	v62 =	vadd.s32 v14, v23;
	[tilespmem:s26+$0xC0] =	vst v28;
	v34 =	vld.idx.msk [tilespmem:v60+s18+$0x0], $0xffff  }
0x127: {  	[tilespmem:s31+$0x60] =	vst v30;
	v30 =	vadd.s32 v6, v20;
	v63 =	vld.idx.msk [tilespmem:v24+s18+$0x0], $0xffff  }
0x128: {  	v38 =	vadd.s32 v7, v19;
	[tilespmem:s0+$0x50] =	vst v32;
	v29 =	vld.idx.msk [tilespmem:v31+s18+$0x0], $0xffff  }
0x129: {  	v39 =	vadd.s32 v14, v22;
	v31 =	vld.idx.msk [tilespmem:v61+s18+$0x0], $0xffff;
	[tilespmem:s30+$0x60] =	vst v26  }
0x12a: {  	v24 =	vadd.s32 v15, v23;
	v23 =	vadd.s32 v14, v16;
	v28 =	vld.idx.msk [tilespmem:v21+s18+$0x0], $0xffff;
	[tilespmem:s29+$0xD0] =	vst v27  }
0x12b: {  	[tilespmem:s6+$0x50] =	vst v25;
	v26 =	vld.idx.msk [tilespmem:v62+s18+$0x0], $0xffff  }
0x12c: {  	v33 =	vadd.s32 v7, v17;
	[tilespmem:s1+$0xFFFFFFE0] =	vst v34;
	v32 =	vld.idx.msk [tilespmem:v30+s18+$0x0], $0xffff  }
0x12d: {  	v30 =	vld.idx.msk [tilespmem:v38+s18+$0x0], $0xffff;
	[tilespmem:s26+$0xD0] =	vst v63  }
0x12e: {  	s15 =	simm.s32 $0x8;
	v21 =	vadd.s32 v8, v19;
	v25 =	vadd.s32 v15, v22;
	v34 =	vadd.s32 v7, v20;
	v27 =	vld.idx.msk [tilespmem:v39+s18+$0x0], $0xffff  }
.LBB2_6:
0x12f: {  	s19 =	sadd.s32 $0x1, s15;
	s21 =	sadd.s32 $0x2, s15;
	s28 =	sadd.s32 $0x3, s15;
	[tilespmem:s30+$0x70] =	vst v28;
	v28 =	vld.idx.msk [tilespmem:v23+s18+$0x0], $0xffff;
	v35 =	vadd.s32 v15, v16;
	v16 =	vmov v18  }
0x130: {  	p2 =	slt.u32 s15, $0x3C;
	v18 =	vmov s19;
	v22 =	vmov s21;
	v23 =	vmov s28;
	[tilespmem:s0+$0x60] =	vst v31;
	s19 =	smov.u32 s15;
	s15 =	sadd.s32 $0x4, s15  }
0x131: {  	s30 =	smov.u32 s1;
	v18 =	vand.u32 $0x3D, v18;
	v23 =	vand.u32 $0x3F, v23;
	v31 =	vld.idx.msk [tilespmem:v33+s18+$0x0], $0xffff;
	[tilespmem:s29+$0xE0] =	vst v26  }
0x132: {  	v22 =	vand.u32 $0x3E, v22;
	v33 =	vadd.s32 v8, v16;
	v26 =	vadd.s32 v0, v18;
	[tilespmem:s6+$0x60] =	vst v32;
	v32 =	vld.idx.msk [tilespmem:v24+s18+$0x0], $0xffff  }
0x133: {  	v24 =	vmov s19;
	v36 =	vadd.s32 v0, v22;
	[tilespmem:s1+$0xFFFFFFF0] =	vst v30;
	v30 =	vld.idx.msk [tilespmem:v34+s18+$0x0], $0xffff  }
0x134: {  	v38 =	vadd.s32 v8, v20;
	v24 =	vand.u32 $0x3C, v24;
	v34 =	vadd.s32 v0, v23;
	v37 =	vld.idx.msk [tilespmem:v21+s18+$0x0], $0xffff;
	[tilespmem:s26+$0xE0] =	vst v27  }
0x135: {  	v27 =	vadd.s32 v0, v24;
	v21 =	vadd.s32 v8, v24;
	[tilespmem:s25+$0xE0] =	vst v28;
	v25 =	vld.idx.msk [tilespmem:v25+s18+$0x0], $0xffff  }
0x136: {  	v28 =	vadd.s32 v9, v19;
	[tilespmem:s31+$0x70] =	vst v29;
	v29 =	vld.idx.msk [tilespmem:v35+s18+$0x0], $0xffff  }
0x137: {  	v33 =	vld.idx.msk [tilespmem:v33+s18+$0x0], $0xffff;
	[tilespmem:s0+$0x70] =	vst v31  }
0x138: {  	s7 =	sadd.s32 $0x400, s7;
	v31 =	vadd.s32 v8, v17;
	v26 =	vld.idx.msk [tilespmem:v26+s18+$0x0], $0xffff;
	[tilespmem:s29+$0xF0] =	vst v32;
	s29 =	smov.u32 s6  }
0x139: {  	v35 =	vadd.s32 v9, v16;
	v32 =	vld.idx.msk [tilespmem:v36+s18+$0x0], $0xffff;
	[tilespmem:s29+$0x70] =	vst v30  }
0x13a: {  	s6 =	sadd.s32 $0xFFFFFD00, s7;
	v30 =	vadd.s32 v1, v18;
	[tilespmem:s1+$0x0] =	vst v37;
	v36 =	vld.idx.msk [tilespmem:v38+s18+$0x0], $0xffff  }
0x13b: {  	s19 =	sadd.s32 $0xFFFFFE00, s7;
	s6 =	sand.u32 $0x3800, s6;
	v37 =	vadd.s32 v1, v22;
	v28 =	vld.idx.msk [tilespmem:v28+s18+$0x0], $0xffff;
	[tilespmem:s26+$0xF0] =	vst v25;
	s26 =	smov.u32 s0  }
0x13c: {  	s6 =	sadd.s32 $0x4900, s6;
	s0 =	sand.u32 $0x500, s19;
	s19 =	sadd.s32 $0xFFFFFF00, s7;
	v25 =	vld.idx.msk [tilespmem:v27+s18+$0x0], $0xffff;
	v27 =	vadd.s32 v9, v20;
	[tilespmem:s25+$0xF0] =	vst v29  }
0x13d: {  	s19 =	sand.u32 $0x600, s19;
	s25 =	smov.u32 s31;
	[tilespmem:s31+$0x80] =	vst v33;
	v29 =	vld.idx.msk [tilespmem:v31+s18+$0x0], $0xffff;
	s31 =	sadd.s32 s0, s6  }
0x13e: {  	v31 =	vadd.s32 v1, v24;
	s0 =	sor.u32 s19, s6;
	[tilespmem:s31+$0x0] =	vst v26;
	v26 =	vld.idx.msk [tilespmem:v35+s18+$0x0], $0xffff  }
0x13f: {  	s1 =	sadd.s32 $0x400, s1;
	v30 =	vld.idx.msk [tilespmem:v30+s18+$0x0], $0xffff;
	[tilespmem:s0+$0x0] =	vst v32;
	v32 =	vadd.s32 v10, v19  }
0x140: {  	v35 =	vadd.s32 v10, v16;
	v33 =	vld.idx.msk [tilespmem:v37+s18+$0x0], $0xffff;
	[tilespmem:s29+$0x80] =	vst v36  }
0x141: {  	v36 =	vadd.s32 v2, v18;
	[tilespmem:s30+$0x10] =	vst v28;
	v27 =	vld.idx.msk [tilespmem:v27+s18+$0x0], $0xffff  }
0x142: {  	[tilespmem:s1+$0xFFFFFF80] =	vst v25;
	v25 =	vadd.s32 v2, v22;
	v28 =	vld.idx.msk [tilespmem:v34+s18+$0x0], $0xffff  }
0x143: {  	v34 =	vadd.s32 v10, v20;
	v31 =	vld.idx.msk [tilespmem:v31+s18+$0x0], $0xffff;
	[tilespmem:s26+$0x80] =	vst v29;
	v29 =	vadd.s32 v9, v17  }
0x144: {  	v32 =	vld.idx.msk [tilespmem:v32+s18+$0x0], $0xffff;
	[tilespmem:s25+$0x90] =	vst v26  }
0x145: {  	v26 =	vadd.s32 v1, v23;
	[tilespmem:s31+$0x10] =	vst v30;
	v30 =	vld.idx.msk [tilespmem:v35+s18+$0x0], $0xffff  }
0x146: {  	s19 =	sand.u32 $0x700, s7;
	v35 =	vadd.s32 v2, v24;
	v36 =	vld.idx.msk [tilespmem:v36+s18+$0x0], $0xffff;
	[tilespmem:s0+$0x10] =	vst v33  }
0x147: {  	s6 =	sadd.s32 s19, s6;
	v33 =	vadd.s32 v11, v16;
	v25 =	vld.idx.msk [tilespmem:v25+s18+$0x0], $0xffff;
	[tilespmem:s29+$0x90] =	vst v27  }
0x148: {  	v27 =	vadd.s32 v3, v18;
	[tilespmem:s6+$0x0] =	vst v28;
	v28 =	vld.idx.msk [tilespmem:v29+s18+$0x0], $0xffff  }
0x149: {  	v29 =	vadd.s32 v11, v19;
	[tilespmem:s1+$0xFFFFFF90] =	vst v31;
	v31 =	vld.idx.msk [tilespmem:v34+s18+$0x0], $0xffff  }
0x14a: {  	v34 =	vadd.s32 v10, v17;
	v26 =	vld.idx.msk [tilespmem:v26+s18+$0x0], $0xffff  }
0x14b: {  	v37 =	vadd.s32 v3, v22;
	v35 =	vld.idx.msk [tilespmem:v35+s18+$0x0], $0xffff;
	[tilespmem:s25+$0xA0] =	vst v30;
	v30 =	vadd.s32 v11, v20  }
0x14c: {  	[tilespmem:s31+$0x20] =	vst v36;
	v36 =	vadd.s32 v2, v23;
	v33 =	vld.idx.msk [tilespmem:v33+s18+$0x0], $0xffff  }
0x14d: {  	v38 =	vadd.s32 v3, v24;
	v27 =	vld.idx.msk [tilespmem:v27+s18+$0x0], $0xffff;
	[tilespmem:s30+$0x20] =	vst v32  }
0x14e: {  	v32 =	vadd.s32 v12, v16;
	v29 =	vld.idx.msk [tilespmem:v29+s18+$0x0], $0xffff;
	[tilespmem:s26+$0x90] =	vst v28  }
0x14f: {  	v28 =	vadd.s32 v4, v18;
	[tilespmem:s0+$0x20] =	vst v25;
	v25 =	vld.idx.msk [tilespmem:v34+s18+$0x0], $0xffff  }
0x150: {  	v34 =	vld.idx.msk [tilespmem:v37+s18+$0x0], $0xffff;
	[tilespmem:s6+$0x10] =	vst v26;
	v26 =	vadd.s32 v12, v19  }
0x151: {  	[tilespmem:s1+$0xFFFFFFA0] =	vst v35;
	v35 =	vld.idx.msk [tilespmem:v36+s18+$0x0], $0xffff;
	v36 =	vadd.s32 v11, v17  }
0x152: {  	v37 =	vld.idx.msk [tilespmem:v38+s18+$0x0], $0xffff;
	[tilespmem:s25+$0xB0] =	vst v33;
	v33 =	vadd.s32 v12, v20  }
0x153: {  	[tilespmem:s31+$0x30] =	vst v27;
	v27 =	vadd.s32 v3, v23;
	v32 =	vld.idx.msk [tilespmem:v32+s18+$0x0], $0xffff  }
0x154: {  	v38 =	vadd.s32 v4, v24;
	v28 =	vld.idx.msk [tilespmem:v28+s18+$0x0], $0xffff;
	[tilespmem:s30+$0x30] =	vst v29  }
0x155: {  	v29 =	vadd.s32 v13, v16;
	v26 =	vld.idx.msk [tilespmem:v26+s18+$0x0], $0xffff;
	[tilespmem:s26+$0xA0] =	vst v25  }
0x156: {  	v25 =	vadd.s32 v5, v18;
	v36 =	vld.idx.msk [tilespmem:v36+s18+$0x0], $0xffff;
	[tilespmem:s29+$0xA0] =	vst v31  }
0x157: {  	v31 =	vadd.s32 v13, v19;
	[tilespmem:s6+$0x20] =	vst v35;
	v30 =	vld.idx.msk [tilespmem:v30+s18+$0x0], $0xffff  }
0x158: {  	v35 =	vadd.s32 v4, v22;
	[tilespmem:s1+$0xFFFFFFB0] =	vst v37;
	v27 =	vld.idx.msk [tilespmem:v27+s18+$0x0], $0xffff  }
0x159: {  	v37 =	vld.idx.msk [tilespmem:v38+s18+$0x0], $0xffff;
	[tilespmem:s25+$0xC0] =	vst v32;
	v32 =	vadd.s32 v12, v17;
	v38 =	vadd.s32 v13, v20  }
0x15a: {  	[tilespmem:s31+$0x40] =	vst v28;
	v28 =	vadd.s32 v4, v23;
	v39 =	vld.idx.msk [tilespmem:v29+s18+$0x0], $0xffff  }
0x15b: {  	v29 =	vadd.s32 v5, v24;
	v25 =	vld.idx.msk [tilespmem:v25+s18+$0x0], $0xffff;
	[tilespmem:s30+$0x40] =	vst v26  }
0x15c: {  	[tilespmem:s0+$0x30] =	vst v34;
	v26 =	vld.idx.msk [tilespmem:v31+s18+$0x0], $0xffff  }
0x15d: {  	v31 =	vadd.s32 v6, v18;
	v34 =	vld.idx.msk [tilespmem:v35+s18+$0x0], $0xffff;
	[tilespmem:s29+$0xB0] =	vst v30  }
0x15e: {  	[tilespmem:s6+$0x30] =	vst v27;
	v27 =	vadd.s32 v14, v19;
	v30 =	vld.idx.msk [tilespmem:v33+s18+$0x0], $0xffff  }
0x15f: {  	v33 =	vadd.s32 v5, v22;
	[tilespmem:s1+$0xFFFFFFC0] =	vst v37;
	v28 =	vld.idx.msk [tilespmem:v28+s18+$0x0], $0xffff  }
0x160: {  	v35 =	vadd.s32 v13, v17;
	v29 =	vld.idx.msk [tilespmem:v29+s18+$0x0], $0xffff;
	[tilespmem:s26+$0xB0] =	vst v36;
	v36 =	vadd.s32 v14, v20  }
0x161: {  	[tilespmem:s31+$0x50] =	vst v25;
	v25 =	vadd.s32 v5, v23;
	v32 =	vld.idx.msk [tilespmem:v32+s18+$0x0], $0xffff  }
0x162: {  	v37 =	vadd.s32 v6, v24;
	v31 =	vld.idx.msk [tilespmem:v31+s18+$0x0], $0xffff;
	[tilespmem:s30+$0x50] =	vst v26  }
0x163: {  	[tilespmem:s0+$0x40] =	vst v34;
	v26 =	vld.idx.msk [tilespmem:v27+s18+$0x0], $0xffff  }
0x164: {  	v27 =	vadd.s32 v7, v18;
	v33 =	vld.idx.msk [tilespmem:v33+s18+$0x0], $0xffff;
	[tilespmem:s29+$0xC0] =	vst v30  }
0x165: {  	[tilespmem:s6+$0x40] =	vst v28;
	v28 =	vadd.s32 v15, v19;
	v30 =	vld.idx.msk [tilespmem:v38+s18+$0x0], $0xffff;
	v19 =	vmov v24  }
0x166: {  	v34 =	vadd.s32 v6, v22;
	[tilespmem:s1+$0xFFFFFFD0] =	vst v29;
	v25 =	vld.idx.msk [tilespmem:v25+s18+$0x0], $0xffff  }
0x167: {  	v38 =	vadd.s32 v14, v17;
	v24 =	vadd.s32 v15, v20;
	v20 =	vmov v23;
	v37 =	vld.idx.msk [tilespmem:v37+s18+$0x0], $0xffff;
	[tilespmem:s26+$0xC0] =	vst v32  }
0x168: {  	v32 =	vadd.s32 v6, v20;
	[tilespmem:s31+$0x60] =	vst v31;
	v35 =	vld.idx.msk [tilespmem:v35+s18+$0x0], $0xffff  }
0x169: {  	v40 =	vadd.s32 v7, v19;
	v29 =	vld.idx.msk [tilespmem:v27+s18+$0x0], $0xffff;
	[tilespmem:s30+$0x60] =	vst v26  }
0x16a: {  	v23 =	vadd.s32 v14, v16;
	[tilespmem:s0+$0x50] =	vst v33;
	v28 =	vld.idx.msk [tilespmem:v28+s18+$0x0], $0xffff  }
.Ltmp4:
0x16b: {  	v31 =	vld.idx.msk [tilespmem:v34+s18+$0x0], $0xffff;
	[tilespmem:s29+$0xD0] =	vst v30;
	(pc) =	sbr.rel @p2 .LBB2_6-.Ltmp4, $4  }
0x16c: {  	[tilespmem:s6+$0x50] =	vst v25;
	v26 =	vld.idx.msk [tilespmem:v36+s18+$0x0], $0xffff  }
0x16d: {  	v33 =	vadd.s32 v7, v22;
	[tilespmem:s1+$0xFFFFFFE0] =	vst v37;
	v32 =	vld.idx.msk [tilespmem:v32+s18+$0x0], $0xffff  }
0x16e: {  	v25 =	vadd.s32 v15, v17;
	v17 =	vmov v22;
	v30 =	vld.idx.msk [tilespmem:v40+s18+$0x0], $0xffff;
	[tilespmem:s26+$0xD0] =	vst v35  }
0x16f: {  	v34 =	vadd.s32 v7, v20;
	[tilespmem:s25+$0xD0] =	vst v39;
	v27 =	vld.idx.msk [tilespmem:v38+s18+$0x0], $0xffff  }
0x170: {  	_ =	sdelay $0x2  }
0x171: {  	[tilespmem:s0+$0x60] =	vst v31;
	v56 =	vadd.s32 v8, v18  }
0x172: {  	v31 =	vld.idx.msk [tilespmem:v33+s18+$0x0], $0xffff;
	[tilespmem:s6+$0x60] =	vst v32  }
0x173: {  	v55 =	vadd.s32 v8, v17;
	v22 =	vld.idx.msk [tilespmem:v34+s18+$0x0], $0xffff  }
0x174: {  	v54 =	vadd.s32 v8, v20  }
0x175: {  	[tilespmem:s31+$0x70] =	vst v29  }
0x176: {  	[tilespmem:s1+$0xFFFFFFF0] =	vst v30;
	v57 =	vld.idx.msk [tilespmem:v56+s18+$0x0], $0xffff  }
0x177: {  	v59 =	vadd.s32 v9, v18;
	v21 =	vld.idx.msk [tilespmem:v21+s18+$0x0], $0xffff;
	[tilespmem:s0+$0x70] =	vst v31  }
0x178: {  	v31 =	vld.idx.msk [tilespmem:v55+s18+$0x0], $0xffff;
	[tilespmem:s6+$0x70] =	vst v22;
	v22 =	vadd.s32 v9, v19  }
0x179: {  	v58 =	vadd.s32 v9, v17;
	v30 =	vld.idx.msk [tilespmem:v54+s18+$0x0], $0xffff  }
0x17a: {  	v29 =	vadd.s32 v9, v20  }
0x17b: {  	[tilespmem:s31+$0x80] =	vst v57  }
0x17c: {  	[tilespmem:s1+$0x0] =	vst v21;
	v32 =	vld.idx.msk [tilespmem:v59+s18+$0x0], $0xffff  }
0x17d: {  	v61 =	vadd.s32 v10, v18;
	[tilespmem:s0+$0x80] =	vst v31;
	v21 =	vld.idx.msk [tilespmem:v22+s18+$0x0], $0xffff  }
0x17e: {  	v22 =	vadd.s32 v10, v19;
	v31 =	vld.idx.msk [tilespmem:v58+s18+$0x0], $0xffff;
	[tilespmem:s6+$0x80] =	vst v30  }
0x17f: {  	v60 =	vadd.s32 v10, v17;
	v29 =	vld.idx.msk [tilespmem:v29+s18+$0x0], $0xffff  }
0x180: {  	v30 =	vadd.s32 v10, v20  }
0x181: {  	[tilespmem:s31+$0x90] =	vst v32  }
0x182: {  	v32 =	vld.idx.msk [tilespmem:v61+s18+$0x0], $0xffff;
	[tilespmem:s1+$0x10] =	vst v21  }
0x183: {  	v63 =	vadd.s32 v11, v18;
	[tilespmem:s0+$0x90] =	vst v31;
	v21 =	vld.idx.msk [tilespmem:v22+s18+$0x0], $0xffff  }
0x184: {  	v22 =	vadd.s32 v11, v19;
	v31 =	vld.idx.msk [tilespmem:v60+s18+$0x0], $0xffff;
	[tilespmem:s6+$0x90] =	vst v29  }
0x185: {  	v62 =	vadd.s32 v11, v17;
	v29 =	vld.idx.msk [tilespmem:v30+s18+$0x0], $0xffff  }
0x186: {  	v30 =	vadd.s32 v11, v20  }
0x187: {  	[tilespmem:s31+$0xA0] =	vst v32  }
0x188: {  	v32 =	vld.idx.msk [tilespmem:v63+s18+$0x0], $0xffff;
	[tilespmem:s1+$0x20] =	vst v21  }
0x189: {  	v37 =	vadd.s32 v12, v18;
	[tilespmem:s0+$0xA0] =	vst v31;
	v21 =	vld.idx.msk [tilespmem:v22+s18+$0x0], $0xffff  }
0x18a: {  	v22 =	vadd.s32 v12, v19;
	v31 =	vld.idx.msk [tilespmem:v62+s18+$0x0], $0xffff;
	[tilespmem:s6+$0xA0] =	vst v29  }
0x18b: {  	v36 =	vadd.s32 v12, v17;
	v29 =	vld.idx.msk [tilespmem:v30+s18+$0x0], $0xffff  }
0x18c: {  	[tilespmem:s30+$0x70] =	vst v28;
	v30 =	vadd.s32 v12, v20  }
0x18d: {  	[tilespmem:s31+$0xB0] =	vst v32  }
0x18e: {  	v32 =	vld.idx.msk [tilespmem:v37+s18+$0x0], $0xffff;
	[tilespmem:s1+$0x30] =	vst v21  }
0x18f: {  	v28 =	vadd.s32 v13, v18;
	[tilespmem:s0+$0xB0] =	vst v31;
	v21 =	vld.idx.msk [tilespmem:v22+s18+$0x0], $0xffff  }
0x190: {  	v22 =	vadd.s32 v13, v19;
	v31 =	vld.idx.msk [tilespmem:v36+s18+$0x0], $0xffff;
	[tilespmem:s6+$0xB0] =	vst v29  }
0x191: {  	v38 =	vadd.s32 v13, v17;
	[tilespmem:s29+$0xE0] =	vst v26;
	v29 =	vld.idx.msk [tilespmem:v30+s18+$0x0], $0xffff  }
0x192: {  	[tilespmem:s26+$0xE0] =	vst v27;
	v30 =	vadd.s32 v13, v20  }
0x193: {  	v23 =	vld.idx.msk [tilespmem:v23+s18+$0x0], $0xffff;
	[tilespmem:s31+$0xC0] =	vst v32  }
0x194: {  	v26 =	vld.idx.msk [tilespmem:v28+s18+$0x0], $0xffff;
	[tilespmem:s1+$0x40] =	vst v21  }
0x195: {  	v27 =	vadd.s32 v14, v18;
	[tilespmem:s0+$0xC0] =	vst v31;
	v21 =	vld.idx.msk [tilespmem:v22+s18+$0x0], $0xffff  }
0x196: {  	v22 =	vadd.s32 v14, v19;
	v31 =	vld.idx.msk [tilespmem:v38+s18+$0x0], $0xffff;
	[tilespmem:s6+$0xC0] =	vst v29  }
0x197: {  	v28 =	vadd.s32 v14, v17;
	v29 =	vld.idx.msk [tilespmem:v30+s18+$0x0], $0xffff  }
0x198: {  	[tilespmem:s25+$0xE0] =	vst v23;
	v30 =	vadd.s32 v14, v20  }
0x199: {  	v24 =	vld.idx.msk [tilespmem:v24+s18+$0x0], $0xffff;
	[tilespmem:s31+$0xD0] =	vst v26  }
0x19a: {  	v16 =	vadd.s32 v15, v16;
	v23 =	vld.idx.msk [tilespmem:v27+s18+$0x0], $0xffff;
	[tilespmem:s1+$0x50] =	vst v21  }
0x19b: {  	v18 =	vadd.s32 v15, v18;
	[tilespmem:s0+$0xD0] =	vst v31;
	v21 =	vld.idx.msk [tilespmem:v22+s18+$0x0], $0xffff  }
0x19c: {  	v19 =	vadd.s32 v15, v19;
	v26 =	vld.idx.msk [tilespmem:v28+s18+$0x0], $0xffff;
	[tilespmem:s6+$0xD0] =	vst v29  }
0x19d: {  	v17 =	vadd.s32 v15, v17;
	v22 =	vld.idx.msk [tilespmem:v30+s18+$0x0], $0xffff  }
0x19e: {  	v25 =	vld.idx.msk [tilespmem:v25+s18+$0x0], $0xffff;
	[tilespmem:s29+$0xF0] =	vst v24;
	v20 =	vadd.s32 v15, v20  }
0x19f: {  	v16 =	vld.idx.msk [tilespmem:v16+s18+$0x0], $0xffff;
	[tilespmem:s31+$0xE0] =	vst v23  }
0x1a0: {  	v18 =	vld.idx.msk [tilespmem:v18+s18+$0x0], $0xffff;
	[tilespmem:s1+$0x60] =	vst v21  }
0x1a1: {  	[tilespmem:s0+$0xE0] =	vst v26;
	v19 =	vld.idx.msk [tilespmem:v19+s18+$0x0], $0xffff  }
0x1a2: {  	v17 =	vld.idx.msk [tilespmem:v17+s18+$0x0], $0xffff;
	[tilespmem:s6+$0xE0] =	vst v22  }
0x1a3: {  	[tilespmem:s26+$0xF0] =	vst v25;
	v20 =	vld.idx.msk [tilespmem:v20+s18+$0x0], $0xffff  }
0x1a4: {  	s7 =	sshll.u32 s24, $0xB;
	s15 =	sshll.u32 s24, $0xE;
	[tilespmem:s25+$0xF0] =	vst v16  }
0x1a5: {  	s28 =	sand.u32 $0x7FF00000, s15;
	s26 =	sand.u32 $0x1F000, s7;
	[tilespmem:s31+$0xF0] =	vst v18  }
0x1a6: {  	[tilespmem:s1+$0x70] =	vst v19;
	s1 =	sor.u32 s26, s28  }
0x1a7: {  	[tilespmem:s0+$0xF0] =	vst v17;
	s0 =	sshrl.u32 s1, $0x3  }
0x1a8: {  	s7 =	simm.s32 $0x4900;
	[tilespmem:s6+$0xF0] =	vst v20;
	s1 =	sadd.s32 s2, s0  }
0x1a9: {  	[hbm4b:s1+s3] =	stream.linear.scatter [tilespmem:s7], [sflag:$0x2], $0x80, $0x38;
	[tilespmem:$0x11200] =	vst v63  }
0x1aa: {  	s19 =	simm.s32 $0x4A00;
	s15 =	sadd.s32 $0x10, s1  }
0x1ab: {  	[hbm4b:s15+s3] =	stream.linear.scatter [tilespmem:s19], [sflag:$0x2], $0x80, $0x38;
	[tilespmem:$0x11200] =	vst v63  }
0x1ac: {  	s24 =	simm.s32 $0x4B00;
	s21 =	sadd.s32 $0x20, s1  }
0x1ad: {  	[hbm4b:s21+s3] =	stream.linear.scatter [tilespmem:s24], [sflag:$0x2], $0x80, $0x38;
	[tilespmem:$0x11200] =	vst v63  }
0x1ae: {  	s26 =	simm.s32 $0x4C00;
	s25 =	sadd.s32 $0x30, s1  }
0x1af: {  	[hbm4b:s25+s3] =	stream.linear.scatter [tilespmem:s26], [sflag:$0x2], $0x80, $0x38;
	[tilespmem:$0x11200] =	vst v63  }
0x1b0: {  	s31 =	simm.s32 $0x4D00;
	s28 =	sadd.s32 $0x40, s1  }
0x1b1: {  	[hbm4b:s28+s3] =	stream.linear.scatter [tilespmem:s31], [sflag:$0x2], $0x80, $0x38;
	[tilespmem:$0x11200] =	vst v63  }
0x1b2: {  	s15 =	sadd.s32 $0x50, s1;
	s19 =	simm.s32 $0x4E00  }
0x1b3: {  	[hbm4b:s15+s3] =	stream.linear.scatter [tilespmem:s19], [sflag:$0x2], $0x80, $0x38;
	[tilespmem:$0x11200] =	vst v63  }
0x1b4: {  	s21 =	sadd.s32 $0x60, s1;
	s24 =	simm.s32 $0x4F00  }
0x1b5: {  	[hbm4b:s21+s3] =	stream.linear.scatter [tilespmem:s24], [sflag:$0x2], $0x80, $0x38;
	[tilespmem:$0x11200] =	vst v63  }
0x1b6: {  	s1 =	sadd.s32 $0x70, s1;
	s25 =	simm.s32 $0x5000  }
0x1b7: {  	[hbm4b:s1+s3] =	stream.linear.scatter [tilespmem:s25], [sflag:$0x2], $0x80, $0x38;
	[tilespmem:$0x11200] =	vst v63  }
0x1b8: {  	s26 =	simm.s32 $0x5100;
	s1 =	sadd.s32 s0, s8  }
0x1b9: {  	[hbm4b:s1+s3] =	stream.linear.scatter [tilespmem:s26], [sflag:$0x2], $0x80, $0x38;
	[tilespmem:$0x11200] =	vst v63  }
0x1ba: {  	s31 =	simm.s32 $0x5200;
	s28 =	sadd.s32 $0x10, s1  }
0x1bb: {  	[hbm4b:s28+s3] =	stream.linear.scatter [tilespmem:s31], [sflag:$0x2], $0x80, $0x38;
	[tilespmem:$0x11200] =	vst v63  }
0x1bc: {  	s19 =	simm.s32 $0x5300;
	s15 =	sadd.s32 $0x20, s1  }
0x1bd: {  	[hbm4b:s15+s3] =	stream.linear.scatter [tilespmem:s19], [sflag:$0x2], $0x80, $0x38;
	[tilespmem:$0x11200] =	vst v63  }
0x1be: {  	s24 =	simm.s32 $0x5400;
	s21 =	sadd.s32 $0x30, s1  }
0x1bf: {  	[hbm4b:s21+s3] =	stream.linear.scatter [tilespmem:s24], [sflag:$0x2], $0x80, $0x38;
	[tilespmem:$0x11200] =	vst v63  }
0x1c0: {  	s25 =	sadd.s32 $0x40, s1;
	s26 =	simm.s32 $0x5500  }
0x1c1: {  	[hbm4b:s25+s3] =	stream.linear.scatter [tilespmem:s26], [sflag:$0x2], $0x80, $0x38;
	[tilespmem:$0x11200] =	vst v63  }
0x1c2: {  	s28 =	sadd.s32 $0x50, s1;
	s31 =	simm.s32 $0x5600  }
0x1c3: {  	[hbm4b:s28+s3] =	stream.linear.scatter [tilespmem:s31], [sflag:$0x2], $0x80, $0x38;
	[tilespmem:$0x11200] =	vst v63  }
0x1c4: {  	s15 =	sadd.s32 $0x60, s1;
	s19 =	simm.s32 $0x5700  }
0x1c5: {  	[hbm4b:s15+s3] =	stream.linear.scatter [tilespmem:s19], [sflag:$0x2], $0x80, $0x38;
	[tilespmem:$0x11200] =	vst v63  }
0x1c6: {  	s1 =	sadd.s32 $0x70, s1;
	s21 =	simm.s32 $0x5800  }
0x1c7: {  	[hbm4b:s1+s3] =	stream.linear.scatter [tilespmem:s21], [sflag:$0x2], $0x80, $0x38;
	[tilespmem:$0x11200] =	vst v63  }
0x1c8: {  	s24 =	simm.s32 $0x5900;
	s1 =	sadd.s32 s0, s9  }
0x1c9: {  	[hbm4b:s1+s3] =	stream.linear.scatter [tilespmem:s24], [sflag:$0x2], $0x80, $0x38;
	[tilespmem:$0x11200] =	vst v63  }
0x1ca: {  	s26 =	simm.s32 $0x5A00;
	s25 =	sadd.s32 $0x10, s1  }
0x1cb: {  	[hbm4b:s25+s3] =	stream.linear.scatter [tilespmem:s26], [sflag:$0x2], $0x80, $0x38;
	[tilespmem:$0x11200] =	vst v63  }
0x1cc: {  	s31 =	simm.s32 $0x5B00;
	s28 =	sadd.s32 $0x20, s1  }
0x1cd: {  	[hbm4b:s28+s3] =	stream.linear.scatter [tilespmem:s31], [sflag:$0x2], $0x80, $0x38;
	[tilespmem:$0x11200] =	vst v63  }
0x1ce: {  	s15 =	simm.s32 $0x5C00;
	s7 =	sadd.s32 $0x30, s1  }
0x1cf: {  	[hbm4b:s7+s3] =	stream.linear.scatter [tilespmem:s15], [sflag:$0x2], $0x80, $0x38;
	[tilespmem:$0x11200] =	vst v63  }
0x1d0: {  	s21 =	simm.s32 $0x5D00;
	s19 =	sadd.s32 $0x40, s1  }
0x1d1: {  	[hbm4b:s19+s3] =	stream.linear.scatter [tilespmem:s21], [sflag:$0x2], $0x80, $0x38;
	[tilespmem:$0x11200] =	vst v63  }
0x1d2: {  	s24 =	sadd.s32 $0x50, s1;
	s25 =	simm.s32 $0x5E00  }
0x1d3: {  	[hbm4b:s24+s3] =	stream.linear.scatter [tilespmem:s25], [sflag:$0x2], $0x80, $0x38;
	[tilespmem:$0x11200] =	vst v63  }
0x1d4: {  	s26 =	sadd.s32 $0x60, s1;
	s28 =	simm.s32 $0x5F00  }
0x1d5: {  	[hbm4b:s26+s3] =	stream.linear.scatter [tilespmem:s28], [sflag:$0x2], $0x80, $0x38;
	[tilespmem:$0x11200] =	vst v63  }
0x1d6: {  	s1 =	sadd.s32 $0x70, s1;
	s31 =	simm.s32 $0x6000  }
0x1d7: {  	[hbm4b:s1+s3] =	stream.linear.scatter [tilespmem:s31], [sflag:$0x2], $0x80, $0x38;
	[tilespmem:$0x11200] =	vst v63  }
0x1d8: {  	s7 =	simm.s32 $0x6100;
	s1 =	sadd.s32 s0, s10  }
0x1d9: {  	[hbm4b:s1+s3] =	stream.linear.scatter [tilespmem:s7], [sflag:$0x2], $0x80, $0x38;
	[tilespmem:$0x11200] =	vst v63  }
0x1da: {  	s19 =	simm.s32 $0x6200;
	s15 =	sadd.s32 $0x10, s1  }
0x1db: {  	[hbm4b:s15+s3] =	stream.linear.scatter [tilespmem:s19], [sflag:$0x2], $0x80, $0x38;
	[tilespmem:$0x11200] =	vst v63  }
0x1dc: {  	s24 =	simm.s32 $0x6300;
	s21 =	sadd.s32 $0x20, s1  }
0x1dd: {  	[hbm4b:s21+s3] =	stream.linear.scatter [tilespmem:s24], [sflag:$0x2], $0x80, $0x38;
	[tilespmem:$0x11200] =	vst v63  }
0x1de: {  	s26 =	simm.s32 $0x6400;
	s25 =	sadd.s32 $0x30, s1  }
0x1df: {  	[hbm4b:s25+s3] =	stream.linear.scatter [tilespmem:s26], [sflag:$0x2], $0x80, $0x38;
	[tilespmem:$0x11200] =	vst v63  }
0x1e0: {  	s31 =	simm.s32 $0x6500;
	s28 =	sadd.s32 $0x40, s1  }
0x1e1: {  	[hbm4b:s28+s3] =	stream.linear.scatter [tilespmem:s31], [sflag:$0x2], $0x80, $0x38;
	[tilespmem:$0x11200] =	vst v63  }
0x1e2: {  	s15 =	sadd.s32 $0x50, s1;
	s19 =	simm.s32 $0x6600  }
0x1e3: {  	[hbm4b:s15+s3] =	stream.linear.scatter [tilespmem:s19], [sflag:$0x2], $0x80, $0x38;
	[tilespmem:$0x11200] =	vst v63  }
0x1e4: {  	s21 =	sadd.s32 $0x60, s1;
	s24 =	simm.s32 $0x6700  }
0x1e5: {  	[hbm4b:s21+s3] =	stream.linear.scatter [tilespmem:s24], [sflag:$0x2], $0x80, $0x38;
	[tilespmem:$0x11200] =	vst v63  }
0x1e6: {  	s1 =	sadd.s32 $0x70, s1;
	s25 =	simm.s32 $0x6800  }
0x1e7: {  	[hbm4b:s1+s3] =	stream.linear.scatter [tilespmem:s25], [sflag:$0x2], $0x80, $0x38;
	[tilespmem:$0x11200] =	vst v63  }
0x1e8: {  	s26 =	simm.s32 $0x6900;
	s1 =	sadd.s32 s0, s11  }
0x1e9: {  	[hbm4b:s1+s3] =	stream.linear.scatter [tilespmem:s26], [sflag:$0x2], $0x80, $0x38;
	[tilespmem:$0x11200] =	vst v63  }
0x1ea: {  	s31 =	simm.s32 $0x6A00;
	s28 =	sadd.s32 $0x10, s1  }
0x1eb: {  	[hbm4b:s28+s3] =	stream.linear.scatter [tilespmem:s31], [sflag:$0x2], $0x80, $0x38;
	[tilespmem:$0x11200] =	vst v63  }
0x1ec: {  	s19 =	simm.s32 $0x6B00;
	s15 =	sadd.s32 $0x20, s1  }
0x1ed: {  	[hbm4b:s15+s3] =	stream.linear.scatter [tilespmem:s19], [sflag:$0x2], $0x80, $0x38;
	[tilespmem:$0x11200] =	vst v63  }
0x1ee: {  	s24 =	simm.s32 $0x6C00;
	s21 =	sadd.s32 $0x30, s1  }
0x1ef: {  	[hbm4b:s21+s3] =	stream.linear.scatter [tilespmem:s24], [sflag:$0x2], $0x80, $0x38;
	[tilespmem:$0x11200] =	vst v63  }
0x1f0: {  	s25 =	sadd.s32 $0x40, s1;
	s26 =	simm.s32 $0x6D00  }
0x1f1: {  	[hbm4b:s25+s3] =	stream.linear.scatter [tilespmem:s26], [sflag:$0x2], $0x80, $0x38;
	[tilespmem:$0x11200] =	vst v63  }
0x1f2: {  	s28 =	sadd.s32 $0x50, s1;
	s31 =	simm.s32 $0x6E00  }
0x1f3: {  	[hbm4b:s28+s3] =	stream.linear.scatter [tilespmem:s31], [sflag:$0x2], $0x80, $0x38;
	[tilespmem:$0x11200] =	vst v63  }
0x1f4: {  	s15 =	sadd.s32 $0x60, s1;
	s19 =	simm.s32 $0x6F00  }
0x1f5: {  	[hbm4b:s15+s3] =	stream.linear.scatter [tilespmem:s19], [sflag:$0x2], $0x80, $0x38;
	[tilespmem:$0x11200] =	vst v63  }
0x1f6: {  	s1 =	sadd.s32 $0x70, s1;
	s21 =	simm.s32 $0x7000  }
0x1f7: {  	[hbm4b:s1+s3] =	stream.linear.scatter [tilespmem:s21], [sflag:$0x2], $0x80, $0x38;
	[tilespmem:$0x11200] =	vst v63  }
0x1f8: {  	s24 =	simm.s32 $0x7100;
	s1 =	sadd.s32 s0, s12  }
0x1f9: {  	[hbm4b:s1+s3] =	stream.linear.scatter [tilespmem:s24], [sflag:$0x2], $0x80, $0x38;
	[tilespmem:$0x11200] =	vst v63  }
0x1fa: {  	s26 =	simm.s32 $0x7200;
	s25 =	sadd.s32 $0x10, s1  }
0x1fb: {  	[hbm4b:s25+s3] =	stream.linear.scatter [tilespmem:s26], [sflag:$0x2], $0x80, $0x38;
	[tilespmem:$0x11200] =	vst v63  }
0x1fc: {  	s31 =	simm.s32 $0x7300;
	s28 =	sadd.s32 $0x20, s1  }
0x1fd: {  	[hbm4b:s28+s3] =	stream.linear.scatter [tilespmem:s31], [sflag:$0x2], $0x80, $0x38;
	[tilespmem:$0x11200] =	vst v63  }
0x1fe: {  	s15 =	simm.s32 $0x7400;
	s7 =	sadd.s32 $0x30, s1  }
0x1ff: {  	[hbm4b:s7+s3] =	stream.linear.scatter [tilespmem:s15], [sflag:$0x2], $0x80, $0x38;
	[tilespmem:$0x11200] =	vst v63  }
0x200: {  	s21 =	simm.s32 $0x7500;
	s19 =	sadd.s32 $0x40, s1  }
0x201: {  	[hbm4b:s19+s3] =	stream.linear.scatter [tilespmem:s21], [sflag:$0x2], $0x80, $0x38;
	[tilespmem:$0x11200] =	vst v63  }
0x202: {  	s24 =	sadd.s32 $0x50, s1;
	s25 =	simm.s32 $0x7600  }
0x203: {  	[hbm4b:s24+s3] =	stream.linear.scatter [tilespmem:s25], [sflag:$0x2], $0x80, $0x38;
	[tilespmem:$0x11200] =	vst v63  }
0x204: {  	s26 =	sadd.s32 $0x60, s1;
	s28 =	simm.s32 $0x7700  }
0x205: {  	[hbm4b:s26+s3] =	stream.linear.scatter [tilespmem:s28], [sflag:$0x2], $0x80, $0x38;
	[tilespmem:$0x11200] =	vst v63  }
0x206: {  	s1 =	sadd.s32 $0x70, s1;
	s31 =	simm.s32 $0x7800  }
0x207: {  	[hbm4b:s1+s3] =	stream.linear.scatter [tilespmem:s31], [sflag:$0x2], $0x80, $0x38;
	[tilespmem:$0x11200] =	vst v63  }
0x208: {  	s7 =	simm.s32 $0x7900;
	s1 =	sadd.s32 s0, s13  }
0x209: {  	[hbm4b:s1+s3] =	stream.linear.scatter [tilespmem:s7], [sflag:$0x2], $0x80, $0x38;
	[tilespmem:$0x11200] =	vst v63  }
0x20a: {  	s19 =	simm.s32 $0x7A00;
	s15 =	sadd.s32 $0x10, s1  }
0x20b: {  	[hbm4b:s15+s3] =	stream.linear.scatter [tilespmem:s19], [sflag:$0x2], $0x80, $0x38;
	[tilespmem:$0x11200] =	vst v63  }
0x20c: {  	s24 =	simm.s32 $0x7B00;
	s21 =	sadd.s32 $0x20, s1  }
0x20d: {  	[hbm4b:s21+s3] =	stream.linear.scatter [tilespmem:s24], [sflag:$0x2], $0x80, $0x38;
	[tilespmem:$0x11200] =	vst v63  }
0x20e: {  	s26 =	simm.s32 $0x7C00;
	s25 =	sadd.s32 $0x30, s1  }
0x20f: {  	[hbm4b:s25+s3] =	stream.linear.scatter [tilespmem:s26], [sflag:$0x2], $0x80, $0x38;
	[tilespmem:$0x11200] =	vst v63  }
0x210: {  	s31 =	simm.s32 $0x7D00;
	s28 =	sadd.s32 $0x40, s1  }
0x211: {  	[hbm4b:s28+s3] =	stream.linear.scatter [tilespmem:s31], [sflag:$0x2], $0x80, $0x38;
	[tilespmem:$0x11200] =	vst v63  }
0x212: {  	s15 =	sadd.s32 $0x50, s1;
	s19 =	simm.s32 $0x7E00  }
0x213: {  	[hbm4b:s15+s3] =	stream.linear.scatter [tilespmem:s19], [sflag:$0x2], $0x80, $0x38;
	[tilespmem:$0x11200] =	vst v63  }
0x214: {  	s21 =	sadd.s32 $0x60, s1;
	s24 =	simm.s32 $0x7F00  }
0x215: {  	[hbm4b:s21+s3] =	stream.linear.scatter [tilespmem:s24], [sflag:$0x2], $0x80, $0x38;
	[tilespmem:$0x11200] =	vst v63  }
0x216: {  	s1 =	sadd.s32 $0x70, s1;
	s25 =	simm.s32 $0x8000  }
0x217: {  	[hbm4b:s1+s3] =	stream.linear.scatter [tilespmem:s25], [sflag:$0x2], $0x80, $0x38;
	[tilespmem:$0x11200] =	vst v63  }
0x218: {  	s26 =	simm.s32 $0x8100;
	s1 =	sadd.s32 s0, s14  }
0x219: {  	[hbm4b:s1+s3] =	stream.linear.scatter [tilespmem:s26], [sflag:$0x2], $0x80, $0x38;
	[tilespmem:$0x11200] =	vst v63  }
0x21a: {  	s31 =	simm.s32 $0x8200;
	s28 =	sadd.s32 $0x10, s1  }
0x21b: {  	[hbm4b:s28+s3] =	stream.linear.scatter [tilespmem:s31], [sflag:$0x2], $0x80, $0x38;
	[tilespmem:$0x11200] =	vst v63  }
0x21c: {  	s19 =	simm.s32 $0x8300;
	s15 =	sadd.s32 $0x20, s1  }
0x21d: {  	[hbm4b:s15+s3] =	stream.linear.scatter [tilespmem:s19], [sflag:$0x2], $0x80, $0x38;
	[tilespmem:$0x11200] =	vst v63  }
0x21e: {  	s24 =	simm.s32 $0x8400;
	s21 =	sadd.s32 $0x30, s1  }
0x21f: {  	[hbm4b:s21+s3] =	stream.linear.scatter [tilespmem:s24], [sflag:$0x2], $0x80, $0x38;
	[tilespmem:$0x11200] =	vst v63  }
0x220: {  	s25 =	sadd.s32 $0x40, s1;
	s26 =	simm.s32 $0x8500  }
0x221: {  	[hbm4b:s25+s3] =	stream.linear.scatter [tilespmem:s26], [sflag:$0x2], $0x80, $0x38;
	[tilespmem:$0x11200] =	vst v63  }
0x222: {  	s28 =	sadd.s32 $0x50, s1;
	s31 =	simm.s32 $0x8600  }
0x223: {  	[hbm4b:s28+s3] =	stream.linear.scatter [tilespmem:s31], [sflag:$0x2], $0x80, $0x38;
	[tilespmem:$0x11200] =	vst v63  }
0x224: {  	s15 =	sadd.s32 $0x60, s1;
	s19 =	simm.s32 $0x8700  }
0x225: {  	[hbm4b:s15+s3] =	stream.linear.scatter [tilespmem:s19], [sflag:$0x2], $0x80, $0x38;
	[tilespmem:$0x11200] =	vst v63  }
0x226: {  	s0 =	sor.u32 $0x80, s0;
	s1 =	sadd.s32 $0x70, s1;
	s21 =	simm.s32 $0x8800  }
0x227: {  	[hbm4b:s1+s3] =	stream.linear.scatter [tilespmem:s21], [sflag:$0x2], $0x80, $0x38;
	[tilespmem:$0x11200] =	vst v63  }
0x228: {  	s24 =	simm.s32 $0x4980;
	s1 =	sadd.s32 s2, s0  }
0x229: {  	[hbm4b:s1+s3] =	stream.linear.scatter [tilespmem:s24], [sflag:$0x2], $0x80, $0x38;
	[tilespmem:$0x11200] =	vst v63  }
0x22a: {  	s26 =	simm.s32 $0x4A80;
	s25 =	sadd.s32 $0x10, s1  }
0x22b: {  	[hbm4b:s25+s3] =	stream.linear.scatter [tilespmem:s26], [sflag:$0x2], $0x80, $0x38;
	[tilespmem:$0x11200] =	vst v63  }
0x22c: {  	s31 =	simm.s32 $0x4B80;
	s28 =	sadd.s32 $0x20, s1  }
0x22d: {  	[hbm4b:s28+s3] =	stream.linear.scatter [tilespmem:s31], [sflag:$0x2], $0x80, $0x38;
	[tilespmem:$0x11200] =	vst v63  }
0x22e: {  	s15 =	simm.s32 $0x4C80;
	s7 =	sadd.s32 $0x30, s1  }
0x22f: {  	[hbm4b:s7+s3] =	stream.linear.scatter [tilespmem:s15], [sflag:$0x2], $0x80, $0x38;
	[tilespmem:$0x11200] =	vst v63  }
0x230: {  	s21 =	simm.s32 $0x4D80;
	s19 =	sadd.s32 $0x40, s1  }
0x231: {  	[hbm4b:s19+s3] =	stream.linear.scatter [tilespmem:s21], [sflag:$0x2], $0x80, $0x38;
	[tilespmem:$0x11200] =	vst v63  }
0x232: {  	s24 =	sadd.s32 $0x50, s1;
	s25 =	simm.s32 $0x4E80  }
0x233: {  	[hbm4b:s24+s3] =	stream.linear.scatter [tilespmem:s25], [sflag:$0x2], $0x80, $0x38;
	[tilespmem:$0x11200] =	vst v63  }
0x234: {  	s26 =	sadd.s32 $0x60, s1;
	s28 =	simm.s32 $0x4F80  }
0x235: {  	[hbm4b:s26+s3] =	stream.linear.scatter [tilespmem:s28], [sflag:$0x2], $0x80, $0x38;
	[tilespmem:$0x11200] =	vst v63  }
0x236: {  	s1 =	sadd.s32 $0x70, s1;
	s31 =	simm.s32 $0x5080  }
0x237: {  	[hbm4b:s1+s3] =	stream.linear.scatter [tilespmem:s31], [sflag:$0x2], $0x80, $0x38;
	[tilespmem:$0x11200] =	vst v63  }
0x238: {  	s7 =	simm.s32 $0x5180;
	s1 =	sadd.s32 s0, s8  }
0x239: {  	[hbm4b:s1+s3] =	stream.linear.scatter [tilespmem:s7], [sflag:$0x2], $0x80, $0x38;
	[tilespmem:$0x11200] =	vst v63  }
0x23a: {  	s19 =	simm.s32 $0x5280;
	s15 =	sadd.s32 $0x10, s1  }
0x23b: {  	[hbm4b:s15+s3] =	stream.linear.scatter [tilespmem:s19], [sflag:$0x2], $0x80, $0x38;
	[tilespmem:$0x11200] =	vst v63  }
0x23c: {  	s24 =	simm.s32 $0x5380;
	s21 =	sadd.s32 $0x20, s1  }
0x23d: {  	[hbm4b:s21+s3] =	stream.linear.scatter [tilespmem:s24], [sflag:$0x2], $0x80, $0x38;
	[tilespmem:$0x11200] =	vst v63  }
0x23e: {  	s26 =	simm.s32 $0x5480;
	s25 =	sadd.s32 $0x30, s1  }
0x23f: {  	[hbm4b:s25+s3] =	stream.linear.scatter [tilespmem:s26], [sflag:$0x2], $0x80, $0x38;
	[tilespmem:$0x11200] =	vst v63  }
0x240: {  	s31 =	simm.s32 $0x5580;
	s28 =	sadd.s32 $0x40, s1  }
0x241: {  	[hbm4b:s28+s3] =	stream.linear.scatter [tilespmem:s31], [sflag:$0x2], $0x80, $0x38;
	[tilespmem:$0x11200] =	vst v63  }
0x242: {  	s15 =	sadd.s32 $0x50, s1;
	s19 =	simm.s32 $0x5680  }
0x243: {  	[hbm4b:s15+s3] =	stream.linear.scatter [tilespmem:s19], [sflag:$0x2], $0x80, $0x38;
	[tilespmem:$0x11200] =	vst v63  }
0x244: {  	s21 =	sadd.s32 $0x60, s1;
	s24 =	simm.s32 $0x5780  }
0x245: {  	[hbm4b:s21+s3] =	stream.linear.scatter [tilespmem:s24], [sflag:$0x2], $0x80, $0x38;
	[tilespmem:$0x11200] =	vst v63  }
0x246: {  	s1 =	sadd.s32 $0x70, s1;
	s25 =	simm.s32 $0x5880  }
0x247: {  	[hbm4b:s1+s3] =	stream.linear.scatter [tilespmem:s25], [sflag:$0x2], $0x80, $0x38;
	[tilespmem:$0x11200] =	vst v63  }
0x248: {  	s26 =	simm.s32 $0x5980;
	s1 =	sadd.s32 s0, s9  }
0x249: {  	[hbm4b:s1+s3] =	stream.linear.scatter [tilespmem:s26], [sflag:$0x2], $0x80, $0x38;
	[tilespmem:$0x11200] =	vst v63  }
0x24a: {  	s31 =	simm.s32 $0x5A80;
	s28 =	sadd.s32 $0x10, s1  }
0x24b: {  	[hbm4b:s28+s3] =	stream.linear.scatter [tilespmem:s31], [sflag:$0x2], $0x80, $0x38;
	[tilespmem:$0x11200] =	vst v63  }
0x24c: {  	s19 =	simm.s32 $0x5B80;
	s15 =	sadd.s32 $0x20, s1  }
0x24d: {  	[hbm4b:s15+s3] =	stream.linear.scatter [tilespmem:s19], [sflag:$0x2], $0x80, $0x38;
	[tilespmem:$0x11200] =	vst v63  }
0x24e: {  	s24 =	simm.s32 $0x5C80;
	s21 =	sadd.s32 $0x30, s1  }
0x24f: {  	[hbm4b:s21+s3] =	stream.linear.scatter [tilespmem:s24], [sflag:$0x2], $0x80, $0x38;
	[tilespmem:$0x11200] =	vst v63  }
0x250: {  	s25 =	sadd.s32 $0x40, s1;
	s26 =	simm.s32 $0x5D80  }
0x251: {  	[hbm4b:s25+s3] =	stream.linear.scatter [tilespmem:s26], [sflag:$0x2], $0x80, $0x38;
	[tilespmem:$0x11200] =	vst v63  }
0x252: {  	s28 =	sadd.s32 $0x50, s1;
	s31 =	simm.s32 $0x5E80  }
0x253: {  	[hbm4b:s28+s3] =	stream.linear.scatter [tilespmem:s31], [sflag:$0x2], $0x80, $0x38;
	[tilespmem:$0x11200] =	vst v63  }
0x254: {  	s15 =	sadd.s32 $0x60, s1;
	s19 =	simm.s32 $0x5F80  }
0x255: {  	[hbm4b:s15+s3] =	stream.linear.scatter [tilespmem:s19], [sflag:$0x2], $0x80, $0x38;
	[tilespmem:$0x11200] =	vst v63  }
0x256: {  	s1 =	sadd.s32 $0x70, s1;
	s21 =	simm.s32 $0x6080  }
0x257: {  	[hbm4b:s1+s3] =	stream.linear.scatter [tilespmem:s21], [sflag:$0x2], $0x80, $0x38;
	[tilespmem:$0x11200] =	vst v63  }
0x258: {  	s24 =	simm.s32 $0x6180;
	s1 =	sadd.s32 s0, s10  }
0x259: {  	[hbm4b:s1+s3] =	stream.linear.scatter [tilespmem:s24], [sflag:$0x2], $0x80, $0x38;
	[tilespmem:$0x11200] =	vst v63  }
0x25a: {  	s26 =	simm.s32 $0x6280;
	s25 =	sadd.s32 $0x10, s1  }
0x25b: {  	[hbm4b:s25+s3] =	stream.linear.scatter [tilespmem:s26], [sflag:$0x2], $0x80, $0x38;
	[tilespmem:$0x11200] =	vst v63  }
0x25c: {  	s31 =	simm.s32 $0x6380;
	s28 =	sadd.s32 $0x20, s1  }
0x25d: {  	[hbm4b:s28+s3] =	stream.linear.scatter [tilespmem:s31], [sflag:$0x2], $0x80, $0x38;
	[tilespmem:$0x11200] =	vst v63  }
0x25e: {  	s15 =	simm.s32 $0x6480;
	s7 =	sadd.s32 $0x30, s1  }
0x25f: {  	[hbm4b:s7+s3] =	stream.linear.scatter [tilespmem:s15], [sflag:$0x2], $0x80, $0x38;
	[tilespmem:$0x11200] =	vst v63  }
0x260: {  	s21 =	simm.s32 $0x6580;
	s19 =	sadd.s32 $0x40, s1  }
0x261: {  	[hbm4b:s19+s3] =	stream.linear.scatter [tilespmem:s21], [sflag:$0x2], $0x80, $0x38;
	[tilespmem:$0x11200] =	vst v63  }
0x262: {  	s24 =	sadd.s32 $0x50, s1;
	s25 =	simm.s32 $0x6680  }
0x263: {  	[hbm4b:s24+s3] =	stream.linear.scatter [tilespmem:s25], [sflag:$0x2], $0x80, $0x38;
	[tilespmem:$0x11200] =	vst v63  }
0x264: {  	s26 =	sadd.s32 $0x60, s1;
	s28 =	simm.s32 $0x6780  }
0x265: {  	[hbm4b:s26+s3] =	stream.linear.scatter [tilespmem:s28], [sflag:$0x2], $0x80, $0x38;
	[tilespmem:$0x11200] =	vst v63  }
0x266: {  	s1 =	sadd.s32 $0x70, s1;
	s31 =	simm.s32 $0x6880  }
0x267: {  	[hbm4b:s1+s3] =	stream.linear.scatter [tilespmem:s31], [sflag:$0x2], $0x80, $0x38;
	[tilespmem:$0x11200] =	vst v63  }
0x268: {  	s7 =	simm.s32 $0x6980;
	s1 =	sadd.s32 s0, s11  }
0x269: {  	[hbm4b:s1+s3] =	stream.linear.scatter [tilespmem:s7], [sflag:$0x2], $0x80, $0x38;
	[tilespmem:$0x11200] =	vst v63  }
0x26a: {  	s19 =	simm.s32 $0x6A80;
	s15 =	sadd.s32 $0x10, s1  }
0x26b: {  	[hbm4b:s15+s3] =	stream.linear.scatter [tilespmem:s19], [sflag:$0x2], $0x80, $0x38;
	[tilespmem:$0x11200] =	vst v63  }
0x26c: {  	s24 =	simm.s32 $0x6B80;
	s21 =	sadd.s32 $0x20, s1  }
0x26d: {  	[hbm4b:s21+s3] =	stream.linear.scatter [tilespmem:s24], [sflag:$0x2], $0x80, $0x38;
	[tilespmem:$0x11200] =	vst v63  }
0x26e: {  	s26 =	simm.s32 $0x6C80;
	s25 =	sadd.s32 $0x30, s1  }
0x26f: {  	[hbm4b:s25+s3] =	stream.linear.scatter [tilespmem:s26], [sflag:$0x2], $0x80, $0x38;
	[tilespmem:$0x11200] =	vst v63  }
0x270: {  	s31 =	simm.s32 $0x6D80;
	s28 =	sadd.s32 $0x40, s1  }
0x271: {  	[hbm4b:s28+s3] =	stream.linear.scatter [tilespmem:s31], [sflag:$0x2], $0x80, $0x38;
	[tilespmem:$0x11200] =	vst v63  }
0x272: {  	s15 =	sadd.s32 $0x50, s1;
	s19 =	simm.s32 $0x6E80  }
0x273: {  	[hbm4b:s15+s3] =	stream.linear.scatter [tilespmem:s19], [sflag:$0x2], $0x80, $0x38;
	[tilespmem:$0x11200] =	vst v63  }
0x274: {  	s21 =	sadd.s32 $0x60, s1;
	s24 =	simm.s32 $0x6F80  }
0x275: {  	[hbm4b:s21+s3] =	stream.linear.scatter [tilespmem:s24], [sflag:$0x2], $0x80, $0x38;
	[tilespmem:$0x11200] =	vst v63  }
0x276: {  	s1 =	sadd.s32 $0x70, s1;
	s25 =	simm.s32 $0x7080  }
0x277: {  	[hbm4b:s1+s3] =	stream.linear.scatter [tilespmem:s25], [sflag:$0x2], $0x80, $0x38;
	[tilespmem:$0x11200] =	vst v63  }
0x278: {  	s26 =	simm.s32 $0x7180;
	s1 =	sadd.s32 s0, s12  }
0x279: {  	[hbm4b:s1+s3] =	stream.linear.scatter [tilespmem:s26], [sflag:$0x2], $0x80, $0x38;
	[tilespmem:$0x11200] =	vst v63  }
0x27a: {  	s31 =	simm.s32 $0x7280;
	s28 =	sadd.s32 $0x10, s1  }
0x27b: {  	[hbm4b:s28+s3] =	stream.linear.scatter [tilespmem:s31], [sflag:$0x2], $0x80, $0x38;
	[tilespmem:$0x11200] =	vst v63  }
0x27c: {  	s19 =	simm.s32 $0x7380;
	s15 =	sadd.s32 $0x20, s1  }
0x27d: {  	[hbm4b:s15+s3] =	stream.linear.scatter [tilespmem:s19], [sflag:$0x2], $0x80, $0x38;
	[tilespmem:$0x11200] =	vst v63  }
0x27e: {  	s24 =	simm.s32 $0x7480;
	s21 =	sadd.s32 $0x30, s1  }
0x27f: {  	[hbm4b:s21+s3] =	stream.linear.scatter [tilespmem:s24], [sflag:$0x2], $0x80, $0x38;
	[tilespmem:$0x11200] =	vst v63  }
0x280: {  	s25 =	sadd.s32 $0x40, s1;
	s26 =	simm.s32 $0x7580  }
0x281: {  	[hbm4b:s25+s3] =	stream.linear.scatter [tilespmem:s26], [sflag:$0x2], $0x80, $0x38;
	[tilespmem:$0x11200] =	vst v63  }
0x282: {  	s28 =	sadd.s32 $0x50, s1;
	s31 =	simm.s32 $0x7680  }
0x283: {  	[hbm4b:s28+s3] =	stream.linear.scatter [tilespmem:s31], [sflag:$0x2], $0x80, $0x38;
	[tilespmem:$0x11200] =	vst v63  }
0x284: {  	s15 =	sadd.s32 $0x60, s1;
	s19 =	simm.s32 $0x7780  }
0x285: {  	[hbm4b:s15+s3] =	stream.linear.scatter [tilespmem:s19], [sflag:$0x2], $0x80, $0x38;
	[tilespmem:$0x11200] =	vst v63  }
0x286: {  	s1 =	sadd.s32 $0x70, s1;
	s21 =	simm.s32 $0x7880  }
0x287: {  	[hbm4b:s1+s3] =	stream.linear.scatter [tilespmem:s21], [sflag:$0x2], $0x80, $0x38;
	[tilespmem:$0x11200] =	vst v63  }
0x288: {  	s24 =	simm.s32 $0x7980;
	s1 =	sadd.s32 s0, s13  }
0x289: {  	[hbm4b:s1+s3] =	stream.linear.scatter [tilespmem:s24], [sflag:$0x2], $0x80, $0x38;
	[tilespmem:$0x11200] =	vst v63  }
0x28a: {  	s26 =	simm.s32 $0x7A80;
	s25 =	sadd.s32 $0x10, s1  }
0x28b: {  	[hbm4b:s25+s3] =	stream.linear.scatter [tilespmem:s26], [sflag:$0x2], $0x80, $0x38;
	[tilespmem:$0x11200] =	vst v63  }
0x28c: {  	s31 =	simm.s32 $0x7B80;
	s28 =	sadd.s32 $0x20, s1  }
0x28d: {  	[hbm4b:s28+s3] =	stream.linear.scatter [tilespmem:s31], [sflag:$0x2], $0x80, $0x38;
	[tilespmem:$0x11200] =	vst v63  }
0x28e: {  	s15 =	simm.s32 $0x7C80;
	s7 =	sadd.s32 $0x30, s1  }
0x28f: {  	[hbm4b:s7+s3] =	stream.linear.scatter [tilespmem:s15], [sflag:$0x2], $0x80, $0x38;
	[tilespmem:$0x11200] =	vst v63  }
0x290: {  	s21 =	simm.s32 $0x7D80;
	s19 =	sadd.s32 $0x40, s1  }
0x291: {  	[hbm4b:s19+s3] =	stream.linear.scatter [tilespmem:s21], [sflag:$0x2], $0x80, $0x38;
	[tilespmem:$0x11200] =	vst v63  }
0x292: {  	s24 =	sadd.s32 $0x50, s1;
	s25 =	simm.s32 $0x7E80  }
0x293: {  	[hbm4b:s24+s3] =	stream.linear.scatter [tilespmem:s25], [sflag:$0x2], $0x80, $0x38;
	[tilespmem:$0x11200] =	vst v63  }
0x294: {  	s26 =	sadd.s32 $0x60, s1;
	s28 =	simm.s32 $0x7F80  }
0x295: {  	[hbm4b:s26+s3] =	stream.linear.scatter [tilespmem:s28], [sflag:$0x2], $0x80, $0x38;
	[tilespmem:$0x11200] =	vst v63  }
0x296: {  	s1 =	sadd.s32 $0x70, s1;
	s31 =	simm.s32 $0x8080  }
0x297: {  	[hbm4b:s1+s3] =	stream.linear.scatter [tilespmem:s31], [sflag:$0x2], $0x80, $0x38;
	[tilespmem:$0x11200] =	vst v63  }
0x298: {  	s0 =	sadd.s32 s0, s14;
	s7 =	simm.s32 $0x8180  }
0x299: {  	[hbm4b:s0+s3] =	stream.linear.scatter [tilespmem:s7], [sflag:$0x2], $0x80, $0x38;
	[tilespmem:$0x11200] =	vst v63  }
0x29a: {  	s15 =	sadd.s32 $0x10, s0;
	s19 =	simm.s32 $0x8280  }
0x29b: {  	[hbm4b:s15+s3] =	stream.linear.scatter [tilespmem:s19], [sflag:$0x2], $0x80, $0x38;
	[tilespmem:$0x11200] =	vst v63  }
0x29c: {  	s21 =	sadd.s32 $0x20, s0;
	s24 =	simm.s32 $0x8380  }
0x29d: {  	[hbm4b:s21+s3] =	stream.linear.scatter [tilespmem:s24], [sflag:$0x2], $0x80, $0x38;
	[tilespmem:$0x11200] =	vst v63  }
0x29e: {  	s25 =	sadd.s32 $0x30, s0;
	s26 =	simm.s32 $0x8480  }
0x29f: {  	[hbm4b:s25+s3] =	stream.linear.scatter [tilespmem:s26], [sflag:$0x2], $0x80, $0x38;
	[tilespmem:$0x11200] =	vst v63  }
0x2a0: {  	s28 =	sadd.s32 $0x40, s0;
	s31 =	simm.s32 $0x8580  }
0x2a1: {  	[hbm4b:s28+s3] =	stream.linear.scatter [tilespmem:s31], [sflag:$0x2], $0x80, $0x38;
	[tilespmem:$0x11200] =	vst v63  }
0x2a2: {  	s6 =	sadd.s32 $0x50, s0;
	s7 =	simm.s32 $0x8680  }
0x2a3: {  	[hbm4b:s6+s3] =	stream.linear.scatter [tilespmem:s7], [sflag:$0x2], $0x80, $0x38;
	[tilespmem:$0x11200] =	vst v63  }
0x2a4: {  	s15 =	sadd.s32 $0x60, s0;
	s19 =	simm.s32 $0x8780  }
0x2a5: {  	[hbm4b:s15+s3] =	stream.linear.scatter [tilespmem:s19], [sflag:$0x2], $0x80, $0x38;
	[tilespmem:$0x11200] =	vst v63  }
0x2a6: {  	s1 =	simm.s32 @!p0 $0x100;
	s0 =	sadd.s32 $0x70, s0;
	s21 =	simm.s32 $0x8880  }
0x2a7: {  	[hbm4b:s0+s3] =	stream.linear.scatter [tilespmem:s21], [sflag:$0x2], $0x80, $0x38;
	[tilespmem:$0x11200] =	vst v63  }
0x2a8: {  	s24 =	sadd.s32 s23, s5;
	s25 =	simm.s32 $0x3;
	s0 =	simm.s32 @!p0 $0x0  }
0x2a9: {  	[tilespmem:s1], [sflag:$0x1] =	stream.indirect.gather @!p0 [hbm4b:s4+s1], $0x48, s0, s1, $0xb8;
	[tilespmem:$0x11200] =	vst v63  }
0x2aa: {  	s23 =	sadd.s32 $0x1, s24;
	_ =	swait.ge [sflag:s25], $0x4800  }
0x2ab: {  	s1 =	sshll.u32 @!p0 s23, $0x5;
	[sflag:s25] =	ssyncset.done $0x0  }
0x2ac: {  	s6 =	simm.s32 @!p0 $0x8900;
	s1 =	sadd.s32 @!p0 s16, s1;
	[sflag:s25] =	ssyncadd.s32 $0xFFFFB800  }
0x2ad: {  	[tilespmem:s6], [sflag:$0x5] =	stream.linear.gather @!p0 [hbm4b:s1+s0], $0x100, $0x38;
	[tilespmem:$0x11200] =	vst v63  }
0x2ae: {  	s0 =	simm.s32 @!p0 $0x5  }
0x2af: {  	_ =	swait.ge @!p0 [sflag:s0], $0x100  }
0x2b0: {  	[sflag:s0] =	ssyncset.done @!p0 $0x0  }
0x2b1: {  	[sflag:s0] =	ssyncadd.s32 @!p0 $0xFFFFFF00;
	s0 =	simm.s32 @!p1 $0x4  }
0x2b2: {  	_ =	swait.ge @!p1 [sflag:s0], $0x400  }
0x2b3: {  	[sflag:s0] =	ssyncset.done @!p1 $0x0  }
0x2b4: {  	[sflag:s0] =	ssyncadd.s32 @!p1 $0xFFFFFC00  }
0x2b5: {  	_ =	swait.ge @!p1 [sflag:s0], $0x400  }
0x2b6: {  	[sflag:s0] =	ssyncset.done @!p1 $0x0  }
0x2b7: {  	[sflag:s0] =	ssyncadd.s32 @!p1 $0xFFFFFC00  }
0x2b8: {  	_ =	swait.ge @!p1 [sflag:s0], $0x400  }
0x2b9: {  	[sflag:s0] =	ssyncset.done @!p1 $0x0  }
0x2ba: {  	[sflag:s0] =	ssyncadd.s32 @!p1 $0xFFFFFC00  }
0x2bb: {  	_ =	swait.ge @!p1 [sflag:s0], $0x400  }
0x2bc: {  	[sflag:s0] =	ssyncset.done @!p1 $0x0  }
0x2bd: {  	[sflag:s0] =	ssyncadd.s32 @!p1 $0xFFFFFC00  }
0x2be: {  	_ =	swait.ge @!p1 [sflag:s0], $0x400  }
0x2bf: {  	[sflag:s0] =	ssyncset.done @!p1 $0x0  }
0x2c0: {  	[sflag:s0] =	ssyncadd.s32 @!p1 $0xFFFFFC00  }
0x2c1: {  	_ =	swait.ge @!p1 [sflag:s0], $0x400  }
0x2c2: {  	[sflag:s0] =	ssyncset.done @!p1 $0x0  }
0x2c3: {  	[sflag:s0] =	ssyncadd.s32 @!p1 $0xFFFFFC00  }
0x2c4: {  	_ =	swait.ge @!p1 [sflag:s0], $0x400  }
0x2c5: {  	[sflag:s0] =	ssyncset.done @!p1 $0x0  }
0x2c6: {  	[sflag:s0] =	ssyncadd.s32 @!p1 $0xFFFFFC00  }
0x2c7: {  	_ =	swait.ge @!p1 [sflag:s0], $0x400  }
0x2c8: {  	[sflag:s0] =	ssyncset.done @!p1 $0x0  }
0x2c9: {  	[sflag:s0] =	ssyncadd.s32 @!p1 $0xFFFFFC00  }
0x2ca: {  	_ =	swait.ge @!p1 [sflag:s0], $0x400  }
0x2cb: {  	[sflag:s0] =	ssyncset.done @!p1 $0x0  }
0x2cc: {  	[sflag:s0] =	ssyncadd.s32 @!p1 $0xFFFFFC00  }
0x2cd: {  	_ =	swait.ge @!p1 [sflag:s0], $0x400  }
0x2ce: {  	[sflag:s0] =	ssyncset.done @!p1 $0x0  }
0x2cf: {  	[sflag:s0] =	ssyncadd.s32 @!p1 $0xFFFFFC00  }
0x2d0: {  	_ =	swait.ge @!p1 [sflag:s0], $0x400  }
0x2d1: {  	[sflag:s0] =	ssyncset.done @!p1 $0x0  }
0x2d2: {  	[sflag:s0] =	ssyncadd.s32 @!p1 $0xFFFFFC00  }
0x2d3: {  	_ =	swait.ge @!p1 [sflag:s0], $0x400  }
0x2d4: {  	[sflag:s0] =	ssyncset.done @!p1 $0x0  }
0x2d5: {  	[sflag:s0] =	ssyncadd.s32 @!p1 $0xFFFFFC00  }
0x2d6: {  	_ =	swait.ge @!p1 [sflag:s0], $0x400  }
0x2d7: {  	[sflag:s0] =	ssyncset.done @!p1 $0x0  }
0x2d8: {  	[sflag:s0] =	ssyncadd.s32 @!p1 $0xFFFFFC00  }
0x2d9: {  	_ =	swait.ge @!p1 [sflag:s0], $0x400  }
0x2da: {  	s26 =	simm.s32 $0x0;
	[sflag:s0] =	ssyncset.done @!p1 $0x0  }
0x2db: {  	v16 =	vmov s26;
	[sflag:s0] =	ssyncadd.s32 @!p1 $0xFFFFFC00  }
0x2dc: {  	s28 =	simm.s32 $0x1;
	v21 =	vand.u32 $0x3C, v16;
	_ =	swait.ge @!p1 [sflag:s0], $0x400  }
0x2dd: {  	v16 =	vmov s28;
	v17 =	vadd.s32 v0, v21;
	[sflag:s0] =	ssyncset.done @!p1 $0x0  }
0x2de: {  	v16 =	vand.u32 $0x3D, v16;
	[sflag:s0] =	ssyncadd.s32 @!p1 $0xFFFFFC00  }
0x2df: {  	s31 =	simm.s32 $0x3;
	v18 =	vadd.s32 v0, v16;
	_ =	swait.ge @!p1 [sflag:s0], $0x400  }
0x2e0: {  	v19 =	vmov s31;
	s6 =	simm.s32 $0x2;
	[sflag:s0] =	ssyncset.done @!p1 $0x0  }
0x2e1: {  	v23 =	vand.u32 $0x3F, v19;
	v19 =	vmov s6;
	[sflag:s0] =	ssyncadd.s32 @!p1 $0xFFFFFC00  }
0x2e2: {  	v20 =	vadd.s32 v0, v23;
	v22 =	vand.u32 $0x3E, v19;
	v17 =	vld.idx.msk [tilespmem:v17+s20+$0x0], $0xffff  }
0x2e3: {  	v24 =	vadd.s32 v0, v22  }
0x2e4: {  	v19 =	vadd.s32 v1, v21;
	v18 =	vld.idx.msk [tilespmem:v18+s20+$0x0], $0xffff  }
0x2e5: {  	s7 =	simm.s32 $0x0;
	v25 =	vadd.s32 v1, v16  }
0x2e6: {  	s26 =	simm.s32 $0xD280;
	s15 =	simm.s32 $0x100;
	s0 =	sand.u32 $0x3800, s7  }
0x2e7: {  	s1 =	sand.u32 $0x500, s15;
	s0 =	sadd.s32 $0xD200, s0;
	[tilespmem:s26+$0xFFFFFF80] =	vst v17;
	v17 =	vld.idx.msk [tilespmem:v20+s20+$0x0], $0xffff  }
0x2e8: {  	v24 =	vld.idx.msk [tilespmem:v24+s20+$0x0], $0xffff;
	s24 =	sor.u32 s1, s0;
	v20 =	vadd.s32 v1, v23  }
0x2e9: {  	s19 =	simm.s32 $0x300;
	v26 =	vadd.s32 v1, v22;
	[tilespmem:s24+$0x0] =	vst v18;
	v19 =	vld.idx.msk [tilespmem:v19+s20+$0x0], $0xffff  }
0x2ea: {  	s21 =	simm.s32 $0x200;
	s1 =	sand.u32 $0x700, s19;
	v18 =	vadd.s32 v2, v21;
	v25 =	vld.idx.msk [tilespmem:v25+s20+$0x0], $0xffff  }
0x2eb: {  	v27 =	vadd.s32 v2, v16;
	s25 =	sand.u32 $0x600, s21;
	s29 =	sadd.s32 s1, s0  }
0x2ec: {  	s25 =	sadd.s32 s25, s0;
	[tilespmem:s29+$0x0] =	vst v17  }
0x2ed: {  	[tilespmem:s25+$0x0] =	vst v24;
	v17 =	vld.idx.msk [tilespmem:v20+s20+$0x0], $0xffff  }
0x2ee: {  	[tilespmem:s26+$0xFFFFFF90] =	vst v19;
	v19 =	vadd.s32 v2, v23;
	v20 =	vld.idx.msk [tilespmem:v26+s20+$0x0], $0xffff  }
0x2ef: {  	[tilespmem:s24+$0x10] =	vst v25;
	v25 =	vadd.s32 v2, v22;
	v18 =	vld.idx.msk [tilespmem:v18+s20+$0x0], $0xffff  }
0x2f0: {  	v24 =	vadd.s32 v3, v21;
	v26 =	vld.idx.msk [tilespmem:v27+s20+$0x0], $0xffff  }
0x2f1: {  	v27 =	vadd.s32 v3, v16  }
0x2f2: {  	[tilespmem:s29+$0x10] =	vst v17  }
0x2f3: {  	[tilespmem:s25+$0x10] =	vst v20;
	v17 =	vld.idx.msk [tilespmem:v19+s20+$0x0], $0xffff  }
0x2f4: {  	[tilespmem:s26+$0xFFFFFFA0] =	vst v18;
	v19 =	vadd.s32 v3, v23;
	v20 =	vld.idx.msk [tilespmem:v25+s20+$0x0], $0xffff  }
0x2f5: {  	[tilespmem:s24+$0x20] =	vst v26;
	v25 =	vadd.s32 v3, v22;
	v18 =	vld.idx.msk [tilespmem:v24+s20+$0x0], $0xffff  }
0x2f6: {  	v24 =	vadd.s32 v4, v21;
	v26 =	vld.idx.msk [tilespmem:v27+s20+$0x0], $0xffff  }
0x2f7: {  	v27 =	vadd.s32 v4, v16  }
0x2f8: {  	[tilespmem:s29+$0x20] =	vst v17  }
0x2f9: {  	[tilespmem:s25+$0x20] =	vst v20;
	v17 =	vld.idx.msk [tilespmem:v19+s20+$0x0], $0xffff  }
0x2fa: {  	[tilespmem:s26+$0xFFFFFFB0] =	vst v18;
	v19 =	vadd.s32 v4, v23;
	v20 =	vld.idx.msk [tilespmem:v25+s20+$0x0], $0xffff  }
0x2fb: {  	[tilespmem:s24+$0x30] =	vst v26;
	v26 =	vadd.s32 v4, v22;
	v18 =	vld.idx.msk [tilespmem:v24+s20+$0x0], $0xffff  }
0x2fc: {  	v24 =	vadd.s32 v5, v21;
	v25 =	vld.idx.msk [tilespmem:v27+s20+$0x0], $0xffff  }
0x2fd: {  	v27 =	vadd.s32 v5, v16  }
0x2fe: {  	[tilespmem:s29+$0x30] =	vst v17  }
0x2ff: {  	[tilespmem:s25+$0x30] =	vst v20;
	v17 =	vld.idx.msk [tilespmem:v19+s20+$0x0], $0xffff  }
0x300: {  	[tilespmem:s26+$0xFFFFFFC0] =	vst v18;
	v19 =	vadd.s32 v5, v23;
	v20 =	vld.idx.msk [tilespmem:v26+s20+$0x0], $0xffff  }
0x301: {  	[tilespmem:s24+$0x40] =	vst v25;
	v26 =	vadd.s32 v5, v22;
	v18 =	vld.idx.msk [tilespmem:v24+s20+$0x0], $0xffff  }
0x302: {  	v24 =	vadd.s32 v6, v21;
	v25 =	vld.idx.msk [tilespmem:v27+s20+$0x0], $0xffff  }
0x303: {  	v27 =	vadd.s32 v6, v16  }
0x304: {  	[tilespmem:s29+$0x40] =	vst v17  }
0x305: {  	[tilespmem:s25+$0x40] =	vst v20;
	v17 =	vld.idx.msk [tilespmem:v19+s20+$0x0], $0xffff  }
0x306: {  	[tilespmem:s26+$0xFFFFFFD0] =	vst v18;
	v20 =	vld.idx.msk [tilespmem:v26+s20+$0x0], $0xffff  }
0x307: {  	v19 =	vadd.s32 v6, v23;
	[tilespmem:s24+$0x50] =	vst v25;
	v18 =	vld.idx.msk [tilespmem:v24+s20+$0x0], $0xffff  }
0x308: {  	v26 =	vadd.s32 v6, v22;
	v25 =	vld.idx.msk [tilespmem:v27+s20+$0x0], $0xffff  }
0x309: {  	v24 =	vadd.s32 v7, v21  }
0x30a: {  	v27 =	vadd.s32 v7, v16;
	[tilespmem:s29+$0x50] =	vst v17  }
0x30b: {  	[tilespmem:s25+$0x50] =	vst v20  }
0x30c: {  	[tilespmem:s26+$0xFFFFFFE0] =	vst v18;
	v19 =	vld.idx.msk [tilespmem:v19+s20+$0x0], $0xffff  }
0x30d: {  	[tilespmem:s24+$0x60] =	vst v25;
	v25 =	vld.idx.msk [tilespmem:v26+s20+$0x0], $0xffff  }
0x30e: {  	s28 =	simm.s32 $0x5;
	v20 =	vld.idx.msk [tilespmem:v24+s20+$0x0], $0xffff;
	v24 =	vadd.s32 v7, v23  }
0x30f: {  	v17 =	vmov s28;
	v26 =	vld.idx.msk [tilespmem:v27+s20+$0x0], $0xffff;
	v27 =	vadd.s32 v7, v22  }
0x310: {  	v28 =	vadd.s32 v8, v21;
	v18 =	vand.u32 $0x3D, v17  }
0x311: {  	s31 =	simm.s32 $0x6;
	v31 =	vadd.s32 v0, v18;
	[tilespmem:s29+$0x60] =	vst v19  }
0x312: {  	v29 =	vmov s31;
	v30 =	vadd.s32 v8, v16;
	[tilespmem:s25+$0x60] =	vst v25  }
0x313: {  	s1 =	simm.s32 $0x4;
	v17 =	vand.u32 $0x3E, v29;
	[tilespmem:s26+$0xFFFFFFF0] =	vst v20;
	v20 =	vld.idx.msk [tilespmem:v24+s20+$0x0], $0xffff  }
0x314: {  	v29 =	vadd.s32 v0, v17;
	v19 =	vmov s1;
	v27 =	vld.idx.msk [tilespmem:v27+s20+$0x0], $0xffff  }
0x315: {  	v25 =	vadd.s32 v8, v23;
	v19 =	vand.u32 $0x3C, v19;
	v24 =	vld.idx.msk [tilespmem:v28+s20+$0x0], $0xffff  }
0x316: {  	[tilespmem:s24+$0x70] =	vst v26;
	v31 =	vld.idx.msk [tilespmem:v31+s20+$0x0], $0xffff;
	v26 =	vadd.s32 v0, v19  }
0x317: {  	v39 =	vadd.s32 v8, v22;
	s7 =	simm.s32 $0x400;
	v30 =	vld.idx.msk [tilespmem:v30+s20+$0x0], $0xffff  }
0x318: {  	s15 =	sand.u32 $0x3800, s7;
	s19 =	simm.s32 $0x500;
	v41 =	vadd.s32 v1, v18;
	[tilespmem:s29+$0x70] =	vst v20  }
0x319: {  	s21 =	sadd.s32 $0xD200, s15;
	s1 =	sand.u32 $0x500, s19;
	v29 =	vld.idx.msk [tilespmem:v29+s20+$0x0], $0xffff;
	v28 =	vadd.s32 v9, v21;
	[tilespmem:s25+$0x70] =	vst v27  }
0x31a: {  	v40 =	vadd.s32 v9, v16;
	s6 =	simm.s32 $0x7;
	s30 =	sor.u32 s1, s21;
	[tilespmem:s26+$0x0] =	vst v24;
	v24 =	vld.idx.msk [tilespmem:v25+s20+$0x0], $0xffff  }
0x31b: {  	v20 =	vmov s6;
	[tilespmem:s30+$0x0] =	vst v31;
	v25 =	vadd.s32 v1, v17;
	v26 =	vld.idx.msk [tilespmem:v26+s20+$0x0], $0xffff  }
0x31c: {  	s28 =	simm.s32 $0x600;
	v27 =	vadd.s32 v9, v23;
	v20 =	vand.u32 $0x3F, v20;
	[tilespmem:s24+$0x80] =	vst v30;
	v30 =	vld.idx.msk [tilespmem:v39+s20+$0x0], $0xffff  }
0x31d: {  	s0 =	sand.u32 $0x600, s28;
	v43 =	vld.idx.msk [tilespmem:v41+s20+$0x0], $0xffff;
	v35 =	vadd.s32 v0, v20  }
0x31e: {  	s0 =	sadd.s32 s0, s21;
	v42 =	vadd.s32 v1, v19;
	v28 =	vld.idx.msk [tilespmem:v28+s20+$0x0], $0xffff  }
0x31f: {  	v45 =	vadd.s32 v9, v22;
	[tilespmem:s0+$0x0] =	vst v29;
	v31 =	vld.idx.msk [tilespmem:v40+s20+$0x0], $0xffff  }
0x320: {  	s1 =	simm.s32 $0xD680;
	v29 =	vadd.s32 v10, v21;
	v25 =	vld.idx.msk [tilespmem:v25+s20+$0x0], $0xffff;
	[tilespmem:s29+$0x80] =	vst v24  }
0x321: {  	v44 =	vadd.s32 v10, v16;
	[tilespmem:s1+$0xFFFFFF80] =	vst v26;
	v27 =	vld.idx.msk [tilespmem:v27+s20+$0x0], $0xffff  }
0x322: {  	v24 =	vadd.s32 v2, v18;
	[tilespmem:s25+$0x80] =	vst v30;
	v35 =	vld.idx.msk [tilespmem:v35+s20+$0x0], $0xffff  }
0x323: {  	v26 =	vadd.s32 v2, v17;
	[tilespmem:s26+$0x10] =	vst v28;
	v28 =	vld.idx.msk [tilespmem:v42+s20+$0x0], $0xffff  }
0x324: {  	v36 =	vadd.s32 v10, v23;
	[tilespmem:s30+$0x10] =	vst v43;
	v30 =	vld.idx.msk [tilespmem:v45+s20+$0x0], $0xffff  }
0x325: {  	s7 =	simm.s32 $0x700;
	[tilespmem:s24+$0x90] =	vst v31;
	v31 =	vadd.s32 v1, v20;
	v29 =	vld.idx.msk [tilespmem:v29+s20+$0x0], $0xffff  }
0x326: {  	s31 =	sand.u32 $0x700, s7;
	v47 =	vadd.s32 v2, v19;
	v46 =	vld.idx.msk [tilespmem:v44+s20+$0x0], $0xffff;
	[tilespmem:s0+$0x10] =	vst v25  }
0x327: {  	v48 =	vadd.s32 v11, v21;
	s6 =	sadd.s32 s31, s21;
	v24 =	vld.idx.msk [tilespmem:v24+s20+$0x0], $0xffff;
	[tilespmem:s29+$0x90] =	vst v27  }
0x328: {  	v25 =	vld.idx.msk [tilespmem:v26+s20+$0x0], $0xffff;
	v26 =	vadd.s32 v11, v16;
	[tilespmem:s6+$0x0] =	vst v35  }
0x329: {  	v27 =	vadd.s32 v3, v18;
	[tilespmem:s1+$0xFFFFFF90] =	vst v28;
	v49 =	vld.idx.msk [tilespmem:v36+s20+$0x0], $0xffff  }
0x32a: {  	[tilespmem:s25+$0x90] =	vst v30;
	v28 =	vld.idx.msk [tilespmem:v31+s20+$0x0], $0xffff;
	v31 =	vadd.s32 v10, v22  }
0x32b: {  	v50 =	vadd.s32 v3, v17;
	v34 =	vld.idx.msk [tilespmem:v47+s20+$0x0], $0xffff;
	[tilespmem:s26+$0x20] =	vst v29  }
0x32c: {  	v51 =	vadd.s32 v3, v19;
	[tilespmem:s24+$0xA0] =	vst v46;
	v29 =	vld.idx.msk [tilespmem:v48+s20+$0x0], $0xffff  }
0x32d: {  	v54 =	vadd.s32 v11, v23;
	[tilespmem:s30+$0x20] =	vst v24;
	v26 =	vld.idx.msk [tilespmem:v26+s20+$0x0], $0xffff  }
0x32e: {  	v24 =	vadd.s32 v2, v20;
	v27 =	vld.idx.msk [tilespmem:v27+s20+$0x0], $0xffff;
	[tilespmem:s0+$0x20] =	vst v25  }
0x32f: {  	v52 =	vadd.s32 v12, v16;
	v25 =	vld.idx.msk [tilespmem:v31+s20+$0x0], $0xffff;
	[tilespmem:s6+$0x10] =	vst v28  }
0x330: {  	v30 =	vadd.s32 v4, v18;
	v31 =	vld.idx.msk [tilespmem:v50+s20+$0x0], $0xffff;
	[tilespmem:s1+$0xFFFFFFA0] =	vst v34  }
0x331: {  	v28 =	vadd.s32 v12, v21;
	[tilespmem:s29+$0xA0] =	vst v49;
	v33 =	vld.idx.msk [tilespmem:v51+s20+$0x0], $0xffff  }
0x332: {  	v53 =	vadd.s32 v11, v22;
	[tilespmem:s26+$0x30] =	vst v29;
	v35 =	vld.idx.msk [tilespmem:v54+s20+$0x0], $0xffff  }
0x333: {  	v56 =	vadd.s32 v4, v17;
	v24 =	vld.idx.msk [tilespmem:v24+s20+$0x0], $0xffff;
	[tilespmem:s24+$0xB0] =	vst v26  }
0x334: {  	v57 =	vadd.s32 v12, v23;
	[tilespmem:s30+$0x30] =	vst v27;
	v27 =	vld.idx.msk [tilespmem:v52+s20+$0x0], $0xffff  }
0x335: {  	v26 =	vadd.s32 v3, v20;
	v30 =	vld.idx.msk [tilespmem:v30+s20+$0x0], $0xffff;
	[tilespmem:s25+$0xA0] =	vst v25  }
0x336: {  	v55 =	vadd.s32 v4, v19;
	v28 =	vld.idx.msk [tilespmem:v28+s20+$0x0], $0xffff;
	[tilespmem:s0+$0x30] =	vst v31  }
0x337: {  	v29 =	vadd.s32 v13, v16;
	v34 =	vld.idx.msk [tilespmem:v53+s20+$0x0], $0xffff;
	[tilespmem:s1+$0xFFFFFFB0] =	vst v33  }
0x338: {  	v25 =	vadd.s32 v5, v18;
	v31 =	vld.idx.msk [tilespmem:v56+s20+$0x0], $0xffff;
	[tilespmem:s29+$0xB0] =	vst v35  }
0x339: {  	v58 =	vld.idx.msk [tilespmem:v57+s20+$0x0], $0xffff;
	[tilespmem:s6+$0x20] =	vst v24;
	v24 =	vadd.s32 v13, v21  }
0x33a: {  	v60 =	vadd.s32 v13, v23;
	v26 =	vld.idx.msk [tilespmem:v26+s20+$0x0], $0xffff;
	[tilespmem:s24+$0xC0] =	vst v27  }
0x33b: {  	v32 =	vld.idx.msk [tilespmem:v55+s20+$0x0], $0xffff;
	[tilespmem:s30+$0x40] =	vst v30;
	v27 =	vadd.s32 v4, v20  }
0x33c: {  	[tilespmem:s26+$0x40] =	vst v28;
	v28 =	vadd.s32 v12, v22;
	v37 =	vld.idx.msk [tilespmem:v29+s20+$0x0], $0xffff  }
0x33d: {  	v29 =	vadd.s32 v5, v19;
	v25 =	vld.idx.msk [tilespmem:v25+s20+$0x0], $0xffff;
	[tilespmem:s25+$0xB0] =	vst v34  }
0x33e: {  	v30 =	vadd.s32 v6, v18;
	[tilespmem:s29+$0xC0] =	vst v58;
	v24 =	vld.idx.msk [tilespmem:v24+s20+$0x0], $0xffff  }
0x33f: {  	v59 =	vadd.s32 v5, v17;
	v33 =	vld.idx.msk [tilespmem:v60+s20+$0x0], $0xffff;
	[tilespmem:s6+$0x30] =	vst v26  }
0x340: {  	[tilespmem:s0+$0x40] =	vst v31;
	v26 =	vadd.s32 v14, v21;
	v27 =	vld.idx.msk [tilespmem:v27+s20+$0x0], $0xffff  }
0x341: {  	v63 =	vadd.s32 v14, v23;
	[tilespmem:s1+$0xFFFFFFC0] =	vst v32;
	v28 =	vld.idx.msk [tilespmem:v28+s20+$0x0], $0xffff  }
0x342: {  	v29 =	vld.idx.msk [tilespmem:v29+s20+$0x0], $0xffff;
	[tilespmem:s30+$0x50] =	vst v25;
	v25 =	vadd.s32 v5, v20  }
0x343: {  	v61 =	vadd.s32 v6, v19;
	v30 =	vld.idx.msk [tilespmem:v30+s20+$0x0], $0xffff;
	[tilespmem:s26+$0x50] =	vst v24  }
0x344: {  	v32 =	vld.idx.msk [tilespmem:v59+s20+$0x0], $0xffff;
	v24 =	vadd.s32 v13, v22;
	[tilespmem:s29+$0xD0] =	vst v33  }
0x345: {  	v31 =	vadd.s32 v7, v18;
	v26 =	vld.idx.msk [tilespmem:v26+s20+$0x0], $0xffff;
	[tilespmem:s6+$0x40] =	vst v27  }
0x346: {  	v21 =	vadd.s32 v15, v21;
	[tilespmem:s25+$0xC0] =	vst v28;
	v28 =	vld.idx.msk [tilespmem:v63+s20+$0x0], $0xffff  }
0x347: {  	v62 =	vadd.s32 v6, v17;
	[tilespmem:s1+$0xFFFFFFD0] =	vst v29;
	v25 =	vld.idx.msk [tilespmem:v25+s20+$0x0], $0xffff  }
0x348: {  	v34 =	vld.idx.msk [tilespmem:v61+s20+$0x0], $0xffff;
	[tilespmem:s30+$0x60] =	vst v30;
	v30 =	vadd.s32 v6, v20  }
0x349: {  	v39 =	vadd.s32 v7, v19;
	[tilespmem:s24+$0xD0] =	vst v37;
	v38 =	vld.idx.msk [tilespmem:v24+s20+$0x0], $0xffff  }
0x34a: {  	v29 =	vld.idx.msk [tilespmem:v31+s20+$0x0], $0xffff;
	[tilespmem:s26+$0x60] =	vst v26;
	v26 =	vadd.s32 v14, v22  }
0x34b: {  	[tilespmem:s0+$0x50] =	vst v32;
	v24 =	vadd.s32 v15, v23;
	v23 =	vadd.s32 v14, v16;
	v27 =	vld.idx.msk [tilespmem:v21+s20+$0x0], $0xffff  }
0x34c: {  	v31 =	vld.idx.msk [tilespmem:v62+s20+$0x0], $0xffff;
	[tilespmem:s6+$0x50] =	vst v25  }
0x34d: {  	v33 =	vadd.s32 v7, v17;
	[tilespmem:s1+$0xFFFFFFE0] =	vst v34;
	v32 =	vld.idx.msk [tilespmem:v30+s20+$0x0], $0xffff  }
0x34e: {  	v30 =	vld.idx.msk [tilespmem:v39+s20+$0x0], $0xffff;
	[tilespmem:s25+$0xD0] =	vst v38  }
0x34f: {  	s15 =	simm.s32 $0x8;
	v21 =	vadd.s32 v8, v19;
	v25 =	vadd.s32 v15, v22;
	v34 =	vadd.s32 v7, v20;
	v26 =	vld.idx.msk [tilespmem:v26+s20+$0x0], $0xffff  }
.LBB2_8:
0x350: {  	s19 =	sadd.s32 $0x1, s15;
	s21 =	sadd.s32 $0x2, s15;
	s28 =	sadd.s32 $0x3, s15;
	[tilespmem:s26+$0x70] =	vst v27;
	v27 =	vld.idx.msk [tilespmem:v23+s20+$0x0], $0xffff;
	v35 =	vadd.s32 v15, v16;
	v16 =	vmov v18  }
0x351: {  	p1 =	slt.u32 s15, $0x3C;
	v18 =	vmov s19;
	v22 =	vmov s21;
	v23 =	vmov s28;
	[tilespmem:s0+$0x60] =	vst v31;
	s19 =	smov.u32 s15;
	s15 =	sadd.s32 $0x4, s15  }
0x352: {  	s26 =	smov.u32 s1;
	v18 =	vand.u32 $0x3D, v18;
	v23 =	vand.u32 $0x3F, v23;
	v31 =	vld.idx.msk [tilespmem:v33+s20+$0x0], $0xffff;
	[tilespmem:s29+$0xE0] =	vst v28  }
0x353: {  	v22 =	vand.u32 $0x3E, v22;
	v33 =	vadd.s32 v8, v16;
	v28 =	vadd.s32 v0, v18;
	[tilespmem:s6+$0x60] =	vst v32;
	v32 =	vld.idx.msk [tilespmem:v24+s20+$0x0], $0xffff  }
0x354: {  	v24 =	vmov s19;
	v36 =	vadd.s32 v0, v22;
	[tilespmem:s1+$0xFFFFFFF0] =	vst v30;
	v30 =	vld.idx.msk [tilespmem:v34+s20+$0x0], $0xffff  }
0x355: {  	v38 =	vadd.s32 v8, v20;
	v24 =	vand.u32 $0x3C, v24;
	v34 =	vadd.s32 v0, v23;
	v37 =	vld.idx.msk [tilespmem:v21+s20+$0x0], $0xffff;
	[tilespmem:s25+$0xE0] =	vst v26  }
0x356: {  	v26 =	vadd.s32 v0, v24;
	v21 =	vadd.s32 v8, v24;
	[tilespmem:s24+$0xE0] =	vst v27;
	v25 =	vld.idx.msk [tilespmem:v25+s20+$0x0], $0xffff  }
0x357: {  	v27 =	vadd.s32 v9, v19;
	[tilespmem:s30+$0x70] =	vst v29;
	v29 =	vld.idx.msk [tilespmem:v35+s20+$0x0], $0xffff  }
0x358: {  	v33 =	vld.idx.msk [tilespmem:v33+s20+$0x0], $0xffff;
	[tilespmem:s0+$0x70] =	vst v31  }
0x359: {  	s7 =	sadd.s32 $0x400, s7;
	v31 =	vadd.s32 v8, v17;
	v28 =	vld.idx.msk [tilespmem:v28+s20+$0x0], $0xffff;
	[tilespmem:s29+$0xF0] =	vst v32;
	s29 =	smov.u32 s6  }
0x35a: {  	v35 =	vadd.s32 v9, v16;
	v32 =	vld.idx.msk [tilespmem:v36+s20+$0x0], $0xffff;
	[tilespmem:s29+$0x70] =	vst v30  }
0x35b: {  	s6 =	sadd.s32 $0xFFFFFD00, s7;
	v30 =	vadd.s32 v1, v18;
	[tilespmem:s1+$0x0] =	vst v37;
	v36 =	vld.idx.msk [tilespmem:v38+s20+$0x0], $0xffff  }
0x35c: {  	s19 =	sadd.s32 $0xFFFFFE00, s7;
	s6 =	sand.u32 $0x3800, s6;
	v37 =	vadd.s32 v1, v22;
	v27 =	vld.idx.msk [tilespmem:v27+s20+$0x0], $0xffff;
	[tilespmem:s25+$0xF0] =	vst v25;
	s25 =	smov.u32 s0  }
0x35d: {  	s6 =	sadd.s32 $0xD200, s6;
	s0 =	sand.u32 $0x500, s19;
	s19 =	sadd.s32 $0xFFFFFF00, s7;
	v25 =	vld.idx.msk [tilespmem:v26+s20+$0x0], $0xffff;
	v26 =	vadd.s32 v9, v20;
	[tilespmem:s24+$0xF0] =	vst v29  }
0x35e: {  	s19 =	sand.u32 $0x600, s19;
	s24 =	smov.u32 s30;
	[tilespmem:s30+$0x80] =	vst v33;
	v29 =	vld.idx.msk [tilespmem:v31+s20+$0x0], $0xffff;
	s30 =	sor.u32 s0, s6  }
0x35f: {  	v31 =	vadd.s32 v1, v24;
	s0 =	sadd.s32 s19, s6;
	[tilespmem:s30+$0x0] =	vst v28;
	v28 =	vld.idx.msk [tilespmem:v35+s20+$0x0], $0xffff  }
0x360: {  	s1 =	sadd.s32 $0x400, s1;
	v30 =	vld.idx.msk [tilespmem:v30+s20+$0x0], $0xffff;
	[tilespmem:s0+$0x0] =	vst v32;
	v32 =	vadd.s32 v10, v19  }
0x361: {  	v35 =	vadd.s32 v10, v16;
	v33 =	vld.idx.msk [tilespmem:v37+s20+$0x0], $0xffff;
	[tilespmem:s29+$0x80] =	vst v36  }
0x362: {  	v36 =	vadd.s32 v2, v18;
	[tilespmem:s26+$0x10] =	vst v27;
	v26 =	vld.idx.msk [tilespmem:v26+s20+$0x0], $0xffff  }
0x363: {  	[tilespmem:s1+$0xFFFFFF80] =	vst v25;
	v25 =	vadd.s32 v2, v22;
	v27 =	vld.idx.msk [tilespmem:v34+s20+$0x0], $0xffff  }
0x364: {  	v34 =	vadd.s32 v10, v20;
	v31 =	vld.idx.msk [tilespmem:v31+s20+$0x0], $0xffff;
	[tilespmem:s25+$0x80] =	vst v29;
	v29 =	vadd.s32 v9, v17  }
0x365: {  	v32 =	vld.idx.msk [tilespmem:v32+s20+$0x0], $0xffff;
	[tilespmem:s24+$0x90] =	vst v28  }
0x366: {  	v28 =	vadd.s32 v1, v23;
	[tilespmem:s30+$0x10] =	vst v30;
	v30 =	vld.idx.msk [tilespmem:v35+s20+$0x0], $0xffff  }
0x367: {  	s19 =	sand.u32 $0x700, s7;
	v35 =	vadd.s32 v2, v24;
	v36 =	vld.idx.msk [tilespmem:v36+s20+$0x0], $0xffff;
	[tilespmem:s0+$0x10] =	vst v33  }
0x368: {  	s6 =	sadd.s32 s19, s6;
	v33 =	vadd.s32 v11, v16;
	v25 =	vld.idx.msk [tilespmem:v25+s20+$0x0], $0xffff;
	[tilespmem:s29+$0x90] =	vst v26  }
0x369: {  	v26 =	vadd.s32 v3, v18;
	[tilespmem:s6+$0x0] =	vst v27;
	v27 =	vld.idx.msk [tilespmem:v29+s20+$0x0], $0xffff  }
0x36a: {  	v29 =	vadd.s32 v11, v19;
	[tilespmem:s1+$0xFFFFFF90] =	vst v31;
	v31 =	vld.idx.msk [tilespmem:v34+s20+$0x0], $0xffff  }
0x36b: {  	v34 =	vadd.s32 v10, v17;
	v28 =	vld.idx.msk [tilespmem:v28+s20+$0x0], $0xffff  }
0x36c: {  	v37 =	vadd.s32 v3, v22;
	v35 =	vld.idx.msk [tilespmem:v35+s20+$0x0], $0xffff;
	[tilespmem:s24+$0xA0] =	vst v30;
	v30 =	vadd.s32 v11, v20  }
0x36d: {  	[tilespmem:s30+$0x20] =	vst v36;
	v36 =	vadd.s32 v2, v23;
	v33 =	vld.idx.msk [tilespmem:v33+s20+$0x0], $0xffff  }
0x36e: {  	v38 =	vadd.s32 v3, v24;
	v26 =	vld.idx.msk [tilespmem:v26+s20+$0x0], $0xffff;
	[tilespmem:s26+$0x20] =	vst v32  }
0x36f: {  	v32 =	vadd.s32 v12, v16;
	v29 =	vld.idx.msk [tilespmem:v29+s20+$0x0], $0xffff;
	[tilespmem:s25+$0x90] =	vst v27  }
0x370: {  	v27 =	vadd.s32 v4, v18;
	[tilespmem:s0+$0x20] =	vst v25;
	v25 =	vld.idx.msk [tilespmem:v34+s20+$0x0], $0xffff  }
0x371: {  	v34 =	vld.idx.msk [tilespmem:v37+s20+$0x0], $0xffff;
	[tilespmem:s6+$0x10] =	vst v28;
	v28 =	vadd.s32 v12, v19  }
0x372: {  	[tilespmem:s1+$0xFFFFFFA0] =	vst v35;
	v35 =	vld.idx.msk [tilespmem:v36+s20+$0x0], $0xffff;
	v36 =	vadd.s32 v11, v17  }
0x373: {  	v37 =	vld.idx.msk [tilespmem:v38+s20+$0x0], $0xffff;
	[tilespmem:s24+$0xB0] =	vst v33;
	v33 =	vadd.s32 v12, v20  }
0x374: {  	[tilespmem:s30+$0x30] =	vst v26;
	v26 =	vadd.s32 v3, v23;
	v32 =	vld.idx.msk [tilespmem:v32+s20+$0x0], $0xffff  }
0x375: {  	v38 =	vadd.s32 v4, v24;
	v27 =	vld.idx.msk [tilespmem:v27+s20+$0x0], $0xffff;
	[tilespmem:s26+$0x30] =	vst v29  }
0x376: {  	v29 =	vadd.s32 v13, v16;
	v28 =	vld.idx.msk [tilespmem:v28+s20+$0x0], $0xffff;
	[tilespmem:s25+$0xA0] =	vst v25  }
0x377: {  	v25 =	vadd.s32 v5, v18;
	v36 =	vld.idx.msk [tilespmem:v36+s20+$0x0], $0xffff;
	[tilespmem:s29+$0xA0] =	vst v31  }
0x378: {  	v31 =	vadd.s32 v13, v19;
	[tilespmem:s6+$0x20] =	vst v35;
	v30 =	vld.idx.msk [tilespmem:v30+s20+$0x0], $0xffff  }
0x379: {  	v35 =	vadd.s32 v4, v22;
	[tilespmem:s1+$0xFFFFFFB0] =	vst v37;
	v26 =	vld.idx.msk [tilespmem:v26+s20+$0x0], $0xffff  }
0x37a: {  	v37 =	vld.idx.msk [tilespmem:v38+s20+$0x0], $0xffff;
	[tilespmem:s24+$0xC0] =	vst v32;
	v32 =	vadd.s32 v12, v17;
	v38 =	vadd.s32 v13, v20  }
0x37b: {  	[tilespmem:s30+$0x40] =	vst v27;
	v27 =	vadd.s32 v4, v23;
	v39 =	vld.idx.msk [tilespmem:v29+s20+$0x0], $0xffff  }
0x37c: {  	v29 =	vadd.s32 v5, v24;
	v25 =	vld.idx.msk [tilespmem:v25+s20+$0x0], $0xffff;
	[tilespmem:s26+$0x40] =	vst v28  }
0x37d: {  	[tilespmem:s0+$0x30] =	vst v34;
	v28 =	vld.idx.msk [tilespmem:v31+s20+$0x0], $0xffff  }
0x37e: {  	v31 =	vadd.s32 v6, v18;
	v34 =	vld.idx.msk [tilespmem:v35+s20+$0x0], $0xffff;
	[tilespmem:s29+$0xB0] =	vst v30  }
0x37f: {  	[tilespmem:s6+$0x30] =	vst v26;
	v26 =	vadd.s32 v14, v19;
	v30 =	vld.idx.msk [tilespmem:v33+s20+$0x0], $0xffff  }
0x380: {  	v33 =	vadd.s32 v5, v22;
	[tilespmem:s1+$0xFFFFFFC0] =	vst v37;
	v27 =	vld.idx.msk [tilespmem:v27+s20+$0x0], $0xffff  }
0x381: {  	v35 =	vadd.s32 v13, v17;
	v29 =	vld.idx.msk [tilespmem:v29+s20+$0x0], $0xffff;
	[tilespmem:s25+$0xB0] =	vst v36;
	v36 =	vadd.s32 v14, v20  }
0x382: {  	[tilespmem:s30+$0x50] =	vst v25;
	v25 =	vadd.s32 v5, v23;
	v32 =	vld.idx.msk [tilespmem:v32+s20+$0x0], $0xffff  }
0x383: {  	v37 =	vadd.s32 v6, v24;
	v31 =	vld.idx.msk [tilespmem:v31+s20+$0x0], $0xffff;
	[tilespmem:s26+$0x50] =	vst v28  }
0x384: {  	[tilespmem:s0+$0x40] =	vst v34;
	v26 =	vld.idx.msk [tilespmem:v26+s20+$0x0], $0xffff  }
0x385: {  	v28 =	vadd.s32 v7, v18;
	v33 =	vld.idx.msk [tilespmem:v33+s20+$0x0], $0xffff;
	[tilespmem:s29+$0xC0] =	vst v30  }
0x386: {  	[tilespmem:s6+$0x40] =	vst v27;
	v27 =	vadd.s32 v15, v19;
	v30 =	vld.idx.msk [tilespmem:v38+s20+$0x0], $0xffff;
	v19 =	vmov v24  }
0x387: {  	v34 =	vadd.s32 v6, v22;
	[tilespmem:s1+$0xFFFFFFD0] =	vst v29;
	v25 =	vld.idx.msk [tilespmem:v25+s20+$0x0], $0xffff  }
0x388: {  	v38 =	vadd.s32 v14, v17;
	v24 =	vadd.s32 v15, v20;
	v20 =	vmov v23;
	v37 =	vld.idx.msk [tilespmem:v37+s20+$0x0], $0xffff;
	[tilespmem:s25+$0xC0] =	vst v32  }
0x389: {  	v32 =	vadd.s32 v6, v20;
	[tilespmem:s30+$0x60] =	vst v31;
	v35 =	vld.idx.msk [tilespmem:v35+s20+$0x0], $0xffff  }
0x38a: {  	v40 =	vadd.s32 v7, v19;
	v29 =	vld.idx.msk [tilespmem:v28+s20+$0x0], $0xffff;
	[tilespmem:s26+$0x60] =	vst v26  }
0x38b: {  	v23 =	vadd.s32 v14, v16;
	[tilespmem:s0+$0x50] =	vst v33;
	v27 =	vld.idx.msk [tilespmem:v27+s20+$0x0], $0xffff  }
.Ltmp5:
0x38c: {  	v31 =	vld.idx.msk [tilespmem:v34+s20+$0x0], $0xffff;
	[tilespmem:s29+$0xD0] =	vst v30;
	(pc) =	sbr.rel @p1 .LBB2_8-.Ltmp5, $4  }
0x38d: {  	[tilespmem:s6+$0x50] =	vst v25;
	v28 =	vld.idx.msk [tilespmem:v36+s20+$0x0], $0xffff  }
0x38e: {  	v33 =	vadd.s32 v7, v22;
	[tilespmem:s1+$0xFFFFFFE0] =	vst v37;
	v32 =	vld.idx.msk [tilespmem:v32+s20+$0x0], $0xffff  }
0x38f: {  	v25 =	vadd.s32 v15, v17;
	v17 =	vmov v22;
	v30 =	vld.idx.msk [tilespmem:v40+s20+$0x0], $0xffff;
	[tilespmem:s25+$0xD0] =	vst v35  }
0x390: {  	v34 =	vadd.s32 v7, v20;
	[tilespmem:s24+$0xD0] =	vst v39;
	v26 =	vld.idx.msk [tilespmem:v38+s20+$0x0], $0xffff  }
0x391: {  	_ =	sdelay $0x2  }
0x392: {  	[tilespmem:s0+$0x60] =	vst v31  }
0x393: {  	v58 =	vadd.s32 v8, v18;
	v31 =	vld.idx.msk [tilespmem:v33+s20+$0x0], $0xffff;
	[tilespmem:s6+$0x60] =	vst v32  }
0x394: {  	v57 =	vadd.s32 v8, v17;
	v22 =	vld.idx.msk [tilespmem:v34+s20+$0x0], $0xffff  }
0x395: {  	v56 =	vadd.s32 v8, v20  }
0x396: {  	[tilespmem:s1+$0xFFFFFFF0] =	vst v30  }
0x397: {  	[tilespmem:s30+$0x70] =	vst v29;
	v21 =	vld.idx.msk [tilespmem:v21+s20+$0x0], $0xffff  }
0x398: {  	v59 =	vadd.s32 v9, v19;
	v62 =	vld.idx.msk [tilespmem:v58+s20+$0x0], $0xffff;
	[tilespmem:s0+$0x70] =	vst v31  }
0x399: {  	v36 =	vadd.s32 v9, v18;
	v31 =	vld.idx.msk [tilespmem:v57+s20+$0x0], $0xffff;
	[tilespmem:s6+$0x70] =	vst v22  }
0x39a: {  	v63 =	vadd.s32 v9, v17;
	v60 =	vld.idx.msk [tilespmem:v56+s20+$0x0], $0xffff  }
0x39b: {  	v61 =	vadd.s32 v9, v20  }
0x39c: {  	[tilespmem:s1+$0x0] =	vst v21  }
0x39d: {  	v21 =	vld.idx.msk [tilespmem:v59+s20+$0x0], $0xffff;
	[tilespmem:s30+$0x80] =	vst v62  }
0x39e: {  	v37 =	vadd.s32 v10, v19;
	v32 =	vld.idx.msk [tilespmem:v36+s20+$0x0], $0xffff;
	[tilespmem:s0+$0x80] =	vst v31  }
0x39f: {  	v40 =	vadd.s32 v10, v18;
	v31 =	vld.idx.msk [tilespmem:v63+s20+$0x0], $0xffff;
	[tilespmem:s6+$0x80] =	vst v60  }
0x3a0: {  	v39 =	vadd.s32 v10, v17;
	v29 =	vld.idx.msk [tilespmem:v61+s20+$0x0], $0xffff  }
0x3a1: {  	v38 =	vadd.s32 v10, v20  }
0x3a2: {  	[tilespmem:s1+$0x10] =	vst v21  }
0x3a3: {  	v21 =	vld.idx.msk [tilespmem:v37+s20+$0x0], $0xffff;
	[tilespmem:s30+$0x90] =	vst v32  }
0x3a4: {  	v41 =	vadd.s32 v11, v19;
	v32 =	vld.idx.msk [tilespmem:v40+s20+$0x0], $0xffff;
	[tilespmem:s0+$0x90] =	vst v31  }
0x3a5: {  	v44 =	vadd.s32 v11, v18;
	v31 =	vld.idx.msk [tilespmem:v39+s20+$0x0], $0xffff;
	[tilespmem:s6+$0x90] =	vst v29  }
0x3a6: {  	v43 =	vadd.s32 v11, v17;
	v29 =	vld.idx.msk [tilespmem:v38+s20+$0x0], $0xffff  }
0x3a7: {  	v42 =	vadd.s32 v11, v20  }
0x3a8: {  	[tilespmem:s1+$0x20] =	vst v21  }
0x3a9: {  	v21 =	vld.idx.msk [tilespmem:v41+s20+$0x0], $0xffff;
	[tilespmem:s30+$0xA0] =	vst v32  }
0x3aa: {  	v45 =	vadd.s32 v12, v19;
	v32 =	vld.idx.msk [tilespmem:v44+s20+$0x0], $0xffff;
	[tilespmem:s0+$0xA0] =	vst v31  }
0x3ab: {  	v48 =	vadd.s32 v12, v18;
	v31 =	vld.idx.msk [tilespmem:v43+s20+$0x0], $0xffff;
	[tilespmem:s6+$0xA0] =	vst v29  }
0x3ac: {  	v47 =	vadd.s32 v12, v17;
	v29 =	vld.idx.msk [tilespmem:v42+s20+$0x0], $0xffff  }
0x3ad: {  	v46 =	vadd.s32 v12, v20  }
0x3ae: {  	[tilespmem:s1+$0x30] =	vst v21  }
0x3af: {  	v21 =	vld.idx.msk [tilespmem:v45+s20+$0x0], $0xffff;
	[tilespmem:s30+$0xB0] =	vst v32  }
0x3b0: {  	v49 =	vadd.s32 v13, v19;
	v32 =	vld.idx.msk [tilespmem:v48+s20+$0x0], $0xffff;
	[tilespmem:s0+$0xB0] =	vst v31  }
0x3b1: {  	v52 =	vadd.s32 v13, v18;
	v31 =	vld.idx.msk [tilespmem:v47+s20+$0x0], $0xffff;
	[tilespmem:s6+$0xB0] =	vst v29  }
0x3b2: {  	v51 =	vadd.s32 v13, v17;
	v29 =	vld.idx.msk [tilespmem:v46+s20+$0x0], $0xffff  }
0x3b3: {  	v50 =	vadd.s32 v13, v20;
	[tilespmem:s29+$0xE0] =	vst v28  }
0x3b4: {  	v24 =	vld.idx.msk [tilespmem:v24+s20+$0x0], $0xffff;
	[tilespmem:s1+$0x40] =	vst v21  }
0x3b5: {  	v21 =	vld.idx.msk [tilespmem:v49+s20+$0x0], $0xffff;
	[tilespmem:s30+$0xC0] =	vst v32  }
0x3b6: {  	v53 =	vadd.s32 v14, v19;
	v55 =	vld.idx.msk [tilespmem:v52+s20+$0x0], $0xffff;
	[tilespmem:s0+$0xC0] =	vst v31  }
0x3b7: {  	v57 =	vadd.s32 v14, v18;
	v31 =	vld.idx.msk [tilespmem:v51+s20+$0x0], $0xffff;
	[tilespmem:s6+$0xC0] =	vst v29  }
0x3b8: {  	[tilespmem:s26+$0x70] =	vst v27;
	v56 =	vadd.s32 v14, v17;
	v29 =	vld.idx.msk [tilespmem:v50+s20+$0x0], $0xffff  }
0x3b9: {  	v54 =	vadd.s32 v14, v20;
	v23 =	vld.idx.msk [tilespmem:v23+s20+$0x0], $0xffff;
	[tilespmem:s29+$0xF0] =	vst v24  }
0x3ba: {  	v16 =	vadd.s32 v15, v16;
	[tilespmem:s1+$0x50] =	vst v21  }
0x3bb: {  	v21 =	vld.idx.msk [tilespmem:v53+s20+$0x0], $0xffff;
	[tilespmem:s30+$0xD0] =	vst v55  }
0x3bc: {  	v58 =	vadd.s32 v15, v19;
	v24 =	vld.idx.msk [tilespmem:v57+s20+$0x0], $0xffff;
	[tilespmem:s0+$0xD0] =	vst v31  }
0x3bd: {  	v63 =	vadd.s32 v15, v18;
	v61 =	vld.idx.msk [tilespmem:v56+s20+$0x0], $0xffff;
	[tilespmem:s6+$0xD0] =	vst v29  }
0x3be: {  	[tilespmem:s24+$0xE0] =	vst v23;
	v17 =	vadd.s32 v15, v17;
	v59 =	vld.idx.msk [tilespmem:v54+s20+$0x0], $0xffff  }
0x3bf: {  	[tilespmem:s25+$0xE0] =	vst v26;
	v16 =	vld.idx.msk [tilespmem:v16+s20+$0x0], $0xffff;
	v60 =	vadd.s32 v15, v20  }
0x3c0: {  	v62 =	vld.idx.msk [tilespmem:v25+s20+$0x0], $0xffff;
	[tilespmem:s1+$0x60] =	vst v21  }
0x3c1: {  	v19 =	vld.idx.msk [tilespmem:v58+s20+$0x0], $0xffff;
	[tilespmem:s30+$0xE0] =	vst v24  }
0x3c2: {  	v18 =	vld.idx.msk [tilespmem:v63+s20+$0x0], $0xffff;
	[tilespmem:s0+$0xE0] =	vst v61  }
0x3c3: {  	v17 =	vld.idx.msk [tilespmem:v17+s20+$0x0], $0xffff;
	[tilespmem:s6+$0xE0] =	vst v59  }
0x3c4: {  	[tilespmem:s24+$0xF0] =	vst v16;
	v20 =	vld.idx.msk [tilespmem:v60+s20+$0x0], $0xffff  }
0x3c5: {  	s7 =	sshll.u32 s23, $0xB;
	s15 =	sshll.u32 s23, $0xE;
	[tilespmem:s25+$0xF0] =	vst v62  }
0x3c6: {  	s21 =	sand.u32 $0x1F800, s7;
	s23 =	sand.u32 $0x7FF00000, s15;
	[tilespmem:s1+$0x70] =	vst v19  }
0x3c7: {  	s1 =	sor.u32 s21, s23;
	[tilespmem:s30+$0xF0] =	vst v18  }
0x3c8: {  	[tilespmem:s0+$0xF0] =	vst v17;
	s0 =	sshrl.u32 s1, $0x3  }
0x3c9: {  	s24 =	simm.s32 $0xD200;
	s1 =	sadd.s32 s2, s0;
	[tilespmem:s6+$0xF0] =	vst v20  }
0x3ca: {  	[hbm4b:s1+s3] =	stream.linear.scatter [tilespmem:s24], [sflag:$0x4], $0x80, $0x38;
	[tilespmem:$0x11200] =	vst v63  }
0x3cb: {  	s26 =	simm.s32 $0xD300;
	s25 =	sadd.s32 $0x10, s1  }
0x3cc: {  	[hbm4b:s25+s3] =	stream.linear.scatter [tilespmem:s26], [sflag:$0x4], $0x80, $0x38;
	[tilespmem:$0x11200] =	vst v63  }
0x3cd: {  	s29 =	simm.s32 $0xD400;
	s28 =	sadd.s32 $0x20, s1  }
0x3ce: {  	[hbm4b:s28+s3] =	stream.linear.scatter [tilespmem:s29], [sflag:$0x4], $0x80, $0x38;
	[tilespmem:$0x11200] =	vst v63  }
0x3cf: {  	s31 =	simm.s32 $0xD500;
	s30 =	sadd.s32 $0x30, s1  }
0x3d0: {  	[hbm4b:s30+s3] =	stream.linear.scatter [tilespmem:s31], [sflag:$0x4], $0x80, $0x38;
	[tilespmem:$0x11200] =	vst v63  }
0x3d1: {  	s15 =	simm.s32 $0xD600;
	s7 =	sadd.s32 $0x40, s1  }
0x3d2: {  	[hbm4b:s7+s3] =	stream.linear.scatter [tilespmem:s15], [sflag:$0x4], $0x80, $0x38;
	[tilespmem:$0x11200] =	vst v63  }
0x3d3: {  	s21 =	simm.s32 $0xD700;
	s19 =	sadd.s32 $0x50, s1  }
0x3d4: {  	[hbm4b:s19+s3] =	stream.linear.scatter [tilespmem:s21], [sflag:$0x4], $0x80, $0x38;
	[tilespmem:$0x11200] =	vst v63  }
0x3d5: {  	s23 =	sadd.s32 $0x60, s1;
	s24 =	simm.s32 $0xD800  }
0x3d6: {  	[hbm4b:s23+s3] =	stream.linear.scatter [tilespmem:s24], [sflag:$0x4], $0x80, $0x38;
	[tilespmem:$0x11200] =	vst v63  }
0x3d7: {  	s1 =	sadd.s32 $0x70, s1;
	s25 =	simm.s32 $0xD900  }
0x3d8: {  	[hbm4b:s1+s3] =	stream.linear.scatter [tilespmem:s25], [sflag:$0x4], $0x80, $0x38;
	[tilespmem:$0x11200] =	vst v63  }
0x3d9: {  	s26 =	simm.s32 $0xDA00;
	s1 =	sadd.s32 s0, s8  }
0x3da: {  	[hbm4b:s1+s3] =	stream.linear.scatter [tilespmem:s26], [sflag:$0x4], $0x80, $0x38;
	[tilespmem:$0x11200] =	vst v63  }
0x3db: {  	s29 =	simm.s32 $0xDB00;
	s28 =	sadd.s32 $0x10, s1  }
0x3dc: {  	[hbm4b:s28+s3] =	stream.linear.scatter [tilespmem:s29], [sflag:$0x4], $0x80, $0x38;
	[tilespmem:$0x11200] =	vst v63  }
0x3dd: {  	s31 =	simm.s32 $0xDC00;
	s30 =	sadd.s32 $0x20, s1  }
0x3de: {  	[hbm4b:s30+s3] =	stream.linear.scatter [tilespmem:s31], [sflag:$0x4], $0x80, $0x38;
	[tilespmem:$0x11200] =	vst v63  }
0x3df: {  	s15 =	simm.s32 $0xDD00;
	s7 =	sadd.s32 $0x30, s1  }
0x3e0: {  	[hbm4b:s7+s3] =	stream.linear.scatter [tilespmem:s15], [sflag:$0x4], $0x80, $0x38;
	[tilespmem:$0x11200] =	vst v63  }
0x3e1: {  	s21 =	simm.s32 $0xDE00;
	s19 =	sadd.s32 $0x40, s1  }
0x3e2: {  	[hbm4b:s19+s3] =	stream.linear.scatter [tilespmem:s21], [sflag:$0x4], $0x80, $0x38;
	[tilespmem:$0x11200] =	vst v63  }
0x3e3: {  	s24 =	simm.s32 $0xDF00;
	s23 =	sadd.s32 $0x50, s1  }
0x3e4: {  	[hbm4b:s23+s3] =	stream.linear.scatter [tilespmem:s24], [sflag:$0x4], $0x80, $0x38;
	[tilespmem:$0x11200] =	vst v63  }
0x3e5: {  	s25 =	sadd.s32 $0x60, s1;
	s26 =	simm.s32 $0xE000  }
0x3e6: {  	[hbm4b:s25+s3] =	stream.linear.scatter [tilespmem:s26], [sflag:$0x4], $0x80, $0x38;
	[tilespmem:$0x11200] =	vst v63  }
0x3e7: {  	s1 =	sadd.s32 $0x70, s1;
	s28 =	simm.s32 $0xE100  }
0x3e8: {  	[hbm4b:s1+s3] =	stream.linear.scatter [tilespmem:s28], [sflag:$0x4], $0x80, $0x38;
	[tilespmem:$0x11200] =	vst v63  }
0x3e9: {  	s29 =	simm.s32 $0xE200;
	s1 =	sadd.s32 s0, s9  }
0x3ea: {  	[hbm4b:s1+s3] =	stream.linear.scatter [tilespmem:s29], [sflag:$0x4], $0x80, $0x38;
	[tilespmem:$0x11200] =	vst v63  }
0x3eb: {  	s31 =	simm.s32 $0xE300;
	s30 =	sadd.s32 $0x10, s1  }
0x3ec: {  	[hbm4b:s30+s3] =	stream.linear.scatter [tilespmem:s31], [sflag:$0x4], $0x80, $0x38;
	[tilespmem:$0x11200] =	vst v63  }
0x3ed: {  	s15 =	simm.s32 $0xE400;
	s7 =	sadd.s32 $0x20, s1  }
0x3ee: {  	[hbm4b:s7+s3] =	stream.linear.scatter [tilespmem:s15], [sflag:$0x4], $0x80, $0x38;
	[tilespmem:$0x11200] =	vst v63  }
0x3ef: {  	s21 =	simm.s32 $0xE500;
	s19 =	sadd.s32 $0x30, s1  }
0x3f0: {  	[hbm4b:s19+s3] =	stream.linear.scatter [tilespmem:s21], [sflag:$0x4], $0x80, $0x38;
	[tilespmem:$0x11200] =	vst v63  }
0x3f1: {  	s24 =	simm.s32 $0xE600;
	s23 =	sadd.s32 $0x40, s1  }
0x3f2: {  	[hbm4b:s23+s3] =	stream.linear.scatter [tilespmem:s24], [sflag:$0x4], $0x80, $0x38;
	[tilespmem:$0x11200] =	vst v63  }
0x3f3: {  	s26 =	simm.s32 $0xE700;
	s25 =	sadd.s32 $0x50, s1  }
0x3f4: {  	[hbm4b:s25+s3] =	stream.linear.scatter [tilespmem:s26], [sflag:$0x4], $0x80, $0x38;
	[tilespmem:$0x11200] =	vst v63  }
0x3f5: {  	s28 =	sadd.s32 $0x60, s1;
	s29 =	simm.s32 $0xE800  }
0x3f6: {  	[hbm4b:s28+s3] =	stream.linear.scatter [tilespmem:s29], [sflag:$0x4], $0x80, $0x38;
	[tilespmem:$0x11200] =	vst v63  }
0x3f7: {  	s1 =	sadd.s32 $0x70, s1;
	s30 =	simm.s32 $0xE900  }
0x3f8: {  	[hbm4b:s1+s3] =	stream.linear.scatter [tilespmem:s30], [sflag:$0x4], $0x80, $0x38;
	[tilespmem:$0x11200] =	vst v63  }
0x3f9: {  	s31 =	simm.s32 $0xEA00;
	s1 =	sadd.s32 s0, s10  }
0x3fa: {  	[hbm4b:s1+s3] =	stream.linear.scatter [tilespmem:s31], [sflag:$0x4], $0x80, $0x38;
	[tilespmem:$0x11200] =	vst v63  }
0x3fb: {  	s15 =	simm.s32 $0xEB00;
	s7 =	sadd.s32 $0x10, s1  }
0x3fc: {  	[hbm4b:s7+s3] =	stream.linear.scatter [tilespmem:s15], [sflag:$0x4], $0x80, $0x38;
	[tilespmem:$0x11200] =	vst v63  }
0x3fd: {  	s21 =	simm.s32 $0xEC00;
	s19 =	sadd.s32 $0x20, s1  }
0x3fe: {  	[hbm4b:s19+s3] =	stream.linear.scatter [tilespmem:s21], [sflag:$0x4], $0x80, $0x38;
	[tilespmem:$0x11200] =	vst v63  }
0x3ff: {  	s24 =	simm.s32 $0xED00;
	s23 =	sadd.s32 $0x30, s1  }
0x400: {  	[hbm4b:s23+s3] =	stream.linear.scatter [tilespmem:s24], [sflag:$0x4], $0x80, $0x38;
	[tilespmem:$0x11200] =	vst v63  }
0x401: {  	s26 =	simm.s32 $0xEE00;
	s25 =	sadd.s32 $0x40, s1  }
0x402: {  	[hbm4b:s25+s3] =	stream.linear.scatter [tilespmem:s26], [sflag:$0x4], $0x80, $0x38;
	[tilespmem:$0x11200] =	vst v63  }
0x403: {  	s29 =	simm.s32 $0xEF00;
	s28 =	sadd.s32 $0x50, s1  }
0x404: {  	[hbm4b:s28+s3] =	stream.linear.scatter [tilespmem:s29], [sflag:$0x4], $0x80, $0x38;
	[tilespmem:$0x11200] =	vst v63  }
0x405: {  	s30 =	sadd.s32 $0x60, s1;
	s31 =	simm.s32 $0xF000  }
0x406: {  	[hbm4b:s30+s3] =	stream.linear.scatter [tilespmem:s31], [sflag:$0x4], $0x80, $0x38;
	[tilespmem:$0x11200] =	vst v63  }
0x407: {  	s1 =	sadd.s32 $0x70, s1;
	s7 =	simm.s32 $0xF100  }
0x408: {  	[hbm4b:s1+s3] =	stream.linear.scatter [tilespmem:s7], [sflag:$0x4], $0x80, $0x38;
	[tilespmem:$0x11200] =	vst v63  }
0x409: {  	s15 =	simm.s32 $0xF200;
	s1 =	sadd.s32 s0, s11  }
0x40a: {  	[hbm4b:s1+s3] =	stream.linear.scatter [tilespmem:s15], [sflag:$0x4], $0x80, $0x38;
	[tilespmem:$0x11200] =	vst v63  }
0x40b: {  	s21 =	simm.s32 $0xF300;
	s19 =	sadd.s32 $0x10, s1  }
0x40c: {  	[hbm4b:s19+s3] =	stream.linear.scatter [tilespmem:s21], [sflag:$0x4], $0x80, $0x38;
	[tilespmem:$0x11200] =	vst v63  }
0x40d: {  	s24 =	simm.s32 $0xF400;
	s23 =	sadd.s32 $0x20, s1  }
0x40e: {  	[hbm4b:s23+s3] =	stream.linear.scatter [tilespmem:s24], [sflag:$0x4], $0x80, $0x38;
	[tilespmem:$0x11200] =	vst v63  }
0x40f: {  	s26 =	simm.s32 $0xF500;
	s25 =	sadd.s32 $0x30, s1  }
0x410: {  	[hbm4b:s25+s3] =	stream.linear.scatter [tilespmem:s26], [sflag:$0x4], $0x80, $0x38;
	[tilespmem:$0x11200] =	vst v63  }
0x411: {  	s29 =	simm.s32 $0xF600;
	s28 =	sadd.s32 $0x40, s1  }
0x412: {  	[hbm4b:s28+s3] =	stream.linear.scatter [tilespmem:s29], [sflag:$0x4], $0x80, $0x38;
	[tilespmem:$0x11200] =	vst v63  }
0x413: {  	s31 =	simm.s32 $0xF700;
	s30 =	sadd.s32 $0x50, s1  }
0x414: {  	[hbm4b:s30+s3] =	stream.linear.scatter [tilespmem:s31], [sflag:$0x4], $0x80, $0x38;
	[tilespmem:$0x11200] =	vst v63  }
0x415: {  	s7 =	sadd.s32 $0x60, s1;
	s15 =	simm.s32 $0xF800  }
0x416: {  	[hbm4b:s7+s3] =	stream.linear.scatter [tilespmem:s15], [sflag:$0x4], $0x80, $0x38;
	[tilespmem:$0x11200] =	vst v63  }
0x417: {  	s1 =	sadd.s32 $0x70, s1;
	s19 =	simm.s32 $0xF900  }
0x418: {  	[hbm4b:s1+s3] =	stream.linear.scatter [tilespmem:s19], [sflag:$0x4], $0x80, $0x38;
	[tilespmem:$0x11200] =	vst v63  }
0x419: {  	s21 =	simm.s32 $0xFA00;
	s1 =	sadd.s32 s0, s12  }
0x41a: {  	[hbm4b:s1+s3] =	stream.linear.scatter [tilespmem:s21], [sflag:$0x4], $0x80, $0x38;
	[tilespmem:$0x11200] =	vst v63  }
0x41b: {  	s24 =	simm.s32 $0xFB00;
	s23 =	sadd.s32 $0x10, s1  }
0x41c: {  	[hbm4b:s23+s3] =	stream.linear.scatter [tilespmem:s24], [sflag:$0x4], $0x80, $0x38;
	[tilespmem:$0x11200] =	vst v63  }
0x41d: {  	s26 =	simm.s32 $0xFC00;
	s25 =	sadd.s32 $0x20, s1  }
0x41e: {  	[hbm4b:s25+s3] =	stream.linear.scatter [tilespmem:s26], [sflag:$0x4], $0x80, $0x38;
	[tilespmem:$0x11200] =	vst v63  }
0x41f: {  	s29 =	simm.s32 $0xFD00;
	s28 =	sadd.s32 $0x30, s1  }
0x420: {  	[hbm4b:s28+s3] =	stream.linear.scatter [tilespmem:s29], [sflag:$0x4], $0x80, $0x38;
	[tilespmem:$0x11200] =	vst v63  }
0x421: {  	s31 =	simm.s32 $0xFE00;
	s30 =	sadd.s32 $0x40, s1  }
0x422: {  	[hbm4b:s30+s3] =	stream.linear.scatter [tilespmem:s31], [sflag:$0x4], $0x80, $0x38;
	[tilespmem:$0x11200] =	vst v63  }
0x423: {  	s15 =	simm.s32 $0xFF00;
	s7 =	sadd.s32 $0x50, s1  }
0x424: {  	[hbm4b:s7+s3] =	stream.linear.scatter [tilespmem:s15], [sflag:$0x4], $0x80, $0x38;
	[tilespmem:$0x11200] =	vst v63  }
0x425: {  	s19 =	sadd.s32 $0x60, s1;
	s21 =	simm.s32 $0x10000  }
0x426: {  	[hbm4b:s19+s3] =	stream.linear.scatter [tilespmem:s21], [sflag:$0x4], $0x80, $0x38;
	[tilespmem:$0x11200] =	vst v63  }
0x427: {  	s1 =	sadd.s32 $0x70, s1;
	s23 =	simm.s32 $0x10100  }
0x428: {  	[hbm4b:s1+s3] =	stream.linear.scatter [tilespmem:s23], [sflag:$0x4], $0x80, $0x38;
	[tilespmem:$0x11200] =	vst v63  }
0x429: {  	s24 =	simm.s32 $0x10200;
	s1 =	sadd.s32 s0, s13  }
0x42a: {  	[hbm4b:s1+s3] =	stream.linear.scatter [tilespmem:s24], [sflag:$0x4], $0x80, $0x38;
	[tilespmem:$0x11200] =	vst v63  }
0x42b: {  	s26 =	simm.s32 $0x10300;
	s25 =	sadd.s32 $0x10, s1  }
0x42c: {  	[hbm4b:s25+s3] =	stream.linear.scatter [tilespmem:s26], [sflag:$0x4], $0x80, $0x38;
	[tilespmem:$0x11200] =	vst v63  }
0x42d: {  	s29 =	simm.s32 $0x10400;
	s28 =	sadd.s32 $0x20, s1  }
0x42e: {  	[hbm4b:s28+s3] =	stream.linear.scatter [tilespmem:s29], [sflag:$0x4], $0x80, $0x38;
	[tilespmem:$0x11200] =	vst v63  }
0x42f: {  	s31 =	simm.s32 $0x10500;
	s30 =	sadd.s32 $0x30, s1  }
0x430: {  	[hbm4b:s30+s3] =	stream.linear.scatter [tilespmem:s31], [sflag:$0x4], $0x80, $0x38;
	[tilespmem:$0x11200] =	vst v63  }
0x431: {  	s15 =	simm.s32 $0x10600;
	s7 =	sadd.s32 $0x40, s1  }
0x432: {  	[hbm4b:s7+s3] =	stream.linear.scatter [tilespmem:s15], [sflag:$0x4], $0x80, $0x38;
	[tilespmem:$0x11200] =	vst v63  }
0x433: {  	s21 =	simm.s32 $0x10700;
	s19 =	sadd.s32 $0x50, s1  }
0x434: {  	[hbm4b:s19+s3] =	stream.linear.scatter [tilespmem:s21], [sflag:$0x4], $0x80, $0x38;
	[tilespmem:$0x11200] =	vst v63  }
0x435: {  	s23 =	sadd.s32 $0x60, s1;
	s24 =	simm.s32 $0x10800  }
0x436: {  	[hbm4b:s23+s3] =	stream.linear.scatter [tilespmem:s24], [sflag:$0x4], $0x80, $0x38;
	[tilespmem:$0x11200] =	vst v63  }
0x437: {  	s1 =	sadd.s32 $0x70, s1;
	s25 =	simm.s32 $0x10900  }
0x438: {  	[hbm4b:s1+s3] =	stream.linear.scatter [tilespmem:s25], [sflag:$0x4], $0x80, $0x38;
	[tilespmem:$0x11200] =	vst v63  }
0x439: {  	s26 =	simm.s32 $0x10A00;
	s1 =	sadd.s32 s0, s14  }
0x43a: {  	[hbm4b:s1+s3] =	stream.linear.scatter [tilespmem:s26], [sflag:$0x4], $0x80, $0x38;
	[tilespmem:$0x11200] =	vst v63  }
0x43b: {  	s29 =	simm.s32 $0x10B00;
	s28 =	sadd.s32 $0x10, s1  }
0x43c: {  	[hbm4b:s28+s3] =	stream.linear.scatter [tilespmem:s29], [sflag:$0x4], $0x80, $0x38;
	[tilespmem:$0x11200] =	vst v63  }
0x43d: {  	s31 =	simm.s32 $0x10C00;
	s30 =	sadd.s32 $0x20, s1  }
0x43e: {  	[hbm4b:s30+s3] =	stream.linear.scatter [tilespmem:s31], [sflag:$0x4], $0x80, $0x38;
	[tilespmem:$0x11200] =	vst v63  }
0x43f: {  	s15 =	simm.s32 $0x10D00;
	s7 =	sadd.s32 $0x30, s1  }
0x440: {  	[hbm4b:s7+s3] =	stream.linear.scatter [tilespmem:s15], [sflag:$0x4], $0x80, $0x38;
	[tilespmem:$0x11200] =	vst v63  }
0x441: {  	s21 =	simm.s32 $0x10E00;
	s19 =	sadd.s32 $0x40, s1  }
0x442: {  	[hbm4b:s19+s3] =	stream.linear.scatter [tilespmem:s21], [sflag:$0x4], $0x80, $0x38;
	[tilespmem:$0x11200] =	vst v63  }
0x443: {  	s24 =	simm.s32 $0x10F00;
	s23 =	sadd.s32 $0x50, s1  }
0x444: {  	[hbm4b:s23+s3] =	stream.linear.scatter [tilespmem:s24], [sflag:$0x4], $0x80, $0x38;
	[tilespmem:$0x11200] =	vst v63  }
0x445: {  	s25 =	sadd.s32 $0x60, s1;
	s26 =	simm.s32 $0x11000  }
0x446: {  	[hbm4b:s25+s3] =	stream.linear.scatter [tilespmem:s26], [sflag:$0x4], $0x80, $0x38;
	[tilespmem:$0x11200] =	vst v63  }
0x447: {  	s0 =	sor.u32 $0x80, s0;
	s1 =	sadd.s32 $0x70, s1;
	s28 =	simm.s32 $0x11100  }
0x448: {  	[hbm4b:s1+s3] =	stream.linear.scatter [tilespmem:s28], [sflag:$0x4], $0x80, $0x38;
	[tilespmem:$0x11200] =	vst v63  }
0x449: {  	s29 =	simm.s32 $0xD280;
	s1 =	sadd.s32 s2, s0  }
0x44a: {  	[hbm4b:s1+s3] =	stream.linear.scatter [tilespmem:s29], [sflag:$0x4], $0x80, $0x38;
	[tilespmem:$0x11200] =	vst v63  }
0x44b: {  	s31 =	simm.s32 $0xD380;
	s30 =	sadd.s32 $0x10, s1  }
0x44c: {  	[hbm4b:s30+s3] =	stream.linear.scatter [tilespmem:s31], [sflag:$0x4], $0x80, $0x38;
	[tilespmem:$0x11200] =	vst v63  }
0x44d: {  	s15 =	simm.s32 $0xD480;
	s7 =	sadd.s32 $0x20, s1  }
0x44e: {  	[hbm4b:s7+s3] =	stream.linear.scatter [tilespmem:s15], [sflag:$0x4], $0x80, $0x38;
	[tilespmem:$0x11200] =	vst v63  }
0x44f: {  	s21 =	simm.s32 $0xD580;
	s19 =	sadd.s32 $0x30, s1  }
0x450: {  	[hbm4b:s19+s3] =	stream.linear.scatter [tilespmem:s21], [sflag:$0x4], $0x80, $0x38;
	[tilespmem:$0x11200] =	vst v63  }
0x451: {  	s24 =	simm.s32 $0xD680;
	s23 =	sadd.s32 $0x40, s1  }
0x452: {  	[hbm4b:s23+s3] =	stream.linear.scatter [tilespmem:s24], [sflag:$0x4], $0x80, $0x38;
	[tilespmem:$0x11200] =	vst v63  }
0x453: {  	s26 =	simm.s32 $0xD780;
	s25 =	sadd.s32 $0x50, s1  }
0x454: {  	[hbm4b:s25+s3] =	stream.linear.scatter [tilespmem:s26], [sflag:$0x4], $0x80, $0x38;
	[tilespmem:$0x11200] =	vst v63  }
0x455: {  	s28 =	sadd.s32 $0x60, s1;
	s29 =	simm.s32 $0xD880  }
0x456: {  	[hbm4b:s28+s3] =	stream.linear.scatter [tilespmem:s29], [sflag:$0x4], $0x80, $0x38;
	[tilespmem:$0x11200] =	vst v63  }
0x457: {  	s1 =	sadd.s32 $0x70, s1;
	s30 =	simm.s32 $0xD980  }
0x458: {  	[hbm4b:s1+s3] =	stream.linear.scatter [tilespmem:s30], [sflag:$0x4], $0x80, $0x38;
	[tilespmem:$0x11200] =	vst v63  }
0x459: {  	s31 =	simm.s32 $0xDA80;
	s1 =	sadd.s32 s0, s8  }
0x45a: {  	[hbm4b:s1+s3] =	stream.linear.scatter [tilespmem:s31], [sflag:$0x4], $0x80, $0x38;
	[tilespmem:$0x11200] =	vst v63  }
0x45b: {  	s15 =	simm.s32 $0xDB80;
	s7 =	sadd.s32 $0x10, s1  }
0x45c: {  	[hbm4b:s7+s3] =	stream.linear.scatter [tilespmem:s15], [sflag:$0x4], $0x80, $0x38;
	[tilespmem:$0x11200] =	vst v63  }
0x45d: {  	s21 =	simm.s32 $0xDC80;
	s19 =	sadd.s32 $0x20, s1  }
0x45e: {  	[hbm4b:s19+s3] =	stream.linear.scatter [tilespmem:s21], [sflag:$0x4], $0x80, $0x38;
	[tilespmem:$0x11200] =	vst v63  }
0x45f: {  	s24 =	simm.s32 $0xDD80;
	s23 =	sadd.s32 $0x30, s1  }
0x460: {  	[hbm4b:s23+s3] =	stream.linear.scatter [tilespmem:s24], [sflag:$0x4], $0x80, $0x38;
	[tilespmem:$0x11200] =	vst v63  }
0x461: {  	s26 =	simm.s32 $0xDE80;
	s25 =	sadd.s32 $0x40, s1  }
0x462: {  	[hbm4b:s25+s3] =	stream.linear.scatter [tilespmem:s26], [sflag:$0x4], $0x80, $0x38;
	[tilespmem:$0x11200] =	vst v63  }
0x463: {  	s29 =	simm.s32 $0xDF80;
	s28 =	sadd.s32 $0x50, s1  }
0x464: {  	[hbm4b:s28+s3] =	stream.linear.scatter [tilespmem:s29], [sflag:$0x4], $0x80, $0x38;
	[tilespmem:$0x11200] =	vst v63  }
0x465: {  	s30 =	sadd.s32 $0x60, s1;
	s31 =	simm.s32 $0xE080  }
0x466: {  	[hbm4b:s30+s3] =	stream.linear.scatter [tilespmem:s31], [sflag:$0x4], $0x80, $0x38;
	[tilespmem:$0x11200] =	vst v63  }
0x467: {  	s1 =	sadd.s32 $0x70, s1;
	s7 =	simm.s32 $0xE180  }
0x468: {  	[hbm4b:s1+s3] =	stream.linear.scatter [tilespmem:s7], [sflag:$0x4], $0x80, $0x38;
	[tilespmem:$0x11200] =	vst v63  }
0x469: {  	s15 =	simm.s32 $0xE280;
	s1 =	sadd.s32 s0, s9  }
0x46a: {  	[hbm4b:s1+s3] =	stream.linear.scatter [tilespmem:s15], [sflag:$0x4], $0x80, $0x38;
	[tilespmem:$0x11200] =	vst v63  }
0x46b: {  	s21 =	simm.s32 $0xE380;
	s19 =	sadd.s32 $0x10, s1  }
0x46c: {  	[hbm4b:s19+s3] =	stream.linear.scatter [tilespmem:s21], [sflag:$0x4], $0x80, $0x38;
	[tilespmem:$0x11200] =	vst v63  }
0x46d: {  	s24 =	simm.s32 $0xE480;
	s23 =	sadd.s32 $0x20, s1  }
0x46e: {  	[hbm4b:s23+s3] =	stream.linear.scatter [tilespmem:s24], [sflag:$0x4], $0x80, $0x38;
	[tilespmem:$0x11200] =	vst v63  }
0x46f: {  	s26 =	simm.s32 $0xE580;
	s25 =	sadd.s32 $0x30, s1  }
0x470: {  	[hbm4b:s25+s3] =	stream.linear.scatter [tilespmem:s26], [sflag:$0x4], $0x80, $0x38;
	[tilespmem:$0x11200] =	vst v63  }
0x471: {  	s29 =	simm.s32 $0xE680;
	s28 =	sadd.s32 $0x40, s1  }
0x472: {  	[hbm4b:s28+s3] =	stream.linear.scatter [tilespmem:s29], [sflag:$0x4], $0x80, $0x38;
	[tilespmem:$0x11200] =	vst v63  }
0x473: {  	s31 =	simm.s32 $0xE780;
	s30 =	sadd.s32 $0x50, s1  }
0x474: {  	[hbm4b:s30+s3] =	stream.linear.scatter [tilespmem:s31], [sflag:$0x4], $0x80, $0x38;
	[tilespmem:$0x11200] =	vst v63  }
0x475: {  	s7 =	sadd.s32 $0x60, s1;
	s15 =	simm.s32 $0xE880  }
0x476: {  	[hbm4b:s7+s3] =	stream.linear.scatter [tilespmem:s15], [sflag:$0x4], $0x80, $0x38;
	[tilespmem:$0x11200] =	vst v63  }
0x477: {  	s1 =	sadd.s32 $0x70, s1;
	s19 =	simm.s32 $0xE980  }
0x478: {  	[hbm4b:s1+s3] =	stream.linear.scatter [tilespmem:s19], [sflag:$0x4], $0x80, $0x38;
	[tilespmem:$0x11200] =	vst v63  }
0x479: {  	s21 =	simm.s32 $0xEA80;
	s1 =	sadd.s32 s0, s10  }
0x47a: {  	[hbm4b:s1+s3] =	stream.linear.scatter [tilespmem:s21], [sflag:$0x4], $0x80, $0x38;
	[tilespmem:$0x11200] =	vst v63  }
0x47b: {  	s24 =	simm.s32 $0xEB80;
	s23 =	sadd.s32 $0x10, s1  }
0x47c: {  	[hbm4b:s23+s3] =	stream.linear.scatter [tilespmem:s24], [sflag:$0x4], $0x80, $0x38;
	[tilespmem:$0x11200] =	vst v63  }
0x47d: {  	s26 =	simm.s32 $0xEC80;
	s25 =	sadd.s32 $0x20, s1  }
0x47e: {  	[hbm4b:s25+s3] =	stream.linear.scatter [tilespmem:s26], [sflag:$0x4], $0x80, $0x38;
	[tilespmem:$0x11200] =	vst v63  }
0x47f: {  	s29 =	simm.s32 $0xED80;
	s28 =	sadd.s32 $0x30, s1  }
0x480: {  	[hbm4b:s28+s3] =	stream.linear.scatter [tilespmem:s29], [sflag:$0x4], $0x80, $0x38;
	[tilespmem:$0x11200] =	vst v63  }
0x481: {  	s31 =	simm.s32 $0xEE80;
	s30 =	sadd.s32 $0x40, s1  }
0x482: {  	[hbm4b:s30+s3] =	stream.linear.scatter [tilespmem:s31], [sflag:$0x4], $0x80, $0x38;
	[tilespmem:$0x11200] =	vst v63  }
0x483: {  	s15 =	simm.s32 $0xEF80;
	s7 =	sadd.s32 $0x50, s1  }
0x484: {  	[hbm4b:s7+s3] =	stream.linear.scatter [tilespmem:s15], [sflag:$0x4], $0x80, $0x38;
	[tilespmem:$0x11200] =	vst v63  }
0x485: {  	s19 =	sadd.s32 $0x60, s1;
	s21 =	simm.s32 $0xF080  }
0x486: {  	[hbm4b:s19+s3] =	stream.linear.scatter [tilespmem:s21], [sflag:$0x4], $0x80, $0x38;
	[tilespmem:$0x11200] =	vst v63  }
0x487: {  	s1 =	sadd.s32 $0x70, s1;
	s23 =	simm.s32 $0xF180  }
0x488: {  	[hbm4b:s1+s3] =	stream.linear.scatter [tilespmem:s23], [sflag:$0x4], $0x80, $0x38;
	[tilespmem:$0x11200] =	vst v63  }
0x489: {  	s24 =	simm.s32 $0xF280;
	s1 =	sadd.s32 s0, s11  }
0x48a: {  	[hbm4b:s1+s3] =	stream.linear.scatter [tilespmem:s24], [sflag:$0x4], $0x80, $0x38;
	[tilespmem:$0x11200] =	vst v63  }
0x48b: {  	s26 =	simm.s32 $0xF380;
	s25 =	sadd.s32 $0x10, s1  }
0x48c: {  	[hbm4b:s25+s3] =	stream.linear.scatter [tilespmem:s26], [sflag:$0x4], $0x80, $0x38;
	[tilespmem:$0x11200] =	vst v63  }
0x48d: {  	s29 =	simm.s32 $0xF480;
	s28 =	sadd.s32 $0x20, s1  }
0x48e: {  	[hbm4b:s28+s3] =	stream.linear.scatter [tilespmem:s29], [sflag:$0x4], $0x80, $0x38;
	[tilespmem:$0x11200] =	vst v63  }
0x48f: {  	s31 =	simm.s32 $0xF580;
	s30 =	sadd.s32 $0x30, s1  }
0x490: {  	[hbm4b:s30+s3] =	stream.linear.scatter [tilespmem:s31], [sflag:$0x4], $0x80, $0x38;
	[tilespmem:$0x11200] =	vst v63  }
0x491: {  	s15 =	simm.s32 $0xF680;
	s7 =	sadd.s32 $0x40, s1  }
0x492: {  	[hbm4b:s7+s3] =	stream.linear.scatter [tilespmem:s15], [sflag:$0x4], $0x80, $0x38;
	[tilespmem:$0x11200] =	vst v63  }
0x493: {  	s21 =	simm.s32 $0xF780;
	s19 =	sadd.s32 $0x50, s1  }
0x494: {  	[hbm4b:s19+s3] =	stream.linear.scatter [tilespmem:s21], [sflag:$0x4], $0x80, $0x38;
	[tilespmem:$0x11200] =	vst v63  }
0x495: {  	s23 =	sadd.s32 $0x60, s1;
	s24 =	simm.s32 $0xF880  }
0x496: {  	[hbm4b:s23+s3] =	stream.linear.scatter [tilespmem:s24], [sflag:$0x4], $0x80, $0x38;
	[tilespmem:$0x11200] =	vst v63  }
0x497: {  	s1 =	sadd.s32 $0x70, s1;
	s25 =	simm.s32 $0xF980  }
0x498: {  	[hbm4b:s1+s3] =	stream.linear.scatter [tilespmem:s25], [sflag:$0x4], $0x80, $0x38;
	[tilespmem:$0x11200] =	vst v63  }
0x499: {  	s26 =	simm.s32 $0xFA80;
	s1 =	sadd.s32 s0, s12  }
0x49a: {  	[hbm4b:s1+s3] =	stream.linear.scatter [tilespmem:s26], [sflag:$0x4], $0x80, $0x38;
	[tilespmem:$0x11200] =	vst v63  }
0x49b: {  	s29 =	simm.s32 $0xFB80;
	s28 =	sadd.s32 $0x10, s1  }
0x49c: {  	[hbm4b:s28+s3] =	stream.linear.scatter [tilespmem:s29], [sflag:$0x4], $0x80, $0x38;
	[tilespmem:$0x11200] =	vst v63  }
0x49d: {  	s31 =	simm.s32 $0xFC80;
	s30 =	sadd.s32 $0x20, s1  }
0x49e: {  	[hbm4b:s30+s3] =	stream.linear.scatter [tilespmem:s31], [sflag:$0x4], $0x80, $0x38;
	[tilespmem:$0x11200] =	vst v63  }
0x49f: {  	s15 =	simm.s32 $0xFD80;
	s7 =	sadd.s32 $0x30, s1  }
0x4a0: {  	[hbm4b:s7+s3] =	stream.linear.scatter [tilespmem:s15], [sflag:$0x4], $0x80, $0x38;
	[tilespmem:$0x11200] =	vst v63  }
0x4a1: {  	s21 =	simm.s32 $0xFE80;
	s19 =	sadd.s32 $0x40, s1  }
0x4a2: {  	[hbm4b:s19+s3] =	stream.linear.scatter [tilespmem:s21], [sflag:$0x4], $0x80, $0x38;
	[tilespmem:$0x11200] =	vst v63  }
0x4a3: {  	s24 =	simm.s32 $0xFF80;
	s23 =	sadd.s32 $0x50, s1  }
0x4a4: {  	[hbm4b:s23+s3] =	stream.linear.scatter [tilespmem:s24], [sflag:$0x4], $0x80, $0x38;
	[tilespmem:$0x11200] =	vst v63  }
0x4a5: {  	s25 =	sadd.s32 $0x60, s1;
	s26 =	simm.s32 $0x10080  }
0x4a6: {  	[hbm4b:s25+s3] =	stream.linear.scatter [tilespmem:s26], [sflag:$0x4], $0x80, $0x38;
	[tilespmem:$0x11200] =	vst v63  }
0x4a7: {  	s1 =	sadd.s32 $0x70, s1;
	s28 =	simm.s32 $0x10180  }
0x4a8: {  	[hbm4b:s1+s3] =	stream.linear.scatter [tilespmem:s28], [sflag:$0x4], $0x80, $0x38;
	[tilespmem:$0x11200] =	vst v63  }
0x4a9: {  	s29 =	simm.s32 $0x10280;
	s1 =	sadd.s32 s0, s13  }
0x4aa: {  	[hbm4b:s1+s3] =	stream.linear.scatter [tilespmem:s29], [sflag:$0x4], $0x80, $0x38;
	[tilespmem:$0x11200] =	vst v63  }
0x4ab: {  	s31 =	simm.s32 $0x10380;
	s30 =	sadd.s32 $0x10, s1  }
0x4ac: {  	[hbm4b:s30+s3] =	stream.linear.scatter [tilespmem:s31], [sflag:$0x4], $0x80, $0x38;
	[tilespmem:$0x11200] =	vst v63  }
0x4ad: {  	s15 =	simm.s32 $0x10480;
	s7 =	sadd.s32 $0x20, s1  }
0x4ae: {  	[hbm4b:s7+s3] =	stream.linear.scatter [tilespmem:s15], [sflag:$0x4], $0x80, $0x38;
	[tilespmem:$0x11200] =	vst v63  }
0x4af: {  	s21 =	simm.s32 $0x10580;
	s19 =	sadd.s32 $0x30, s1  }
0x4b0: {  	[hbm4b:s19+s3] =	stream.linear.scatter [tilespmem:s21], [sflag:$0x4], $0x80, $0x38;
	[tilespmem:$0x11200] =	vst v63  }
0x4b1: {  	s24 =	simm.s32 $0x10680;
	s23 =	sadd.s32 $0x40, s1  }
0x4b2: {  	[hbm4b:s23+s3] =	stream.linear.scatter [tilespmem:s24], [sflag:$0x4], $0x80, $0x38;
	[tilespmem:$0x11200] =	vst v63  }
0x4b3: {  	s26 =	simm.s32 $0x10780;
	s25 =	sadd.s32 $0x50, s1  }
0x4b4: {  	[hbm4b:s25+s3] =	stream.linear.scatter [tilespmem:s26], [sflag:$0x4], $0x80, $0x38;
	[tilespmem:$0x11200] =	vst v63  }
0x4b5: {  	s28 =	sadd.s32 $0x60, s1;
	s29 =	simm.s32 $0x10880  }
0x4b6: {  	[hbm4b:s28+s3] =	stream.linear.scatter [tilespmem:s29], [sflag:$0x4], $0x80, $0x38;
	[tilespmem:$0x11200] =	vst v63  }
0x4b7: {  	s1 =	sadd.s32 $0x70, s1;
	s30 =	simm.s32 $0x10980  }
0x4b8: {  	[hbm4b:s1+s3] =	stream.linear.scatter [tilespmem:s30], [sflag:$0x4], $0x80, $0x38;
	[tilespmem:$0x11200] =	vst v63  }
0x4b9: {  	s0 =	sadd.s32 s0, s14;
	s31 =	simm.s32 $0x10A80  }
0x4ba: {  	[hbm4b:s0+s3] =	stream.linear.scatter [tilespmem:s31], [sflag:$0x4], $0x80, $0x38;
	[tilespmem:$0x11200] =	vst v63  }
0x4bb: {  	s6 =	sadd.s32 $0x10, s0;
	s7 =	simm.s32 $0x10B80  }
0x4bc: {  	[hbm4b:s6+s3] =	stream.linear.scatter [tilespmem:s7], [sflag:$0x4], $0x80, $0x38;
	[tilespmem:$0x11200] =	vst v63  }
0x4bd: {  	s15 =	sadd.s32 $0x20, s0;
	s19 =	simm.s32 $0x10C80  }
0x4be: {  	[hbm4b:s15+s3] =	stream.linear.scatter [tilespmem:s19], [sflag:$0x4], $0x80, $0x38;
	[tilespmem:$0x11200] =	vst v63  }
0x4bf: {  	s21 =	sadd.s32 $0x30, s0;
	s23 =	simm.s32 $0x10D80  }
0x4c0: {  	[hbm4b:s21+s3] =	stream.linear.scatter [tilespmem:s23], [sflag:$0x4], $0x80, $0x38;
	[tilespmem:$0x11200] =	vst v63  }
0x4c1: {  	s24 =	sadd.s32 $0x40, s0;
	s25 =	simm.s32 $0x10E80  }
0x4c2: {  	[hbm4b:s24+s3] =	stream.linear.scatter [tilespmem:s25], [sflag:$0x4], $0x80, $0x38;
	[tilespmem:$0x11200] =	vst v63  }
0x4c3: {  	s26 =	sadd.s32 $0x50, s0;
	s28 =	simm.s32 $0x10F80  }
0x4c4: {  	[hbm4b:s26+s3] =	stream.linear.scatter [tilespmem:s28], [sflag:$0x4], $0x80, $0x38;
	[tilespmem:$0x11200] =	vst v63  }
.Ltmp6:
0x4c5: {  	_ = 	snop;
	(pc) =	sbr.rel @p0 .LBB2_11-.Ltmp6, $4  }
0x4c6: {  	s29 =	sadd.s32 $0x60, s0;
	s30 =	simm.s32 $0x11080  }
0x4c7: {  	[hbm4b:s29+s3] =	stream.linear.scatter [tilespmem:s30], [sflag:$0x4], $0x80, $0x38;
	[tilespmem:$0x11200] =	vst v63  }
0x4c8: {  	s0 =	sadd.s32 $0x70, s0;
	s31 =	simm.s32 $0x11180  }
0x4c9: {  	[hbm4b:s0+s3] =	stream.linear.scatter [tilespmem:s31], [sflag:$0x4], $0x80, $0x38;
	[tilespmem:$0x11200] =	vst v63  }
.Ltmp7:
0x4ca: {  	(pc) =	sbr.rel .LBB2_2-.Ltmp7, $3  }
0x4cb: {  	_ =	sdelay $0x1  }
0x4cc: {  	s0 =	simm.s32 $0x8900;
	s22 =	sadd.s32 $0x1, s22  }
0x4cd: {  	[tilespmem:s20], [sflag:$0x3] =	stream.indirect.gather [hbm4b:s4+s18], $0x48, s0, s18, $0xb8;
	[tilespmem:$0x11200] =	vst v63  }
.LBB2_12:
0x4ce: {  	_ =	sfence.sel $0x180000  }
0x4cf: {  	[bflag:$0x0] =	sbarrier.arrive $0xFFFF  }
0x4d0: {  	_ =	strace $0x90000047  }
0x4d1: {  	s0 =	stileid.u32;
	[bflag:$0x2] =	sbarrier.arrive $0xFFFF  }
0x4d2: {  	p0 =	sne.s32 s0, $0x0;
	s0 =	rddreg [dreg:$0x2]  }
0x4d3: {  	s0 =	sadd.s32 @!p0 $0x100000, s0  }
0x4d4: {  	[sflag:s0] =	ssyncadd.tile.s32 @!p0 $0x1;
	_ =	shalt  }
.Lfunc_end2:
_tile_overlayer_lowered:
.L_overlay_start_2:
0x4d5: {  	(tag) =	ssettag $0x2  }
0x4d6: {  	s0 =	rddreg [dreg:$0x0];
	s2 =	stileid.u32  }
0x4d7: {  	s1 =	rddreg [dreg:$0x1];
	p0 =	sne.s32 s2, $0x0  }
0x4d8: {  	s3 =	rddreg [dreg:$0x2];
	[bflag:$0x3] =	sbarrier.arrive $0xFFFF;
	s2 =	simm.s32 @!p0 $0x1C05  }
0x4d9: {  	[timem:s3], [sflag:s2] =	dma.local @!p0 [hbm:s0], s1  }
0x4da: {  	s0 =	simm.s32 @!p0 $0x5  }
0x4db: {  	_ =	swait.ge @!p0 [sflag:s0], s1  }
0x4dc: {  	s1 =	ssub.s32 @!p0 $0x0, s1;
	[sflag:s0] =	ssyncset.done @!p0 $0x0  }
0x4dd: {  	[sflag:s0] =	ssyncadd.s32 @!p0 s1  }
0x4de: {  	[bflag:$0x3] =	sbarrier.arrive $0xFFFF  }
0x4df: {  	_ =	shalt  }

</sc_bundles>
